<compile_context>
chip_gen: v7x
topology: tpu7x:2x2x1
jax: 0.10.2.dev20260603
libtpu: 0.0.44.dev20260713+nightly
codegen_flags: <defaults>
</compile_context>

<pallas_src>
import functools

import jax
import jax.numpy as jnp
from jax import lax
from jax.experimental import pallas as pl
from jax.experimental.pallas import tpu as pltpu
from jax.experimental.pallas import tpu_sc as plsc

_NC = 2
_NS = 16
_NW = _NC * _NS
_CH = 128
_K = 16
_NF = 7




def _copy_body(x_ref, o_ref):
    o_ref[...] = x_ref[...]


def _copy(x, block_rows=1000):
    n, d = x.shape
    return pl.pallas_call(
        _copy_body,
        grid=(n // block_rows,),
        in_specs=[pl.BlockSpec((block_rows, d), lambda i: (i, 0))],
        out_specs=pl.BlockSpec((block_rows, d), lambda i: (i, 0)),
        out_shape=jax.ShapeDtypeStruct((n, d), jnp.float32),
    )(x)


def _gcn_body(p_ref, deg_ref, b_ref, w_ref, o_ref):
    agg = p_ref[0] + p_ref[1]
    deg = jnp.sum(deg_ref[...], axis=0)[:, None]
    agg = agg / jnp.maximum(deg, 1.0)
    o_ref[...] = jnp.maximum(
        jnp.dot(agg, w_ref[...], preferred_element_type=jnp.float32) + b_ref[...],
        0.0,
    )


def _gcn_dense(p, deg_all, w, b, block_rows=1024):
    npad, d = p.shape[1], p.shape[2]
    dout = w.shape[1]
    grid = (npad // block_rows,)
    return pl.pallas_call(
        _gcn_body,
        grid=grid,
        in_specs=[
            pl.BlockSpec((2, block_rows, d), lambda i: (0, i, 0)),
            pl.BlockSpec((_NW, block_rows), lambda i: (0, i)),
            pl.BlockSpec((1, dout), lambda i: (0, 0)),
            pl.BlockSpec((d, dout), lambda i: (0, 0)),
        ],
        out_specs=pl.BlockSpec((block_rows, dout), lambda i: (i, 0)),
        out_shape=jax.ShapeDtypeStruct((npad, dout), jnp.float32),
    )(p, deg_all, b, w)


def _make_heads_body(n):
    def _heads_body(q_ref, deg_ref, b1_ref, w1_ref, wpg_ref, wpd_ref, wv_ref,
                    bpg_ref, bpd_ref, bv_ref, pi_ref, v_ref):
        agg = q_ref[0, pl.ds(0, n), :] + q_ref[1, pl.ds(0, n), :]
        deg = jnp.sum(deg_ref[:, pl.ds(0, n)], axis=0)[:, None]
        agg = agg / jnp.maximum(deg, 1.0)
        h2 = jnp.maximum(
            jnp.dot(agg, w1_ref[...], preferred_element_type=jnp.float32) + b1_ref[...],
            0.0,
        )
        mn = jnp.mean(h2, axis=0, keepdims=True)
        pi_ref[pl.ds(0, n), :] = (
            jnp.dot(h2, wpg_ref[...], preferred_element_type=jnp.float32) + bpg_ref[...]
        )
        pi_ref[pl.ds(n, 1), :] = (
            jnp.dot(mn, wpd_ref[...], preferred_element_type=jnp.float32) + bpd_ref[...]
        )
        v_ref[...] = jnp.dot(mn, wv_ref[...], preferred_element_type=jnp.float32) + bv_ref[...]
    return _heads_body


def _heads(n, q, deg_all, b1, w1, wpg, wpd, wv, bpg, bpd, bv):
    return pl.pallas_call(
        _make_heads_body(n),
        out_shape=(
            jax.ShapeDtypeStruct((n + 1, 1), jnp.float32),
            jax.ShapeDtypeStruct((1, 1), jnp.float32),
        ),
    )(q, deg_all, b1, w1, wpg, wpd, wv, bpg, bpd, bv)




@functools.lru_cache(maxsize=None)
def _make_deg(npad, nchunks):
    nstage = nchunks // _K
    assert nchunks % _K == 0

    mesh = plsc.VectorSubcoreMesh(core_axis_name="c", subcore_axis_name="s")

    def body(dst_hbm, deg_hbm, dst_v, deg_l):
        cid = lax.axis_index("c")
        sid = lax.axis_index("s")
        wid = sid * _NC + cid

        zeros16 = jnp.zeros((16,), jnp.float32)
        ones16 = jnp.ones((16,), jnp.float32)

        def z_body(i, _):
            deg_l[pl.ds(i * 16, 16)] = zeros16
            return 0
        lax.fori_loop(0, npad // 16, z_body, 0)

        def s_body(s, _):
            pltpu.sync_copy(dst_hbm.at[wid, pl.ds(s * _K, _K)], dst_v)

            def c_body(j, _):
                for l in range(_CH // 16):
                    idxv = dst_v[j, pl.ds(l * 16, 16)]
                    plsc.addupdate_scatter(deg_l, [idxv], ones16)
                return 0
            lax.fori_loop(0, _K, c_body, 0)
            return 0
        lax.fori_loop(0, nstage, s_body, 0)

        pltpu.sync_copy(deg_l, deg_hbm.at[wid])

    return pl.kernel(
        body,
        out_type=jax.ShapeDtypeStruct((_NW, npad), jnp.float32),
        mesh=mesh,
        compiler_params=pltpu.CompilerParams(
            use_tc_tiling_on_sc=False, needs_layout_passes=False),
        scratch_types=[
            pltpu.VMEM((_K, _CH), jnp.int32),
            pltpu.VMEM((npad,), jnp.float32),
        ],
    )


@functools.lru_cache(maxsize=None)
def _make_mp(hwrows, npad, nchunks0, nchunks1, d):
    rows_per_tile = npad // _NS
    n_wb = rows_per_tile // _CH
    per_sid = nchunks0 + nchunks1
    assert rows_per_tile % _CH == 0
    assert nchunks0 % _K == 0 and nchunks1 % _K == 0

    mesh = plsc.VectorSubcoreMesh(core_axis_name="c", subcore_axis_name="s")

    def body(hw_hbm, src_hbm, dst_hbm, part_hbm,
             src_v, dst_v, rows_v, rows1_v, agg_sh, sem, g1, s0, s1):
        cid = lax.axis_index("c")
        sid = lax.axis_index("s")
        start = sid * per_sid + cid * nchunks0
        nstage = jnp.where(cid == 0, nchunks0 // _K, nchunks1 // _K)

        zeros16 = jnp.zeros((16,), jnp.float32)

        def z_body(i, _):
            def z_inner(k, _):
                rows_v[i, pl.ds(k * 16, 16)] = zeros16
                return 0
            lax.fori_loop(0, d // 16, z_inner, 0)
            return 0
        lax.fori_loop(0, _CH, z_body, 0)

        for k in range(n_wb):
            r0 = sid * rows_per_tile + k * _CH
            pltpu.sync_copy(rows_v, agg_sh.at[pl.ds(r0, _CH)])
        plsc.subcore_barrier()

        def s_body(st, _):
            r0 = start + st * _K
            pltpu.sync_copy(src_hbm.at[pl.ds(r0, _K)], src_v)
            pltpu.sync_copy(dst_hbm.at[pl.ds(r0, _K)], dst_v)

            rows = (rows_v, rows1_v)
            gsem = (sem, g1)
            ssem = (s0, s1)
            g = [None] * _K
            sc = [None] * _K
            g[0] = pltpu.async_copy(hw_hbm.at[src_v.at[0]], rows[0], gsem[0])
            for c in range(1, _K):
                b = c % 2
                g[c - 1].wait()
                if c >= 2:
                    sc[c - 2].wait()
                sc[c - 1] = pltpu.async_copy(
                    rows[1 - b], agg_sh.at[dst_v.at[c - 1]], ssem[1 - b], add=True)
                g[c] = pltpu.async_copy(hw_hbm.at[src_v.at[c]], rows[b], gsem[b])
            g[_K - 1].wait()
            sc[_K - 2].wait()
            sc[_K - 1] = pltpu.async_copy(
                rows[(_K - 1) % 2], agg_sh.at[dst_v.at[_K - 1]],
                ssem[(_K - 1) % 2], add=True)
            sc[_K - 1].wait()
            return 0
        lax.fori_loop(0, nstage, s_body, 0)
        plsc.subcore_barrier()

        for k in range(n_wb):
            r0 = sid * rows_per_tile + k * _CH
            pltpu.sync_copy(agg_sh.at[pl.ds(r0, _CH)], rows_v)
            pltpu.sync_copy(rows_v, part_hbm.at[cid, pl.ds(r0, _CH)])

    return pl.kernel(
        body,
        out_type=jax.ShapeDtypeStruct((_NC, npad, d), jnp.float32),
        mesh=mesh,
        compiler_params=pltpu.CompilerParams(use_tc_tiling_on_sc=False),
        scratch_types=[
            pltpu.VMEM((_K, _CH), jnp.int32),
            pltpu.VMEM((_K, _CH), jnp.int32),
            pltpu.VMEM((_CH, d), jnp.float32),
            pltpu.VMEM((_CH, d), jnp.float32),
            pltpu.VMEM_SHARED((npad, d), jnp.float32),
            pltpu.SemaphoreType.DMA,
            pltpu.SemaphoreType.DMA,
            pltpu.SemaphoreType.DMA,
            pltpu.SemaphoreType.DMA,
        ],
    )




def kernel(x, edge_index, W0, b0, W1, b1, Wpg, bpg, Wpd, bpd, Wv, bv):
    n, d = x.shape
    e = edge_index.shape[1]

    nchunks = -(-(-(-e // (_NW * _CH))) // _K) * _K
    epw = nchunks * _CH
    e_pad = _NW * epw
    npad = -(-(n + 1) // (_NS * _CH)) * (_NS * _CH)

    pad = e_pad - e
    src = jnp.concatenate([edge_index[0], jnp.zeros((pad,), jnp.int32)])
    dst = jnp.concatenate([edge_index[1], jnp.full((pad,), n, jnp.int32)])
    src3 = src.reshape(_NW, nchunks, _CH)
    dst3 = dst.reshape(_NW, nchunks, _CH)
    srcf = src.reshape(_NW * nchunks, _CH)
    dstf = dst.reshape(_NW * nchunks, _CH)

    per_sid = 2 * nchunks
    nc0 = _NF * _K
    nc1 = per_sid - nc0

    deg_all = _make_deg(npad, nchunks)(dst3)

    p1 = _make_mp(n, npad, nc0, nc1, d)(_copy(x), srcf, dstf)
    h1 = _gcn_dense(p1, deg_all, W0, b0.reshape(1, d))
    p2 = _make_mp(npad, npad, nc0, nc1, d)(h1, srcf, dstf)
    pi, v = _heads(
        n, p2, deg_all, b1.reshape(1, d), W1,
        Wpg, Wpd, Wv,
        bpg.reshape(1, 1), bpd.reshape(1, 1), bv.reshape(1, 1),
    )
    return (pi, v)

# --- scband reference (transcript-rebuilt; emitter-appended) ---
"""Pipeline reference for scband-actor-critic-net-45561013076593 (READ-ONLY COPY).

The authoritative reference and input builder live on the scoring server;
editing this copy changes nothing except your own understanding.
"""

import jax, jax.numpy as jnp
import numpy as np

N = 10000
E = 320000
D_IN = 128
D_H = 128


def setup_inputs(seed: int = 0) -> dict:
    key = jax.random.key(seed)
    ks = jax.random.split(key, 12)
    x = jax.random.normal(ks[0], (N, D_IN), dtype=jnp.float32)
    edge_index = jax.random.randint(ks[1], (2, E), 0, N, dtype=jnp.int32)
    s_in = 1.0 / np.sqrt(D_IN)
    s_h = 1.0 / np.sqrt(D_H)
    W0 = jax.random.normal(ks[2], (D_IN, D_H), dtype=jnp.float32) * s_in
    b0 = jnp.zeros((D_H,), dtype=jnp.float32)
    W1 = jax.random.normal(ks[3], (D_H, D_H), dtype=jnp.float32) * s_h
    b1 = jnp.zeros((D_H,), dtype=jnp.float32)
    Wpg = jax.random.normal(ks[4], (D_H, 1), dtype=jnp.float32) * s_h
    bpg = jnp.zeros((1,), dtype=jnp.float32)
    Wpd = jax.random.normal(ks[5], (D_H, 1), dtype=jnp.float32) * s_h
    bpd = jnp.zeros((1,), dtype=jnp.float32)
    Wv = jax.random.normal(ks[6], (D_H, 1), dtype=jnp.float32) * s_h
    bv = jnp.zeros((1,), dtype=jnp.float32)
    return {"x": x, "edge_index": edge_index, "W0": W0, "b0": b0, "W1": W1, "b1": b1,
            "Wpg": Wpg, "bpg": bpg, "Wpd": Wpd, "bpd": bpd, "Wv": Wv, "bv": bv}


def reference(x, edge_index, W0, b0, W1, b1, Wpg, bpg, Wpd, bpd, Wv, bv):
    src = edge_index[0]
    dst = edge_index[1]

    def gcn_layer(h, W, b):
        # message passing: gather source features, mean-aggregate at destination
        msg = jnp.take(h, src, axis=0)
        agg = jax.ops.segment_sum(msg, dst, num_segments=N)
        deg = jax.ops.segment_sum(jnp.ones((E,), dtype=h.dtype), dst, num_segments=N)
        agg = agg / jnp.clip(deg, 1.0, None)[:, None]
        return jax.nn.relu(agg @ W + b)

    h = gcn_layer(x, W0, b0)
    h = gcn_layer(h, W1, b1)
    # dgl.mean_nodes over the single graph
    mN = jnp.mean(h, axis=0, keepdims=True)
    v = mN @ Wv + bv
    pi_graph = h @ Wpg + bpg
    pi_done = mN @ Wpd + bpd
    pi = jnp.concatenate([pi_graph, pi_done], axis=0)
    return (pi, v)

if __name__ == "__main__":
    import jax
    _d = setup_inputs()
    print(jax.jit(kernel)(*tuple(_d.values())))

</pallas_src>

<mosaic_0001>
#map = affine_map<(d0, d1) -> (0, 0)>
#map1 = affine_map<(d0, d1) -> (0, 0, 0)>
module attributes {stable_mosaic.version = 14 : i64} {
  func.func @body(%arg0: i32, %arg1: i32, %arg2: memref<10240x128xf32, #tpu.memory_space<hbm>>, %arg3: memref<2560x128xi32, #tpu.memory_space<hbm>>, %arg4: memref<2560x128xi32, #tpu.memory_space<hbm>>, %arg5: memref<2x10240x128xf32, #tpu.memory_space<hbm>>, %arg6: memref<16x128xi32, #tpu.memory_space<vmem>>, %arg7: memref<16x128xi32, #tpu.memory_space<vmem>>, %arg8: memref<128x128xf32, #tpu.memory_space<vmem>>, %arg9: memref<128x128xf32, #tpu.memory_space<vmem>>, %arg10: memref<10240x128xf32, #tpu.memory_space<vmem_shared>>, %arg11: memref<!tpu.dma_semaphore, #tpu.memory_space<semaphore_mem>>, %arg12: memref<!tpu.dma_semaphore, #tpu.memory_space<semaphore_mem>>, %arg13: memref<!tpu.dma_semaphore, #tpu.memory_space<semaphore_mem>>, %arg14: memref<!tpu.dma_semaphore, #tpu.memory_space<semaphore_mem>>) attributes {dimension_semantics = [#tpu.dimension_semantics<core_parallel>, #tpu.dimension_semantics<subcore_parallel>], iteration_bounds = array<i64: 2, 16>, scalar_prefetch = 0 : i64, scratch_operands = 9 : i64, tpu.core_type = #tpu.core_type<sc_vector_subcore>, window_params = [{transform_indices = #map}, {transform_indices = #map}, {transform_indices = #map}, {transform_indices = #map1}]} {
    %mul3A = arith.constant 160 : i32
    %mul3A_0 = arith.muli %arg1, %mul3A : i32
    %mul3A_1 = arith.constant 112 : i32
    %mul3A_2 = arith.muli %arg0, %mul3A_1 : i32
    %add3A = arith.addi %mul3A_0, %mul3A_2 : i32
    %eq3A = arith.constant 0 : i32
    %eq3A_3 = arith.cmpi eq, %arg0, %eq3A : i32
    %jit3A = arith.constant 7 : i32
    %jit3A_4 = arith.constant 3 : i32
    %select_n3A = arith.select %eq3A_3, %jit3A, %jit3A_4 : i32
    %broadcast_in_dim3A = arith.constant 0.000000e+00 : f32
    %broadcast_in_dim3A_5 = vector.broadcast %broadcast_in_dim3A : f32 to vector<16xf32>
    %scan3A = arith.constant 0 : i32
    %scan3A_6 = arith.constant 0 : i32
    %scan3A_7 = arith.constant 128 : i32
    %scan3A_8 = arith.addi %scan3A_6, %scan3A_7 : i32
    %scan3A_9 = arith.constant 1 : i32
    %scan3A_10 = scf.for %scan3A_64 = %scan3A_6 to %scan3A_8 step %scan3A_9 iter_args(%scan3A_65 = %scan3A) -> (i32)  : i32 {
      %scan3A_66 = arith.constant 0 : i32
      %scan3A_67 = arith.constant 0 : i32
      %scan3A_68 = arith.constant 8 : i32
      %scan3A_69 = arith.addi %scan3A_67, %scan3A_68 : i32
      %scan3A_70 = arith.constant 1 : i32
      %scan3A_71 = scf.for %scan3A_74 = %scan3A_67 to %scan3A_69 step %scan3A_70 iter_args(%scan3A_75 = %scan3A_66) -> (i32)  : i32 {
        %mul3A_76 = arith.constant 16 : i32
        %mul3A_77 = arith.muli %scan3A_74, %mul3A_76 : i32
        %swap3A = arith.index_cast %scan3A_64 : i32 to index
        %swap3A_78 = arith.index_cast %mul3A_77 : i32 to index
        %swap3A_79 = tpu.vector_load %arg8[%swap3A, %swap3A_78] {strides = array<i32>} : memref<128x128xf32, #tpu.memory_space<vmem>>, vector<1x16xf32>,
        %swap3A_80 = vector.shape_cast %swap3A_79 : vector<1x16xf32> to vector<16xf32>
        %swap3A_81 = vector.shape_cast %broadcast_in_dim3A_5 : vector<16xf32> to vector<1x16xf32>
        tpu.vector_store %arg8[%swap3A, %swap3A_78], %swap3A_81 {strides = array<i32>} : memref<128x128xf32, #tpu.memory_space<vmem>>, vector<1x16xf32>,
        %scan3A_82 = arith.constant 0 : i32
        scf.yield %scan3A_82 : i32
      }
      %scan3A_72 = arith.constant 8 : i32
      %scan3A_73 = arith.constant 0 : i32
      scf.yield %scan3A_73 : i32
    }
    %scan3A_11 = arith.constant 128 : i32
    %mul3A_12 = arith.constant 640 : i32
    %mul3A_13 = arith.muli %arg1, %mul3A_12 : i32
    %add3A_14 = arith.constant 0 : i32
    %add3A_15 = arith.addi %mul3A_13, %add3A_14 : i32
    "tpu.region"() ({
      %run_scoped3A = tpu.sem_alloc : memref<!tpu.dma_semaphore, #tpu.memory_space<semaphore_mem>>
      %dma_start3A = arith.constant 0 : i32
      %dma_start3A_64 = tpu.memref_slice %arg10[%add3A_15, %dma_start3A] : memref<10240x128xf32, #tpu.memory_space<vmem_shared>> -> memref<128x128xf32, #tpu.memory_space<vmem_shared>>
      %dma_start3A_65 = arith.constant 0 : i32
      %dma_start3A_66 = tpu.memref_slice %arg10[%add3A_15, %dma_start3A_65] : memref<10240x128xf32, #tpu.memory_space<vmem_shared>> -> memref<128x128xf32, #tpu.memory_space<vmem_shared>>
      tpu.enqueue_dma source(%arg8 : memref<128x128xf32, #tpu.memory_space<vmem>>) target(%dma_start3A_66 : memref<128x128xf32, #tpu.memory_space<vmem_shared>>) target_semaphore(%run_scoped3A : memref<!tpu.dma_semaphore, #tpu.memory_space<semaphore_mem>>)
      %dma_wait3A = arith.constant 0 : i32
      %dma_wait3A_67 = tpu.memref_slice %arg10[%add3A_15, %dma_wait3A] : memref<10240x128xf32, #tpu.memory_space<vmem_shared>> -> memref<128x128xf32, #tpu.memory_space<vmem_shared>>
      %dma_wait3A_68 = arith.constant 0 : i32
      %dma_wait3A_69 = tpu.memref_slice %arg10[%add3A_15, %dma_wait3A_68] : memref<10240x128xf32, #tpu.memory_space<vmem_shared>> -> memref<128x128xf32, #tpu.memory_space<vmem_shared>>
      tpu.wait_dma2 semaphore(%run_scoped3A : memref<!tpu.dma_semaphore, #tpu.memory_space<semaphore_mem>>) src(%arg8 : memref<128x128xf32, #tpu.memory_space<vmem>>) dst(%dma_wait3A_69 : memref<128x128xf32, #tpu.memory_space<vmem_shared>>)
      tpu.yield
    }) : () -> ()
    %mul3A_16 = arith.constant 640 : i32
    %mul3A_17 = arith.muli %arg1, %mul3A_16 : i32
    %add3A_18 = arith.constant 128 : i32
    %add3A_19 = arith.addi %mul3A_17, %add3A_18 : i32
    "tpu.region"() ({
      %run_scoped3A = tpu.sem_alloc : memref<!tpu.dma_semaphore, #tpu.memory_space<semaphore_mem>>
      %dma_start3A = arith.constant 0 : i32
      %dma_start3A_64 = tpu.memref_slice %arg10[%add3A_19, %dma_start3A] : memref<10240x128xf32, #tpu.memory_space<vmem_shared>> -> memref<128x128xf32, #tpu.memory_space<vmem_shared>>
      %dma_start3A_65 = arith.constant 0 : i32
      %dma_start3A_66 = tpu.memref_slice %arg10[%add3A_19, %dma_start3A_65] : memref<10240x128xf32, #tpu.memory_space<vmem_shared>> -> memref<128x128xf32, #tpu.memory_space<vmem_shared>>
      tpu.enqueue_dma source(%arg8 : memref<128x128xf32, #tpu.memory_space<vmem>>) target(%dma_start3A_66 : memref<128x128xf32, #tpu.memory_space<vmem_shared>>) target_semaphore(%run_scoped3A : memref<!tpu.dma_semaphore, #tpu.memory_space<semaphore_mem>>)
      %dma_wait3A = arith.constant 0 : i32
      %dma_wait3A_67 = tpu.memref_slice %arg10[%add3A_19, %dma_wait3A] : memref<10240x128xf32, #tpu.memory_space<vmem_shared>> -> memref<128x128xf32, #tpu.memory_space<vmem_shared>>
      %dma_wait3A_68 = arith.constant 0 : i32
      %dma_wait3A_69 = tpu.memref_slice %arg10[%add3A_19, %dma_wait3A_68] : memref<10240x128xf32, #tpu.memory_space<vmem_shared>> -> memref<128x128xf32, #tpu.memory_space<vmem_shared>>
      tpu.wait_dma2 semaphore(%run_scoped3A : memref<!tpu.dma_semaphore, #tpu.memory_space<semaphore_mem>>) src(%arg8 : memref<128x128xf32, #tpu.memory_space<vmem>>) dst(%dma_wait3A_69 : memref<128x128xf32, #tpu.memory_space<vmem_shared>>)
      tpu.yield
    }) : () -> ()
    %mul3A_20 = arith.constant 640 : i32
    %mul3A_21 = arith.muli %arg1, %mul3A_20 : i32
    %add3A_22 = arith.constant 256 : i32
    %add3A_23 = arith.addi %mul3A_21, %add3A_22 : i32
    "tpu.region"() ({
      %run_scoped3A = tpu.sem_alloc : memref<!tpu.dma_semaphore, #tpu.memory_space<semaphore_mem>>
      %dma_start3A = arith.constant 0 : i32
      %dma_start3A_64 = tpu.memref_slice %arg10[%add3A_23, %dma_start3A] : memref<10240x128xf32, #tpu.memory_space<vmem_shared>> -> memref<128x128xf32, #tpu.memory_space<vmem_shared>>
      %dma_start3A_65 = arith.constant 0 : i32
      %dma_start3A_66 = tpu.memref_slice %arg10[%add3A_23, %dma_start3A_65] : memref<10240x128xf32, #tpu.memory_space<vmem_shared>> -> memref<128x128xf32, #tpu.memory_space<vmem_shared>>
      tpu.enqueue_dma source(%arg8 : memref<128x128xf32, #tpu.memory_space<vmem>>) target(%dma_start3A_66 : memref<128x128xf32, #tpu.memory_space<vmem_shared>>) target_semaphore(%run_scoped3A : memref<!tpu.dma_semaphore, #tpu.memory_space<semaphore_mem>>)
      %dma_wait3A = arith.constant 0 : i32
      %dma_wait3A_67 = tpu.memref_slice %arg10[%add3A_23, %dma_wait3A] : memref<10240x128xf32, #tpu.memory_space<vmem_shared>> -> memref<128x128xf32, #tpu.memory_space<vmem_shared>>
      %dma_wait3A_68 = arith.constant 0 : i32
      %dma_wait3A_69 = tpu.memref_slice %arg10[%add3A_23, %dma_wait3A_68] : memref<10240x128xf32, #tpu.memory_space<vmem_shared>> -> memref<128x128xf32, #tpu.memory_space<vmem_shared>>
      tpu.wait_dma2 semaphore(%run_scoped3A : memref<!tpu.dma_semaphore, #tpu.memory_space<semaphore_mem>>) src(%arg8 : memref<128x128xf32, #tpu.memory_space<vmem>>) dst(%dma_wait3A_69 : memref<128x128xf32, #tpu.memory_space<vmem_shared>>)
      tpu.yield
    }) : () -> ()
    %mul3A_24 = arith.constant 640 : i32
    %mul3A_25 = arith.muli %arg1, %mul3A_24 : i32
    %add3A_26 = arith.constant 384 : i32
    %add3A_27 = arith.addi %mul3A_25, %add3A_26 : i32
    "tpu.region"() ({
      %run_scoped3A = tpu.sem_alloc : memref<!tpu.dma_semaphore, #tpu.memory_space<semaphore_mem>>
      %dma_start3A = arith.constant 0 : i32
      %dma_start3A_64 = tpu.memref_slice %arg10[%add3A_27, %dma_start3A] : memref<10240x128xf32, #tpu.memory_space<vmem_shared>> -> memref<128x128xf32, #tpu.memory_space<vmem_shared>>
      %dma_start3A_65 = arith.constant 0 : i32
      %dma_start3A_66 = tpu.memref_slice %arg10[%add3A_27, %dma_start3A_65] : memref<10240x128xf32, #tpu.memory_space<vmem_shared>> -> memref<128x128xf32, #tpu.memory_space<vmem_shared>>
      tpu.enqueue_dma source(%arg8 : memref<128x128xf32, #tpu.memory_space<vmem>>) target(%dma_start3A_66 : memref<128x128xf32, #tpu.memory_space<vmem_shared>>) target_semaphore(%run_scoped3A : memref<!tpu.dma_semaphore, #tpu.memory_space<semaphore_mem>>)
      %dma_wait3A = arith.constant 0 : i32
      %dma_wait3A_67 = tpu.memref_slice %arg10[%add3A_27, %dma_wait3A] : memref<10240x128xf32, #tpu.memory_space<vmem_shared>> -> memref<128x128xf32, #tpu.memory_space<vmem_shared>>
      %dma_wait3A_68 = arith.constant 0 : i32
      %dma_wait3A_69 = tpu.memref_slice %arg10[%add3A_27, %dma_wait3A_68] : memref<10240x128xf32, #tpu.memory_space<vmem_shared>> -> memref<128x128xf32, #tpu.memory_space<vmem_shared>>
      tpu.wait_dma2 semaphore(%run_scoped3A : memref<!tpu.dma_semaphore, #tpu.memory_space<semaphore_mem>>) src(%arg8 : memref<128x128xf32, #tpu.memory_space<vmem>>) dst(%dma_wait3A_69 : memref<128x128xf32, #tpu.memory_space<vmem_shared>>)
      tpu.yield
    }) : () -> ()
    %mul3A_28 = arith.constant 640 : i32
    %mul3A_29 = arith.muli %arg1, %mul3A_28 : i32
    %add3A_30 = arith.constant 512 : i32
    %add3A_31 = arith.addi %mul3A_29, %add3A_30 : i32
    "tpu.region"() ({
      %run_scoped3A = tpu.sem_alloc : memref<!tpu.dma_semaphore, #tpu.memory_space<semaphore_mem>>
      %dma_start3A = arith.constant 0 : i32
      %dma_start3A_64 = tpu.memref_slice %arg10[%add3A_31, %dma_start3A] : memref<10240x128xf32, #tpu.memory_space<vmem_shared>> -> memref<128x128xf32, #tpu.memory_space<vmem_shared>>
      %dma_start3A_65 = arith.constant 0 : i32
      %dma_start3A_66 = tpu.memref_slice %arg10[%add3A_31, %dma_start3A_65] : memref<10240x128xf32, #tpu.memory_space<vmem_shared>> -> memref<128x128xf32, #tpu.memory_space<vmem_shared>>
      tpu.enqueue_dma source(%arg8 : memref<128x128xf32, #tpu.memory_space<vmem>>) target(%dma_start3A_66 : memref<128x128xf32, #tpu.memory_space<vmem_shared>>) target_semaphore(%run_scoped3A : memref<!tpu.dma_semaphore, #tpu.memory_space<semaphore_mem>>)
      %dma_wait3A = arith.constant 0 : i32
      %dma_wait3A_67 = tpu.memref_slice %arg10[%add3A_31, %dma_wait3A] : memref<10240x128xf32, #tpu.memory_space<vmem_shared>> -> memref<128x128xf32, #tpu.memory_space<vmem_shared>>
      %dma_wait3A_68 = arith.constant 0 : i32
      %dma_wait3A_69 = tpu.memref_slice %arg10[%add3A_31, %dma_wait3A_68] : memref<10240x128xf32, #tpu.memory_space<vmem_shared>> -> memref<128x128xf32, #tpu.memory_space<vmem_shared>>
      tpu.wait_dma2 semaphore(%run_scoped3A : memref<!tpu.dma_semaphore, #tpu.memory_space<semaphore_mem>>) src(%arg8 : memref<128x128xf32, #tpu.memory_space<vmem>>) dst(%dma_wait3A_69 : memref<128x128xf32, #tpu.memory_space<vmem_shared>>)
      tpu.yield
    }) : () -> ()
    %barrier3A = arith.constant 0 : index
    tpu.barrier barrier_id(%barrier3A)
    %while3A = arith.constant 0 : i32
    %while3A_32 = arith.constant 0 : i32
    %while3A_33 = arith.subi %select_n3A, %while3A : i32
    %while3A_34 = arith.addi %while3A, %while3A_33 : i32
    %while3A_35 = arith.constant 1 : i32
    %while3A_36 = arith.divsi %while3A_33, %while3A_35 : i32
    %while3A_37 = arith.muli %while3A_36, %while3A_35 : i32
    %while3A_38 = arith.addi %while3A, %while3A_37 : i32
    %while3A_39 = arith.constant 1 : i32
    %while3A_40 = scf.for %while3A_64 = %while3A to %while3A_38 step %while3A_39 iter_args(%while3A_65 = %while3A_32) -> (i32)  : i32 {
      %mul3A_66 = arith.constant 16 : i32
      %mul3A_67 = arith.muli %while3A_64, %mul3A_66 : i32
      %add3A_68 = arith.addi %add3A, %mul3A_67 : i32
      "tpu.region"() ({
        %run_scoped3A = tpu.sem_alloc : memref<!tpu.dma_semaphore, #tpu.memory_space<semaphore_mem>>
        %dma_start3A_516 = arith.constant 0 : i32
        %dma_start3A_517 = tpu.memref_slice %arg3[%add3A_68, %dma_start3A_516] : memref<2560x128xi32, #tpu.memory_space<hbm>> -> memref<16x128xi32, #tpu.memory_space<hbm>>
        %dma_start3A_518 = arith.constant 0 : i32
        %dma_start3A_519 = tpu.memref_slice %arg3[%add3A_68, %dma_start3A_518] : memref<2560x128xi32, #tpu.memory_space<hbm>> -> memref<16x128xi32, #tpu.memory_space<hbm>>
        tpu.enqueue_dma source(%dma_start3A_519 : memref<16x128xi32, #tpu.memory_space<hbm>>) target(%arg6 : memref<16x128xi32, #tpu.memory_space<vmem>>) target_semaphore(%run_scoped3A : memref<!tpu.dma_semaphore, #tpu.memory_space<semaphore_mem>>)
        %dma_wait3A_520 = arith.constant 0 : i32
        %dma_wait3A_521 = tpu.memref_slice %arg3[%add3A_68, %dma_wait3A_520] : memref<2560x128xi32, #tpu.memory_space<hbm>> -> memref<16x128xi32, #tpu.memory_space<hbm>>
        %dma_wait3A_522 = arith.constant 0 : i32
        %dma_wait3A_523 = tpu.memref_slice %arg3[%add3A_68, %dma_wait3A_522] : memref<2560x128xi32, #tpu.memory_space<hbm>> -> memref<16x128xi32, #tpu.memory_space<hbm>>
        tpu.wait_dma2 semaphore(%run_scoped3A : memref<!tpu.dma_semaphore, #tpu.memory_space<semaphore_mem>>) src(%dma_wait3A_523 : memref<16x128xi32, #tpu.memory_space<hbm>>) dst(%arg6 : memref<16x128xi32, #tpu.memory_space<vmem>>)
        tpu.yield
      }) : () -> ()
      "tpu.region"() ({
        %run_scoped3A = tpu.sem_alloc : memref<!tpu.dma_semaphore, #tpu.memory_space<semaphore_mem>>
        %dma_start3A_516 = arith.constant 0 : i32
        %dma_start3A_517 = tpu.memref_slice %arg4[%add3A_68, %dma_start3A_516] : memref<2560x128xi32, #tpu.memory_space<hbm>> -> memref<16x128xi32, #tpu.memory_space<hbm>>
        %dma_start3A_518 = arith.constant 0 : i32
        %dma_start3A_519 = tpu.memref_slice %arg4[%add3A_68, %dma_start3A_518] : memref<2560x128xi32, #tpu.memory_space<hbm>> -> memref<16x128xi32, #tpu.memory_space<hbm>>
        tpu.enqueue_dma source(%dma_start3A_519 : memref<16x128xi32, #tpu.memory_space<hbm>>) target(%arg7 : memref<16x128xi32, #tpu.memory_space<vmem>>) target_semaphore(%run_scoped3A : memref<!tpu.dma_semaphore, #tpu.memory_space<semaphore_mem>>)
        %dma_wait3A_520 = arith.constant 0 : i32
        %dma_wait3A_521 = tpu.memref_slice %arg4[%add3A_68, %dma_wait3A_520] : memref<2560x128xi32, #tpu.memory_space<hbm>> -> memref<16x128xi32, #tpu.memory_space<hbm>>
        %dma_wait3A_522 = arith.constant 0 : i32
        %dma_wait3A_523 = tpu.memref_slice %arg4[%add3A_68, %dma_wait3A_522] : memref<2560x128xi32, #tpu.memory_space<hbm>> -> memref<16x128xi32, #tpu.memory_space<hbm>>
        tpu.wait_dma2 semaphore(%run_scoped3A : memref<!tpu.dma_semaphore, #tpu.memory_space<semaphore_mem>>) src(%dma_wait3A_523 : memref<16x128xi32, #tpu.memory_space<hbm>>) dst(%arg7 : memref<16x128xi32, #tpu.memory_space<vmem>>)
        tpu.yield
      }) : () -> ()
      %dma_start3A = arith.constant 0 : i32
      %dma_start3A_69 = arith.constant 0 : i32
      %dma_start3A_70 = tpu.memref_slice %arg6[%dma_start3A, %dma_start3A_69] : memref<16x128xi32, #tpu.memory_space<vmem>> -> memref<1x128xi32, #tpu.memory_space<vmem>>
      %dma_start3A_71 = tpu.memref_squeeze %dma_start3A_70 : memref<1x128xi32, #tpu.memory_space<vmem>> -> memref<128xi32, #tpu.memory_space<vmem>>
      %dma_start3A_72 = arith.constant 0 : i32
      %dma_start3A_73 = arith.constant 0 : i32
      %dma_start3A_74 = tpu.memref_slice %arg2[%dma_start3A_72, %dma_start3A_73] : memref<10240x128xf32, #tpu.memory_space<hbm>> -> memref<10240x128xf32, #tpu.memory_space<hbm>>
      tpu.enqueue_indirect_dma source(%dma_start3A_74 : memref<10240x128xf32, #tpu.memory_space<hbm>>) target(%arg8 : memref<128x128xf32, #tpu.memory_space<vmem>>) offsets(%dma_start3A_71 : memref<128xi32, #tpu.memory_space<vmem>>) semaphore(%arg11 : memref<!tpu.dma_semaphore, #tpu.memory_space<semaphore_mem>>)
      %dma_wait3A = arith.constant 0 : i32
      %dma_wait3A_75 = arith.constant 0 : i32
      %dma_wait3A_76 = tpu.memref_slice %arg6[%dma_wait3A, %dma_wait3A_75] : memref<16x128xi32, #tpu.memory_space<vmem>> -> memref<1x128xi32, #tpu.memory_space<vmem>>
      %dma_wait3A_77 = tpu.memref_squeeze %dma_wait3A_76 : memref<1x128xi32, #tpu.memory_space<vmem>> -> memref<128xi32, #tpu.memory_space<vmem>>
      %dma_wait3A_78 = arith.constant 0 : i32
      %dma_wait3A_79 = arith.constant 0 : i32
      %dma_wait3A_80 = tpu.memref_slice %arg2[%dma_wait3A_78, %dma_wait3A_79] : memref<10240x128xf32, #tpu.memory_space<hbm>> -> memref<10240x128xf32, #tpu.memory_space<hbm>>
      tpu.wait_indirect_dma semaphore(%arg11 : memref<!tpu.dma_semaphore, #tpu.memory_space<semaphore_mem>>) src(%dma_wait3A_80 : memref<10240x128xf32, #tpu.memory_space<hbm>>) dst(%arg8 : memref<128x128xf32, #tpu.memory_space<vmem>>)
      %dma_start3A_81 = arith.constant 0 : i32
      %dma_start3A_82 = arith.constant 0 : i32
      %dma_start3A_83 = tpu.memref_slice %arg7[%dma_start3A_81, %dma_start3A_82] : memref<16x128xi32, #tpu.memory_space<vmem>> -> memref<1x128xi32, #tpu.memory_space<vmem>>
      %dma_start3A_84 = tpu.memref_squeeze %dma_start3A_83 : memref<1x128xi32, #tpu.memory_space<vmem>> -> memref<128xi32, #tpu.memory_space<vmem>>
      %dma_start3A_85 = arith.constant 0 : i32
      %dma_start3A_86 = arith.constant 0 : i32
      %dma_start3A_87 = tpu.memref_slice %arg10[%dma_start3A_85, %dma_start3A_86] : memref<10240x128xf32, #tpu.memory_space<vmem_shared>> -> memref<10240x128xf32, #tpu.memory_space<vmem_shared>>
      tpu.enqueue_indirect_dma source(%arg8 : memref<128x128xf32, #tpu.memory_space<vmem>>) target(%dma_start3A_87 : memref<10240x128xf32, #tpu.memory_space<vmem_shared>>) offsets(%dma_start3A_84 : memref<128xi32, #tpu.memory_space<vmem>>) semaphore(%arg13 : memref<!tpu.dma_semaphore, #tpu.memory_space<semaphore_mem>>) {add = true}
      %dma_start3A_88 = arith.constant 1 : i32
      %dma_start3A_89 = arith.constant 0 : i32
      %dma_start3A_90 = tpu.memref_slice %arg6[%dma_start3A_88, %dma_start3A_89] : memref<16x128xi32, #tpu.memory_space<vmem>> -> memref<1x128xi32, #tpu.memory_space<vmem>>
      %dma_start3A_91 = tpu.memref_squeeze %dma_start3A_90 : memref<1x128xi32, #tpu.memory_space<vmem>> -> memref<128xi32, #tpu.memory_space<vmem>>
      %dma_start3A_92 = arith.constant 0 : i32
      %dma_start3A_93 = arith.constant 0 : i32
      %dma_start3A_94 = tpu.memref_slice %arg2[%dma_start3A_92, %dma_start3A_93] : memref<10240x128xf32, #tpu.memory_space<hbm>> -> memref<10240x128xf32, #tpu.memory_space<hbm>>
      tpu.enqueue_indirect_dma source(%dma_start3A_94 : memref<10240x128xf32, #tpu.memory_space<hbm>>) target(%arg9 : memref<128x128xf32, #tpu.memory_space<vmem>>) offsets(%dma_start3A_91 : memref<128xi32, #tpu.memory_space<vmem>>) semaphore(%arg12 : memref<!tpu.dma_semaphore, #tpu.memory_space<semaphore_mem>>)
      %dma_wait3A_95 = arith.constant 1 : i32
      %dma_wait3A_96 = arith.constant 0 : i32
      %dma_wait3A_97 = tpu.memref_slice %arg6[%dma_wait3A_95, %dma_wait3A_96] : memref<16x128xi32, #tpu.memory_space<vmem>> -> memref<1x128xi32, #tpu.memory_space<vmem>>
      %dma_wait3A_98 = tpu.memref_squeeze %dma_wait3A_97 : memref<1x128xi32, #tpu.memory_space<vmem>> -> memref<128xi32, #tpu.memory_space<vmem>>
      %dma_wait3A_99 = arith.constant 0 : i32
      %dma_wait3A_100 = arith.constant 0 : i32
      %dma_wait3A_101 = tpu.memref_slice %arg2[%dma_wait3A_99, %dma_wait3A_100] : memref<10240x128xf32, #tpu.memory_space<hbm>> -> memref<10240x128xf32, #tpu.memory_space<hbm>>
      tpu.wait_indirect_dma semaphore(%arg12 : memref<!tpu.dma_semaphore, #tpu.memory_space<semaphore_mem>>) src(%dma_wait3A_101 : memref<10240x128xf32, #tpu.memory_space<hbm>>) dst(%arg9 : memref<128x128xf32, #tpu.memory_space<vmem>>)
      %dma_wait3A_102 = arith.constant 0 : i32
      %dma_wait3A_103 = arith.constant 0 : i32
      %dma_wait3A_104 = tpu.memref_slice %arg7[%dma_wait3A_102, %dma_wait3A_103] : memref<16x128xi32, #tpu.memory_space<vmem>> -> memref<1x128xi32, #tpu.memory_space<vmem>>
      %dma_wait3A_105 = tpu.memref_squeeze %dma_wait3A_104 : memref<1x128xi32, #tpu.memory_space<vmem>> -> memref<128xi32, #tpu.memory_space<vmem>>
      %dma_wait3A_106 = arith.constant 0 : i32
      %dma_wait3A_107 = arith.constant 0 : i32
      %dma_wait3A_108 = tpu.memref_slice %arg10[%dma_wait3A_106, %dma_wait3A_107] : memref<10240x128xf32, #tpu.memory_space<vmem_shared>> -> memref<10240x128xf32, #tpu.memory_space<vmem_shared>>
      tpu.wait_indirect_dma semaphore(%arg13 : memref<!tpu.dma_semaphore, #tpu.memory_space<semaphore_mem>>) src(%arg8 : memref<128x128xf32, #tpu.memory_space<vmem>>) dst(%dma_wait3A_108 : memref<10240x128xf32, #tpu.memory_space<vmem_shared>>)
      %dma_start3A_109 = arith.constant 1 : i32
      %dma_start3A_110 = arith.constant 0 : i32
      %dma_start3A_111 = tpu.memref_slice %arg7[%dma_start3A_109, %dma_start3A_110] : memref<16x128xi32, #tpu.memory_space<vmem>> -> memref<1x128xi32, #tpu.memory_space<vmem>>
      %dma_start3A_112 = tpu.memref_squeeze %dma_start3A_111 : memref<1x128xi32, #tpu.memory_space<vmem>> -> memref<128xi32, #tpu.memory_space<vmem>>
      %dma_start3A_113 = arith.constant 0 : i32
      %dma_start3A_114 = arith.constant 0 : i32
      %dma_start3A_115 = tpu.memref_slice %arg10[%dma_start3A_113, %dma_start3A_114] : memref<10240x128xf32, #tpu.memory_space<vmem_shared>> -> memref<10240x128xf32, #tpu.memory_space<vmem_shared>>
      tpu.enqueue_indirect_dma source(%arg9 : memref<128x128xf32, #tpu.memory_space<vmem>>) target(%dma_start3A_115 : memref<10240x128xf32, #tpu.memory_space<vmem_shared>>) offsets(%dma_start3A_112 : memref<128xi32, #tpu.memory_space<vmem>>) semaphore(%arg14 : memref<!tpu.dma_semaphore, #tpu.memory_space<semaphore_mem>>) {add = true}
      %dma_start3A_116 = arith.constant 2 : i32
      %dma_start3A_117 = arith.constant 0 : i32
      %dma_start3A_118 = tpu.memref_slice %arg6[%dma_start3A_116, %dma_start3A_117] : memref<16x128xi32, #tpu.memory_space<vmem>> -> memref<1x128xi32, #tpu.memory_space<vmem>>
      %dma_start3A_119 = tpu.memref_squeeze %dma_start3A_118 : memref<1x128xi32, #tpu.memory_space<vmem>> -> memref<128xi32, #tpu.memory_space<vmem>>
      %dma_start3A_120 = arith.constant 0 : i32
      %dma_start3A_121 = arith.constant 0 : i32
      %dma_start3A_122 = tpu.memref_slice %arg2[%dma_start3A_120, %dma_start3A_121] : memref<10240x128xf32, #tpu.memory_space<hbm>> -> memref<10240x128xf32, #tpu.memory_space<hbm>>
      tpu.enqueue_indirect_dma source(%dma_start3A_122 : memref<10240x128xf32, #tpu.memory_space<hbm>>) target(%arg8 : memref<128x128xf32, #tpu.memory_space<vmem>>) offsets(%dma_start3A_119 : memref<128xi32, #tpu.memory_space<vmem>>) semaphore(%arg11 : memref<!tpu.dma_semaphore, #tpu.memory_space<semaphore_mem>>)
      %dma_wait3A_123 = arith.constant 2 : i32
      %dma_wait3A_124 = arith.constant 0 : i32
      %dma_wait3A_125 = tpu.memref_slice %arg6[%dma_wait3A_123, %dma_wait3A_124] : memref<16x128xi32, #tpu.memory_space<vmem>> -> memref<1x128xi32, #tpu.memory_space<vmem>>
      %dma_wait3A_126 = tpu.memref_squeeze %dma_wait3A_125 : memref<1x128xi32, #tpu.memory_space<vmem>> -> memref<128xi32, #tpu.memory_space<vmem>>
      %dma_wait3A_127 = arith.constant 0 : i32
      %dma_wait3A_128 = arith.constant 0 : i32
      %dma_wait3A_129 = tpu.memref_slice %arg2[%dma_wait3A_127, %dma_wait3A_128] : memref<10240x128xf32, #tpu.memory_space<hbm>> -> memref<10240x128xf32, #tpu.memory_space<hbm>>
      tpu.wait_indirect_dma semaphore(%arg11 : memref<!tpu.dma_semaphore, #tpu.memory_space<semaphore_mem>>) src(%dma_wait3A_129 : memref<10240x128xf32, #tpu.memory_space<hbm>>) dst(%arg8 : memref<128x128xf32, #tpu.memory_space<vmem>>)
      %dma_wait3A_130 = arith.constant 1 : i32
      %dma_wait3A_131 = arith.constant 0 : i32
      %dma_wait3A_132 = tpu.memref_slice %arg7[%dma_wait3A_130, %dma_wait3A_131] : memref<16x128xi32, #tpu.memory_space<vmem>> -> memref<1x128xi32, #tpu.memory_space<vmem>>
      %dma_wait3A_133 = tpu.memref_squeeze %dma_wait3A_132 : memref<1x128xi32, #tpu.memory_space<vmem>> -> memref<128xi32, #tpu.memory_space<vmem>>
      %dma_wait3A_134 = arith.constant 0 : i32
      %dma_wait3A_135 = arith.constant 0 : i32
      %dma_wait3A_136 = tpu.memref_slice %arg10[%dma_wait3A_134, %dma_wait3A_135] : memref<10240x128xf32, #tpu.memory_space<vmem_shared>> -> memref<10240x128xf32, #tpu.memory_space<vmem_shared>>
      tpu.wait_indirect_dma semaphore(%arg14 : memref<!tpu.dma_semaphore, #tpu.memory_space<semaphore_mem>>) src(%arg9 : memref<128x128xf32, #tpu.memory_space<vmem>>) dst(%dma_wait3A_136 : memref<10240x128xf32, #tpu.memory_space<vmem_shared>>)
      %dma_start3A_137 = arith.constant 2 : i32
      %dma_start3A_138 = arith.constant 0 : i32
      %dma_start3A_139 = tpu.memref_slice %arg7[%dma_start3A_137, %dma_start3A_138] : memref<16x128xi32, #tpu.memory_space<vmem>> -> memref<1x128xi32, #tpu.memory_space<vmem>>
      %dma_start3A_140 = tpu.memref_squeeze %dma_start3A_139 : memref<1x128xi32, #tpu.memory_space<vmem>> -> memref<128xi32, #tpu.memory_space<vmem>>
      %dma_start3A_141 = arith.constant 0 : i32
      %dma_start3A_142 = arith.constant 0 : i32
      %dma_start3A_143 = tpu.memref_slice %arg10[%dma_start3A_141, %dma_start3A_142] : memref<10240x128xf32, #tpu.memory_space<vmem_shared>> -> memref<10240x128xf32, #tpu.memory_space<vmem_shared>>
      tpu.enqueue_indirect_dma source(%arg8 : memref<128x128xf32, #tpu.memory_space<vmem>>) target(%dma_start3A_143 : memref<10240x128xf32, #tpu.memory_space<vmem_shared>>) offsets(%dma_start3A_140 : memref<128xi32, #tpu.memory_space<vmem>>) semaphore(%arg13 : memref<!tpu.dma_semaphore, #tpu.memory_space<semaphore_mem>>) {add = true}
      %dma_start3A_144 = arith.constant 3 : i32
      %dma_start3A_145 = arith.constant 0 : i32
      %dma_start3A_146 = tpu.memref_slice %arg6[%dma_start3A_144, %dma_start3A_145] : memref<16x128xi32, #tpu.memory_space<vmem>> -> memref<1x128xi32, #tpu.memory_space<vmem>>
      %dma_start3A_147 = tpu.memref_squeeze %dma_start3A_146 : memref<1x128xi32, #tpu.memory_space<vmem>> -> memref<128xi32, #tpu.memory_space<vmem>>
      %dma_start3A_148 = arith.constant 0 : i32
      %dma_start3A_149 = arith.constant 0 : i32
      %dma_start3A_150 = tpu.memref_slice %arg2[%dma_start3A_148, %dma_start3A_149] : memref<10240x128xf32, #tpu.memory_space<hbm>> -> memref<10240x128xf32, #tpu.memory_space<hbm>>
      tpu.enqueue_indirect_dma source(%dma_start3A_150 : memref<10240x128xf32, #tpu.memory_space<hbm>>) target(%arg9 : memref<128x128xf32, #tpu.memory_space<vmem>>) offsets(%dma_start3A_147 : memref<128xi32, #tpu.memory_space<vmem>>) semaphore(%arg12 : memref<!tpu.dma_semaphore, #tpu.memory_space<semaphore_mem>>)
      %dma_wait3A_151 = arith.constant 3 : i32
      %dma_wait3A_152 = arith.constant 0 : i32
      %dma_wait3A_153 = tpu.memref_slice %arg6[%dma_wait3A_151, %dma_wait3A_152] : memref<16x128xi32, #tpu.memory_space<vmem>> -> memref<1x128xi32, #tpu.memory_space<vmem>>
      %dma_wait3A_154 = tpu.memref_squeeze %dma_wait3A_153 : memref<1x128xi32, #tpu.memory_space<vmem>> -> memref<128xi32, #tpu.memory_space<vmem>>
      %dma_wait3A_155 = arith.constant 0 : i32
      %dma_wait3A_156 = arith.constant 0 : i32
      %dma_wait3A_157 = tpu.memref_slice %arg2[%dma_wait3A_155, %dma_wait3A_156] : memref<10240x128xf32, #tpu.memory_space<hbm>> -> memref<10240x128xf32, #tpu.memory_space<hbm>>
      tpu.wait_indirect_dma semaphore(%arg12 : memref<!tpu.dma_semaphore, #tpu.memory_space<semaphore_mem>>) src(%dma_wait3A_157 : memref<10240x128xf32, #tpu.memory_space<hbm>>) dst(%arg9 : memref<128x128xf32, #tpu.memory_space<vmem>>)
      %dma_wait3A_158 = arith.constant 2 : i32
      %dma_wait3A_159 = arith.constant 0 : i32
      %dma_wait3A_160 = tpu.memref_slice %arg7[%dma_wait3A_158, %dma_wait3A_159] : memref<16x128xi32, #tpu.memory_space<vmem>> -> memref<1x128xi32, #tpu.memory_space<vmem>>
      %dma_wait3A_161 = tpu.memref_squeeze %dma_wait3A_160 : memref<1x128xi32, #tpu.memory_space<vmem>> -> memref<128xi32, #tpu.memory_space<vmem>>
      %dma_wait3A_162 = arith.constant 0 : i32
      %dma_wait3A_163 = arith.constant 0 : i32
      %dma_wait3A_164 = tpu.memref_slice %arg10[%dma_wait3A_162, %dma_wait3A_163] : memref<10240x128xf32, #tpu.memory_space<vmem_shared>> -> memref<10240x128xf32, #tpu.memory_space<vmem_shared>>
      tpu.wait_indirect_dma semaphore(%arg13 : memref<!tpu.dma_semaphore, #tpu.memory_space<semaphore_mem>>) src(%arg8 : memref<128x128xf32, #tpu.memory_space<vmem>>) dst(%dma_wait3A_164 : memref<10240x128xf32, #tpu.memory_space<vmem_shared>>)
      %dma_start3A_165 = arith.constant 3 : i32
      %dma_start3A_166 = arith.constant 0 : i32
      %dma_start3A_167 = tpu.memref_slice %arg7[%dma_start3A_165, %dma_start3A_166] : memref<16x128xi32, #tpu.memory_space<vmem>> -> memref<1x128xi32, #tpu.memory_space<vmem>>
      %dma_start3A_168 = tpu.memref_squeeze %dma_start3A_167 : memref<1x128xi32, #tpu.memory_space<vmem>> -> memref<128xi32, #tpu.memory_space<vmem>>
      %dma_start3A_169 = arith.constant 0 : i32
      %dma_start3A_170 = arith.constant 0 : i32
      %dma_start3A_171 = tpu.memref_slice %arg10[%dma_start3A_169, %dma_start3A_170] : memref<10240x128xf32, #tpu.memory_space<vmem_shared>> -> memref<10240x128xf32, #tpu.memory_space<vmem_shared>>
      tpu.enqueue_indirect_dma source(%arg9 : memref<128x128xf32, #tpu.memory_space<vmem>>) target(%dma_start3A_171 : memref<10240x128xf32, #tpu.memory_space<vmem_shared>>) offsets(%dma_start3A_168 : memref<128xi32, #tpu.memory_space<vmem>>) semaphore(%arg14 : memref<!tpu.dma_semaphore, #tpu.memory_space<semaphore_mem>>) {add = true}
      %dma_start3A_172 = arith.constant 4 : i32
      %dma_start3A_173 = arith.constant 0 : i32
      %dma_start3A_174 = tpu.memref_slice %arg6[%dma_start3A_172, %dma_start3A_173] : memref<16x128xi32, #tpu.memory_space<vmem>> -> memref<1x128xi32, #tpu.memory_space<vmem>>
      %dma_start3A_175 = tpu.memref_squeeze %dma_start3A_174 : memref<1x128xi32, #tpu.memory_space<vmem>> -> memref<128xi32, #tpu.memory_space<vmem>>
      %dma_start3A_176 = arith.constant 0 : i32
      %dma_start3A_177 = arith.constant 0 : i32
      %dma_start3A_178 = tpu.memref_slice %arg2[%dma_start3A_176, %dma_start3A_177] : memref<10240x128xf32, #tpu.memory_space<hbm>> -> memref<10240x128xf32, #tpu.memory_space<hbm>>
      tpu.enqueue_indirect_dma source(%dma_start3A_178 : memref<10240x128xf32, #tpu.memory_space<hbm>>) target(%arg8 : memref<128x128xf32, #tpu.memory_space<vmem>>) offsets(%dma_start3A_175 : memref<128xi32, #tpu.memory_space<vmem>>) semaphore(%arg11 : memref<!tpu.dma_semaphore, #tpu.memory_space<semaphore_mem>>)
      %dma_wait3A_179 = arith.constant 4 : i32
      %dma_wait3A_180 = arith.constant 0 : i32
      %dma_wait3A_181 = tpu.memref_slice %arg6[%dma_wait3A_179, %dma_wait3A_180] : memref<16x128xi32, #tpu.memory_space<vmem>> -> memref<1x128xi32, #tpu.memory_space<vmem>>
      %dma_wait3A_182 = tpu.memref_squeeze %dma_wait3A_181 : memref<1x128xi32, #tpu.memory_space<vmem>> -> memref<128xi32, #tpu.memory_space<vmem>>
      %dma_wait3A_183 = arith.constant 0 : i32
      %dma_wait3A_184 = arith.constant 0 : i32
      %dma_wait3A_185 = tpu.memref_slice %arg2[%dma_wait3A_183, %dma_wait3A_184] : memref<10240x128xf32, #tpu.memory_space<hbm>> -> memref<10240x128xf32, #tpu.memory_space<hbm>>
      tpu.wait_indirect_dma semaphore(%arg11 : memref<!tpu.dma_semaphore, #tpu.memory_space<semaphore_mem>>) src(%dma_wait3A_185 : memref<10240x128xf32, #tpu.memory_space<hbm>>) dst(%arg8 : memref<128x128xf32, #tpu.memory_space<vmem>>)
      %dma_wait3A_186 = arith.constant 3 : i32
      %dma_wait3A_187 = arith.constant 0 : i32
      %dma_wait3A_188 = tpu.memref_slice %arg7[%dma_wait3A_186, %dma_wait3A_187] : memref<16x128xi32, #tpu.memory_space<vmem>> -> memref<1x128xi32, #tpu.memory_space<vmem>>
      %dma_wait3A_189 = tpu.memref_squeeze %dma_wait3A_188 : memref<1x128xi32, #tpu.memory_space<vmem>> -> memref<128xi32, #tpu.memory_space<vmem>>
      %dma_wait3A_190 = arith.constant 0 : i32
      %dma_wait3A_191 = arith.constant 0 : i32
      %dma_wait3A_192 = tpu.memref_slice %arg10[%dma_wait3A_190, %dma_wait3A_191] : memref<10240x128xf32, #tpu.memory_space<vmem_shared>> -> memref<10240x128xf32, #tpu.memory_space<vmem_shared>>
      tpu.wait_indirect_dma semaphore(%arg14 : memref<!tpu.dma_semaphore, #tpu.memory_space<semaphore_mem>>) src(%arg9 : memref<128x128xf32, #tpu.memory_space<vmem>>) dst(%dma_wait3A_192 : memref<10240x128xf32, #tpu.memory_space<vmem_shared>>)
      %dma_start3A_193 = arith.constant 4 : i32
      %dma_start3A_194 = arith.constant 0 : i32
      %dma_start3A_195 = tpu.memref_slice %arg7[%dma_start3A_193, %dma_start3A_194] : memref<16x128xi32, #tpu.memory_space<vmem>> -> memref<1x128xi32, #tpu.memory_space<vmem>>
      %dma_start3A_196 = tpu.memref_squeeze %dma_start3A_195 : memref<1x128xi32, #tpu.memory_space<vmem>> -> memref<128xi32, #tpu.memory_space<vmem>>
      %dma_start3A_197 = arith.constant 0 : i32
      %dma_start3A_198 = arith.constant 0 : i32
      %dma_start3A_199 = tpu.memref_slice %arg10[%dma_start3A_197, %dma_start3A_198] : memref<10240x128xf32, #tpu.memory_space<vmem_shared>> -> memref<10240x128xf32, #tpu.memory_space<vmem_shared>>
      tpu.enqueue_indirect_dma source(%arg8 : memref<128x128xf32, #tpu.memory_space<vmem>>) target(%dma_start3A_199 : memref<10240x128xf32, #tpu.memory_space<vmem_shared>>) offsets(%dma_start3A_196 : memref<128xi32, #tpu.memory_space<vmem>>) semaphore(%arg13 : memref<!tpu.dma_semaphore, #tpu.memory_space<semaphore_mem>>) {add = true}
      %dma_start3A_200 = arith.constant 5 : i32
      %dma_start3A_201 = arith.constant 0 : i32
      %dma_start3A_202 = tpu.memref_slice %arg6[%dma_start3A_200, %dma_start3A_201] : memref<16x128xi32, #tpu.memory_space<vmem>> -> memref<1x128xi32, #tpu.memory_space<vmem>>
      %dma_start3A_203 = tpu.memref_squeeze %dma_start3A_202 : memref<1x128xi32, #tpu.memory_space<vmem>> -> memref<128xi32, #tpu.memory_space<vmem>>
      %dma_start3A_204 = arith.constant 0 : i32
      %dma_start3A_205 = arith.constant 0 : i32
      %dma_start3A_206 = tpu.memref_slice %arg2[%dma_start3A_204, %dma_start3A_205] : memref<10240x128xf32, #tpu.memory_space<hbm>> -> memref<10240x128xf32, #tpu.memory_space<hbm>>
      tpu.enqueue_indirect_dma source(%dma_start3A_206 : memref<10240x128xf32, #tpu.memory_space<hbm>>) target(%arg9 : memref<128x128xf32, #tpu.memory_space<vmem>>) offsets(%dma_start3A_203 : memref<128xi32, #tpu.memory_space<vmem>>) semaphore(%arg12 : memref<!tpu.dma_semaphore, #tpu.memory_space<semaphore_mem>>)
      %dma_wait3A_207 = arith.constant 5 : i32
      %dma_wait3A_208 = arith.constant 0 : i32
      %dma_wait3A_209 = tpu.memref_slice %arg6[%dma_wait3A_207, %dma_wait3A_208] : memref<16x128xi32, #tpu.memory_space<vmem>> -> memref<1x128xi32, #tpu.memory_space<vmem>>
      %dma_wait3A_210 = tpu.memref_squeeze %dma_wait3A_209 : memref<1x128xi32, #tpu.memory_space<vmem>> -> memref<128xi32, #tpu.memory_space<vmem>>
      %dma_wait3A_211 = arith.constant 0 : i32
      %dma_wait3A_212 = arith.constant 0 : i32
      %dma_wait3A_213 = tpu.memref_slice %arg2[%dma_wait3A_211, %dma_wait3A_212] : memref<10240x128xf32, #tpu.memory_space<hbm>> -> memref<10240x128xf32, #tpu.memory_space<hbm>>
      tpu.wait_indirect_dma semaphore(%arg12 : memref<!tpu.dma_semaphore, #tpu.memory_space<semaphore_mem>>) src(%dma_wait3A_213 : memref<10240x128xf32, #tpu.memory_space<hbm>>) dst(%arg9 : memref<128x128xf32, #tpu.memory_space<vmem>>)
      %dma_wait3A_214 = arith.constant 4 : i32
      %dma_wait3A_215 = arith.constant 0 : i32
      %dma_wait3A_216 = tpu.memref_slice %arg7[%dma_wait3A_214, %dma_wait3A_215] : memref<16x128xi32, #tpu.memory_space<vmem>> -> memref<1x128xi32, #tpu.memory_space<vmem>>
      %dma_wait3A_217 = tpu.memref_squeeze %dma_wait3A_216 : memref<1x128xi32, #tpu.memory_space<vmem>> -> memref<128xi32, #tpu.memory_space<vmem>>
      %dma_wait3A_218 = arith.constant 0 : i32
      %dma_wait3A_219 = arith.constant 0 : i32
      %dma_wait3A_220 = tpu.memref_slice %arg10[%dma_wait3A_218, %dma_wait3A_219] : memref<10240x128xf32, #tpu.memory_space<vmem_shared>> -> memref<10240x128xf32, #tpu.memory_space<vmem_shared>>
      tpu.wait_indirect_dma semaphore(%arg13 : memref<!tpu.dma_semaphore, #tpu.memory_space<semaphore_mem>>) src(%arg8 : memref<128x128xf32, #tpu.memory_space<vmem>>) dst(%dma_wait3A_220 : memref<10240x128xf32, #tpu.memory_space<vmem_shared>>)
      %dma_start3A_221 = arith.constant 5 : i32
      %dma_start3A_222 = arith.constant 0 : i32
      %dma_start3A_223 = tpu.memref_slice %arg7[%dma_start3A_221, %dma_start3A_222] : memref<16x128xi32, #tpu.memory_space<vmem>> -> memref<1x128xi32, #tpu.memory_space<vmem>>
      %dma_start3A_224 = tpu.memref_squeeze %dma_start3A_223 : memref<1x128xi32, #tpu.memory_space<vmem>> -> memref<128xi32, #tpu.memory_space<vmem>>
      %dma_start3A_225 = arith.constant 0 : i32
      %dma_start3A_226 = arith.constant 0 : i32
      %dma_start3A_227 = tpu.memref_slice %arg10[%dma_start3A_225, %dma_start3A_226] : memref<10240x128xf32, #tpu.memory_space<vmem_shared>> -> memref<10240x128xf32, #tpu.memory_space<vmem_shared>>
      tpu.enqueue_indirect_dma source(%arg9 : memref<128x128xf32, #tpu.memory_space<vmem>>) target(%dma_start3A_227 : memref<10240x128xf32, #tpu.memory_space<vmem_shared>>) offsets(%dma_start3A_224 : memref<128xi32, #tpu.memory_space<vmem>>) semaphore(%arg14 : memref<!tpu.dma_semaphore, #tpu.memory_space<semaphore_mem>>) {add = true}
      %dma_start3A_228 = arith.constant 6 : i32
      %dma_start3A_229 = arith.constant 0 : i32
      %dma_start3A_230 = tpu.memref_slice %arg6[%dma_start3A_228, %dma_start3A_229] : memref<16x128xi32, #tpu.memory_space<vmem>> -> memref<1x128xi32, #tpu.memory_space<vmem>>
      %dma_start3A_231 = tpu.memref_squeeze %dma_start3A_230 : memref<1x128xi32, #tpu.memory_space<vmem>> -> memref<128xi32, #tpu.memory_space<vmem>>
      %dma_start3A_232 = arith.constant 0 : i32
      %dma_start3A_233 = arith.constant 0 : i32
      %dma_start3A_234 = tpu.memref_slice %arg2[%dma_start3A_232, %dma_start3A_233] : memref<10240x128xf32, #tpu.memory_space<hbm>> -> memref<10240x128xf32, #tpu.memory_space<hbm>>
      tpu.enqueue_indirect_dma source(%dma_start3A_234 : memref<10240x128xf32, #tpu.memory_space<hbm>>) target(%arg8 : memref<128x128xf32, #tpu.memory_space<vmem>>) offsets(%dma_start3A_231 : memref<128xi32, #tpu.memory_space<vmem>>) semaphore(%arg11 : memref<!tpu.dma_semaphore, #tpu.memory_space<semaphore_mem>>)
      %dma_wait3A_235 = arith.constant 6 : i32
      %dma_wait3A_236 = arith.constant 0 : i32
      %dma_wait3A_237 = tpu.memref_slice %arg6[%dma_wait3A_235, %dma_wait3A_236] : memref<16x128xi32, #tpu.memory_space<vmem>> -> memref<1x128xi32, #tpu.memory_space<vmem>>
      %dma_wait3A_238 = tpu.memref_squeeze %dma_wait3A_237 : memref<1x128xi32, #tpu.memory_space<vmem>> -> memref<128xi32, #tpu.memory_space<vmem>>
      %dma_wait3A_239 = arith.constant 0 : i32
      %dma_wait3A_240 = arith.constant 0 : i32
      %dma_wait3A_241 = tpu.memref_slice %arg2[%dma_wait3A_239, %dma_wait3A_240] : memref<10240x128xf32, #tpu.memory_space<hbm>> -> memref<10240x128xf32, #tpu.memory_space<hbm>>
      tpu.wait_indirect_dma semaphore(%arg11 : memref<!tpu.dma_semaphore, #tpu.memory_space<semaphore_mem>>) src(%dma_wait3A_241 : memref<10240x128xf32, #tpu.memory_space<hbm>>) dst(%arg8 : memref<128x128xf32, #tpu.memory_space<vmem>>)
      %dma_wait3A_242 = arith.constant 5 : i32
      %dma_wait3A_243 = arith.constant 0 : i32
      %dma_wait3A_244 = tpu.memref_slice %arg7[%dma_wait3A_242, %dma_wait3A_243] : memref<16x128xi32, #tpu.memory_space<vmem>> -> memref<1x128xi32, #tpu.memory_space<vmem>>
      %dma_wait3A_245 = tpu.memref_squeeze %dma_wait3A_244 : memref<1x128xi32, #tpu.memory_space<vmem>> -> memref<128xi32, #tpu.memory_space<vmem>>
      %dma_wait3A_246 = arith.constant 0 : i32
      %dma_wait3A_247 = arith.constant 0 : i32
      %dma_wait3A_248 = tpu.memref_slice %arg10[%dma_wait3A_246, %dma_wait3A_247] : memref<10240x128xf32, #tpu.memory_space<vmem_shared>> -> memref<10240x128xf32, #tpu.memory_space<vmem_shared>>
      tpu.wait_indirect_dma semaphore(%arg14 : memref<!tpu.dma_semaphore, #tpu.memory_space<semaphore_mem>>) src(%arg9 : memref<128x128xf32, #tpu.memory_space<vmem>>) dst(%dma_wait3A_248 : memref<10240x128xf32, #tpu.memory_space<vmem_shared>>)
      %dma_start3A_249 = arith.constant 6 : i32
      %dma_start3A_250 = arith.constant 0 : i32
      %dma_start3A_251 = tpu.memref_slice %arg7[%dma_start3A_249, %dma_start3A_250] : memref<16x128xi32, #tpu.memory_space<vmem>> -> memref<1x128xi32, #tpu.memory_space<vmem>>
      %dma_start3A_252 = tpu.memref_squeeze %dma_start3A_251 : memref<1x128xi32, #tpu.memory_space<vmem>> -> memref<128xi32, #tpu.memory_space<vmem>>
      %dma_start3A_253 = arith.constant 0 : i32
      %dma_start3A_254 = arith.constant 0 : i32
      %dma_start3A_255 = tpu.memref_slice %arg10[%dma_start3A_253, %dma_start3A_254] : memref<10240x128xf32, #tpu.memory_space<vmem_shared>> -> memref<10240x128xf32, #tpu.memory_space<vmem_shared>>
      tpu.enqueue_indirect_dma source(%arg8 : memref<128x128xf32, #tpu.memory_space<vmem>>) target(%dma_start3A_255 : memref<10240x128xf32, #tpu.memory_space<vmem_shared>>) offsets(%dma_start3A_252 : memref<128xi32, #tpu.memory_space<vmem>>) semaphore(%arg13 : memref<!tpu.dma_semaphore, #tpu.memory_space<semaphore_mem>>) {add = true}
      %dma_start3A_256 = arith.constant 7 : i32
      %dma_start3A_257 = arith.constant 0 : i32
      %dma_start3A_258 = tpu.memref_slice %arg6[%dma_start3A_256, %dma_start3A_257] : memref<16x128xi32, #tpu.memory_space<vmem>> -> memref<1x128xi32, #tpu.memory_space<vmem>>
      %dma_start3A_259 = tpu.memref_squeeze %dma_start3A_258 : memref<1x128xi32, #tpu.memory_space<vmem>> -> memref<128xi32, #tpu.memory_space<vmem>>
      %dma_start3A_260 = arith.constant 0 : i32
      %dma_start3A_261 = arith.constant 0 : i32
      %dma_start3A_262 = tpu.memref_slice %arg2[%dma_start3A_260, %dma_start3A_261] : memref<10240x128xf32, #tpu.memory_space<hbm>> -> memref<10240x128xf32, #tpu.memory_space<hbm>>
      tpu.enqueue_indirect_dma source(%dma_start3A_262 : memref<10240x128xf32, #tpu.memory_space<hbm>>) target(%arg9 : memref<128x128xf32, #tpu.memory_space<vmem>>) offsets(%dma_start3A_259 : memref<128xi32, #tpu.memory_space<vmem>>) semaphore(%arg12 : memref<!tpu.dma_semaphore, #tpu.memory_space<semaphore_mem>>)
      %dma_wait3A_263 = arith.constant 7 : i32
      %dma_wait3A_264 = arith.constant 0 : i32
      %dma_wait3A_265 = tpu.memref_slice %arg6[%dma_wait3A_263, %dma_wait3A_264] : memref<16x128xi32, #tpu.memory_space<vmem>> -> memref<1x128xi32, #tpu.memory_space<vmem>>
      %dma_wait3A_266 = tpu.memref_squeeze %dma_wait3A_265 : memref<1x128xi32, #tpu.memory_space<vmem>> -> memref<128xi32, #tpu.memory_space<vmem>>
      %dma_wait3A_267 = arith.constant 0 : i32
      %dma_wait3A_268 = arith.constant 0 : i32
      %dma_wait3A_269 = tpu.memref_slice %arg2[%dma_wait3A_267, %dma_wait3A_268] : memref<10240x128xf32, #tpu.memory_space<hbm>> -> memref<10240x128xf32, #tpu.memory_space<hbm>>
      tpu.wait_indirect_dma semaphore(%arg12 : memref<!tpu.dma_semaphore, #tpu.memory_space<semaphore_mem>>) src(%dma_wait3A_269 : memref<10240x128xf32, #tpu.memory_space<hbm>>) dst(%arg9 : memref<128x128xf32, #tpu.memory_space<vmem>>)
      %dma_wait3A_270 = arith.constant 6 : i32
      %dma_wait3A_271 = arith.constant 0 : i32
      %dma_wait3A_272 = tpu.memref_slice %arg7[%dma_wait3A_270, %dma_wait3A_271] : memref<16x128xi32, #tpu.memory_space<vmem>> -> memref<1x128xi32, #tpu.memory_space<vmem>>
      %dma_wait3A_273 = tpu.memref_squeeze %dma_wait3A_272 : memref<1x128xi32, #tpu.memory_space<vmem>> -> memref<128xi32, #tpu.memory_space<vmem>>
      %dma_wait3A_274 = arith.constant 0 : i32
      %dma_wait3A_275 = arith.constant 0 : i32
      %dma_wait3A_276 = tpu.memref_slice %arg10[%dma_wait3A_274, %dma_wait3A_275] : memref<10240x128xf32, #tpu.memory_space<vmem_shared>> -> memref<10240x128xf32, #tpu.memory_space<vmem_shared>>
      tpu.wait_indirect_dma semaphore(%arg13 : memref<!tpu.dma_semaphore, #tpu.memory_space<semaphore_mem>>) src(%arg8 : memref<128x128xf32, #tpu.memory_space<vmem>>) dst(%dma_wait3A_276 : memref<10240x128xf32, #tpu.memory_space<vmem_shared>>)
      %dma_start3A_277 = arith.constant 7 : i32
      %dma_start3A_278 = arith.constant 0 : i32
      %dma_start3A_279 = tpu.memref_slice %arg7[%dma_start3A_277, %dma_start3A_278] : memref<16x128xi32, #tpu.memory_space<vmem>> -> memref<1x128xi32, #tpu.memory_space<vmem>>
      %dma_start3A_280 = tpu.memref_squeeze %dma_start3A_279 : memref<1x128xi32, #tpu.memory_space<vmem>> -> memref<128xi32, #tpu.memory_space<vmem>>
      %dma_start3A_281 = arith.constant 0 : i32
      %dma_start3A_282 = arith.constant 0 : i32
      %dma_start3A_283 = tpu.memref_slice %arg10[%dma_start3A_281, %dma_start3A_282] : memref<10240x128xf32, #tpu.memory_space<vmem_shared>> -> memref<10240x128xf32, #tpu.memory_space<vmem_shared>>
      tpu.enqueue_indirect_dma source(%arg9 : memref<128x128xf32, #tpu.memory_space<vmem>>) target(%dma_start3A_283 : memref<10240x128xf32, #tpu.memory_space<vmem_shared>>) offsets(%dma_start3A_280 : memref<128xi32, #tpu.memory_space<vmem>>) semaphore(%arg14 : memref<!tpu.dma_semaphore, #tpu.memory_space<semaphore_mem>>) {add = true}
      %dma_start3A_284 = arith.constant 8 : i32
      %dma_start3A_285 = arith.constant 0 : i32
      %dma_start3A_286 = tpu.memref_slice %arg6[%dma_start3A_284, %dma_start3A_285] : memref<16x128xi32, #tpu.memory_space<vmem>> -> memref<1x128xi32, #tpu.memory_space<vmem>>
      %dma_start3A_287 = tpu.memref_squeeze %dma_start3A_286 : memref<1x128xi32, #tpu.memory_space<vmem>> -> memref<128xi32, #tpu.memory_space<vmem>>
      %dma_start3A_288 = arith.constant 0 : i32
      %dma_start3A_289 = arith.constant 0 : i32
      %dma_start3A_290 = tpu.memref_slice %arg2[%dma_start3A_288, %dma_start3A_289] : memref<10240x128xf32, #tpu.memory_space<hbm>> -> memref<10240x128xf32, #tpu.memory_space<hbm>>
      tpu.enqueue_indirect_dma source(%dma_start3A_290 : memref<10240x128xf32, #tpu.memory_space<hbm>>) target(%arg8 : memref<128x128xf32, #tpu.memory_space<vmem>>) offsets(%dma_start3A_287 : memref<128xi32, #tpu.memory_space<vmem>>) semaphore(%arg11 : memref<!tpu.dma_semaphore, #tpu.memory_space<semaphore_mem>>)
      %dma_wait3A_291 = arith.constant 8 : i32
      %dma_wait3A_292 = arith.constant 0 : i32
      %dma_wait3A_293 = tpu.memref_slice %arg6[%dma_wait3A_291, %dma_wait3A_292] : memref<16x128xi32, #tpu.memory_space<vmem>> -> memref<1x128xi32, #tpu.memory_space<vmem>>
      %dma_wait3A_294 = tpu.memref_squeeze %dma_wait3A_293 : memref<1x128xi32, #tpu.memory_space<vmem>> -> memref<128xi32, #tpu.memory_space<vmem>>
      %dma_wait3A_295 = arith.constant 0 : i32
      %dma_wait3A_296 = arith.constant 0 : i32
      %dma_wait3A_297 = tpu.memref_slice %arg2[%dma_wait3A_295, %dma_wait3A_296] : memref<10240x128xf32, #tpu.memory_space<hbm>> -> memref<10240x128xf32, #tpu.memory_space<hbm>>
      tpu.wait_indirect_dma semaphore(%arg11 : memref<!tpu.dma_semaphore, #tpu.memory_space<semaphore_mem>>) src(%dma_wait3A_297 : memref<10240x128xf32, #tpu.memory_space<hbm>>) dst(%arg8 : memref<128x128xf32, #tpu.memory_space<vmem>>)
      %dma_wait3A_298 = arith.constant 7 : i32
      %dma_wait3A_299 = arith.constant 0 : i32
      %dma_wait3A_300 = tpu.memref_slice %arg7[%dma_wait3A_298, %dma_wait3A_299] : memref<16x128xi32, #tpu.memory_space<vmem>> -> memref<1x128xi32, #tpu.memory_space<vmem>>
      %dma_wait3A_301 = tpu.memref_squeeze %dma_wait3A_300 : memref<1x128xi32, #tpu.memory_space<vmem>> -> memref<128xi32, #tpu.memory_space<vmem>>
      %dma_wait3A_302 = arith.constant 0 : i32
      %dma_wait3A_303 = arith.constant 0 : i32
      %dma_wait3A_304 = tpu.memref_slice %arg10[%dma_wait3A_302, %dma_wait3A_303] : memref<10240x128xf32, #tpu.memory_space<vmem_shared>> -> memref<10240x128xf32, #tpu.memory_space<vmem_shared>>
      tpu.wait_indirect_dma semaphore(%arg14 : memref<!tpu.dma_semaphore, #tpu.memory_space<semaphore_mem>>) src(%arg9 : memref<128x128xf32, #tpu.memory_space<vmem>>) dst(%dma_wait3A_304 : memref<10240x128xf32, #tpu.memory_space<vmem_shared>>)
      %dma_start3A_305 = arith.constant 8 : i32
      %dma_start3A_306 = arith.constant 0 : i32
      %dma_start3A_307 = tpu.memref_slice %arg7[%dma_start3A_305, %dma_start3A_306] : memref<16x128xi32, #tpu.memory_space<vmem>> -> memref<1x128xi32, #tpu.memory_space<vmem>>
      %dma_start3A_308 = tpu.memref_squeeze %dma_start3A_307 : memref<1x128xi32, #tpu.memory_space<vmem>> -> memref<128xi32, #tpu.memory_space<vmem>>
      %dma_start3A_309 = arith.constant 0 : i32
      %dma_start3A_310 = arith.constant 0 : i32
      %dma_start3A_311 = tpu.memref_slice %arg10[%dma_start3A_309, %dma_start3A_310] : memref<10240x128xf32, #tpu.memory_space<vmem_shared>> -> memref<10240x128xf32, #tpu.memory_space<vmem_shared>>
      tpu.enqueue_indirect_dma source(%arg8 : memref<128x128xf32, #tpu.memory_space<vmem>>) target(%dma_start3A_311 : memref<10240x128xf32, #tpu.memory_space<vmem_shared>>) offsets(%dma_start3A_308 : memref<128xi32, #tpu.memory_space<vmem>>) semaphore(%arg13 : memref<!tpu.dma_semaphore, #tpu.memory_space<semaphore_mem>>) {add = true}
      %dma_start3A_312 = arith.constant 9 : i32
      %dma_start3A_313 = arith.constant 0 : i32
      %dma_start3A_314 = tpu.memref_slice %arg6[%dma_start3A_312, %dma_start3A_313] : memref<16x128xi32, #tpu.memory_space<vmem>> -> memref<1x128xi32, #tpu.memory_space<vmem>>
      %dma_start3A_315 = tpu.memref_squeeze %dma_start3A_314 : memref<1x128xi32, #tpu.memory_space<vmem>> -> memref<128xi32, #tpu.memory_space<vmem>>
      %dma_start3A_316 = arith.constant 0 : i32
      %dma_start3A_317 = arith.constant 0 : i32
      %dma_start3A_318 = tpu.memref_slice %arg2[%dma_start3A_316, %dma_start3A_317] : memref<10240x128xf32, #tpu.memory_space<hbm>> -> memref<10240x128xf32, #tpu.memory_space<hbm>>
      tpu.enqueue_indirect_dma source(%dma_start3A_318 : memref<10240x128xf32, #tpu.memory_space<hbm>>) target(%arg9 : memref<128x128xf32, #tpu.memory_space<vmem>>) offsets(%dma_start3A_315 : memref<128xi32, #tpu.memory_space<vmem>>) semaphore(%arg12 : memref<!tpu.dma_semaphore, #tpu.memory_space<semaphore_mem>>)
      %dma_wait3A_319 = arith.constant 9 : i32
      %dma_wait3A_320 = arith.constant 0 : i32
      %dma_wait3A_321 = tpu.memref_slice %arg6[%dma_wait3A_319, %dma_wait3A_320] : memref<16x128xi32, #tpu.memory_space<vmem>> -> memref<1x128xi32, #tpu.memory_space<vmem>>
      %dma_wait3A_322 = tpu.memref_squeeze %dma_wait3A_321 : memref<1x128xi32, #tpu.memory_space<vmem>> -> memref<128xi32, #tpu.memory_space<vmem>>
      %dma_wait3A_323 = arith.constant 0 : i32
      %dma_wait3A_324 = arith.constant 0 : i32
      %dma_wait3A_325 = tpu.memref_slice %arg2[%dma_wait3A_323, %dma_wait3A_324] : memref<10240x128xf32, #tpu.memory_space<hbm>> -> memref<10240x128xf32, #tpu.memory_space<hbm>>
      tpu.wait_indirect_dma semaphore(%arg12 : memref<!tpu.dma_semaphore, #tpu.memory_space<semaphore_mem>>) src(%dma_wait3A_325 : memref<10240x128xf32, #tpu.memory_space<hbm>>) dst(%arg9 : memref<128x128xf32, #tpu.memory_space<vmem>>)
      %dma_wait3A_326 = arith.constant 8 : i32
      %dma_wait3A_327 = arith.constant 0 : i32
      %dma_wait3A_328 = tpu.memref_slice %arg7[%dma_wait3A_326, %dma_wait3A_327] : memref<16x128xi32, #tpu.memory_space<vmem>> -> memref<1x128xi32, #tpu.memory_space<vmem>>
      %dma_wait3A_329 = tpu.memref_squeeze %dma_wait3A_328 : memref<1x128xi32, #tpu.memory_space<vmem>> -> memref<128xi32, #tpu.memory_space<vmem>>
      %dma_wait3A_330 = arith.constant 0 : i32
      %dma_wait3A_331 = arith.constant 0 : i32
      %dma_wait3A_332 = tpu.memref_slice %arg10[%dma_wait3A_330, %dma_wait3A_331] : memref<10240x128xf32, #tpu.memory_space<vmem_shared>> -> memref<10240x128xf32, #tpu.memory_space<vmem_shared>>
      tpu.wait_indirect_dma semaphore(%arg13 : memref<!tpu.dma_semaphore, #tpu.memory_space<semaphore_mem>>) src(%arg8 : memref<128x128xf32, #tpu.memory_space<vmem>>) dst(%dma_wait3A_332 : memref<10240x128xf32, #tpu.memory_space<vmem_shared>>)
      %dma_start3A_333 = arith.constant 9 : i32
      %dma_start3A_334 = arith.constant 0 : i32
      %dma_start3A_335 = tpu.memref_slice %arg7[%dma_start3A_333, %dma_start3A_334] : memref<16x128xi32, #tpu.memory_space<vmem>> -> memref<1x128xi32, #tpu.memory_space<vmem>>
      %dma_start3A_336 = tpu.memref_squeeze %dma_start3A_335 : memref<1x128xi32, #tpu.memory_space<vmem>> -> memref<128xi32, #tpu.memory_space<vmem>>
      %dma_start3A_337 = arith.constant 0 : i32
      %dma_start3A_338 = arith.constant 0 : i32
      %dma_start3A_339 = tpu.memref_slice %arg10[%dma_start3A_337, %dma_start3A_338] : memref<10240x128xf32, #tpu.memory_space<vmem_shared>> -> memref<10240x128xf32, #tpu.memory_space<vmem_shared>>
      tpu.enqueue_indirect_dma source(%arg9 : memref<128x128xf32, #tpu.memory_space<vmem>>) target(%dma_start3A_339 : memref<10240x128xf32, #tpu.memory_space<vmem_shared>>) offsets(%dma_start3A_336 : memref<128xi32, #tpu.memory_space<vmem>>) semaphore(%arg14 : memref<!tpu.dma_semaphore, #tpu.memory_space<semaphore_mem>>) {add = true}
      %dma_start3A_340 = arith.constant 10 : i32
      %dma_start3A_341 = arith.constant 0 : i32
      %dma_start3A_342 = tpu.memref_slice %arg6[%dma_start3A_340, %dma_start3A_341] : memref<16x128xi32, #tpu.memory_space<vmem>> -> memref<1x128xi32, #tpu.memory_space<vmem>>
      %dma_start3A_343 = tpu.memref_squeeze %dma_start3A_342 : memref<1x128xi32, #tpu.memory_space<vmem>> -> memref<128xi32, #tpu.memory_space<vmem>>
      %dma_start3A_344 = arith.constant 0 : i32
      %dma_start3A_345 = arith.constant 0 : i32
      %dma_start3A_346 = tpu.memref_slice %arg2[%dma_start3A_344, %dma_start3A_345] : memref<10240x128xf32, #tpu.memory_space<hbm>> -> memref<10240x128xf32, #tpu.memory_space<hbm>>
      tpu.enqueue_indirect_dma source(%dma_start3A_346 : memref<10240x128xf32, #tpu.memory_space<hbm>>) target(%arg8 : memref<128x128xf32, #tpu.memory_space<vmem>>) offsets(%dma_start3A_343 : memref<128xi32, #tpu.memory_space<vmem>>) semaphore(%arg11 : memref<!tpu.dma_semaphore, #tpu.memory_space<semaphore_mem>>)
      %dma_wait3A_347 = arith.constant 10 : i32
      %dma_wait3A_348 = arith.constant 0 : i32
      %dma_wait3A_349 = tpu.memref_slice %arg6[%dma_wait3A_347, %dma_wait3A_348] : memref<16x128xi32, #tpu.memory_space<vmem>> -> memref<1x128xi32, #tpu.memory_space<vmem>>
      %dma_wait3A_350 = tpu.memref_squeeze %dma_wait3A_349 : memref<1x128xi32, #tpu.memory_space<vmem>> -> memref<128xi32, #tpu.memory_space<vmem>>
      %dma_wait3A_351 = arith.constant 0 : i32
      %dma_wait3A_352 = arith.constant 0 : i32
      %dma_wait3A_353 = tpu.memref_slice %arg2[%dma_wait3A_351, %dma_wait3A_352] : memref<10240x128xf32, #tpu.memory_space<hbm>> -> memref<10240x128xf32, #tpu.memory_space<hbm>>
      tpu.wait_indirect_dma semaphore(%arg11 : memref<!tpu.dma_semaphore, #tpu.memory_space<semaphore_mem>>) src(%dma_wait3A_353 : memref<10240x128xf32, #tpu.memory_space<hbm>>) dst(%arg8 : memref<128x128xf32, #tpu.memory_space<vmem>>)
      %dma_wait3A_354 = arith.constant 9 : i32
      %dma_wait3A_355 = arith.constant 0 : i32
      %dma_wait3A_356 = tpu.memref_slice %arg7[%dma_wait3A_354, %dma_wait3A_355] : memref<16x128xi32, #tpu.memory_space<vmem>> -> memref<1x128xi32, #tpu.memory_space<vmem>>
      %dma_wait3A_357 = tpu.memref_squeeze %dma_wait3A_356 : memref<1x128xi32, #tpu.memory_space<vmem>> -> memref<128xi32, #tpu.memory_space<vmem>>
      %dma_wait3A_358 = arith.constant 0 : i32
      %dma_wait3A_359 = arith.constant 0 : i32
      %dma_wait3A_360 = tpu.memref_slice %arg10[%dma_wait3A_358, %dma_wait3A_359] : memref<10240x128xf32, #tpu.memory_space<vmem_shared>> -> memref<10240x128xf32, #tpu.memory_space<vmem_shared>>
      tpu.wait_indirect_dma semaphore(%arg14 : memref<!tpu.dma_semaphore, #tpu.memory_space<semaphore_mem>>) src(%arg9 : memref<128x128xf32, #tpu.memory_space<vmem>>) dst(%dma_wait3A_360 : memref<10240x128xf32, #tpu.memory_space<vmem_shared>>)
      %dma_start3A_361 = arith.constant 10 : i32
      %dma_start3A_362 = arith.constant 0 : i32
      %dma_start3A_363 = tpu.memref_slice %arg7[%dma_start3A_361, %dma_start3A_362] : memref<16x128xi32, #tpu.memory_space<vmem>> -> memref<1x128xi32, #tpu.memory_space<vmem>>
      %dma_start3A_364 = tpu.memref_squeeze %dma_start3A_363 : memref<1x128xi32, #tpu.memory_space<vmem>> -> memref<128xi32, #tpu.memory_space<vmem>>
      %dma_start3A_365 = arith.constant 0 : i32
      %dma_start3A_366 = arith.constant 0 : i32
      %dma_start3A_367 = tpu.memref_slice %arg10[%dma_start3A_365, %dma_start3A_366] : memref<10240x128xf32, #tpu.memory_space<vmem_shared>> -> memref<10240x128xf32, #tpu.memory_space<vmem_shared>>
      tpu.enqueue_indirect_dma source(%arg8 : memref<128x128xf32, #tpu.memory_space<vmem>>) target(%dma_start3A_367 : memref<10240x128xf32, #tpu.memory_space<vmem_shared>>) offsets(%dma_start3A_364 : memref<128xi32, #tpu.memory_space<vmem>>) semaphore(%arg13 : memref<!tpu.dma_semaphore, #tpu.memory_space<semaphore_mem>>) {add = true}
      %dma_start3A_368 = arith.constant 11 : i32
      %dma_start3A_369 = arith.constant 0 : i32
      %dma_start3A_370 = tpu.memref_slice %arg6[%dma_start3A_368, %dma_start3A_369] : memref<16x128xi32, #tpu.memory_space<vmem>> -> memref<1x128xi32, #tpu.memory_space<vmem>>
      %dma_start3A_371 = tpu.memref_squeeze %dma_start3A_370 : memref<1x128xi32, #tpu.memory_space<vmem>> -> memref<128xi32, #tpu.memory_space<vmem>>
      %dma_start3A_372 = arith.constant 0 : i32
      %dma_start3A_373 = arith.constant 0 : i32
      %dma_start3A_374 = tpu.memref_slice %arg2[%dma_start3A_372, %dma_start3A_373] : memref<10240x128xf32, #tpu.memory_space<hbm>> -> memref<10240x128xf32, #tpu.memory_space<hbm>>
      tpu.enqueue_indirect_dma source(%dma_start3A_374 : memref<10240x128xf32, #tpu.memory_space<hbm>>) target(%arg9 : memref<128x128xf32, #tpu.memory_space<vmem>>) offsets(%dma_start3A_371 : memref<128xi32, #tpu.memory_space<vmem>>) semaphore(%arg12 : memref<!tpu.dma_semaphore, #tpu.memory_space<semaphore_mem>>)
      %dma_wait3A_375 = arith.constant 11 : i32
      %dma_wait3A_376 = arith.constant 0 : i32
      %dma_wait3A_377 = tpu.memref_slice %arg6[%dma_wait3A_375, %dma_wait3A_376] : memref<16x128xi32, #tpu.memory_space<vmem>> -> memref<1x128xi32, #tpu.memory_space<vmem>>
      %dma_wait3A_378 = tpu.memref_squeeze %dma_wait3A_377 : memref<1x128xi32, #tpu.memory_space<vmem>> -> memref<128xi32, #tpu.memory_space<vmem>>
      %dma_wait3A_379 = arith.constant 0 : i32
      %dma_wait3A_380 = arith.constant 0 : i32
      %dma_wait3A_381 = tpu.memref_slice %arg2[%dma_wait3A_379, %dma_wait3A_380] : memref<10240x128xf32, #tpu.memory_space<hbm>> -> memref<10240x128xf32, #tpu.memory_space<hbm>>
      tpu.wait_indirect_dma semaphore(%arg12 : memref<!tpu.dma_semaphore, #tpu.memory_space<semaphore_mem>>) src(%dma_wait3A_381 : memref<10240x128xf32, #tpu.memory_space<hbm>>) dst(%arg9 : memref<128x128xf32, #tpu.memory_space<vmem>>)
      %dma_wait3A_382 = arith.constant 10 : i32
      %dma_wait3A_383 = arith.constant 0 : i32
      %dma_wait3A_384 = tpu.memref_slice %arg7[%dma_wait3A_382, %dma_wait3A_383] : memref<16x128xi32, #tpu.memory_space<vmem>> -> memref<1x128xi32, #tpu.memory_space<vmem>>
      %dma_wait3A_385 = tpu.memref_squeeze %dma_wait3A_384 : memref<1x128xi32, #tpu.memory_space<vmem>> -> memref<128xi32, #tpu.memory_space<vmem>>
      %dma_wait3A_386 = arith.constant 0 : i32
      %dma_wait3A_387 = arith.constant 0 : i32
      %dma_wait3A_388 = tpu.memref_slice %arg10[%dma_wait3A_386, %dma_wait3A_387] : memref<10240x128xf32, #tpu.memory_space<vmem_shared>> -> memref<10240x128xf32, #tpu.memory_space<vmem_shared>>
      tpu.wait_indirect_dma semaphore(%arg13 : memref<!tpu.dma_semaphore, #tpu.memory_space<semaphore_mem>>) src(%arg8 : memref<128x128xf32, #tpu.memory_space<vmem>>) dst(%dma_wait3A_388 : memref<10240x128xf32, #tpu.memory_space<vmem_shared>>)
      %dma_start3A_389 = arith.constant 11 : i32
      %dma_start3A_390 = arith.constant 0 : i32
      %dma_start3A_391 = tpu.memref_slice %arg7[%dma_start3A_389, %dma_start3A_390] : memref<16x128xi32, #tpu.memory_space<vmem>> -> memref<1x128xi32, #tpu.memory_space<vmem>>
      %dma_start3A_392 = tpu.memref_squeeze %dma_start3A_391 : memref<1x128xi32, #tpu.memory_space<vmem>> -> memref<128xi32, #tpu.memory_space<vmem>>
      %dma_start3A_393 = arith.constant 0 : i32
      %dma_start3A_394 = arith.constant 0 : i32
      %dma_start3A_395 = tpu.memref_slice %arg10[%dma_start3A_393, %dma_start3A_394] : memref<10240x128xf32, #tpu.memory_space<vmem_shared>> -> memref<10240x128xf32, #tpu.memory_space<vmem_shared>>
      tpu.enqueue_indirect_dma source(%arg9 : memref<128x128xf32, #tpu.memory_space<vmem>>) target(%dma_start3A_395 : memref<10240x128xf32, #tpu.memory_space<vmem_shared>>) offsets(%dma_start3A_392 : memref<128xi32, #tpu.memory_space<vmem>>) semaphore(%arg14 : memref<!tpu.dma_semaphore, #tpu.memory_space<semaphore_mem>>) {add = true}
      %dma_start3A_396 = arith.constant 12 : i32
      %dma_start3A_397 = arith.constant 0 : i32
      %dma_start3A_398 = tpu.memref_slice %arg6[%dma_start3A_396, %dma_start3A_397] : memref<16x128xi32, #tpu.memory_space<vmem>> -> memref<1x128xi32, #tpu.memory_space<vmem>>
      %dma_start3A_399 = tpu.memref_squeeze %dma_start3A_398 : memref<1x128xi32, #tpu.memory_space<vmem>> -> memref<128xi32, #tpu.memory_space<vmem>>
      %dma_start3A_400 = arith.constant 0 : i32
      %dma_start3A_401 = arith.constant 0 : i32
      %dma_start3A_402 = tpu.memref_slice %arg2[%dma_start3A_400, %dma_start3A_401] : memref<10240x128xf32, #tpu.memory_space<hbm>> -> memref<10240x128xf32, #tpu.memory_space<hbm>>
      tpu.enqueue_indirect_dma source(%dma_start3A_402 : memref<10240x128xf32, #tpu.memory_space<hbm>>) target(%arg8 : memref<128x128xf32, #tpu.memory_space<vmem>>) offsets(%dma_start3A_399 : memref<128xi32, #tpu.memory_space<vmem>>) semaphore(%arg11 : memref<!tpu.dma_semaphore, #tpu.memory_space<semaphore_mem>>)
      %dma_wait3A_403 = arith.constant 12 : i32
      %dma_wait3A_404 = arith.constant 0 : i32
      %dma_wait3A_405 = tpu.memref_slice %arg6[%dma_wait3A_403, %dma_wait3A_404] : memref<16x128xi32, #tpu.memory_space<vmem>> -> memref<1x128xi32, #tpu.memory_space<vmem>>
      %dma_wait3A_406 = tpu.memref_squeeze %dma_wait3A_405 : memref<1x128xi32, #tpu.memory_space<vmem>> -> memref<128xi32, #tpu.memory_space<vmem>>
      %dma_wait3A_407 = arith.constant 0 : i32
      %dma_wait3A_408 = arith.constant 0 : i32
      %dma_wait3A_409 = tpu.memref_slice %arg2[%dma_wait3A_407, %dma_wait3A_408] : memref<10240x128xf32, #tpu.memory_space<hbm>> -> memref<10240x128xf32, #tpu.memory_space<hbm>>
      tpu.wait_indirect_dma semaphore(%arg11 : memref<!tpu.dma_semaphore, #tpu.memory_space<semaphore_mem>>) src(%dma_wait3A_409 : memref<10240x128xf32, #tpu.memory_space<hbm>>) dst(%arg8 : memref<128x128xf32, #tpu.memory_space<vmem>>)
      %dma_wait3A_410 = arith.constant 11 : i32
      %dma_wait3A_411 = arith.constant 0 : i32
      %dma_wait3A_412 = tpu.memref_slice %arg7[%dma_wait3A_410, %dma_wait3A_411] : memref<16x128xi32, #tpu.memory_space<vmem>> -> memref<1x128xi32, #tpu.memory_space<vmem>>
      %dma_wait3A_413 = tpu.memref_squeeze %dma_wait3A_412 : memref<1x128xi32, #tpu.memory_space<vmem>> -> memref<128xi32, #tpu.memory_space<vmem>>
      %dma_wait3A_414 = arith.constant 0 : i32
      %dma_wait3A_415 = arith.constant 0 : i32
      %dma_wait3A_416 = tpu.memref_slice %arg10[%dma_wait3A_414, %dma_wait3A_415] : memref<10240x128xf32, #tpu.memory_space<vmem_shared>> -> memref<10240x128xf32, #tpu.memory_space<vmem_shared>>
      tpu.wait_indirect_dma semaphore(%arg14 : memref<!tpu.dma_semaphore, #tpu.memory_space<semaphore_mem>>) src(%arg9 : memref<128x128xf32, #tpu.memory_space<vmem>>) dst(%dma_wait3A_416 : memref<10240x128xf32, #tpu.memory_space<vmem_shared>>)
      %dma_start3A_417 = arith.constant 12 : i32
      %dma_start3A_418 = arith.constant 0 : i32
      %dma_start3A_419 = tpu.memref_slice %arg7[%dma_start3A_417, %dma_start3A_418] : memref<16x128xi32, #tpu.memory_space<vmem>> -> memref<1x128xi32, #tpu.memory_space<vmem>>
      %dma_start3A_420 = tpu.memref_squeeze %dma_start3A_419 : memref<1x128xi32, #tpu.memory_space<vmem>> -> memref<128xi32, #tpu.memory_space<vmem>>
      %dma_start3A_421 = arith.constant 0 : i32
      %dma_start3A_422 = arith.constant 0 : i32
      %dma_start3A_423 = tpu.memref_slice %arg10[%dma_start3A_421, %dma_start3A_422] : memref<10240x128xf32, #tpu.memory_space<vmem_shared>> -> memref<10240x128xf32, #tpu.memory_space<vmem_shared>>
      tpu.enqueue_indirect_dma source(%arg8 : memref<128x128xf32, #tpu.memory_space<vmem>>) target(%dma_start3A_423 : memref<10240x128xf32, #tpu.memory_space<vmem_shared>>) offsets(%dma_start3A_420 : memref<128xi32, #tpu.memory_space<vmem>>) semaphore(%arg13 : memref<!tpu.dma_semaphore, #tpu.memory_space<semaphore_mem>>) {add = true}
      %dma_start3A_424 = arith.constant 13 : i32
      %dma_start3A_425 = arith.constant 0 : i32
      %dma_start3A_426 = tpu.memref_slice %arg6[%dma_start3A_424, %dma_start3A_425] : memref<16x128xi32, #tpu.memory_space<vmem>> -> memref<1x128xi32, #tpu.memory_space<vmem>>
      %dma_start3A_427 = tpu.memref_squeeze %dma_start3A_426 : memref<1x128xi32, #tpu.memory_space<vmem>> -> memref<128xi32, #tpu.memory_space<vmem>>
      %dma_start3A_428 = arith.constant 0 : i32
      %dma_start3A_429 = arith.constant 0 : i32
      %dma_start3A_430 = tpu.memref_slice %arg2[%dma_start3A_428, %dma_start3A_429] : memref<10240x128xf32, #tpu.memory_space<hbm>> -> memref<10240x128xf32, #tpu.memory_space<hbm>>
      tpu.enqueue_indirect_dma source(%dma_start3A_430 : memref<10240x128xf32, #tpu.memory_space<hbm>>) target(%arg9 : memref<128x128xf32, #tpu.memory_space<vmem>>) offsets(%dma_start3A_427 : memref<128xi32, #tpu.memory_space<vmem>>) semaphore(%arg12 : memref<!tpu.dma_semaphore, #tpu.memory_space<semaphore_mem>>)
      %dma_wait3A_431 = arith.constant 13 : i32
      %dma_wait3A_432 = arith.constant 0 : i32
      %dma_wait3A_433 = tpu.memref_slice %arg6[%dma_wait3A_431, %dma_wait3A_432] : memref<16x128xi32, #tpu.memory_space<vmem>> -> memref<1x128xi32, #tpu.memory_space<vmem>>
      %dma_wait3A_434 = tpu.memref_squeeze %dma_wait3A_433 : memref<1x128xi32, #tpu.memory_space<vmem>> -> memref<128xi32, #tpu.memory_space<vmem>>
      %dma_wait3A_435 = arith.constant 0 : i32
      %dma_wait3A_436 = arith.constant 0 : i32
      %dma_wait3A_437 = tpu.memref_slice %arg2[%dma_wait3A_435, %dma_wait3A_436] : memref<10240x128xf32, #tpu.memory_space<hbm>> -> memref<10240x128xf32, #tpu.memory_space<hbm>>
      tpu.wait_indirect_dma semaphore(%arg12 : memref<!tpu.dma_semaphore, #tpu.memory_space<semaphore_mem>>) src(%dma_wait3A_437 : memref<10240x128xf32, #tpu.memory_space<hbm>>) dst(%arg9 : memref<128x128xf32, #tpu.memory_space<vmem>>)
      %dma_wait3A_438 = arith.constant 12 : i32
      %dma_wait3A_439 = arith.constant 0 : i32
      %dma_wait3A_440 = tpu.memref_slice %arg7[%dma_wait3A_438, %dma_wait3A_439] : memref<16x128xi32, #tpu.memory_space<vmem>> -> memref<1x128xi32, #tpu.memory_space<vmem>>
      %dma_wait3A_441 = tpu.memref_squeeze %dma_wait3A_440 : memref<1x128xi32, #tpu.memory_space<vmem>> -> memref<128xi32, #tpu.memory_space<vmem>>
      %dma_wait3A_442 = arith.constant 0 : i32
      %dma_wait3A_443 = arith.constant 0 : i32
      %dma_wait3A_444 = tpu.memref_slice %arg10[%dma_wait3A_442, %dma_wait3A_443] : memref<10240x128xf32, #tpu.memory_space<vmem_shared>> -> memref<10240x128xf32, #tpu.memory_space<vmem_shared>>
      tpu.wait_indirect_dma semaphore(%arg13 : memref<!tpu.dma_semaphore, #tpu.memory_space<semaphore_mem>>) src(%arg8 : memref<128x128xf32, #tpu.memory_space<vmem>>) dst(%dma_wait3A_444 : memref<10240x128xf32, #tpu.memory_space<vmem_shared>>)
      %dma_start3A_445 = arith.constant 13 : i32
      %dma_start3A_446 = arith.constant 0 : i32
      %dma_start3A_447 = tpu.memref_slice %arg7[%dma_start3A_445, %dma_start3A_446] : memref<16x128xi32, #tpu.memory_space<vmem>> -> memref<1x128xi32, #tpu.memory_space<vmem>>
      %dma_start3A_448 = tpu.memref_squeeze %dma_start3A_447 : memref<1x128xi32, #tpu.memory_space<vmem>> -> memref<128xi32, #tpu.memory_space<vmem>>
      %dma_start3A_449 = arith.constant 0 : i32
      %dma_start3A_450 = arith.constant 0 : i32
      %dma_start3A_451 = tpu.memref_slice %arg10[%dma_start3A_449, %dma_start3A_450] : memref<10240x128xf32, #tpu.memory_space<vmem_shared>> -> memref<10240x128xf32, #tpu.memory_space<vmem_shared>>
      tpu.enqueue_indirect_dma source(%arg9 : memref<128x128xf32, #tpu.memory_space<vmem>>) target(%dma_start3A_451 : memref<10240x128xf32, #tpu.memory_space<vmem_shared>>) offsets(%dma_start3A_448 : memref<128xi32, #tpu.memory_space<vmem>>) semaphore(%arg14 : memref<!tpu.dma_semaphore, #tpu.memory_space<semaphore_mem>>) {add = true}
      %dma_start3A_452 = arith.constant 14 : i32
      %dma_start3A_453 = arith.constant 0 : i32
      %dma_start3A_454 = tpu.memref_slice %arg6[%dma_start3A_452, %dma_start3A_453] : memref<16x128xi32, #tpu.memory_space<vmem>> -> memref<1x128xi32, #tpu.memory_space<vmem>>
      %dma_start3A_455 = tpu.memref_squeeze %dma_start3A_454 : memref<1x128xi32, #tpu.memory_space<vmem>> -> memref<128xi32, #tpu.memory_space<vmem>>
      %dma_start3A_456 = arith.constant 0 : i32
      %dma_start3A_457 = arith.constant 0 : i32
      %dma_start3A_458 = tpu.memref_slice %arg2[%dma_start3A_456, %dma_start3A_457] : memref<10240x128xf32, #tpu.memory_space<hbm>> -> memref<10240x128xf32, #tpu.memory_space<hbm>>
      tpu.enqueue_indirect_dma source(%dma_start3A_458 : memref<10240x128xf32, #tpu.memory_space<hbm>>) target(%arg8 : memref<128x128xf32, #tpu.memory_space<vmem>>) offsets(%dma_start3A_455 : memref<128xi32, #tpu.memory_space<vmem>>) semaphore(%arg11 : memref<!tpu.dma_semaphore, #tpu.memory_space<semaphore_mem>>)
      %dma_wait3A_459 = arith.constant 14 : i32
      %dma_wait3A_460 = arith.constant 0 : i32
      %dma_wait3A_461 = tpu.memref_slice %arg6[%dma_wait3A_459, %dma_wait3A_460] : memref<16x128xi32, #tpu.memory_space<vmem>> -> memref<1x128xi32, #tpu.memory_space<vmem>>
      %dma_wait3A_462 = tpu.memref_squeeze %dma_wait3A_461 : memref<1x128xi32, #tpu.memory_space<vmem>> -> memref<128xi32, #tpu.memory_space<vmem>>
      %dma_wait3A_463 = arith.constant 0 : i32
      %dma_wait3A_464 = arith.constant 0 : i32
      %dma_wait3A_465 = tpu.memref_slice %arg2[%dma_wait3A_463, %dma_wait3A_464] : memref<10240x128xf32, #tpu.memory_space<hbm>> -> memref<10240x128xf32, #tpu.memory_space<hbm>>
      tpu.wait_indirect_dma semaphore(%arg11 : memref<!tpu.dma_semaphore, #tpu.memory_space<semaphore_mem>>) src(%dma_wait3A_465 : memref<10240x128xf32, #tpu.memory_space<hbm>>) dst(%arg8 : memref<128x128xf32, #tpu.memory_space<vmem>>)
      %dma_wait3A_466 = arith.constant 13 : i32
      %dma_wait3A_467 = arith.constant 0 : i32
      %dma_wait3A_468 = tpu.memref_slice %arg7[%dma_wait3A_466, %dma_wait3A_467] : memref<16x128xi32, #tpu.memory_space<vmem>> -> memref<1x128xi32, #tpu.memory_space<vmem>>
      %dma_wait3A_469 = tpu.memref_squeeze %dma_wait3A_468 : memref<1x128xi32, #tpu.memory_space<vmem>> -> memref<128xi32, #tpu.memory_space<vmem>>
      %dma_wait3A_470 = arith.constant 0 : i32
      %dma_wait3A_471 = arith.constant 0 : i32
      %dma_wait3A_472 = tpu.memref_slice %arg10[%dma_wait3A_470, %dma_wait3A_471] : memref<10240x128xf32, #tpu.memory_space<vmem_shared>> -> memref<10240x128xf32, #tpu.memory_space<vmem_shared>>
      tpu.wait_indirect_dma semaphore(%arg14 : memref<!tpu.dma_semaphore, #tpu.memory_space<semaphore_mem>>) src(%arg9 : memref<128x128xf32, #tpu.memory_space<vmem>>) dst(%dma_wait3A_472 : memref<10240x128xf32, #tpu.memory_space<vmem_shared>>)
      %dma_start3A_473 = arith.constant 14 : i32
      %dma_start3A_474 = arith.constant 0 : i32
      %dma_start3A_475 = tpu.memref_slice %arg7[%dma_start3A_473, %dma_start3A_474] : memref<16x128xi32, #tpu.memory_space<vmem>> -> memref<1x128xi32, #tpu.memory_space<vmem>>
      %dma_start3A_476 = tpu.memref_squeeze %dma_start3A_475 : memref<1x128xi32, #tpu.memory_space<vmem>> -> memref<128xi32, #tpu.memory_space<vmem>>
      %dma_start3A_477 = arith.constant 0 : i32
      %dma_start3A_478 = arith.constant 0 : i32
      %dma_start3A_479 = tpu.memref_slice %arg10[%dma_start3A_477, %dma_start3A_478] : memref<10240x128xf32, #tpu.memory_space<vmem_shared>> -> memref<10240x128xf32, #tpu.memory_space<vmem_shared>>
      tpu.enqueue_indirect_dma source(%arg8 : memref<128x128xf32, #tpu.memory_space<vmem>>) target(%dma_start3A_479 : memref<10240x128xf32, #tpu.memory_space<vmem_shared>>) offsets(%dma_start3A_476 : memref<128xi32, #tpu.memory_space<vmem>>) semaphore(%arg13 : memref<!tpu.dma_semaphore, #tpu.memory_space<semaphore_mem>>) {add = true}
      %dma_start3A_480 = arith.constant 15 : i32
      %dma_start3A_481 = arith.constant 0 : i32
      %dma_start3A_482 = tpu.memref_slice %arg6[%dma_start3A_480, %dma_start3A_481] : memref<16x128xi32, #tpu.memory_space<vmem>> -> memref<1x128xi32, #tpu.memory_space<vmem>>
      %dma_start3A_483 = tpu.memref_squeeze %dma_start3A_482 : memref<1x128xi32, #tpu.memory_space<vmem>> -> memref<128xi32, #tpu.memory_space<vmem>>
      %dma_start3A_484 = arith.constant 0 : i32
      %dma_start3A_485 = arith.constant 0 : i32
      %dma_start3A_486 = tpu.memref_slice %arg2[%dma_start3A_484, %dma_start3A_485] : memref<10240x128xf32, #tpu.memory_space<hbm>> -> memref<10240x128xf32, #tpu.memory_space<hbm>>
      tpu.enqueue_indirect_dma source(%dma_start3A_486 : memref<10240x128xf32, #tpu.memory_space<hbm>>) target(%arg9 : memref<128x128xf32, #tpu.memory_space<vmem>>) offsets(%dma_start3A_483 : memref<128xi32, #tpu.memory_space<vmem>>) semaphore(%arg12 : memref<!tpu.dma_semaphore, #tpu.memory_space<semaphore_mem>>)
      %dma_wait3A_487 = arith.constant 15 : i32
      %dma_wait3A_488 = arith.constant 0 : i32
      %dma_wait3A_489 = tpu.memref_slice %arg6[%dma_wait3A_487, %dma_wait3A_488] : memref<16x128xi32, #tpu.memory_space<vmem>> -> memref<1x128xi32, #tpu.memory_space<vmem>>
      %dma_wait3A_490 = tpu.memref_squeeze %dma_wait3A_489 : memref<1x128xi32, #tpu.memory_space<vmem>> -> memref<128xi32, #tpu.memory_space<vmem>>
      %dma_wait3A_491 = arith.constant 0 : i32
      %dma_wait3A_492 = arith.constant 0 : i32
      %dma_wait3A_493 = tpu.memref_slice %arg2[%dma_wait3A_491, %dma_wait3A_492] : memref<10240x128xf32, #tpu.memory_space<hbm>> -> memref<10240x128xf32, #tpu.memory_space<hbm>>
      tpu.wait_indirect_dma semaphore(%arg12 : memref<!tpu.dma_semaphore, #tpu.memory_space<semaphore_mem>>) src(%dma_wait3A_493 : memref<10240x128xf32, #tpu.memory_space<hbm>>) dst(%arg9 : memref<128x128xf32, #tpu.memory_space<vmem>>)
      %dma_wait3A_494 = arith.constant 14 : i32
      %dma_wait3A_495 = arith.constant 0 : i32
      %dma_wait3A_496 = tpu.memref_slice %arg7[%dma_wait3A_494, %dma_wait3A_495] : memref<16x128xi32, #tpu.memory_space<vmem>> -> memref<1x128xi32, #tpu.memory_space<vmem>>
      %dma_wait3A_497 = tpu.memref_squeeze %dma_wait3A_496 : memref<1x128xi32, #tpu.memory_space<vmem>> -> memref<128xi32, #tpu.memory_space<vmem>>
      %dma_wait3A_498 = arith.constant 0 : i32
      %dma_wait3A_499 = arith.constant 0 : i32
      %dma_wait3A_500 = tpu.memref_slice %arg10[%dma_wait3A_498, %dma_wait3A_499] : memref<10240x128xf32, #tpu.memory_space<vmem_shared>> -> memref<10240x128xf32, #tpu.memory_space<vmem_shared>>
      tpu.wait_indirect_dma semaphore(%arg13 : memref<!tpu.dma_semaphore, #tpu.memory_space<semaphore_mem>>) src(%arg8 : memref<128x128xf32, #tpu.memory_space<vmem>>) dst(%dma_wait3A_500 : memref<10240x128xf32, #tpu.memory_space<vmem_shared>>)
      %dma_start3A_501 = arith.constant 15 : i32
      %dma_start3A_502 = arith.constant 0 : i32
      %dma_start3A_503 = tpu.memref_slice %arg7[%dma_start3A_501, %dma_start3A_502] : memref<16x128xi32, #tpu.memory_space<vmem>> -> memref<1x128xi32, #tpu.memory_space<vmem>>
      %dma_start3A_504 = tpu.memref_squeeze %dma_start3A_503 : memref<1x128xi32, #tpu.memory_space<vmem>> -> memref<128xi32, #tpu.memory_space<vmem>>
      %dma_start3A_505 = arith.constant 0 : i32
      %dma_start3A_506 = arith.constant 0 : i32
      %dma_start3A_507 = tpu.memref_slice %arg10[%dma_start3A_505, %dma_start3A_506] : memref<10240x128xf32, #tpu.memory_space<vmem_shared>> -> memref<10240x128xf32, #tpu.memory_space<vmem_shared>>
      tpu.enqueue_indirect_dma source(%arg9 : memref<128x128xf32, #tpu.memory_space<vmem>>) target(%dma_start3A_507 : memref<10240x128xf32, #tpu.memory_space<vmem_shared>>) offsets(%dma_start3A_504 : memref<128xi32, #tpu.memory_space<vmem>>) semaphore(%arg14 : memref<!tpu.dma_semaphore, #tpu.memory_space<semaphore_mem>>) {add = true}
      %dma_wait3A_508 = arith.constant 15 : i32
      %dma_wait3A_509 = arith.constant 0 : i32
      %dma_wait3A_510 = tpu.memref_slice %arg7[%dma_wait3A_508, %dma_wait3A_509] : memref<16x128xi32, #tpu.memory_space<vmem>> -> memref<1x128xi32, #tpu.memory_space<vmem>>
      %dma_wait3A_511 = tpu.memref_squeeze %dma_wait3A_510 : memref<1x128xi32, #tpu.memory_space<vmem>> -> memref<128xi32, #tpu.memory_space<vmem>>
      %dma_wait3A_512 = arith.constant 0 : i32
      %dma_wait3A_513 = arith.constant 0 : i32
      %dma_wait3A_514 = tpu.memref_slice %arg10[%dma_wait3A_512, %dma_wait3A_513] : memref<10240x128xf32, #tpu.memory_space<vmem_shared>> -> memref<10240x128xf32, #tpu.memory_space<vmem_shared>>
      tpu.wait_indirect_dma semaphore(%arg14 : memref<!tpu.dma_semaphore, #tpu.memory_space<semaphore_mem>>) src(%arg9 : memref<128x128xf32, #tpu.memory_space<vmem>>) dst(%dma_wait3A_514 : memref<10240x128xf32, #tpu.memory_space<vmem_shared>>)
      %while3A_515 = arith.constant 0 : i32
      scf.yield %while3A_515 : i32
    }
    %while3A_41 = arith.constant 1 : i32
    %while3A_42 = scf.for %while3A_64 = %while3A_38 to %while3A_34 step %while3A_41 iter_args(%while3A_65 = %while3A_40) -> (i32)  : i32 {
      %mul3A_66 = arith.constant 16 : i32
      %mul3A_67 = arith.muli %while3A_64, %mul3A_66 : i32
      %add3A_68 = arith.addi %add3A, %mul3A_67 : i32
      "tpu.region"() ({
        %run_scoped3A = tpu.sem_alloc : memref<!tpu.dma_semaphore, #tpu.memory_space<semaphore_mem>>
        %dma_start3A_516 = arith.constant 0 : i32
        %dma_start3A_517 = tpu.memref_slice %arg3[%add3A_68, %dma_start3A_516] : memref<2560x128xi32, #tpu.memory_space<hbm>> -> memref<16x128xi32, #tpu.memory_space<hbm>>
        %dma_start3A_518 = arith.constant 0 : i32
        %dma_start3A_519 = tpu.memref_slice %arg3[%add3A_68, %dma_start3A_518] : memref<2560x128xi32, #tpu.memory_space<hbm>> -> memref<16x128xi32, #tpu.memory_space<hbm>>
        tpu.enqueue_dma source(%dma_start3A_519 : memref<16x128xi32, #tpu.memory_space<hbm>>) target(%arg6 : memref<16x128xi32, #tpu.memory_space<vmem>>) target_semaphore(%run_scoped3A : memref<!tpu.dma_semaphore, #tpu.memory_space<semaphore_mem>>)
        %dma_wait3A_520 = arith.constant 0 : i32
        %dma_wait3A_521 = tpu.memref_slice %arg3[%add3A_68, %dma_wait3A_520] : memref<2560x128xi32, #tpu.memory_space<hbm>> -> memref<16x128xi32, #tpu.memory_space<hbm>>
        %dma_wait3A_522 = arith.constant 0 : i32
        %dma_wait3A_523 = tpu.memref_slice %arg3[%add3A_68, %dma_wait3A_522] : memref<2560x128xi32, #tpu.memory_space<hbm>> -> memref<16x128xi32, #tpu.memory_space<hbm>>
        tpu.wait_dma2 semaphore(%run_scoped3A : memref<!tpu.dma_semaphore, #tpu.memory_space<semaphore_mem>>) src(%dma_wait3A_523 : memref<16x128xi32, #tpu.memory_space<hbm>>) dst(%arg6 : memref<16x128xi32, #tpu.memory_space<vmem>>)
        tpu.yield
      }) : () -> ()
      "tpu.region"() ({
        %run_scoped3A = tpu.sem_alloc : memref<!tpu.dma_semaphore, #tpu.memory_space<semaphore_mem>>
        %dma_start3A_516 = arith.constant 0 : i32
        %dma_start3A_517 = tpu.memref_slice %arg4[%add3A_68, %dma_start3A_516] : memref<2560x128xi32, #tpu.memory_space<hbm>> -> memref<16x128xi32, #tpu.memory_space<hbm>>
        %dma_start3A_518 = arith.constant 0 : i32
        %dma_start3A_519 = tpu.memref_slice %arg4[%add3A_68, %dma_start3A_518] : memref<2560x128xi32, #tpu.memory_space<hbm>> -> memref<16x128xi32, #tpu.memory_space<hbm>>
        tpu.enqueue_dma source(%dma_start3A_519 : memref<16x128xi32, #tpu.memory_space<hbm>>) target(%arg7 : memref<16x128xi32, #tpu.memory_space<vmem>>) target_semaphore(%run_scoped3A : memref<!tpu.dma_semaphore, #tpu.memory_space<semaphore_mem>>)
        %dma_wait3A_520 = arith.constant 0 : i32
        %dma_wait3A_521 = tpu.memref_slice %arg4[%add3A_68, %dma_wait3A_520] : memref<2560x128xi32, #tpu.memory_space<hbm>> -> memref<16x128xi32, #tpu.memory_space<hbm>>
        %dma_wait3A_522 = arith.constant 0 : i32
        %dma_wait3A_523 = tpu.memref_slice %arg4[%add3A_68, %dma_wait3A_522] : memref<2560x128xi32, #tpu.memory_space<hbm>> -> memref<16x128xi32, #tpu.memory_space<hbm>>
        tpu.wait_dma2 semaphore(%run_scoped3A : memref<!tpu.dma_semaphore, #tpu.memory_space<semaphore_mem>>) src(%dma_wait3A_523 : memref<16x128xi32, #tpu.memory_space<hbm>>) dst(%arg7 : memref<16x128xi32, #tpu.memory_space<vmem>>)
        tpu.yield
      }) : () -> ()
      %dma_start3A = arith.constant 0 : i32
      %dma_start3A_69 = arith.constant 0 : i32
      %dma_start3A_70 = tpu.memref_slice %arg6[%dma_start3A, %dma_start3A_69] : memref<16x128xi32, #tpu.memory_space<vmem>> -> memref<1x128xi32, #tpu.memory_space<vmem>>
      %dma_start3A_71 = tpu.memref_squeeze %dma_start3A_70 : memref<1x128xi32, #tpu.memory_space<vmem>> -> memref<128xi32, #tpu.memory_space<vmem>>
      %dma_start3A_72 = arith.constant 0 : i32
      %dma_start3A_73 = arith.constant 0 : i32
      %dma_start3A_74 = tpu.memref_slice %arg2[%dma_start3A_72, %dma_start3A_73] : memref<10240x128xf32, #tpu.memory_space<hbm>> -> memref<10240x128xf32, #tpu.memory_space<hbm>>
      tpu.enqueue_indirect_dma source(%dma_start3A_74 : memref<10240x128xf32, #tpu.memory_space<hbm>>) target(%arg8 : memref<128x128xf32, #tpu.memory_space<vmem>>) offsets(%dma_start3A_71 : memref<128xi32, #tpu.memory_space<vmem>>) semaphore(%arg11 : memref<!tpu.dma_semaphore, #tpu.memory_space<semaphore_mem>>)
      %dma_wait3A = arith.constant 0 : i32
      %dma_wait3A_75 = arith.constant 0 : i32
      %dma_wait3A_76 = tpu.memref_slice %arg6[%dma_wait3A, %dma_wait3A_75] : memref<16x128xi32, #tpu.memory_space<vmem>> -> memref<1x128xi32, #tpu.memory_space<vmem>>
      %dma_wait3A_77 = tpu.memref_squeeze %dma_wait3A_76 : memref<1x128xi32, #tpu.memory_space<vmem>> -> memref<128xi32, #tpu.memory_space<vmem>>
      %dma_wait3A_78 = arith.constant 0 : i32
      %dma_wait3A_79 = arith.constant 0 : i32
      %dma_wait3A_80 = tpu.memref_slice %arg2[%dma_wait3A_78, %dma_wait3A_79] : memref<10240x128xf32, #tpu.memory_space<hbm>> -> memref<10240x128xf32, #tpu.memory_space<hbm>>
      tpu.wait_indirect_dma semaphore(%arg11 : memref<!tpu.dma_semaphore, #tpu.memory_space<semaphore_mem>>) src(%dma_wait3A_80 : memref<10240x128xf32, #tpu.memory_space<hbm>>) dst(%arg8 : memref<128x128xf32, #tpu.memory_space<vmem>>)
      %dma_start3A_81 = arith.constant 0 : i32
      %dma_start3A_82 = arith.constant 0 : i32
      %dma_start3A_83 = tpu.memref_slice %arg7[%dma_start3A_81, %dma_start3A_82] : memref<16x128xi32, #tpu.memory_space<vmem>> -> memref<1x128xi32, #tpu.memory_space<vmem>>
      %dma_start3A_84 = tpu.memref_squeeze %dma_start3A_83 : memref<1x128xi32, #tpu.memory_space<vmem>> -> memref<128xi32, #tpu.memory_space<vmem>>
      %dma_start3A_85 = arith.constant 0 : i32
      %dma_start3A_86 = arith.constant 0 : i32
      %dma_start3A_87 = tpu.memref_slice %arg10[%dma_start3A_85, %dma_start3A_86] : memref<10240x128xf32, #tpu.memory_space<vmem_shared>> -> memref<10240x128xf32, #tpu.memory_space<vmem_shared>>
      tpu.enqueue_indirect_dma source(%arg8 : memref<128x128xf32, #tpu.memory_space<vmem>>) target(%dma_start3A_87 : memref<10240x128xf32, #tpu.memory_space<vmem_shared>>) offsets(%dma_start3A_84 : memref<128xi32, #tpu.memory_space<vmem>>) semaphore(%arg13 : memref<!tpu.dma_semaphore, #tpu.memory_space<semaphore_mem>>) {add = true}
      %dma_start3A_88 = arith.constant 1 : i32
      %dma_start3A_89 = arith.constant 0 : i32
      %dma_start3A_90 = tpu.memref_slice %arg6[%dma_start3A_88, %dma_start3A_89] : memref<16x128xi32, #tpu.memory_space<vmem>> -> memref<1x128xi32, #tpu.memory_space<vmem>>
      %dma_start3A_91 = tpu.memref_squeeze %dma_start3A_90 : memref<1x128xi32, #tpu.memory_space<vmem>> -> memref<128xi32, #tpu.memory_space<vmem>>
      %dma_start3A_92 = arith.constant 0 : i32
      %dma_start3A_93 = arith.constant 0 : i32
      %dma_start3A_94 = tpu.memref_slice %arg2[%dma_start3A_92, %dma_start3A_93] : memref<10240x128xf32, #tpu.memory_space<hbm>> -> memref<10240x128xf32, #tpu.memory_space<hbm>>
      tpu.enqueue_indirect_dma source(%dma_start3A_94 : memref<10240x128xf32, #tpu.memory_space<hbm>>) target(%arg9 : memref<128x128xf32, #tpu.memory_space<vmem>>) offsets(%dma_start3A_91 : memref<128xi32, #tpu.memory_space<vmem>>) semaphore(%arg12 : memref<!tpu.dma_semaphore, #tpu.memory_space<semaphore_mem>>)
      %dma_wait3A_95 = arith.constant 1 : i32
      %dma_wait3A_96 = arith.constant 0 : i32
      %dma_wait3A_97 = tpu.memref_slice %arg6[%dma_wait3A_95, %dma_wait3A_96] : memref<16x128xi32, #tpu.memory_space<vmem>> -> memref<1x128xi32, #tpu.memory_space<vmem>>
      %dma_wait3A_98 = tpu.memref_squeeze %dma_wait3A_97 : memref<1x128xi32, #tpu.memory_space<vmem>> -> memref<128xi32, #tpu.memory_space<vmem>>
      %dma_wait3A_99 = arith.constant 0 : i32
      %dma_wait3A_100 = arith.constant 0 : i32
      %dma_wait3A_101 = tpu.memref_slice %arg2[%dma_wait3A_99, %dma_wait3A_100] : memref<10240x128xf32, #tpu.memory_space<hbm>> -> memref<10240x128xf32, #tpu.memory_space<hbm>>
      tpu.wait_indirect_dma semaphore(%arg12 : memref<!tpu.dma_semaphore, #tpu.memory_space<semaphore_mem>>) src(%dma_wait3A_101 : memref<10240x128xf32, #tpu.memory_space<hbm>>) dst(%arg9 : memref<128x128xf32, #tpu.memory_space<vmem>>)
      %dma_wait3A_102 = arith.constant 0 : i32
      %dma_wait3A_103 = arith.constant 0 : i32
      %dma_wait3A_104 = tpu.memref_slice %arg7[%dma_wait3A_102, %dma_wait3A_103] : memref<16x128xi32, #tpu.memory_space<vmem>> -> memref<1x128xi32, #tpu.memory_space<vmem>>
      %dma_wait3A_105 = tpu.memref_squeeze %dma_wait3A_104 : memref<1x128xi32, #tpu.memory_space<vmem>> -> memref<128xi32, #tpu.memory_space<vmem>>
      %dma_wait3A_106 = arith.constant 0 : i32
      %dma_wait3A_107 = arith.constant 0 : i32
      %dma_wait3A_108 = tpu.memref_slice %arg10[%dma_wait3A_106, %dma_wait3A_107] : memref<10240x128xf32, #tpu.memory_space<vmem_shared>> -> memref<10240x128xf32, #tpu.memory_space<vmem_shared>>
      tpu.wait_indirect_dma semaphore(%arg13 : memref<!tpu.dma_semaphore, #tpu.memory_space<semaphore_mem>>) src(%arg8 : memref<128x128xf32, #tpu.memory_space<vmem>>) dst(%dma_wait3A_108 : memref<10240x128xf32, #tpu.memory_space<vmem_shared>>)
      %dma_start3A_109 = arith.constant 1 : i32
      %dma_start3A_110 = arith.constant 0 : i32
      %dma_start3A_111 = tpu.memref_slice %arg7[%dma_start3A_109, %dma_start3A_110] : memref<16x128xi32, #tpu.memory_space<vmem>> -> memref<1x128xi32, #tpu.memory_space<vmem>>
      %dma_start3A_112 = tpu.memref_squeeze %dma_start3A_111 : memref<1x128xi32, #tpu.memory_space<vmem>> -> memref<128xi32, #tpu.memory_space<vmem>>
      %dma_start3A_113 = arith.constant 0 : i32
      %dma_start3A_114 = arith.constant 0 : i32
      %dma_start3A_115 = tpu.memref_slice %arg10[%dma_start3A_113, %dma_start3A_114] : memref<10240x128xf32, #tpu.memory_space<vmem_shared>> -> memref<10240x128xf32, #tpu.memory_space<vmem_shared>>
      tpu.enqueue_indirect_dma source(%arg9 : memref<128x128xf32, #tpu.memory_space<vmem>>) target(%dma_start3A_115 : memref<10240x128xf32, #tpu.memory_space<vmem_shared>>) offsets(%dma_start3A_112 : memref<128xi32, #tpu.memory_space<vmem>>) semaphore(%arg14 : memref<!tpu.dma_semaphore, #tpu.memory_space<semaphore_mem>>) {add = true}
      %dma_start3A_116 = arith.constant 2 : i32
      %dma_start3A_117 = arith.constant 0 : i32
      %dma_start3A_118 = tpu.memref_slice %arg6[%dma_start3A_116, %dma_start3A_117] : memref<16x128xi32, #tpu.memory_space<vmem>> -> memref<1x128xi32, #tpu.memory_space<vmem>>
      %dma_start3A_119 = tpu.memref_squeeze %dma_start3A_118 : memref<1x128xi32, #tpu.memory_space<vmem>> -> memref<128xi32, #tpu.memory_space<vmem>>
      %dma_start3A_120 = arith.constant 0 : i32
      %dma_start3A_121 = arith.constant 0 : i32
      %dma_start3A_122 = tpu.memref_slice %arg2[%dma_start3A_120, %dma_start3A_121] : memref<10240x128xf32, #tpu.memory_space<hbm>> -> memref<10240x128xf32, #tpu.memory_space<hbm>>
      tpu.enqueue_indirect_dma source(%dma_start3A_122 : memref<10240x128xf32, #tpu.memory_space<hbm>>) target(%arg8 : memref<128x128xf32, #tpu.memory_space<vmem>>) offsets(%dma_start3A_119 : memref<128xi32, #tpu.memory_space<vmem>>) semaphore(%arg11 : memref<!tpu.dma_semaphore, #tpu.memory_space<semaphore_mem>>)
      %dma_wait3A_123 = arith.constant 2 : i32
      %dma_wait3A_124 = arith.constant 0 : i32
      %dma_wait3A_125 = tpu.memref_slice %arg6[%dma_wait3A_123, %dma_wait3A_124] : memref<16x128xi32, #tpu.memory_space<vmem>> -> memref<1x128xi32, #tpu.memory_space<vmem>>
      %dma_wait3A_126 = tpu.memref_squeeze %dma_wait3A_125 : memref<1x128xi32, #tpu.memory_space<vmem>> -> memref<128xi32, #tpu.memory_space<vmem>>
      %dma_wait3A_127 = arith.constant 0 : i32
      %dma_wait3A_128 = arith.constant 0 : i32
      %dma_wait3A_129 = tpu.memref_slice %arg2[%dma_wait3A_127, %dma_wait3A_128] : memref<10240x128xf32, #tpu.memory_space<hbm>> -> memref<10240x128xf32, #tpu.memory_space<hbm>>
      tpu.wait_indirect_dma semaphore(%arg11 : memref<!tpu.dma_semaphore, #tpu.memory_space<semaphore_mem>>) src(%dma_wait3A_129 : memref<10240x128xf32, #tpu.memory_space<hbm>>) dst(%arg8 : memref<128x128xf32, #tpu.memory_space<vmem>>)
      %dma_wait3A_130 = arith.constant 1 : i32
      %dma_wait3A_131 = arith.constant 0 : i32
      %dma_wait3A_132 = tpu.memref_slice %arg7[%dma_wait3A_130, %dma_wait3A_131] : memref<16x128xi32, #tpu.memory_space<vmem>> -> memref<1x128xi32, #tpu.memory_space<vmem>>
      %dma_wait3A_133 = tpu.memref_squeeze %dma_wait3A_132 : memref<1x128xi32, #tpu.memory_space<vmem>> -> memref<128xi32, #tpu.memory_space<vmem>>
      %dma_wait3A_134 = arith.constant 0 : i32
      %dma_wait3A_135 = arith.constant 0 : i32
      %dma_wait3A_136 = tpu.memref_slice %arg10[%dma_wait3A_134, %dma_wait3A_135] : memref<10240x128xf32, #tpu.memory_space<vmem_shared>> -> memref<10240x128xf32, #tpu.memory_space<vmem_shared>>
      tpu.wait_indirect_dma semaphore(%arg14 : memref<!tpu.dma_semaphore, #tpu.memory_space<semaphore_mem>>) src(%arg9 : memref<128x128xf32, #tpu.memory_space<vmem>>) dst(%dma_wait3A_136 : memref<10240x128xf32, #tpu.memory_space<vmem_shared>>)
      %dma_start3A_137 = arith.constant 2 : i32
      %dma_start3A_138 = arith.constant 0 : i32
      %dma_start3A_139 = tpu.memref_slice %arg7[%dma_start3A_137, %dma_start3A_138] : memref<16x128xi32, #tpu.memory_space<vmem>> -> memref<1x128xi32, #tpu.memory_space<vmem>>
      %dma_start3A_140 = tpu.memref_squeeze %dma_start3A_139 : memref<1x128xi32, #tpu.memory_space<vmem>> -> memref<128xi32, #tpu.memory_space<vmem>>
      %dma_start3A_141 = arith.constant 0 : i32
      %dma_start3A_142 = arith.constant 0 : i32
      %dma_start3A_143 = tpu.memref_slice %arg10[%dma_start3A_141, %dma_start3A_142] : memref<10240x128xf32, #tpu.memory_space<vmem_shared>> -> memref<10240x128xf32, #tpu.memory_space<vmem_shared>>
      tpu.enqueue_indirect_dma source(%arg8 : memref<128x128xf32, #tpu.memory_space<vmem>>) target(%dma_start3A_143 : memref<10240x128xf32, #tpu.memory_space<vmem_shared>>) offsets(%dma_start3A_140 : memref<128xi32, #tpu.memory_space<vmem>>) semaphore(%arg13 : memref<!tpu.dma_semaphore, #tpu.memory_space<semaphore_mem>>) {add = true}
      %dma_start3A_144 = arith.constant 3 : i32
      %dma_start3A_145 = arith.constant 0 : i32
      %dma_start3A_146 = tpu.memref_slice %arg6[%dma_start3A_144, %dma_start3A_145] : memref<16x128xi32, #tpu.memory_space<vmem>> -> memref<1x128xi32, #tpu.memory_space<vmem>>
      %dma_start3A_147 = tpu.memref_squeeze %dma_start3A_146 : memref<1x128xi32, #tpu.memory_space<vmem>> -> memref<128xi32, #tpu.memory_space<vmem>>
      %dma_start3A_148 = arith.constant 0 : i32
      %dma_start3A_149 = arith.constant 0 : i32
      %dma_start3A_150 = tpu.memref_slice %arg2[%dma_start3A_148, %dma_start3A_149] : memref<10240x128xf32, #tpu.memory_space<hbm>> -> memref<10240x128xf32, #tpu.memory_space<hbm>>
      tpu.enqueue_indirect_dma source(%dma_start3A_150 : memref<10240x128xf32, #tpu.memory_space<hbm>>) target(%arg9 : memref<128x128xf32, #tpu.memory_space<vmem>>) offsets(%dma_start3A_147 : memref<128xi32, #tpu.memory_space<vmem>>) semaphore(%arg12 : memref<!tpu.dma_semaphore, #tpu.memory_space<semaphore_mem>>)
      %dma_wait3A_151 = arith.constant 3 : i32
      %dma_wait3A_152 = arith.constant 0 : i32
      %dma_wait3A_153 = tpu.memref_slice %arg6[%dma_wait3A_151, %dma_wait3A_152] : memref<16x128xi32, #tpu.memory_space<vmem>> -> memref<1x128xi32, #tpu.memory_space<vmem>>
      %dma_wait3A_154 = tpu.memref_squeeze %dma_wait3A_153 : memref<1x128xi32, #tpu.memory_space<vmem>> -> memref<128xi32, #tpu.memory_space<vmem>>
      %dma_wait3A_155 = arith.constant 0 : i32
      %dma_wait3A_156 = arith.constant 0 : i32
      %dma_wait3A_157 = tpu.memref_slice %arg2[%dma_wait3A_155, %dma_wait3A_156] : memref<10240x128xf32, #tpu.memory_space<hbm>> -> memref<10240x128xf32, #tpu.memory_space<hbm>>
      tpu.wait_indirect_dma semaphore(%arg12 : memref<!tpu.dma_semaphore, #tpu.memory_space<semaphore_mem>>) src(%dma_wait3A_157 : memref<10240x128xf32, #tpu.memory_space<hbm>>) dst(%arg9 : memref<128x128xf32, #tpu.memory_space<vmem>>)
      %dma_wait3A_158 = arith.constant 2 : i32
      %dma_wait3A_159 = arith.constant 0 : i32
      %dma_wait3A_160 = tpu.memref_slice %arg7[%dma_wait3A_158, %dma_wait3A_159] : memref<16x128xi32, #tpu.memory_space<vmem>> -> memref<1x128xi32, #tpu.memory_space<vmem>>
      %dma_wait3A_161 = tpu.memref_squeeze %dma_wait3A_160 : memref<1x128xi32, #tpu.memory_space<vmem>> -> memref<128xi32, #tpu.memory_space<vmem>>
      %dma_wait3A_162 = arith.constant 0 : i32
      %dma_wait3A_163 = arith.constant 0 : i32
      %dma_wait3A_164 = tpu.memref_slice %arg10[%dma_wait3A_162, %dma_wait3A_163] : memref<10240x128xf32, #tpu.memory_space<vmem_shared>> -> memref<10240x128xf32, #tpu.memory_space<vmem_shared>>
      tpu.wait_indirect_dma semaphore(%arg13 : memref<!tpu.dma_semaphore, #tpu.memory_space<semaphore_mem>>) src(%arg8 : memref<128x128xf32, #tpu.memory_space<vmem>>) dst(%dma_wait3A_164 : memref<10240x128xf32, #tpu.memory_space<vmem_shared>>)
      %dma_start3A_165 = arith.constant 3 : i32
      %dma_start3A_166 = arith.constant 0 : i32
      %dma_start3A_167 = tpu.memref_slice %arg7[%dma_start3A_165, %dma_start3A_166] : memref<16x128xi32, #tpu.memory_space<vmem>> -> memref<1x128xi32, #tpu.memory_space<vmem>>
      %dma_start3A_168 = tpu.memref_squeeze %dma_start3A_167 : memref<1x128xi32, #tpu.memory_space<vmem>> -> memref<128xi32, #tpu.memory_space<vmem>>
      %dma_start3A_169 = arith.constant 0 : i32
      %dma_start3A_170 = arith.constant 0 : i32
      %dma_start3A_171 = tpu.memref_slice %arg10[%dma_start3A_169, %dma_start3A_170] : memref<10240x128xf32, #tpu.memory_space<vmem_shared>> -> memref<10240x128xf32, #tpu.memory_space<vmem_shared>>
      tpu.enqueue_indirect_dma source(%arg9 : memref<128x128xf32, #tpu.memory_space<vmem>>) target(%dma_start3A_171 : memref<10240x128xf32, #tpu.memory_space<vmem_shared>>) offsets(%dma_start3A_168 : memref<128xi32, #tpu.memory_space<vmem>>) semaphore(%arg14 : memref<!tpu.dma_semaphore, #tpu.memory_space<semaphore_mem>>) {add = true}
      %dma_start3A_172 = arith.constant 4 : i32
      %dma_start3A_173 = arith.constant 0 : i32
      %dma_start3A_174 = tpu.memref_slice %arg6[%dma_start3A_172, %dma_start3A_173] : memref<16x128xi32, #tpu.memory_space<vmem>> -> memref<1x128xi32, #tpu.memory_space<vmem>>
      %dma_start3A_175 = tpu.memref_squeeze %dma_start3A_174 : memref<1x128xi32, #tpu.memory_space<vmem>> -> memref<128xi32, #tpu.memory_space<vmem>>
      %dma_start3A_176 = arith.constant 0 : i32
      %dma_start3A_177 = arith.constant 0 : i32
      %dma_start3A_178 = tpu.memref_slice %arg2[%dma_start3A_176, %dma_start3A_177] : memref<10240x128xf32, #tpu.memory_space<hbm>> -> memref<10240x128xf32, #tpu.memory_space<hbm>>
      tpu.enqueue_indirect_dma source(%dma_start3A_178 : memref<10240x128xf32, #tpu.memory_space<hbm>>) target(%arg8 : memref<128x128xf32, #tpu.memory_space<vmem>>) offsets(%dma_start3A_175 : memref<128xi32, #tpu.memory_space<vmem>>) semaphore(%arg11 : memref<!tpu.dma_semaphore, #tpu.memory_space<semaphore_mem>>)
      %dma_wait3A_179 = arith.constant 4 : i32
      %dma_wait3A_180 = arith.constant 0 : i32
      %dma_wait3A_181 = tpu.memref_slice %arg6[%dma_wait3A_179, %dma_wait3A_180] : memref<16x128xi32, #tpu.memory_space<vmem>> -> memref<1x128xi32, #tpu.memory_space<vmem>>
      %dma_wait3A_182 = tpu.memref_squeeze %dma_wait3A_181 : memref<1x128xi32, #tpu.memory_space<vmem>> -> memref<128xi32, #tpu.memory_space<vmem>>
      %dma_wait3A_183 = arith.constant 0 : i32
      %dma_wait3A_184 = arith.constant 0 : i32
      %dma_wait3A_185 = tpu.memref_slice %arg2[%dma_wait3A_183, %dma_wait3A_184] : memref<10240x128xf32, #tpu.memory_space<hbm>> -> memref<10240x128xf32, #tpu.memory_space<hbm>>
      tpu.wait_indirect_dma semaphore(%arg11 : memref<!tpu.dma_semaphore, #tpu.memory_space<semaphore_mem>>) src(%dma_wait3A_185 : memref<10240x128xf32, #tpu.memory_space<hbm>>) dst(%arg8 : memref<128x128xf32, #tpu.memory_space<vmem>>)
      %dma_wait3A_186 = arith.constant 3 : i32
      %dma_wait3A_187 = arith.constant 0 : i32
      %dma_wait3A_188 = tpu.memref_slice %arg7[%dma_wait3A_186, %dma_wait3A_187] : memref<16x128xi32, #tpu.memory_space<vmem>> -> memref<1x128xi32, #tpu.memory_space<vmem>>
      %dma_wait3A_189 = tpu.memref_squeeze %dma_wait3A_188 : memref<1x128xi32, #tpu.memory_space<vmem>> -> memref<128xi32, #tpu.memory_space<vmem>>
      %dma_wait3A_190 = arith.constant 0 : i32
      %dma_wait3A_191 = arith.constant 0 : i32
      %dma_wait3A_192 = tpu.memref_slice %arg10[%dma_wait3A_190, %dma_wait3A_191] : memref<10240x128xf32, #tpu.memory_space<vmem_shared>> -> memref<10240x128xf32, #tpu.memory_space<vmem_shared>>
      tpu.wait_indirect_dma semaphore(%arg14 : memref<!tpu.dma_semaphore, #tpu.memory_space<semaphore_mem>>) src(%arg9 : memref<128x128xf32, #tpu.memory_space<vmem>>) dst(%dma_wait3A_192 : memref<10240x128xf32, #tpu.memory_space<vmem_shared>>)
      %dma_start3A_193 = arith.constant 4 : i32
      %dma_start3A_194 = arith.constant 0 : i32
      %dma_start3A_195 = tpu.memref_slice %arg7[%dma_start3A_193, %dma_start3A_194] : memref<16x128xi32, #tpu.memory_space<vmem>> -> memref<1x128xi32, #tpu.memory_space<vmem>>
      %dma_start3A_196 = tpu.memref_squeeze %dma_start3A_195 : memref<1x128xi32, #tpu.memory_space<vmem>> -> memref<128xi32, #tpu.memory_space<vmem>>
      %dma_start3A_197 = arith.constant 0 : i32
      %dma_start3A_198 = arith.constant 0 : i32
      %dma_start3A_199 = tpu.memref_slice %arg10[%dma_start3A_197, %dma_start3A_198] : memref<10240x128xf32, #tpu.memory_space<vmem_shared>> -> memref<10240x128xf32, #tpu.memory_space<vmem_shared>>
      tpu.enqueue_indirect_dma source(%arg8 : memref<128x128xf32, #tpu.memory_space<vmem>>) target(%dma_start3A_199 : memref<10240x128xf32, #tpu.memory_space<vmem_shared>>) offsets(%dma_start3A_196 : memref<128xi32, #tpu.memory_space<vmem>>) semaphore(%arg13 : memref<!tpu.dma_semaphore, #tpu.memory_space<semaphore_mem>>) {add = true}
      %dma_start3A_200 = arith.constant 5 : i32
      %dma_start3A_201 = arith.constant 0 : i32
      %dma_start3A_202 = tpu.memref_slice %arg6[%dma_start3A_200, %dma_start3A_201] : memref<16x128xi32, #tpu.memory_space<vmem>> -> memref<1x128xi32, #tpu.memory_space<vmem>>
      %dma_start3A_203 = tpu.memref_squeeze %dma_start3A_202 : memref<1x128xi32, #tpu.memory_space<vmem>> -> memref<128xi32, #tpu.memory_space<vmem>>
      %dma_start3A_204 = arith.constant 0 : i32
      %dma_start3A_205 = arith.constant 0 : i32
      %dma_start3A_206 = tpu.memref_slice %arg2[%dma_start3A_204, %dma_start3A_205] : memref<10240x128xf32, #tpu.memory_space<hbm>> -> memref<10240x128xf32, #tpu.memory_space<hbm>>
      tpu.enqueue_indirect_dma source(%dma_start3A_206 : memref<10240x128xf32, #tpu.memory_space<hbm>>) target(%arg9 : memref<128x128xf32, #tpu.memory_space<vmem>>) offsets(%dma_start3A_203 : memref<128xi32, #tpu.memory_space<vmem>>) semaphore(%arg12 : memref<!tpu.dma_semaphore, #tpu.memory_space<semaphore_mem>>)
      %dma_wait3A_207 = arith.constant 5 : i32
      %dma_wait3A_208 = arith.constant 0 : i32
      %dma_wait3A_209 = tpu.memref_slice %arg6[%dma_wait3A_207, %dma_wait3A_208] : memref<16x128xi32, #tpu.memory_space<vmem>> -> memref<1x128xi32, #tpu.memory_space<vmem>>
      %dma_wait3A_210 = tpu.memref_squeeze %dma_wait3A_209 : memref<1x128xi32, #tpu.memory_space<vmem>> -> memref<128xi32, #tpu.memory_space<vmem>>
      %dma_wait3A_211 = arith.constant 0 : i32
      %dma_wait3A_212 = arith.constant 0 : i32
      %dma_wait3A_213 = tpu.memref_slice %arg2[%dma_wait3A_211, %dma_wait3A_212] : memref<10240x128xf32, #tpu.memory_space<hbm>> -> memref<10240x128xf32, #tpu.memory_space<hbm>>
      tpu.wait_indirect_dma semaphore(%arg12 : memref<!tpu.dma_semaphore, #tpu.memory_space<semaphore_mem>>) src(%dma_wait3A_213 : memref<10240x128xf32, #tpu.memory_space<hbm>>) dst(%arg9 : memref<128x128xf32, #tpu.memory_space<vmem>>)
      %dma_wait3A_214 = arith.constant 4 : i32
      %dma_wait3A_215 = arith.constant 0 : i32
      %dma_wait3A_216 = tpu.memref_slice %arg7[%dma_wait3A_214, %dma_wait3A_215] : memref<16x128xi32, #tpu.memory_space<vmem>> -> memref<1x128xi32, #tpu.memory_space<vmem>>
      %dma_wait3A_217 = tpu.memref_squeeze %dma_wait3A_216 : memref<1x128xi32, #tpu.memory_space<vmem>> -> memref<128xi32, #tpu.memory_space<vmem>>
      %dma_wait3A_218 = arith.constant 0 : i32
      %dma_wait3A_219 = arith.constant 0 : i32
      %dma_wait3A_220 = tpu.memref_slice %arg10[%dma_wait3A_218, %dma_wait3A_219] : memref<10240x128xf32, #tpu.memory_space<vmem_shared>> -> memref<10240x128xf32, #tpu.memory_space<vmem_shared>>
      tpu.wait_indirect_dma semaphore(%arg13 : memref<!tpu.dma_semaphore, #tpu.memory_space<semaphore_mem>>) src(%arg8 : memref<128x128xf32, #tpu.memory_space<vmem>>) dst(%dma_wait3A_220 : memref<10240x128xf32, #tpu.memory_space<vmem_shared>>)
      %dma_start3A_221 = arith.constant 5 : i32
      %dma_start3A_222 = arith.constant 0 : i32
      %dma_start3A_223 = tpu.memref_slice %arg7[%dma_start3A_221, %dma_start3A_222] : memref<16x128xi32, #tpu.memory_space<vmem>> -> memref<1x128xi32, #tpu.memory_space<vmem>>
      %dma_start3A_224 = tpu.memref_squeeze %dma_start3A_223 : memref<1x128xi32, #tpu.memory_space<vmem>> -> memref<128xi32, #tpu.memory_space<vmem>>
      %dma_start3A_225 = arith.constant 0 : i32
      %dma_start3A_226 = arith.constant 0 : i32
      %dma_start3A_227 = tpu.memref_slice %arg10[%dma_start3A_225, %dma_start3A_226] : memref<10240x128xf32, #tpu.memory_space<vmem_shared>> -> memref<10240x128xf32, #tpu.memory_space<vmem_shared>>
      tpu.enqueue_indirect_dma source(%arg9 : memref<128x128xf32, #tpu.memory_space<vmem>>) target(%dma_start3A_227 : memref<10240x128xf32, #tpu.memory_space<vmem_shared>>) offsets(%dma_start3A_224 : memref<128xi32, #tpu.memory_space<vmem>>) semaphore(%arg14 : memref<!tpu.dma_semaphore, #tpu.memory_space<semaphore_mem>>) {add = true}
      %dma_start3A_228 = arith.constant 6 : i32
      %dma_start3A_229 = arith.constant 0 : i32
      %dma_start3A_230 = tpu.memref_slice %arg6[%dma_start3A_228, %dma_start3A_229] : memref<16x128xi32, #tpu.memory_space<vmem>> -> memref<1x128xi32, #tpu.memory_space<vmem>>
      %dma_start3A_231 = tpu.memref_squeeze %dma_start3A_230 : memref<1x128xi32, #tpu.memory_space<vmem>> -> memref<128xi32, #tpu.memory_space<vmem>>
      %dma_start3A_232 = arith.constant 0 : i32
      %dma_start3A_233 = arith.constant 0 : i32
      %dma_start3A_234 = tpu.memref_slice %arg2[%dma_start3A_232, %dma_start3A_233] : memref<10240x128xf32, #tpu.memory_space<hbm>> -> memref<10240x128xf32, #tpu.memory_space<hbm>>
      tpu.enqueue_indirect_dma source(%dma_start3A_234 : memref<10240x128xf32, #tpu.memory_space<hbm>>) target(%arg8 : memref<128x128xf32, #tpu.memory_space<vmem>>) offsets(%dma_start3A_231 : memref<128xi32, #tpu.memory_space<vmem>>) semaphore(%arg11 : memref<!tpu.dma_semaphore, #tpu.memory_space<semaphore_mem>>)
      %dma_wait3A_235 = arith.constant 6 : i32
      %dma_wait3A_236 = arith.constant 0 : i32
      %dma_wait3A_237 = tpu.memref_slice %arg6[%dma_wait3A_235, %dma_wait3A_236] : memref<16x128xi32, #tpu.memory_space<vmem>> -> memref<1x128xi32, #tpu.memory_space<vmem>>
      %dma_wait3A_238 = tpu.memref_squeeze %dma_wait3A_237 : memref<1x128xi32, #tpu.memory_space<vmem>> -> memref<128xi32, #tpu.memory_space<vmem>>
      %dma_wait3A_239 = arith.constant 0 : i32
      %dma_wait3A_240 = arith.constant 0 : i32
      %dma_wait3A_241 = tpu.memref_slice %arg2[%dma_wait3A_239, %dma_wait3A_240] : memref<10240x128xf32, #tpu.memory_space<hbm>> -> memref<10240x128xf32, #tpu.memory_space<hbm>>
      tpu.wait_indirect_dma semaphore(%arg11 : memref<!tpu.dma_semaphore, #tpu.memory_space<semaphore_mem>>) src(%dma_wait3A_241 : memref<10240x128xf32, #tpu.memory_space<hbm>>) dst(%arg8 : memref<128x128xf32, #tpu.memory_space<vmem>>)
      %dma_wait3A_242 = arith.constant 5 : i32
      %dma_wait3A_243 = arith.constant 0 : i32
      %dma_wait3A_244 = tpu.memref_slice %arg7[%dma_wait3A_242, %dma_wait3A_243] : memref<16x128xi32, #tpu.memory_space<vmem>> -> memref<1x128xi32, #tpu.memory_space<vmem>>
      %dma_wait3A_245 = tpu.memref_squeeze %dma_wait3A_244 : memref<1x128xi32, #tpu.memory_space<vmem>> -> memref<128xi32, #tpu.memory_space<vmem>>
      %dma_wait3A_246 = arith.constant 0 : i32
      %dma_wait3A_247 = arith.constant 0 : i32
      %dma_wait3A_248 = tpu.memref_slice %arg10[%dma_wait3A_246, %dma_wait3A_247] : memref<10240x128xf32, #tpu.memory_space<vmem_shared>> -> memref<10240x128xf32, #tpu.memory_space<vmem_shared>>
      tpu.wait_indirect_dma semaphore(%arg14 : memref<!tpu.dma_semaphore, #tpu.memory_space<semaphore_mem>>) src(%arg9 : memref<128x128xf32, #tpu.memory_space<vmem>>) dst(%dma_wait3A_248 : memref<10240x128xf32, #tpu.memory_space<vmem_shared>>)
      %dma_start3A_249 = arith.constant 6 : i32
      %dma_start3A_250 = arith.constant 0 : i32
      %dma_start3A_251 = tpu.memref_slice %arg7[%dma_start3A_249, %dma_start3A_250] : memref<16x128xi32, #tpu.memory_space<vmem>> -> memref<1x128xi32, #tpu.memory_space<vmem>>
      %dma_start3A_252 = tpu.memref_squeeze %dma_start3A_251 : memref<1x128xi32, #tpu.memory_space<vmem>> -> memref<128xi32, #tpu.memory_space<vmem>>
      %dma_start3A_253 = arith.constant 0 : i32
      %dma_start3A_254 = arith.constant 0 : i32
      %dma_start3A_255 = tpu.memref_slice %arg10[%dma_start3A_253, %dma_start3A_254] : memref<10240x128xf32, #tpu.memory_space<vmem_shared>> -> memref<10240x128xf32, #tpu.memory_space<vmem_shared>>
      tpu.enqueue_indirect_dma source(%arg8 : memref<128x128xf32, #tpu.memory_space<vmem>>) target(%dma_start3A_255 : memref<10240x128xf32, #tpu.memory_space<vmem_shared>>) offsets(%dma_start3A_252 : memref<128xi32, #tpu.memory_space<vmem>>) semaphore(%arg13 : memref<!tpu.dma_semaphore, #tpu.memory_space<semaphore_mem>>) {add = true}
      %dma_start3A_256 = arith.constant 7 : i32
      %dma_start3A_257 = arith.constant 0 : i32
      %dma_start3A_258 = tpu.memref_slice %arg6[%dma_start3A_256, %dma_start3A_257] : memref<16x128xi32, #tpu.memory_space<vmem>> -> memref<1x128xi32, #tpu.memory_space<vmem>>
      %dma_start3A_259 = tpu.memref_squeeze %dma_start3A_258 : memref<1x128xi32, #tpu.memory_space<vmem>> -> memref<128xi32, #tpu.memory_space<vmem>>
      %dma_start3A_260 = arith.constant 0 : i32
      %dma_start3A_261 = arith.constant 0 : i32
      %dma_start3A_262 = tpu.memref_slice %arg2[%dma_start3A_260, %dma_start3A_261] : memref<10240x128xf32, #tpu.memory_space<hbm>> -> memref<10240x128xf32, #tpu.memory_space<hbm>>
      tpu.enqueue_indirect_dma source(%dma_start3A_262 : memref<10240x128xf32, #tpu.memory_space<hbm>>) target(%arg9 : memref<128x128xf32, #tpu.memory_space<vmem>>) offsets(%dma_start3A_259 : memref<128xi32, #tpu.memory_space<vmem>>) semaphore(%arg12 : memref<!tpu.dma_semaphore, #tpu.memory_space<semaphore_mem>>)
      %dma_wait3A_263 = arith.constant 7 : i32
      %dma_wait3A_264 = arith.constant 0 : i32
      %dma_wait3A_265 = tpu.memref_slice %arg6[%dma_wait3A_263, %dma_wait3A_264] : memref<16x128xi32, #tpu.memory_space<vmem>> -> memref<1x128xi32, #tpu.memory_space<vmem>>
      %dma_wait3A_266 = tpu.memref_squeeze %dma_wait3A_265 : memref<1x128xi32, #tpu.memory_space<vmem>> -> memref<128xi32, #tpu.memory_space<vmem>>
      %dma_wait3A_267 = arith.constant 0 : i32
      %dma_wait3A_268 = arith.constant 0 : i32
      %dma_wait3A_269 = tpu.memref_slice %arg2[%dma_wait3A_267, %dma_wait3A_268] : memref<10240x128xf32, #tpu.memory_space<hbm>> -> memref<10240x128xf32, #tpu.memory_space<hbm>>
      tpu.wait_indirect_dma semaphore(%arg12 : memref<!tpu.dma_semaphore, #tpu.memory_space<semaphore_mem>>) src(%dma_wait3A_269 : memref<10240x128xf32, #tpu.memory_space<hbm>>) dst(%arg9 : memref<128x128xf32, #tpu.memory_space<vmem>>)
      %dma_wait3A_270 = arith.constant 6 : i32
      %dma_wait3A_271 = arith.constant 0 : i32
      %dma_wait3A_272 = tpu.memref_slice %arg7[%dma_wait3A_270, %dma_wait3A_271] : memref<16x128xi32, #tpu.memory_space<vmem>> -> memref<1x128xi32, #tpu.memory_space<vmem>>
      %dma_wait3A_273 = tpu.memref_squeeze %dma_wait3A_272 : memref<1x128xi32, #tpu.memory_space<vmem>> -> memref<128xi32, #tpu.memory_space<vmem>>
      %dma_wait3A_274 = arith.constant 0 : i32
      %dma_wait3A_275 = arith.constant 0 : i32
      %dma_wait3A_276 = tpu.memref_slice %arg10[%dma_wait3A_274, %dma_wait3A_275] : memref<10240x128xf32, #tpu.memory_space<vmem_shared>> -> memref<10240x128xf32, #tpu.memory_space<vmem_shared>>
      tpu.wait_indirect_dma semaphore(%arg13 : memref<!tpu.dma_semaphore, #tpu.memory_space<semaphore_mem>>) src(%arg8 : memref<128x128xf32, #tpu.memory_space<vmem>>) dst(%dma_wait3A_276 : memref<10240x128xf32, #tpu.memory_space<vmem_shared>>)
      %dma_start3A_277 = arith.constant 7 : i32
      %dma_start3A_278 = arith.constant 0 : i32
      %dma_start3A_279 = tpu.memref_slice %arg7[%dma_start3A_277, %dma_start3A_278] : memref<16x128xi32, #tpu.memory_space<vmem>> -> memref<1x128xi32, #tpu.memory_space<vmem>>
      %dma_start3A_280 = tpu.memref_squeeze %dma_start3A_279 : memref<1x128xi32, #tpu.memory_space<vmem>> -> memref<128xi32, #tpu.memory_space<vmem>>
      %dma_start3A_281 = arith.constant 0 : i32
      %dma_start3A_282 = arith.constant 0 : i32
      %dma_start3A_283 = tpu.memref_slice %arg10[%dma_start3A_281, %dma_start3A_282] : memref<10240x128xf32, #tpu.memory_space<vmem_shared>> -> memref<10240x128xf32, #tpu.memory_space<vmem_shared>>
      tpu.enqueue_indirect_dma source(%arg9 : memref<128x128xf32, #tpu.memory_space<vmem>>) target(%dma_start3A_283 : memref<10240x128xf32, #tpu.memory_space<vmem_shared>>) offsets(%dma_start3A_280 : memref<128xi32, #tpu.memory_space<vmem>>) semaphore(%arg14 : memref<!tpu.dma_semaphore, #tpu.memory_space<semaphore_mem>>) {add = true}
      %dma_start3A_284 = arith.constant 8 : i32
      %dma_start3A_285 = arith.constant 0 : i32
      %dma_start3A_286 = tpu.memref_slice %arg6[%dma_start3A_284, %dma_start3A_285] : memref<16x128xi32, #tpu.memory_space<vmem>> -> memref<1x128xi32, #tpu.memory_space<vmem>>
      %dma_start3A_287 = tpu.memref_squeeze %dma_start3A_286 : memref<1x128xi32, #tpu.memory_space<vmem>> -> memref<128xi32, #tpu.memory_space<vmem>>
      %dma_start3A_288 = arith.constant 0 : i32
      %dma_start3A_289 = arith.constant 0 : i32
      %dma_start3A_290 = tpu.memref_slice %arg2[%dma_start3A_288, %dma_start3A_289] : memref<10240x128xf32, #tpu.memory_space<hbm>> -> memref<10240x128xf32, #tpu.memory_space<hbm>>
      tpu.enqueue_indirect_dma source(%dma_start3A_290 : memref<10240x128xf32, #tpu.memory_space<hbm>>) target(%arg8 : memref<128x128xf32, #tpu.memory_space<vmem>>) offsets(%dma_start3A_287 : memref<128xi32, #tpu.memory_space<vmem>>) semaphore(%arg11 : memref<!tpu.dma_semaphore, #tpu.memory_space<semaphore_mem>>)
      %dma_wait3A_291 = arith.constant 8 : i32
      %dma_wait3A_292 = arith.constant 0 : i32
      %dma_wait3A_293 = tpu.memref_slice %arg6[%dma_wait3A_291, %dma_wait3A_292] : memref<16x128xi32, #tpu.memory_space<vmem>> -> memref<1x128xi32, #tpu.memory_space<vmem>>
      %dma_wait3A_294 = tpu.memref_squeeze %dma_wait3A_293 : memref<1x128xi32, #tpu.memory_space<vmem>> -> memref<128xi32, #tpu.memory_space<vmem>>
      %dma_wait3A_295 = arith.constant 0 : i32
      %dma_wait3A_296 = arith.constant 0 : i32
      %dma_wait3A_297 = tpu.memref_slice %arg2[%dma_wait3A_295, %dma_wait3A_296] : memref<10240x128xf32, #tpu.memory_space<hbm>> -> memref<10240x128xf32, #tpu.memory_space<hbm>>
      tpu.wait_indirect_dma semaphore(%arg11 : memref<!tpu.dma_semaphore, #tpu.memory_space<semaphore_mem>>) src(%dma_wait3A_297 : memref<10240x128xf32, #tpu.memory_space<hbm>>) dst(%arg8 : memref<128x128xf32, #tpu.memory_space<vmem>>)
      %dma_wait3A_298 = arith.constant 7 : i32
      %dma_wait3A_299 = arith.constant 0 : i32
      %dma_wait3A_300 = tpu.memref_slice %arg7[%dma_wait3A_298, %dma_wait3A_299] : memref<16x128xi32, #tpu.memory_space<vmem>> -> memref<1x128xi32, #tpu.memory_space<vmem>>
      %dma_wait3A_301 = tpu.memref_squeeze %dma_wait3A_300 : memref<1x128xi32, #tpu.memory_space<vmem>> -> memref<128xi32, #tpu.memory_space<vmem>>
      %dma_wait3A_302 = arith.constant 0 : i32
      %dma_wait3A_303 = arith.constant 0 : i32
      %dma_wait3A_304 = tpu.memref_slice %arg10[%dma_wait3A_302, %dma_wait3A_303] : memref<10240x128xf32, #tpu.memory_space<vmem_shared>> -> memref<10240x128xf32, #tpu.memory_space<vmem_shared>>
      tpu.wait_indirect_dma semaphore(%arg14 : memref<!tpu.dma_semaphore, #tpu.memory_space<semaphore_mem>>) src(%arg9 : memref<128x128xf32, #tpu.memory_space<vmem>>) dst(%dma_wait3A_304 : memref<10240x128xf32, #tpu.memory_space<vmem_shared>>)
      %dma_start3A_305 = arith.constant 8 : i32
      %dma_start3A_306 = arith.constant 0 : i32
      %dma_start3A_307 = tpu.memref_slice %arg7[%dma_start3A_305, %dma_start3A_306] : memref<16x128xi32, #tpu.memory_space<vmem>> -> memref<1x128xi32, #tpu.memory_space<vmem>>
      %dma_start3A_308 = tpu.memref_squeeze %dma_start3A_307 : memref<1x128xi32, #tpu.memory_space<vmem>> -> memref<128xi32, #tpu.memory_space<vmem>>
      %dma_start3A_309 = arith.constant 0 : i32
      %dma_start3A_310 = arith.constant 0 : i32
      %dma_start3A_311 = tpu.memref_slice %arg10[%dma_start3A_309, %dma_start3A_310] : memref<10240x128xf32, #tpu.memory_space<vmem_shared>> -> memref<10240x128xf32, #tpu.memory_space<vmem_shared>>
      tpu.enqueue_indirect_dma source(%arg8 : memref<128x128xf32, #tpu.memory_space<vmem>>) target(%dma_start3A_311 : memref<10240x128xf32, #tpu.memory_space<vmem_shared>>) offsets(%dma_start3A_308 : memref<128xi32, #tpu.memory_space<vmem>>) semaphore(%arg13 : memref<!tpu.dma_semaphore, #tpu.memory_space<semaphore_mem>>) {add = true}
      %dma_start3A_312 = arith.constant 9 : i32
      %dma_start3A_313 = arith.constant 0 : i32
      %dma_start3A_314 = tpu.memref_slice %arg6[%dma_start3A_312, %dma_start3A_313] : memref<16x128xi32, #tpu.memory_space<vmem>> -> memref<1x128xi32, #tpu.memory_space<vmem>>
      %dma_start3A_315 = tpu.memref_squeeze %dma_start3A_314 : memref<1x128xi32, #tpu.memory_space<vmem>> -> memref<128xi32, #tpu.memory_space<vmem>>
      %dma_start3A_316 = arith.constant 0 : i32
      %dma_start3A_317 = arith.constant 0 : i32
      %dma_start3A_318 = tpu.memref_slice %arg2[%dma_start3A_316, %dma_start3A_317] : memref<10240x128xf32, #tpu.memory_space<hbm>> -> memref<10240x128xf32, #tpu.memory_space<hbm>>
      tpu.enqueue_indirect_dma source(%dma_start3A_318 : memref<10240x128xf32, #tpu.memory_space<hbm>>) target(%arg9 : memref<128x128xf32, #tpu.memory_space<vmem>>) offsets(%dma_start3A_315 : memref<128xi32, #tpu.memory_space<vmem>>) semaphore(%arg12 : memref<!tpu.dma_semaphore, #tpu.memory_space<semaphore_mem>>)
      %dma_wait3A_319 = arith.constant 9 : i32
      %dma_wait3A_320 = arith.constant 0 : i32
      %dma_wait3A_321 = tpu.memref_slice %arg6[%dma_wait3A_319, %dma_wait3A_320] : memref<16x128xi32, #tpu.memory_space<vmem>> -> memref<1x128xi32, #tpu.memory_space<vmem>>
      %dma_wait3A_322 = tpu.memref_squeeze %dma_wait3A_321 : memref<1x128xi32, #tpu.memory_space<vmem>> -> memref<128xi32, #tpu.memory_space<vmem>>
      %dma_wait3A_323 = arith.constant 0 : i32
      %dma_wait3A_324 = arith.constant 0 : i32
      %dma_wait3A_325 = tpu.memref_slice %arg2[%dma_wait3A_323, %dma_wait3A_324] : memref<10240x128xf32, #tpu.memory_space<hbm>> -> memref<10240x128xf32, #tpu.memory_space<hbm>>
      tpu.wait_indirect_dma semaphore(%arg12 : memref<!tpu.dma_semaphore, #tpu.memory_space<semaphore_mem>>) src(%dma_wait3A_325 : memref<10240x128xf32, #tpu.memory_space<hbm>>) dst(%arg9 : memref<128x128xf32, #tpu.memory_space<vmem>>)
      %dma_wait3A_326 = arith.constant 8 : i32
      %dma_wait3A_327 = arith.constant 0 : i32
      %dma_wait3A_328 = tpu.memref_slice %arg7[%dma_wait3A_326, %dma_wait3A_327] : memref<16x128xi32, #tpu.memory_space<vmem>> -> memref<1x128xi32, #tpu.memory_space<vmem>>
      %dma_wait3A_329 = tpu.memref_squeeze %dma_wait3A_328 : memref<1x128xi32, #tpu.memory_space<vmem>> -> memref<128xi32, #tpu.memory_space<vmem>>
      %dma_wait3A_330 = arith.constant 0 : i32
      %dma_wait3A_331 = arith.constant 0 : i32
      %dma_wait3A_332 = tpu.memref_slice %arg10[%dma_wait3A_330, %dma_wait3A_331] : memref<10240x128xf32, #tpu.memory_space<vmem_shared>> -> memref<10240x128xf32, #tpu.memory_space<vmem_shared>>
      tpu.wait_indirect_dma semaphore(%arg13 : memref<!tpu.dma_semaphore, #tpu.memory_space<semaphore_mem>>) src(%arg8 : memref<128x128xf32, #tpu.memory_space<vmem>>) dst(%dma_wait3A_332 : memref<10240x128xf32, #tpu.memory_space<vmem_shared>>)
      %dma_start3A_333 = arith.constant 9 : i32
      %dma_start3A_334 = arith.constant 0 : i32
      %dma_start3A_335 = tpu.memref_slice %arg7[%dma_start3A_333, %dma_start3A_334] : memref<16x128xi32, #tpu.memory_space<vmem>> -> memref<1x128xi32, #tpu.memory_space<vmem>>
      %dma_start3A_336 = tpu.memref_squeeze %dma_start3A_335 : memref<1x128xi32, #tpu.memory_space<vmem>> -> memref<128xi32, #tpu.memory_space<vmem>>
      %dma_start3A_337 = arith.constant 0 : i32
      %dma_start3A_338 = arith.constant 0 : i32
      %dma_start3A_339 = tpu.memref_slice %arg10[%dma_start3A_337, %dma_start3A_338] : memref<10240x128xf32, #tpu.memory_space<vmem_shared>> -> memref<10240x128xf32, #tpu.memory_space<vmem_shared>>
      tpu.enqueue_indirect_dma source(%arg9 : memref<128x128xf32, #tpu.memory_space<vmem>>) target(%dma_start3A_339 : memref<10240x128xf32, #tpu.memory_space<vmem_shared>>) offsets(%dma_start3A_336 : memref<128xi32, #tpu.memory_space<vmem>>) semaphore(%arg14 : memref<!tpu.dma_semaphore, #tpu.memory_space<semaphore_mem>>) {add = true}
      %dma_start3A_340 = arith.constant 10 : i32
      %dma_start3A_341 = arith.constant 0 : i32
      %dma_start3A_342 = tpu.memref_slice %arg6[%dma_start3A_340, %dma_start3A_341] : memref<16x128xi32, #tpu.memory_space<vmem>> -> memref<1x128xi32, #tpu.memory_space<vmem>>
      %dma_start3A_343 = tpu.memref_squeeze %dma_start3A_342 : memref<1x128xi32, #tpu.memory_space<vmem>> -> memref<128xi32, #tpu.memory_space<vmem>>
      %dma_start3A_344 = arith.constant 0 : i32
      %dma_start3A_345 = arith.constant 0 : i32
      %dma_start3A_346 = tpu.memref_slice %arg2[%dma_start3A_344, %dma_start3A_345] : memref<10240x128xf32, #tpu.memory_space<hbm>> -> memref<10240x128xf32, #tpu.memory_space<hbm>>
      tpu.enqueue_indirect_dma source(%dma_start3A_346 : memref<10240x128xf32, #tpu.memory_space<hbm>>) target(%arg8 : memref<128x128xf32, #tpu.memory_space<vmem>>) offsets(%dma_start3A_343 : memref<128xi32, #tpu.memory_space<vmem>>) semaphore(%arg11 : memref<!tpu.dma_semaphore, #tpu.memory_space<semaphore_mem>>)
      %dma_wait3A_347 = arith.constant 10 : i32
      %dma_wait3A_348 = arith.constant 0 : i32
      %dma_wait3A_349 = tpu.memref_slice %arg6[%dma_wait3A_347, %dma_wait3A_348] : memref<16x128xi32, #tpu.memory_space<vmem>> -> memref<1x128xi32, #tpu.memory_space<vmem>>
      %dma_wait3A_350 = tpu.memref_squeeze %dma_wait3A_349 : memref<1x128xi32, #tpu.memory_space<vmem>> -> memref<128xi32, #tpu.memory_space<vmem>>
      %dma_wait3A_351 = arith.constant 0 : i32
      %dma_wait3A_352 = arith.constant 0 : i32
      %dma_wait3A_353 = tpu.memref_slice %arg2[%dma_wait3A_351, %dma_wait3A_352] : memref<10240x128xf32, #tpu.memory_space<hbm>> -> memref<10240x128xf32, #tpu.memory_space<hbm>>
      tpu.wait_indirect_dma semaphore(%arg11 : memref<!tpu.dma_semaphore, #tpu.memory_space<semaphore_mem>>) src(%dma_wait3A_353 : memref<10240x128xf32, #tpu.memory_space<hbm>>) dst(%arg8 : memref<128x128xf32, #tpu.memory_space<vmem>>)
      %dma_wait3A_354 = arith.constant 9 : i32
      %dma_wait3A_355 = arith.constant 0 : i32
      %dma_wait3A_356 = tpu.memref_slice %arg7[%dma_wait3A_354, %dma_wait3A_355] : memref<16x128xi32, #tpu.memory_space<vmem>> -> memref<1x128xi32, #tpu.memory_space<vmem>>
      %dma_wait3A_357 = tpu.memref_squeeze %dma_wait3A_356 : memref<1x128xi32, #tpu.memory_space<vmem>> -> memref<128xi32, #tpu.memory_space<vmem>>
      %dma_wait3A_358 = arith.constant 0 : i32
      %dma_wait3A_359 = arith.constant 0 : i32
      %dma_wait3A_360 = tpu.memref_slice %arg10[%dma_wait3A_358, %dma_wait3A_359] : memref<10240x128xf32, #tpu.memory_space<vmem_shared>> -> memref<10240x128xf32, #tpu.memory_space<vmem_shared>>
      tpu.wait_indirect_dma semaphore(%arg14 : memref<!tpu.dma_semaphore, #tpu.memory_space<semaphore_mem>>) src(%arg9 : memref<128x128xf32, #tpu.memory_space<vmem>>) dst(%dma_wait3A_360 : memref<10240x128xf32, #tpu.memory_space<vmem_shared>>)
      %dma_start3A_361 = arith.constant 10 : i32
      %dma_start3A_362 = arith.constant 0 : i32
      %dma_start3A_363 = tpu.memref_slice %arg7[%dma_start3A_361, %dma_start3A_362] : memref<16x128xi32, #tpu.memory_space<vmem>> -> memref<1x128xi32, #tpu.memory_space<vmem>>
      %dma_start3A_364 = tpu.memref_squeeze %dma_start3A_363 : memref<1x128xi32, #tpu.memory_space<vmem>> -> memref<128xi32, #tpu.memory_space<vmem>>
      %dma_start3A_365 = arith.constant 0 : i32
      %dma_start3A_366 = arith.constant 0 : i32
      %dma_start3A_367 = tpu.memref_slice %arg10[%dma_start3A_365, %dma_start3A_366] : memref<10240x128xf32, #tpu.memory_space<vmem_shared>> -> memref<10240x128xf32, #tpu.memory_space<vmem_shared>>
      tpu.enqueue_indirect_dma source(%arg8 : memref<128x128xf32, #tpu.memory_space<vmem>>) target(%dma_start3A_367 : memref<10240x128xf32, #tpu.memory_space<vmem_shared>>) offsets(%dma_start3A_364 : memref<128xi32, #tpu.memory_space<vmem>>) semaphore(%arg13 : memref<!tpu.dma_semaphore, #tpu.memory_space<semaphore_mem>>) {add = true}
      %dma_start3A_368 = arith.constant 11 : i32
      %dma_start3A_369 = arith.constant 0 : i32
      %dma_start3A_370 = tpu.memref_slice %arg6[%dma_start3A_368, %dma_start3A_369] : memref<16x128xi32, #tpu.memory_space<vmem>> -> memref<1x128xi32, #tpu.memory_space<vmem>>
      %dma_start3A_371 = tpu.memref_squeeze %dma_start3A_370 : memref<1x128xi32, #tpu.memory_space<vmem>> -> memref<128xi32, #tpu.memory_space<vmem>>
      %dma_start3A_372 = arith.constant 0 : i32
      %dma_start3A_373 = arith.constant 0 : i32
      %dma_start3A_374 = tpu.memref_slice %arg2[%dma_start3A_372, %dma_start3A_373] : memref<10240x128xf32, #tpu.memory_space<hbm>> -> memref<10240x128xf32, #tpu.memory_space<hbm>>
      tpu.enqueue_indirect_dma source(%dma_start3A_374 : memref<10240x128xf32, #tpu.memory_space<hbm>>) target(%arg9 : memref<128x128xf32, #tpu.memory_space<vmem>>) offsets(%dma_start3A_371 : memref<128xi32, #tpu.memory_space<vmem>>) semaphore(%arg12 : memref<!tpu.dma_semaphore, #tpu.memory_space<semaphore_mem>>)
      %dma_wait3A_375 = arith.constant 11 : i32
      %dma_wait3A_376 = arith.constant 0 : i32
      %dma_wait3A_377 = tpu.memref_slice %arg6[%dma_wait3A_375, %dma_wait3A_376] : memref<16x128xi32, #tpu.memory_space<vmem>> -> memref<1x128xi32, #tpu.memory_space<vmem>>
      %dma_wait3A_378 = tpu.memref_squeeze %dma_wait3A_377 : memref<1x128xi32, #tpu.memory_space<vmem>> -> memref<128xi32, #tpu.memory_space<vmem>>
      %dma_wait3A_379 = arith.constant 0 : i32
      %dma_wait3A_380 = arith.constant 0 : i32
      %dma_wait3A_381 = tpu.memref_slice %arg2[%dma_wait3A_379, %dma_wait3A_380] : memref<10240x128xf32, #tpu.memory_space<hbm>> -> memref<10240x128xf32, #tpu.memory_space<hbm>>
      tpu.wait_indirect_dma semaphore(%arg12 : memref<!tpu.dma_semaphore, #tpu.memory_space<semaphore_mem>>) src(%dma_wait3A_381 : memref<10240x128xf32, #tpu.memory_space<hbm>>) dst(%arg9 : memref<128x128xf32, #tpu.memory_space<vmem>>)
      %dma_wait3A_382 = arith.constant 10 : i32
      %dma_wait3A_383 = arith.constant 0 : i32
      %dma_wait3A_384 = tpu.memref_slice %arg7[%dma_wait3A_382, %dma_wait3A_383] : memref<16x128xi32, #tpu.memory_space<vmem>> -> memref<1x128xi32, #tpu.memory_space<vmem>>
      %dma_wait3A_385 = tpu.memref_squeeze %dma_wait3A_384 : memref<1x128xi32, #tpu.memory_space<vmem>> -> memref<128xi32, #tpu.memory_space<vmem>>
      %dma_wait3A_386 = arith.constant 0 : i32
      %dma_wait3A_387 = arith.constant 0 : i32
      %dma_wait3A_388 = tpu.memref_slice %arg10[%dma_wait3A_386, %dma_wait3A_387] : memref<10240x128xf32, #tpu.memory_space<vmem_shared>> -> memref<10240x128xf32, #tpu.memory_space<vmem_shared>>
      tpu.wait_indirect_dma semaphore(%arg13 : memref<!tpu.dma_semaphore, #tpu.memory_space<semaphore_mem>>) src(%arg8 : memref<128x128xf32, #tpu.memory_space<vmem>>) dst(%dma_wait3A_388 : memref<10240x128xf32, #tpu.memory_space<vmem_shared>>)
      %dma_start3A_389 = arith.constant 11 : i32
      %dma_start3A_390 = arith.constant 0 : i32
      %dma_start3A_391 = tpu.memref_slice %arg7[%dma_start3A_389, %dma_start3A_390] : memref<16x128xi32, #tpu.memory_space<vmem>> -> memref<1x128xi32, #tpu.memory_space<vmem>>
      %dma_start3A_392 = tpu.memref_squeeze %dma_start3A_391 : memref<1x128xi32, #tpu.memory_space<vmem>> -> memref<128xi32, #tpu.memory_space<vmem>>
      %dma_start3A_393 = arith.constant 0 : i32
      %dma_start3A_394 = arith.constant 0 : i32
      %dma_start3A_395 = tpu.memref_slice %arg10[%dma_start3A_393, %dma_start3A_394] : memref<10240x128xf32, #tpu.memory_space<vmem_shared>> -> memref<10240x128xf32, #tpu.memory_space<vmem_shared>>
      tpu.enqueue_indirect_dma source(%arg9 : memref<128x128xf32, #tpu.memory_space<vmem>>) target(%dma_start3A_395 : memref<10240x128xf32, #tpu.memory_space<vmem_shared>>) offsets(%dma_start3A_392 : memref<128xi32, #tpu.memory_space<vmem>>) semaphore(%arg14 : memref<!tpu.dma_semaphore, #tpu.memory_space<semaphore_mem>>) {add = true}
      %dma_start3A_396 = arith.constant 12 : i32
      %dma_start3A_397 = arith.constant 0 : i32
      %dma_start3A_398 = tpu.memref_slice %arg6[%dma_start3A_396, %dma_start3A_397] : memref<16x128xi32, #tpu.memory_space<vmem>> -> memref<1x128xi32, #tpu.memory_space<vmem>>
      %dma_start3A_399 = tpu.memref_squeeze %dma_start3A_398 : memref<1x128xi32, #tpu.memory_space<vmem>> -> memref<128xi32, #tpu.memory_space<vmem>>
      %dma_start3A_400 = arith.constant 0 : i32
      %dma_start3A_401 = arith.constant 0 : i32
      %dma_start3A_402 = tpu.memref_slice %arg2[%dma_start3A_400, %dma_start3A_401] : memref<10240x128xf32, #tpu.memory_space<hbm>> -> memref<10240x128xf32, #tpu.memory_space<hbm>>
      tpu.enqueue_indirect_dma source(%dma_start3A_402 : memref<10240x128xf32, #tpu.memory_space<hbm>>) target(%arg8 : memref<128x128xf32, #tpu.memory_space<vmem>>) offsets(%dma_start3A_399 : memref<128xi32, #tpu.memory_space<vmem>>) semaphore(%arg11 : memref<!tpu.dma_semaphore, #tpu.memory_space<semaphore_mem>>)
      %dma_wait3A_403 = arith.constant 12 : i32
      %dma_wait3A_404 = arith.constant 0 : i32
      %dma_wait3A_405 = tpu.memref_slice %arg6[%dma_wait3A_403, %dma_wait3A_404] : memref<16x128xi32, #tpu.memory_space<vmem>> -> memref<1x128xi32, #tpu.memory_space<vmem>>
      %dma_wait3A_406 = tpu.memref_squeeze %dma_wait3A_405 : memref<1x128xi32, #tpu.memory_space<vmem>> -> memref<128xi32, #tpu.memory_space<vmem>>
      %dma_wait3A_407 = arith.constant 0 : i32
      %dma_wait3A_408 = arith.constant 0 : i32
      %dma_wait3A_409 = tpu.memref_slice %arg2[%dma_wait3A_407, %dma_wait3A_408] : memref<10240x128xf32, #tpu.memory_space<hbm>> -> memref<10240x128xf32, #tpu.memory_space<hbm>>
      tpu.wait_indirect_dma semaphore(%arg11 : memref<!tpu.dma_semaphore, #tpu.memory_space<semaphore_mem>>) src(%dma_wait3A_409 : memref<10240x128xf32, #tpu.memory_space<hbm>>) dst(%arg8 : memref<128x128xf32, #tpu.memory_space<vmem>>)
      %dma_wait3A_410 = arith.constant 11 : i32
      %dma_wait3A_411 = arith.constant 0 : i32
      %dma_wait3A_412 = tpu.memref_slice %arg7[%dma_wait3A_410, %dma_wait3A_411] : memref<16x128xi32, #tpu.memory_space<vmem>> -> memref<1x128xi32, #tpu.memory_space<vmem>>
      %dma_wait3A_413 = tpu.memref_squeeze %dma_wait3A_412 : memref<1x128xi32, #tpu.memory_space<vmem>> -> memref<128xi32, #tpu.memory_space<vmem>>
      %dma_wait3A_414 = arith.constant 0 : i32
      %dma_wait3A_415 = arith.constant 0 : i32
      %dma_wait3A_416 = tpu.memref_slice %arg10[%dma_wait3A_414, %dma_wait3A_415] : memref<10240x128xf32, #tpu.memory_space<vmem_shared>> -> memref<10240x128xf32, #tpu.memory_space<vmem_shared>>
      tpu.wait_indirect_dma semaphore(%arg14 : memref<!tpu.dma_semaphore, #tpu.memory_space<semaphore_mem>>) src(%arg9 : memref<128x128xf32, #tpu.memory_space<vmem>>) dst(%dma_wait3A_416 : memref<10240x128xf32, #tpu.memory_space<vmem_shared>>)
      %dma_start3A_417 = arith.constant 12 : i32
      %dma_start3A_418 = arith.constant 0 : i32
      %dma_start3A_419 = tpu.memref_slice %arg7[%dma_start3A_417, %dma_start3A_418] : memref<16x128xi32, #tpu.memory_space<vmem>> -> memref<1x128xi32, #tpu.memory_space<vmem>>
      %dma_start3A_420 = tpu.memref_squeeze %dma_start3A_419 : memref<1x128xi32, #tpu.memory_space<vmem>> -> memref<128xi32, #tpu.memory_space<vmem>>
      %dma_start3A_421 = arith.constant 0 : i32
      %dma_start3A_422 = arith.constant 0 : i32
      %dma_start3A_423 = tpu.memref_slice %arg10[%dma_start3A_421, %dma_start3A_422] : memref<10240x128xf32, #tpu.memory_space<vmem_shared>> -> memref<10240x128xf32, #tpu.memory_space<vmem_shared>>
      tpu.enqueue_indirect_dma source(%arg8 : memref<128x128xf32, #tpu.memory_space<vmem>>) target(%dma_start3A_423 : memref<10240x128xf32, #tpu.memory_space<vmem_shared>>) offsets(%dma_start3A_420 : memref<128xi32, #tpu.memory_space<vmem>>) semaphore(%arg13 : memref<!tpu.dma_semaphore, #tpu.memory_space<semaphore_mem>>) {add = true}
      %dma_start3A_424 = arith.constant 13 : i32
      %dma_start3A_425 = arith.constant 0 : i32
      %dma_start3A_426 = tpu.memref_slice %arg6[%dma_start3A_424, %dma_start3A_425] : memref<16x128xi32, #tpu.memory_space<vmem>> -> memref<1x128xi32, #tpu.memory_space<vmem>>
      %dma_start3A_427 = tpu.memref_squeeze %dma_start3A_426 : memref<1x128xi32, #tpu.memory_space<vmem>> -> memref<128xi32, #tpu.memory_space<vmem>>
      %dma_start3A_428 = arith.constant 0 : i32
      %dma_start3A_429 = arith.constant 0 : i32
      %dma_start3A_430 = tpu.memref_slice %arg2[%dma_start3A_428, %dma_start3A_429] : memref<10240x128xf32, #tpu.memory_space<hbm>> -> memref<10240x128xf32, #tpu.memory_space<hbm>>
      tpu.enqueue_indirect_dma source(%dma_start3A_430 : memref<10240x128xf32, #tpu.memory_space<hbm>>) target(%arg9 : memref<128x128xf32, #tpu.memory_space<vmem>>) offsets(%dma_start3A_427 : memref<128xi32, #tpu.memory_space<vmem>>) semaphore(%arg12 : memref<!tpu.dma_semaphore, #tpu.memory_space<semaphore_mem>>)
      %dma_wait3A_431 = arith.constant 13 : i32
      %dma_wait3A_432 = arith.constant 0 : i32
      %dma_wait3A_433 = tpu.memref_slice %arg6[%dma_wait3A_431, %dma_wait3A_432] : memref<16x128xi32, #tpu.memory_space<vmem>> -> memref<1x128xi32, #tpu.memory_space<vmem>>
      %dma_wait3A_434 = tpu.memref_squeeze %dma_wait3A_433 : memref<1x128xi32, #tpu.memory_space<vmem>> -> memref<128xi32, #tpu.memory_space<vmem>>
      %dma_wait3A_435 = arith.constant 0 : i32
      %dma_wait3A_436 = arith.constant 0 : i32
      %dma_wait3A_437 = tpu.memref_slice %arg2[%dma_wait3A_435, %dma_wait3A_436] : memref<10240x128xf32, #tpu.memory_space<hbm>> -> memref<10240x128xf32, #tpu.memory_space<hbm>>
      tpu.wait_indirect_dma semaphore(%arg12 : memref<!tpu.dma_semaphore, #tpu.memory_space<semaphore_mem>>) src(%dma_wait3A_437 : memref<10240x128xf32, #tpu.memory_space<hbm>>) dst(%arg9 : memref<128x128xf32, #tpu.memory_space<vmem>>)
      %dma_wait3A_438 = arith.constant 12 : i32
      %dma_wait3A_439 = arith.constant 0 : i32
      %dma_wait3A_440 = tpu.memref_slice %arg7[%dma_wait3A_438, %dma_wait3A_439] : memref<16x128xi32, #tpu.memory_space<vmem>> -> memref<1x128xi32, #tpu.memory_space<vmem>>
      %dma_wait3A_441 = tpu.memref_squeeze %dma_wait3A_440 : memref<1x128xi32, #tpu.memory_space<vmem>> -> memref<128xi32, #tpu.memory_space<vmem>>
      %dma_wait3A_442 = arith.constant 0 : i32
      %dma_wait3A_443 = arith.constant 0 : i32
      %dma_wait3A_444 = tpu.memref_slice %arg10[%dma_wait3A_442, %dma_wait3A_443] : memref<10240x128xf32, #tpu.memory_space<vmem_shared>> -> memref<10240x128xf32, #tpu.memory_space<vmem_shared>>
      tpu.wait_indirect_dma semaphore(%arg13 : memref<!tpu.dma_semaphore, #tpu.memory_space<semaphore_mem>>) src(%arg8 : memref<128x128xf32, #tpu.memory_space<vmem>>) dst(%dma_wait3A_444 : memref<10240x128xf32, #tpu.memory_space<vmem_shared>>)
      %dma_start3A_445 = arith.constant 13 : i32
      %dma_start3A_446 = arith.constant 0 : i32
      %dma_start3A_447 = tpu.memref_slice %arg7[%dma_start3A_445, %dma_start3A_446] : memref<16x128xi32, #tpu.memory_space<vmem>> -> memref<1x128xi32, #tpu.memory_space<vmem>>
      %dma_start3A_448 = tpu.memref_squeeze %dma_start3A_447 : memref<1x128xi32, #tpu.memory_space<vmem>> -> memref<128xi32, #tpu.memory_space<vmem>>
      %dma_start3A_449 = arith.constant 0 : i32
      %dma_start3A_450 = arith.constant 0 : i32
      %dma_start3A_451 = tpu.memref_slice %arg10[%dma_start3A_449, %dma_start3A_450] : memref<10240x128xf32, #tpu.memory_space<vmem_shared>> -> memref<10240x128xf32, #tpu.memory_space<vmem_shared>>
      tpu.enqueue_indirect_dma source(%arg9 : memref<128x128xf32, #tpu.memory_space<vmem>>) target(%dma_start3A_451 : memref<10240x128xf32, #tpu.memory_space<vmem_shared>>) offsets(%dma_start3A_448 : memref<128xi32, #tpu.memory_space<vmem>>) semaphore(%arg14 : memref<!tpu.dma_semaphore, #tpu.memory_space<semaphore_mem>>) {add = true}
      %dma_start3A_452 = arith.constant 14 : i32
      %dma_start3A_453 = arith.constant 0 : i32
      %dma_start3A_454 = tpu.memref_slice %arg6[%dma_start3A_452, %dma_start3A_453] : memref<16x128xi32, #tpu.memory_space<vmem>> -> memref<1x128xi32, #tpu.memory_space<vmem>>
      %dma_start3A_455 = tpu.memref_squeeze %dma_start3A_454 : memref<1x128xi32, #tpu.memory_space<vmem>> -> memref<128xi32, #tpu.memory_space<vmem>>
      %dma_start3A_456 = arith.constant 0 : i32
      %dma_start3A_457 = arith.constant 0 : i32
      %dma_start3A_458 = tpu.memref_slice %arg2[%dma_start3A_456, %dma_start3A_457] : memref<10240x128xf32, #tpu.memory_space<hbm>> -> memref<10240x128xf32, #tpu.memory_space<hbm>>
      tpu.enqueue_indirect_dma source(%dma_start3A_458 : memref<10240x128xf32, #tpu.memory_space<hbm>>) target(%arg8 : memref<128x128xf32, #tpu.memory_space<vmem>>) offsets(%dma_start3A_455 : memref<128xi32, #tpu.memory_space<vmem>>) semaphore(%arg11 : memref<!tpu.dma_semaphore, #tpu.memory_space<semaphore_mem>>)
      %dma_wait3A_459 = arith.constant 14 : i32
      %dma_wait3A_460 = arith.constant 0 : i32
      %dma_wait3A_461 = tpu.memref_slice %arg6[%dma_wait3A_459, %dma_wait3A_460] : memref<16x128xi32, #tpu.memory_space<vmem>> -> memref<1x128xi32, #tpu.memory_space<vmem>>
      %dma_wait3A_462 = tpu.memref_squeeze %dma_wait3A_461 : memref<1x128xi32, #tpu.memory_space<vmem>> -> memref<128xi32, #tpu.memory_space<vmem>>
      %dma_wait3A_463 = arith.constant 0 : i32
      %dma_wait3A_464 = arith.constant 0 : i32
      %dma_wait3A_465 = tpu.memref_slice %arg2[%dma_wait3A_463, %dma_wait3A_464] : memref<10240x128xf32, #tpu.memory_space<hbm>> -> memref<10240x128xf32, #tpu.memory_space<hbm>>
      tpu.wait_indirect_dma semaphore(%arg11 : memref<!tpu.dma_semaphore, #tpu.memory_space<semaphore_mem>>) src(%dma_wait3A_465 : memref<10240x128xf32, #tpu.memory_space<hbm>>) dst(%arg8 : memref<128x128xf32, #tpu.memory_space<vmem>>)
      %dma_wait3A_466 = arith.constant 13 : i32
      %dma_wait3A_467 = arith.constant 0 : i32
      %dma_wait3A_468 = tpu.memref_slice %arg7[%dma_wait3A_466, %dma_wait3A_467] : memref<16x128xi32, #tpu.memory_space<vmem>> -> memref<1x128xi32, #tpu.memory_space<vmem>>
      %dma_wait3A_469 = tpu.memref_squeeze %dma_wait3A_468 : memref<1x128xi32, #tpu.memory_space<vmem>> -> memref<128xi32, #tpu.memory_space<vmem>>
      %dma_wait3A_470 = arith.constant 0 : i32
      %dma_wait3A_471 = arith.constant 0 : i32
      %dma_wait3A_472 = tpu.memref_slice %arg10[%dma_wait3A_470, %dma_wait3A_471] : memref<10240x128xf32, #tpu.memory_space<vmem_shared>> -> memref<10240x128xf32, #tpu.memory_space<vmem_shared>>
      tpu.wait_indirect_dma semaphore(%arg14 : memref<!tpu.dma_semaphore, #tpu.memory_space<semaphore_mem>>) src(%arg9 : memref<128x128xf32, #tpu.memory_space<vmem>>) dst(%dma_wait3A_472 : memref<10240x128xf32, #tpu.memory_space<vmem_shared>>)
      %dma_start3A_473 = arith.constant 14 : i32
      %dma_start3A_474 = arith.constant 0 : i32
      %dma_start3A_475 = tpu.memref_slice %arg7[%dma_start3A_473, %dma_start3A_474] : memref<16x128xi32, #tpu.memory_space<vmem>> -> memref<1x128xi32, #tpu.memory_space<vmem>>
      %dma_start3A_476 = tpu.memref_squeeze %dma_start3A_475 : memref<1x128xi32, #tpu.memory_space<vmem>> -> memref<128xi32, #tpu.memory_space<vmem>>
      %dma_start3A_477 = arith.constant 0 : i32
      %dma_start3A_478 = arith.constant 0 : i32
      %dma_start3A_479 = tpu.memref_slice %arg10[%dma_start3A_477, %dma_start3A_478] : memref<10240x128xf32, #tpu.memory_space<vmem_shared>> -> memref<10240x128xf32, #tpu.memory_space<vmem_shared>>
      tpu.enqueue_indirect_dma source(%arg8 : memref<128x128xf32, #tpu.memory_space<vmem>>) target(%dma_start3A_479 : memref<10240x128xf32, #tpu.memory_space<vmem_shared>>) offsets(%dma_start3A_476 : memref<128xi32, #tpu.memory_space<vmem>>) semaphore(%arg13 : memref<!tpu.dma_semaphore, #tpu.memory_space<semaphore_mem>>) {add = true}
      %dma_start3A_480 = arith.constant 15 : i32
      %dma_start3A_481 = arith.constant 0 : i32
      %dma_start3A_482 = tpu.memref_slice %arg6[%dma_start3A_480, %dma_start3A_481] : memref<16x128xi32, #tpu.memory_space<vmem>> -> memref<1x128xi32, #tpu.memory_space<vmem>>
      %dma_start3A_483 = tpu.memref_squeeze %dma_start3A_482 : memref<1x128xi32, #tpu.memory_space<vmem>> -> memref<128xi32, #tpu.memory_space<vmem>>
      %dma_start3A_484 = arith.constant 0 : i32
      %dma_start3A_485 = arith.constant 0 : i32
      %dma_start3A_486 = tpu.memref_slice %arg2[%dma_start3A_484, %dma_start3A_485] : memref<10240x128xf32, #tpu.memory_space<hbm>> -> memref<10240x128xf32, #tpu.memory_space<hbm>>
      tpu.enqueue_indirect_dma source(%dma_start3A_486 : memref<10240x128xf32, #tpu.memory_space<hbm>>) target(%arg9 : memref<128x128xf32, #tpu.memory_space<vmem>>) offsets(%dma_start3A_483 : memref<128xi32, #tpu.memory_space<vmem>>) semaphore(%arg12 : memref<!tpu.dma_semaphore, #tpu.memory_space<semaphore_mem>>)
      %dma_wait3A_487 = arith.constant 15 : i32
      %dma_wait3A_488 = arith.constant 0 : i32
      %dma_wait3A_489 = tpu.memref_slice %arg6[%dma_wait3A_487, %dma_wait3A_488] : memref<16x128xi32, #tpu.memory_space<vmem>> -> memref<1x128xi32, #tpu.memory_space<vmem>>
      %dma_wait3A_490 = tpu.memref_squeeze %dma_wait3A_489 : memref<1x128xi32, #tpu.memory_space<vmem>> -> memref<128xi32, #tpu.memory_space<vmem>>
      %dma_wait3A_491 = arith.constant 0 : i32
      %dma_wait3A_492 = arith.constant 0 : i32
      %dma_wait3A_493 = tpu.memref_slice %arg2[%dma_wait3A_491, %dma_wait3A_492] : memref<10240x128xf32, #tpu.memory_space<hbm>> -> memref<10240x128xf32, #tpu.memory_space<hbm>>
      tpu.wait_indirect_dma semaphore(%arg12 : memref<!tpu.dma_semaphore, #tpu.memory_space<semaphore_mem>>) src(%dma_wait3A_493 : memref<10240x128xf32, #tpu.memory_space<hbm>>) dst(%arg9 : memref<128x128xf32, #tpu.memory_space<vmem>>)
      %dma_wait3A_494 = arith.constant 14 : i32
      %dma_wait3A_495 = arith.constant 0 : i32
      %dma_wait3A_496 = tpu.memref_slice %arg7[%dma_wait3A_494, %dma_wait3A_495] : memref<16x128xi32, #tpu.memory_space<vmem>> -> memref<1x128xi32, #tpu.memory_space<vmem>>
      %dma_wait3A_497 = tpu.memref_squeeze %dma_wait3A_496 : memref<1x128xi32, #tpu.memory_space<vmem>> -> memref<128xi32, #tpu.memory_space<vmem>>
      %dma_wait3A_498 = arith.constant 0 : i32
      %dma_wait3A_499 = arith.constant 0 : i32
      %dma_wait3A_500 = tpu.memref_slice %arg10[%dma_wait3A_498, %dma_wait3A_499] : memref<10240x128xf32, #tpu.memory_space<vmem_shared>> -> memref<10240x128xf32, #tpu.memory_space<vmem_shared>>
      tpu.wait_indirect_dma semaphore(%arg13 : memref<!tpu.dma_semaphore, #tpu.memory_space<semaphore_mem>>) src(%arg8 : memref<128x128xf32, #tpu.memory_space<vmem>>) dst(%dma_wait3A_500 : memref<10240x128xf32, #tpu.memory_space<vmem_shared>>)
      %dma_start3A_501 = arith.constant 15 : i32
      %dma_start3A_502 = arith.constant 0 : i32
      %dma_start3A_503 = tpu.memref_slice %arg7[%dma_start3A_501, %dma_start3A_502] : memref<16x128xi32, #tpu.memory_space<vmem>> -> memref<1x128xi32, #tpu.memory_space<vmem>>
      %dma_start3A_504 = tpu.memref_squeeze %dma_start3A_503 : memref<1x128xi32, #tpu.memory_space<vmem>> -> memref<128xi32, #tpu.memory_space<vmem>>
      %dma_start3A_505 = arith.constant 0 : i32
      %dma_start3A_506 = arith.constant 0 : i32
      %dma_start3A_507 = tpu.memref_slice %arg10[%dma_start3A_505, %dma_start3A_506] : memref<10240x128xf32, #tpu.memory_space<vmem_shared>> -> memref<10240x128xf32, #tpu.memory_space<vmem_shared>>
      tpu.enqueue_indirect_dma source(%arg9 : memref<128x128xf32, #tpu.memory_space<vmem>>) target(%dma_start3A_507 : memref<10240x128xf32, #tpu.memory_space<vmem_shared>>) offsets(%dma_start3A_504 : memref<128xi32, #tpu.memory_space<vmem>>) semaphore(%arg14 : memref<!tpu.dma_semaphore, #tpu.memory_space<semaphore_mem>>) {add = true}
      %dma_wait3A_508 = arith.constant 15 : i32
      %dma_wait3A_509 = arith.constant 0 : i32
      %dma_wait3A_510 = tpu.memref_slice %arg7[%dma_wait3A_508, %dma_wait3A_509] : memref<16x128xi32, #tpu.memory_space<vmem>> -> memref<1x128xi32, #tpu.memory_space<vmem>>
      %dma_wait3A_511 = tpu.memref_squeeze %dma_wait3A_510 : memref<1x128xi32, #tpu.memory_space<vmem>> -> memref<128xi32, #tpu.memory_space<vmem>>
      %dma_wait3A_512 = arith.constant 0 : i32
      %dma_wait3A_513 = arith.constant 0 : i32
      %dma_wait3A_514 = tpu.memref_slice %arg10[%dma_wait3A_512, %dma_wait3A_513] : memref<10240x128xf32, #tpu.memory_space<vmem_shared>> -> memref<10240x128xf32, #tpu.memory_space<vmem_shared>>
      tpu.wait_indirect_dma semaphore(%arg14 : memref<!tpu.dma_semaphore, #tpu.memory_space<semaphore_mem>>) src(%arg9 : memref<128x128xf32, #tpu.memory_space<vmem>>) dst(%dma_wait3A_514 : memref<10240x128xf32, #tpu.memory_space<vmem_shared>>)
      %while3A_515 = arith.constant 0 : i32
      scf.yield %while3A_515 : i32
    }
    %barrier3A_43 = arith.constant 0 : index
    tpu.barrier barrier_id(%barrier3A_43)
    %mul3A_44 = arith.constant 640 : i32
    %mul3A_45 = arith.muli %arg1, %mul3A_44 : i32
    %add3A_46 = arith.constant 0 : i32
    %add3A_47 = arith.addi %mul3A_45, %add3A_46 : i32
    "tpu.region"() ({
      %run_scoped3A = tpu.sem_alloc : memref<!tpu.dma_semaphore, #tpu.memory_space<semaphore_mem>>
      %dma_start3A = arith.constant 0 : i32
      %dma_start3A_64 = tpu.memref_slice %arg10[%add3A_47, %dma_start3A] : memref<10240x128xf32, #tpu.memory_space<vmem_shared>> -> memref<128x128xf32, #tpu.memory_space<vmem_shared>>
      %dma_start3A_65 = arith.constant 0 : i32
      %dma_start3A_66 = tpu.memref_slice %arg10[%add3A_47, %dma_start3A_65] : memref<10240x128xf32, #tpu.memory_space<vmem_shared>> -> memref<128x128xf32, #tpu.memory_space<vmem_shared>>
      tpu.enqueue_dma source(%dma_start3A_66 : memref<128x128xf32, #tpu.memory_space<vmem_shared>>) target(%arg8 : memref<128x128xf32, #tpu.memory_space<vmem>>) target_semaphore(%run_scoped3A : memref<!tpu.dma_semaphore, #tpu.memory_space<semaphore_mem>>)
      %dma_wait3A = arith.constant 0 : i32
      %dma_wait3A_67 = tpu.memref_slice %arg10[%add3A_47, %dma_wait3A] : memref<10240x128xf32, #tpu.memory_space<vmem_shared>> -> memref<128x128xf32, #tpu.memory_space<vmem_shared>>
      %dma_wait3A_68 = arith.constant 0 : i32
      %dma_wait3A_69 = tpu.memref_slice %arg10[%add3A_47, %dma_wait3A_68] : memref<10240x128xf32, #tpu.memory_space<vmem_shared>> -> memref<128x128xf32, #tpu.memory_space<vmem_shared>>
      tpu.wait_dma2 semaphore(%run_scoped3A : memref<!tpu.dma_semaphore, #tpu.memory_space<semaphore_mem>>) src(%dma_wait3A_69 : memref<128x128xf32, #tpu.memory_space<vmem_shared>>) dst(%arg8 : memref<128x128xf32, #tpu.memory_space<vmem>>)
      tpu.yield
    }) : () -> ()
    "tpu.region"() ({
      %run_scoped3A = tpu.sem_alloc : memref<!tpu.dma_semaphore, #tpu.memory_space<semaphore_mem>>
      %dma_start3A = arith.constant 0 : i32
      %dma_start3A_64 = tpu.memref_slice %arg5[%arg0, %add3A_47, %dma_start3A] : memref<2x10240x128xf32, #tpu.memory_space<hbm>> -> memref<1x128x128xf32, #tpu.memory_space<hbm>>
      %dma_start3A_65 = tpu.memref_squeeze %dma_start3A_64 : memref<1x128x128xf32, #tpu.memory_space<hbm>> -> memref<128x128xf32, #tpu.memory_space<hbm>>
      %dma_start3A_66 = arith.constant 0 : i32
      %dma_start3A_67 = tpu.memref_slice %arg5[%arg0, %add3A_47, %dma_start3A_66] : memref<2x10240x128xf32, #tpu.memory_space<hbm>> -> memref<1x128x128xf32, #tpu.memory_space<hbm>>
      %dma_start3A_68 = tpu.memref_squeeze %dma_start3A_67 : memref<1x128x128xf32, #tpu.memory_space<hbm>> -> memref<128x128xf32, #tpu.memory_space<hbm>>
      tpu.enqueue_dma source(%arg8 : memref<128x128xf32, #tpu.memory_space<vmem>>) target(%dma_start3A_68 : memref<128x128xf32, #tpu.memory_space<hbm>>) target_semaphore(%run_scoped3A : memref<!tpu.dma_semaphore, #tpu.memory_space<semaphore_mem>>)
      %dma_wait3A = arith.constant 0 : i32
      %dma_wait3A_69 = tpu.memref_slice %arg5[%arg0, %add3A_47, %dma_wait3A] : memref<2x10240x128xf32, #tpu.memory_space<hbm>> -> memref<1x128x128xf32, #tpu.memory_space<hbm>>
      %dma_wait3A_70 = tpu.memref_squeeze %dma_wait3A_69 : memref<1x128x128xf32, #tpu.memory_space<hbm>> -> memref<128x128xf32, #tpu.memory_space<hbm>>
      %dma_wait3A_71 = arith.constant 0 : i32
      %dma_wait3A_72 = tpu.memref_slice %arg5[%arg0, %add3A_47, %dma_wait3A_71] : memref<2x10240x128xf32, #tpu.memory_space<hbm>> -> memref<1x128x128xf32, #tpu.memory_space<hbm>>
      %dma_wait3A_73 = tpu.memref_squeeze %dma_wait3A_72 : memref<1x128x128xf32, #tpu.memory_space<hbm>> -> memref<128x128xf32, #tpu.memory_space<hbm>>
      tpu.wait_dma2 semaphore(%run_scoped3A : memref<!tpu.dma_semaphore, #tpu.memory_space<semaphore_mem>>) src(%arg8 : memref<128x128xf32, #tpu.memory_space<vmem>>) dst(%dma_wait3A_73 : memref<128x128xf32, #tpu.memory_space<hbm>>)
      tpu.yield
    }) : () -> ()
    %mul3A_48 = arith.constant 640 : i32
    %mul3A_49 = arith.muli %arg1, %mul3A_48 : i32
    %add3A_50 = arith.constant 128 : i32
    %add3A_51 = arith.addi %mul3A_49, %add3A_50 : i32
    "tpu.region"() ({
      %run_scoped3A = tpu.sem_alloc : memref<!tpu.dma_semaphore, #tpu.memory_space<semaphore_mem>>
      %dma_start3A = arith.constant 0 : i32
      %dma_start3A_64 = tpu.memref_slice %arg10[%add3A_51, %dma_start3A] : memref<10240x128xf32, #tpu.memory_space<vmem_shared>> -> memref<128x128xf32, #tpu.memory_space<vmem_shared>>
      %dma_start3A_65 = arith.constant 0 : i32
      %dma_start3A_66 = tpu.memref_slice %arg10[%add3A_51, %dma_start3A_65] : memref<10240x128xf32, #tpu.memory_space<vmem_shared>> -> memref<128x128xf32, #tpu.memory_space<vmem_shared>>
      tpu.enqueue_dma source(%dma_start3A_66 : memref<128x128xf32, #tpu.memory_space<vmem_shared>>) target(%arg8 : memref<128x128xf32, #tpu.memory_space<vmem>>) target_semaphore(%run_scoped3A : memref<!tpu.dma_semaphore, #tpu.memory_space<semaphore_mem>>)
      %dma_wait3A = arith.constant 0 : i32
      %dma_wait3A_67 = tpu.memref_slice %arg10[%add3A_51, %dma_wait3A] : memref<10240x128xf32, #tpu.memory_space<vmem_shared>> -> memref<128x128xf32, #tpu.memory_space<vmem_shared>>
      %dma_wait3A_68 = arith.constant 0 : i32
      %dma_wait3A_69 = tpu.memref_slice %arg10[%add3A_51, %dma_wait3A_68] : memref<10240x128xf32, #tpu.memory_space<vmem_shared>> -> memref<128x128xf32, #tpu.memory_space<vmem_shared>>
      tpu.wait_dma2 semaphore(%run_scoped3A : memref<!tpu.dma_semaphore, #tpu.memory_space<semaphore_mem>>) src(%dma_wait3A_69 : memref<128x128xf32, #tpu.memory_space<vmem_shared>>) dst(%arg8 : memref<128x128xf32, #tpu.memory_space<vmem>>)
      tpu.yield
    }) : () -> ()
    "tpu.region"() ({
      %run_scoped3A = tpu.sem_alloc : memref<!tpu.dma_semaphore, #tpu.memory_space<semaphore_mem>>
      %dma_start3A = arith.constant 0 : i32
      %dma_start3A_64 = tpu.memref_slice %arg5[%arg0, %add3A_51, %dma_start3A] : memref<2x10240x128xf32, #tpu.memory_space<hbm>> -> memref<1x128x128xf32, #tpu.memory_space<hbm>>
      %dma_start3A_65 = tpu.memref_squeeze %dma_start3A_64 : memref<1x128x128xf32, #tpu.memory_space<hbm>> -> memref<128x128xf32, #tpu.memory_space<hbm>>
      %dma_start3A_66 = arith.constant 0 : i32
      %dma_start3A_67 = tpu.memref_slice %arg5[%arg0, %add3A_51, %dma_start3A_66] : memref<2x10240x128xf32, #tpu.memory_space<hbm>> -> memref<1x128x128xf32, #tpu.memory_space<hbm>>
      %dma_start3A_68 = tpu.memref_squeeze %dma_start3A_67 : memref<1x128x128xf32, #tpu.memory_space<hbm>> -> memref<128x128xf32, #tpu.memory_space<hbm>>
      tpu.enqueue_dma source(%arg8 : memref<128x128xf32, #tpu.memory_space<vmem>>) target(%dma_start3A_68 : memref<128x128xf32, #tpu.memory_space<hbm>>) target_semaphore(%run_scoped3A : memref<!tpu.dma_semaphore, #tpu.memory_space<semaphore_mem>>)
      %dma_wait3A = arith.constant 0 : i32
      %dma_wait3A_69 = tpu.memref_slice %arg5[%arg0, %add3A_51, %dma_wait3A] : memref<2x10240x128xf32, #tpu.memory_space<hbm>> -> memref<1x128x128xf32, #tpu.memory_space<hbm>>
      %dma_wait3A_70 = tpu.memref_squeeze %dma_wait3A_69 : memref<1x128x128xf32, #tpu.memory_space<hbm>> -> memref<128x128xf32, #tpu.memory_space<hbm>>
      %dma_wait3A_71 = arith.constant 0 : i32
      %dma_wait3A_72 = tpu.memref_slice %arg5[%arg0, %add3A_51, %dma_wait3A_71] : memref<2x10240x128xf32, #tpu.memory_space<hbm>> -> memref<1x128x128xf32, #tpu.memory_space<hbm>>
      %dma_wait3A_73 = tpu.memref_squeeze %dma_wait3A_72 : memref<1x128x128xf32, #tpu.memory_space<hbm>> -> memref<128x128xf32, #tpu.memory_space<hbm>>
      tpu.wait_dma2 semaphore(%run_scoped3A : memref<!tpu.dma_semaphore, #tpu.memory_space<semaphore_mem>>) src(%arg8 : memref<128x128xf32, #tpu.memory_space<vmem>>) dst(%dma_wait3A_73 : memref<128x128xf32, #tpu.memory_space<hbm>>)
      tpu.yield
    }) : () -> ()
    %mul3A_52 = arith.constant 640 : i32
    %mul3A_53 = arith.muli %arg1, %mul3A_52 : i32
    %add3A_54 = arith.constant 256 : i32
    %add3A_55 = arith.addi %mul3A_53, %add3A_54 : i32
    "tpu.region"() ({
      %run_scoped3A = tpu.sem_alloc : memref<!tpu.dma_semaphore, #tpu.memory_space<semaphore_mem>>
      %dma_start3A = arith.constant 0 : i32
      %dma_start3A_64 = tpu.memref_slice %arg10[%add3A_55, %dma_start3A] : memref<10240x128xf32, #tpu.memory_space<vmem_shared>> -> memref<128x128xf32, #tpu.memory_space<vmem_shared>>
      %dma_start3A_65 = arith.constant 0 : i32
      %dma_start3A_66 = tpu.memref_slice %arg10[%add3A_55, %dma_start3A_65] : memref<10240x128xf32, #tpu.memory_space<vmem_shared>> -> memref<128x128xf32, #tpu.memory_space<vmem_shared>>
      tpu.enqueue_dma source(%dma_start3A_66 : memref<128x128xf32, #tpu.memory_space<vmem_shared>>) target(%arg8 : memref<128x128xf32, #tpu.memory_space<vmem>>) target_semaphore(%run_scoped3A : memref<!tpu.dma_semaphore, #tpu.memory_space<semaphore_mem>>)
      %dma_wait3A = arith.constant 0 : i32
      %dma_wait3A_67 = tpu.memref_slice %arg10[%add3A_55, %dma_wait3A] : memref<10240x128xf32, #tpu.memory_space<vmem_shared>> -> memref<128x128xf32, #tpu.memory_space<vmem_shared>>
      %dma_wait3A_68 = arith.constant 0 : i32
      %dma_wait3A_69 = tpu.memref_slice %arg10[%add3A_55, %dma_wait3A_68] : memref<10240x128xf32, #tpu.memory_space<vmem_shared>> -> memref<128x128xf32, #tpu.memory_space<vmem_shared>>
      tpu.wait_dma2 semaphore(%run_scoped3A : memref<!tpu.dma_semaphore, #tpu.memory_space<semaphore_mem>>) src(%dma_wait3A_69 : memref<128x128xf32, #tpu.memory_space<vmem_shared>>) dst(%arg8 : memref<128x128xf32, #tpu.memory_space<vmem>>)
      tpu.yield
    }) : () -> ()
    "tpu.region"() ({
      %run_scoped3A = tpu.sem_alloc : memref<!tpu.dma_semaphore, #tpu.memory_space<semaphore_mem>>
      %dma_start3A = arith.constant 0 : i32
      %dma_start3A_64 = tpu.memref_slice %arg5[%arg0, %add3A_55, %dma_start3A] : memref<2x10240x128xf32, #tpu.memory_space<hbm>> -> memref<1x128x128xf32, #tpu.memory_space<hbm>>
      %dma_start3A_65 = tpu.memref_squeeze %dma_start3A_64 : memref<1x128x128xf32, #tpu.memory_space<hbm>> -> memref<128x128xf32, #tpu.memory_space<hbm>>
      %dma_start3A_66 = arith.constant 0 : i32
      %dma_start3A_67 = tpu.memref_slice %arg5[%arg0, %add3A_55, %dma_start3A_66] : memref<2x10240x128xf32, #tpu.memory_space<hbm>> -> memref<1x128x128xf32, #tpu.memory_space<hbm>>
      %dma_start3A_68 = tpu.memref_squeeze %dma_start3A_67 : memref<1x128x128xf32, #tpu.memory_space<hbm>> -> memref<128x128xf32, #tpu.memory_space<hbm>>
      tpu.enqueue_dma source(%arg8 : memref<128x128xf32, #tpu.memory_space<vmem>>) target(%dma_start3A_68 : memref<128x128xf32, #tpu.memory_space<hbm>>) target_semaphore(%run_scoped3A : memref<!tpu.dma_semaphore, #tpu.memory_space<semaphore_mem>>)
      %dma_wait3A = arith.constant 0 : i32
      %dma_wait3A_69 = tpu.memref_slice %arg5[%arg0, %add3A_55, %dma_wait3A] : memref<2x10240x128xf32, #tpu.memory_space<hbm>> -> memref<1x128x128xf32, #tpu.memory_space<hbm>>
      %dma_wait3A_70 = tpu.memref_squeeze %dma_wait3A_69 : memref<1x128x128xf32, #tpu.memory_space<hbm>> -> memref<128x128xf32, #tpu.memory_space<hbm>>
      %dma_wait3A_71 = arith.constant 0 : i32
      %dma_wait3A_72 = tpu.memref_slice %arg5[%arg0, %add3A_55, %dma_wait3A_71] : memref<2x10240x128xf32, #tpu.memory_space<hbm>> -> memref<1x128x128xf32, #tpu.memory_space<hbm>>
      %dma_wait3A_73 = tpu.memref_squeeze %dma_wait3A_72 : memref<1x128x128xf32, #tpu.memory_space<hbm>> -> memref<128x128xf32, #tpu.memory_space<hbm>>
      tpu.wait_dma2 semaphore(%run_scoped3A : memref<!tpu.dma_semaphore, #tpu.memory_space<semaphore_mem>>) src(%arg8 : memref<128x128xf32, #tpu.memory_space<vmem>>) dst(%dma_wait3A_73 : memref<128x128xf32, #tpu.memory_space<hbm>>)
      tpu.yield
    }) : () -> ()
    %mul3A_56 = arith.constant 640 : i32
    %mul3A_57 = arith.muli %arg1, %mul3A_56 : i32
    %add3A_58 = arith.constant 384 : i32
    %add3A_59 = arith.addi %mul3A_57, %add3A_58 : i32
    "tpu.region"() ({
      %run_scoped3A = tpu.sem_alloc : memref<!tpu.dma_semaphore, #tpu.memory_space<semaphore_mem>>
      %dma_start3A = arith.constant 0 : i32
      %dma_start3A_64 = tpu.memref_slice %arg10[%add3A_59, %dma_start3A] : memref<10240x128xf32, #tpu.memory_space<vmem_shared>> -> memref<128x128xf32, #tpu.memory_space<vmem_shared>>
      %dma_start3A_65 = arith.constant 0 : i32
      %dma_start3A_66 = tpu.memref_slice %arg10[%add3A_59, %dma_start3A_65] : memref<10240x128xf32, #tpu.memory_space<vmem_shared>> -> memref<128x128xf32, #tpu.memory_space<vmem_shared>>
      tpu.enqueue_dma source(%dma_start3A_66 : memref<128x128xf32, #tpu.memory_space<vmem_shared>>) target(%arg8 : memref<128x128xf32, #tpu.memory_space<vmem>>) target_semaphore(%run_scoped3A : memref<!tpu.dma_semaphore, #tpu.memory_space<semaphore_mem>>)
      %dma_wait3A = arith.constant 0 : i32
      %dma_wait3A_67 = tpu.memref_slice %arg10[%add3A_59, %dma_wait3A] : memref<10240x128xf32, #tpu.memory_space<vmem_shared>> -> memref<128x128xf32, #tpu.memory_space<vmem_shared>>
      %dma_wait3A_68 = arith.constant 0 : i32
      %dma_wait3A_69 = tpu.memref_slice %arg10[%add3A_59, %dma_wait3A_68] : memref<10240x128xf32, #tpu.memory_space<vmem_shared>> -> memref<128x128xf32, #tpu.memory_space<vmem_shared>>
      tpu.wait_dma2 semaphore(%run_scoped3A : memref<!tpu.dma_semaphore, #tpu.memory_space<semaphore_mem>>) src(%dma_wait3A_69 : memref<128x128xf32, #tpu.memory_space<vmem_shared>>) dst(%arg8 : memref<128x128xf32, #tpu.memory_space<vmem>>)
      tpu.yield
    }) : () -> ()
    "tpu.region"() ({
      %run_scoped3A = tpu.sem_alloc : memref<!tpu.dma_semaphore, #tpu.memory_space<semaphore_mem>>
      %dma_start3A = arith.constant 0 : i32
      %dma_start3A_64 = tpu.memref_slice %arg5[%arg0, %add3A_59, %dma_start3A] : memref<2x10240x128xf32, #tpu.memory_space<hbm>> -> memref<1x128x128xf32, #tpu.memory_space<hbm>>
      %dma_start3A_65 = tpu.memref_squeeze %dma_start3A_64 : memref<1x128x128xf32, #tpu.memory_space<hbm>> -> memref<128x128xf32, #tpu.memory_space<hbm>>
      %dma_start3A_66 = arith.constant 0 : i32
      %dma_start3A_67 = tpu.memref_slice %arg5[%arg0, %add3A_59, %dma_start3A_66] : memref<2x10240x128xf32, #tpu.memory_space<hbm>> -> memref<1x128x128xf32, #tpu.memory_space<hbm>>
      %dma_start3A_68 = tpu.memref_squeeze %dma_start3A_67 : memref<1x128x128xf32, #tpu.memory_space<hbm>> -> memref<128x128xf32, #tpu.memory_space<hbm>>
      tpu.enqueue_dma source(%arg8 : memref<128x128xf32, #tpu.memory_space<vmem>>) target(%dma_start3A_68 : memref<128x128xf32, #tpu.memory_space<hbm>>) target_semaphore(%run_scoped3A : memref<!tpu.dma_semaphore, #tpu.memory_space<semaphore_mem>>)
      %dma_wait3A = arith.constant 0 : i32
      %dma_wait3A_69 = tpu.memref_slice %arg5[%arg0, %add3A_59, %dma_wait3A] : memref<2x10240x128xf32, #tpu.memory_space<hbm>> -> memref<1x128x128xf32, #tpu.memory_space<hbm>>
      %dma_wait3A_70 = tpu.memref_squeeze %dma_wait3A_69 : memref<1x128x128xf32, #tpu.memory_space<hbm>> -> memref<128x128xf32, #tpu.memory_space<hbm>>
      %dma_wait3A_71 = arith.constant 0 : i32
      %dma_wait3A_72 = tpu.memref_slice %arg5[%arg0, %add3A_59, %dma_wait3A_71] : memref<2x10240x128xf32, #tpu.memory_space<hbm>> -> memref<1x128x128xf32, #tpu.memory_space<hbm>>
      %dma_wait3A_73 = tpu.memref_squeeze %dma_wait3A_72 : memref<1x128x128xf32, #tpu.memory_space<hbm>> -> memref<128x128xf32, #tpu.memory_space<hbm>>
      tpu.wait_dma2 semaphore(%run_scoped3A : memref<!tpu.dma_semaphore, #tpu.memory_space<semaphore_mem>>) src(%arg8 : memref<128x128xf32, #tpu.memory_space<vmem>>) dst(%dma_wait3A_73 : memref<128x128xf32, #tpu.memory_space<hbm>>)
      tpu.yield
    }) : () -> ()
    %mul3A_60 = arith.constant 640 : i32
    %mul3A_61 = arith.muli %arg1, %mul3A_60 : i32
    %add3A_62 = arith.constant 512 : i32
    %add3A_63 = arith.addi %mul3A_61, %add3A_62 : i32
    "tpu.region"() ({
      %run_scoped3A = tpu.sem_alloc : memref<!tpu.dma_semaphore, #tpu.memory_space<semaphore_mem>>
      %dma_start3A = arith.constant 0 : i32
      %dma_start3A_64 = tpu.memref_slice %arg10[%add3A_63, %dma_start3A] : memref<10240x128xf32, #tpu.memory_space<vmem_shared>> -> memref<128x128xf32, #tpu.memory_space<vmem_shared>>
      %dma_start3A_65 = arith.constant 0 : i32
      %dma_start3A_66 = tpu.memref_slice %arg10[%add3A_63, %dma_start3A_65] : memref<10240x128xf32, #tpu.memory_space<vmem_shared>> -> memref<128x128xf32, #tpu.memory_space<vmem_shared>>
      tpu.enqueue_dma source(%dma_start3A_66 : memref<128x128xf32, #tpu.memory_space<vmem_shared>>) target(%arg8 : memref<128x128xf32, #tpu.memory_space<vmem>>) target_semaphore(%run_scoped3A : memref<!tpu.dma_semaphore, #tpu.memory_space<semaphore_mem>>)
      %dma_wait3A = arith.constant 0 : i32
      %dma_wait3A_67 = tpu.memref_slice %arg10[%add3A_63, %dma_wait3A] : memref<10240x128xf32, #tpu.memory_space<vmem_shared>> -> memref<128x128xf32, #tpu.memory_space<vmem_shared>>
      %dma_wait3A_68 = arith.constant 0 : i32
      %dma_wait3A_69 = tpu.memref_slice %arg10[%add3A_63, %dma_wait3A_68] : memref<10240x128xf32, #tpu.memory_space<vmem_shared>> -> memref<128x128xf32, #tpu.memory_space<vmem_shared>>
      tpu.wait_dma2 semaphore(%run_scoped3A : memref<!tpu.dma_semaphore, #tpu.memory_space<semaphore_mem>>) src(%dma_wait3A_69 : memref<128x128xf32, #tpu.memory_space<vmem_shared>>) dst(%arg8 : memref<128x128xf32, #tpu.memory_space<vmem>>)
      tpu.yield
    }) : () -> ()
    "tpu.region"() ({
      %run_scoped3A = tpu.sem_alloc : memref<!tpu.dma_semaphore, #tpu.memory_space<semaphore_mem>>
      %dma_start3A = arith.constant 0 : i32
      %dma_start3A_64 = tpu.memref_slice %arg5[%arg0, %add3A_63, %dma_start3A] : memref<2x10240x128xf32, #tpu.memory_space<hbm>> -> memref<1x128x128xf32, #tpu.memory_space<hbm>>
      %dma_start3A_65 = tpu.memref_squeeze %dma_start3A_64 : memref<1x128x128xf32, #tpu.memory_space<hbm>> -> memref<128x128xf32, #tpu.memory_space<hbm>>
      %dma_start3A_66 = arith.constant 0 : i32
      %dma_start3A_67 = tpu.memref_slice %arg5[%arg0, %add3A_63, %dma_start3A_66] : memref<2x10240x128xf32, #tpu.memory_space<hbm>> -> memref<1x128x128xf32, #tpu.memory_space<hbm>>
      %dma_start3A_68 = tpu.memref_squeeze %dma_start3A_67 : memref<1x128x128xf32, #tpu.memory_space<hbm>> -> memref<128x128xf32, #tpu.memory_space<hbm>>
      tpu.enqueue_dma source(%arg8 : memref<128x128xf32, #tpu.memory_space<vmem>>) target(%dma_start3A_68 : memref<128x128xf32, #tpu.memory_space<hbm>>) target_semaphore(%run_scoped3A : memref<!tpu.dma_semaphore, #tpu.memory_space<semaphore_mem>>)
      %dma_wait3A = arith.constant 0 : i32
      %dma_wait3A_69 = tpu.memref_slice %arg5[%arg0, %add3A_63, %dma_wait3A] : memref<2x10240x128xf32, #tpu.memory_space<hbm>> -> memref<1x128x128xf32, #tpu.memory_space<hbm>>
      %dma_wait3A_70 = tpu.memref_squeeze %dma_wait3A_69 : memref<1x128x128xf32, #tpu.memory_space<hbm>> -> memref<128x128xf32, #tpu.memory_space<hbm>>
      %dma_wait3A_71 = arith.constant 0 : i32
      %dma_wait3A_72 = tpu.memref_slice %arg5[%arg0, %add3A_63, %dma_wait3A_71] : memref<2x10240x128xf32, #tpu.memory_space<hbm>> -> memref<1x128x128xf32, #tpu.memory_space<hbm>>
      %dma_wait3A_73 = tpu.memref_squeeze %dma_wait3A_72 : memref<1x128x128xf32, #tpu.memory_space<hbm>> -> memref<128x128xf32, #tpu.memory_space<hbm>>
      tpu.wait_dma2 semaphore(%run_scoped3A : memref<!tpu.dma_semaphore, #tpu.memory_space<semaphore_mem>>) src(%arg8 : memref<128x128xf32, #tpu.memory_space<vmem>>) dst(%dma_wait3A_73 : memref<128x128xf32, #tpu.memory_space<hbm>>)
      tpu.yield
    }) : () -> ()
    return
  }
}

#map = affine_map<(d0, d1) -> (0, 0, 0)>
#map1 = affine_map<(d0, d1) -> (0, 0)>
module attributes {stable_mosaic.version = 14 : i64} {
  func.func @body(%arg0: i32, %arg1: i32, %arg2: memref<32x80x128xi32, #tpu.memory_space<hbm>>, %arg3: memref<32x10240xf32, #tpu.memory_space<hbm>>, %arg4: memref<16x128xi32, #tpu.memory_space<vmem>>, %arg5: memref<10240xf32, #tpu.memory_space<vmem>>) attributes {dimension_semantics = [#tpu.dimension_semantics<core_parallel>, #tpu.dimension_semantics<subcore_parallel>], iteration_bounds = array<i64: 2, 16>, scalar_prefetch = 0 : i64, scratch_operands = 2 : i64, tpu.core_type = #tpu.core_type<sc_vector_subcore>, window_params = [{transform_indices = #map}, {transform_indices = #map1}]} {
    %mul3A = arith.constant 2 : i32
    %mul3A_0 = arith.muli %arg1, %mul3A : i32
    %add3A = arith.addi %mul3A_0, %arg0 : i32
    %broadcast_in_dim3A = arith.constant 0.000000e+00 : f32
    %broadcast_in_dim3A_1 = vector.broadcast %broadcast_in_dim3A : f32 to vector<16xf32>
    %broadcast_in_dim3A_2 = arith.constant 1.000000e+00 : f32
    %broadcast_in_dim3A_3 = vector.broadcast %broadcast_in_dim3A_2 : f32 to vector<16xf32>
    %scan3A = arith.constant 0 : i32
    %scan3A_4 = arith.constant 0 : i32
    %scan3A_5 = arith.constant 640 : i32
    %scan3A_6 = arith.addi %scan3A_4, %scan3A_5 : i32
    %scan3A_7 = arith.constant 1 : i32
    %scan3A_8 = scf.for %scan3A_17 = %scan3A_4 to %scan3A_6 step %scan3A_7 iter_args(%scan3A_18 = %scan3A) -> (i32)  : i32 {
      %mul3A_19 = arith.constant 16 : i32
      %mul3A_20 = arith.muli %scan3A_17, %mul3A_19 : i32
      %swap3A = arith.index_cast %mul3A_20 : i32 to index
      %swap3A_21 = tpu.vector_load %arg5[%swap3A] {strides = array<i32>} : memref<10240xf32, #tpu.memory_space<vmem>>, vector<16xf32>,
      tpu.vector_store %arg5[%swap3A], %broadcast_in_dim3A_1 {strides = array<i32>} : memref<10240xf32, #tpu.memory_space<vmem>>, vector<16xf32>,
      %scan3A_22 = arith.constant 0 : i32
      scf.yield %scan3A_22 : i32
    }
    %scan3A_9 = arith.constant 640 : i32
    %scan3A_10 = arith.constant 0 : i32
    %scan3A_11 = arith.constant 0 : i32
    %scan3A_12 = arith.constant 5 : i32
    %scan3A_13 = arith.addi %scan3A_11, %scan3A_12 : i32
    %scan3A_14 = arith.constant 1 : i32
    %scan3A_15 = scf.for %scan3A_17 = %scan3A_11 to %scan3A_13 step %scan3A_14 iter_args(%scan3A_18 = %scan3A_10) -> (i32)  : i32 {
      %mul3A_19 = arith.constant 16 : i32
      %mul3A_20 = arith.muli %scan3A_17, %mul3A_19 : i32
      "tpu.region"() ({
        %run_scoped3A = tpu.sem_alloc : memref<!tpu.dma_semaphore, #tpu.memory_space<semaphore_mem>>
        %dma_start3A = arith.constant 0 : i32
        %dma_start3A_29 = tpu.memref_slice %arg2[%add3A, %mul3A_20, %dma_start3A] : memref<32x80x128xi32, #tpu.memory_space<hbm>> -> memref<1x16x128xi32, #tpu.memory_space<hbm>>
        %dma_start3A_30 = tpu.memref_squeeze %dma_start3A_29 : memref<1x16x128xi32, #tpu.memory_space<hbm>> -> memref<16x128xi32, #tpu.memory_space<hbm>>
        %dma_start3A_31 = arith.constant 0 : i32
        %dma_start3A_32 = tpu.memref_slice %arg2[%add3A, %mul3A_20, %dma_start3A_31] : memref<32x80x128xi32, #tpu.memory_space<hbm>> -> memref<1x16x128xi32, #tpu.memory_space<hbm>>
        %dma_start3A_33 = tpu.memref_squeeze %dma_start3A_32 : memref<1x16x128xi32, #tpu.memory_space<hbm>> -> memref<16x128xi32, #tpu.memory_space<hbm>>
        tpu.enqueue_dma source(%dma_start3A_33 : memref<16x128xi32, #tpu.memory_space<hbm>>) target(%arg4 : memref<16x128xi32, #tpu.memory_space<vmem>>) target_semaphore(%run_scoped3A : memref<!tpu.dma_semaphore, #tpu.memory_space<semaphore_mem>>)
        %dma_wait3A = arith.constant 0 : i32
        %dma_wait3A_34 = tpu.memref_slice %arg2[%add3A, %mul3A_20, %dma_wait3A] : memref<32x80x128xi32, #tpu.memory_space<hbm>> -> memref<1x16x128xi32, #tpu.memory_space<hbm>>
        %dma_wait3A_35 = tpu.memref_squeeze %dma_wait3A_34 : memref<1x16x128xi32, #tpu.memory_space<hbm>> -> memref<16x128xi32, #tpu.memory_space<hbm>>
        %dma_wait3A_36 = arith.constant 0 : i32
        %dma_wait3A_37 = tpu.memref_slice %arg2[%add3A, %mul3A_20, %dma_wait3A_36] : memref<32x80x128xi32, #tpu.memory_space<hbm>> -> memref<1x16x128xi32, #tpu.memory_space<hbm>>
        %dma_wait3A_38 = tpu.memref_squeeze %dma_wait3A_37 : memref<1x16x128xi32, #tpu.memory_space<hbm>> -> memref<16x128xi32, #tpu.memory_space<hbm>>
        tpu.wait_dma2 semaphore(%run_scoped3A : memref<!tpu.dma_semaphore, #tpu.memory_space<semaphore_mem>>) src(%dma_wait3A_38 : memref<16x128xi32, #tpu.memory_space<hbm>>) dst(%arg4 : memref<16x128xi32, #tpu.memory_space<vmem>>)
        tpu.yield
      }) : () -> ()
      %scan3A_21 = arith.constant 0 : i32
      %scan3A_22 = arith.constant 0 : i32
      %scan3A_23 = arith.constant 16 : i32
      %scan3A_24 = arith.addi %scan3A_22, %scan3A_23 : i32
      %scan3A_25 = arith.constant 1 : i32
      %scan3A_26 = scf.for %scan3A_29 = %scan3A_22 to %scan3A_24 step %scan3A_25 iter_args(%scan3A_30 = %scan3A_21) -> (i32)  : i32 {
        %get3A = arith.index_cast %scan3A_29 : i32 to index
        %get3A_31 = arith.constant 0 : index
        %get3A_32 = tpu.vector_load %arg4[%get3A, %get3A_31] {strides = array<i32>} : memref<16x128xi32, #tpu.memory_space<vmem>>, vector<16xi32>,
        tpu.vector_store_idx %arg5[%get3A_32], %broadcast_in_dim3A_3 {add = true} : memref<10240xf32, #tpu.memory_space<vmem>>[vector<16xi32>], vector<16xf32>,
        %get3A_33 = arith.index_cast %scan3A_29 : i32 to index
        %get3A_34 = arith.constant 16 : index
        %get3A_35 = tpu.vector_load %arg4[%get3A_33, %get3A_34] {strides = array<i32>} : memref<16x128xi32, #tpu.memory_space<vmem>>, vector<16xi32>,
        tpu.vector_store_idx %arg5[%get3A_35], %broadcast_in_dim3A_3 {add = true} : memref<10240xf32, #tpu.memory_space<vmem>>[vector<16xi32>], vector<16xf32>,
        %get3A_36 = arith.index_cast %scan3A_29 : i32 to index
        %get3A_37 = arith.constant 32 : index
        %get3A_38 = tpu.vector_load %arg4[%get3A_36, %get3A_37] {strides = array<i32>} : memref<16x128xi32, #tpu.memory_space<vmem>>, vector<16xi32>,
        tpu.vector_store_idx %arg5[%get3A_38], %broadcast_in_dim3A_3 {add = true} : memref<10240xf32, #tpu.memory_space<vmem>>[vector<16xi32>], vector<16xf32>,
        %get3A_39 = arith.index_cast %scan3A_29 : i32 to index
        %get3A_40 = arith.constant 48 : index
        %get3A_41 = tpu.vector_load %arg4[%get3A_39, %get3A_40] {strides = array<i32>} : memref<16x128xi32, #tpu.memory_space<vmem>>, vector<16xi32>,
        tpu.vector_store_idx %arg5[%get3A_41], %broadcast_in_dim3A_3 {add = true} : memref<10240xf32, #tpu.memory_space<vmem>>[vector<16xi32>], vector<16xf32>,
        %get3A_42 = arith.index_cast %scan3A_29 : i32 to index
        %get3A_43 = arith.constant 64 : index
        %get3A_44 = tpu.vector_load %arg4[%get3A_42, %get3A_43] {strides = array<i32>} : memref<16x128xi32, #tpu.memory_space<vmem>>, vector<16xi32>,
        tpu.vector_store_idx %arg5[%get3A_44], %broadcast_in_dim3A_3 {add = true} : memref<10240xf32, #tpu.memory_space<vmem>>[vector<16xi32>], vector<16xf32>,
        %get3A_45 = arith.index_cast %scan3A_29 : i32 to index
        %get3A_46 = arith.constant 80 : index
        %get3A_47 = tpu.vector_load %arg4[%get3A_45, %get3A_46] {strides = array<i32>} : memref<16x128xi32, #tpu.memory_space<vmem>>, vector<16xi32>,
        tpu.vector_store_idx %arg5[%get3A_47], %broadcast_in_dim3A_3 {add = true} : memref<10240xf32, #tpu.memory_space<vmem>>[vector<16xi32>], vector<16xf32>,
        %get3A_48 = arith.index_cast %scan3A_29 : i32 to index
        %get3A_49 = arith.constant 96 : index
        %get3A_50 = tpu.vector_load %arg4[%get3A_48, %get3A_49] {strides = array<i32>} : memref<16x128xi32, #tpu.memory_space<vmem>>, vector<16xi32>,
        tpu.vector_store_idx %arg5[%get3A_50], %broadcast_in_dim3A_3 {add = true} : memref<10240xf32, #tpu.memory_space<vmem>>[vector<16xi32>], vector<16xf32>,
        %get3A_51 = arith.index_cast %scan3A_29 : i32 to index
        %get3A_52 = arith.constant 112 : index
        %get3A_53 = tpu.vector_load %arg4[%get3A_51, %get3A_52] {strides = array<i32>} : memref<16x128xi32, #tpu.memory_space<vmem>>, vector<16xi32>,
        tpu.vector_store_idx %arg5[%get3A_53], %broadcast_in_dim3A_3 {add = true} : memref<10240xf32, #tpu.memory_space<vmem>>[vector<16xi32>], vector<16xf32>,
        %scan3A_54 = arith.constant 0 : i32
        scf.yield %scan3A_54 : i32
      }
      %scan3A_27 = arith.constant 16 : i32
      %scan3A_28 = arith.constant 0 : i32
      scf.yield %scan3A_28 : i32
    }
    %scan3A_16 = arith.constant 5 : i32
    "tpu.region"() ({
      %run_scoped3A = tpu.sem_alloc : memref<!tpu.dma_semaphore, #tpu.memory_space<semaphore_mem>>
      %dma_start3A = arith.constant 0 : i32
      %dma_start3A_17 = tpu.memref_slice %arg3[%add3A, %dma_start3A] : memref<32x10240xf32, #tpu.memory_space<hbm>> -> memref<1x10240xf32, #tpu.memory_space<hbm>>
      %dma_start3A_18 = tpu.memref_squeeze %dma_start3A_17 : memref<1x10240xf32, #tpu.memory_space<hbm>> -> memref<10240xf32, #tpu.memory_space<hbm>>
      %dma_start3A_19 = arith.constant 0 : i32
      %dma_start3A_20 = tpu.memref_slice %arg3[%add3A, %dma_start3A_19] : memref<32x10240xf32, #tpu.memory_space<hbm>> -> memref<1x10240xf32, #tpu.memory_space<hbm>>
      %dma_start3A_21 = tpu.memref_squeeze %dma_start3A_20 : memref<1x10240xf32, #tpu.memory_space<hbm>> -> memref<10240xf32, #tpu.memory_space<hbm>>
      tpu.enqueue_dma source(%arg5 : memref<10240xf32, #tpu.memory_space<vmem>>) target(%dma_start3A_21 : memref<10240xf32, #tpu.memory_space<hbm>>) target_semaphore(%run_scoped3A : memref<!tpu.dma_semaphore, #tpu.memory_space<semaphore_mem>>)
      %dma_wait3A = arith.constant 0 : i32
      %dma_wait3A_22 = tpu.memref_slice %arg3[%add3A, %dma_wait3A] : memref<32x10240xf32, #tpu.memory_space<hbm>> -> memref<1x10240xf32, #tpu.memory_space<hbm>>
      %dma_wait3A_23 = tpu.memref_squeeze %dma_wait3A_22 : memref<1x10240xf32, #tpu.memory_space<hbm>> -> memref<10240xf32, #tpu.memory_space<hbm>>
      %dma_wait3A_24 = arith.constant 0 : i32
      %dma_wait3A_25 = tpu.memref_slice %arg3[%add3A, %dma_wait3A_24] : memref<32x10240xf32, #tpu.memory_space<hbm>> -> memref<1x10240xf32, #tpu.memory_space<hbm>>
      %dma_wait3A_26 = tpu.memref_squeeze %dma_wait3A_25 : memref<1x10240xf32, #tpu.memory_space<hbm>> -> memref<10240xf32, #tpu.memory_space<hbm>>
      tpu.wait_dma2 semaphore(%run_scoped3A : memref<!tpu.dma_semaphore, #tpu.memory_space<semaphore_mem>>) src(%arg5 : memref<10240xf32, #tpu.memory_space<vmem>>) dst(%dma_wait3A_26 : memref<10240xf32, #tpu.memory_space<hbm>>)
      tpu.yield
    }) : () -> ()
    return
  }
}

#map = affine_map<(d0, d1) -> (0, 0)>
#map1 = affine_map<(d0, d1) -> (0, 0, 0)>
module attributes {stable_mosaic.version = 14 : i64} {
  func.func @body(%arg0: i32, %arg1: i32, %arg2: memref<10000x128xf32, #tpu.memory_space<hbm>>, %arg3: memref<2560x128xi32, #tpu.memory_space<hbm>>, %arg4: memref<2560x128xi32, #tpu.memory_space<hbm>>, %arg5: memref<2x10240x128xf32, #tpu.memory_space<hbm>>, %arg6: memref<16x128xi32, #tpu.memory_space<vmem>>, %arg7: memref<16x128xi32, #tpu.memory_space<vmem>>, %arg8: memref<128x128xf32, #tpu.memory_space<vmem>>, %arg9: memref<128x128xf32, #tpu.memory_space<vmem>>, %arg10: memref<10240x128xf32, #tpu.memory_space<vmem_shared>>, %arg11: memref<!tpu.dma_semaphore, #tpu.memory_space<semaphore_mem>>, %arg12: memref<!tpu.dma_semaphore, #tpu.memory_space<semaphore_mem>>, %arg13: memref<!tpu.dma_semaphore, #tpu.memory_space<semaphore_mem>>, %arg14: memref<!tpu.dma_semaphore, #tpu.memory_space<semaphore_mem>>) attributes {dimension_semantics = [#tpu.dimension_semantics<core_parallel>, #tpu.dimension_semantics<subcore_parallel>], iteration_bounds = array<i64: 2, 16>, scalar_prefetch = 0 : i64, scratch_operands = 9 : i64, tpu.core_type = #tpu.core_type<sc_vector_subcore>, window_params = [{transform_indices = #map}, {transform_indices = #map}, {transform_indices = #map}, {transform_indices = #map1}]} {
    %mul3A = arith.constant 160 : i32
    %mul3A_0 = arith.muli %arg1, %mul3A : i32
    %mul3A_1 = arith.constant 112 : i32
    %mul3A_2 = arith.muli %arg0, %mul3A_1 : i32
    %add3A = arith.addi %mul3A_0, %mul3A_2 : i32
    %eq3A = arith.constant 0 : i32
    %eq3A_3 = arith.cmpi eq, %arg0, %eq3A : i32
    %jit3A = arith.constant 7 : i32
    %jit3A_4 = arith.constant 3 : i32
    %select_n3A = arith.select %eq3A_3, %jit3A, %jit3A_4 : i32
    %broadcast_in_dim3A = arith.constant 0.000000e+00 : f32
    %broadcast_in_dim3A_5 = vector.broadcast %broadcast_in_dim3A : f32 to vector<16xf32>
    %scan3A = arith.constant 0 : i32
    %scan3A_6 = arith.constant 0 : i32
    %scan3A_7 = arith.constant 128 : i32
    %scan3A_8 = arith.addi %scan3A_6, %scan3A_7 : i32
    %scan3A_9 = arith.constant 1 : i32
    %scan3A_10 = scf.for %scan3A_64 = %scan3A_6 to %scan3A_8 step %scan3A_9 iter_args(%scan3A_65 = %scan3A) -> (i32)  : i32 {
      %scan3A_66 = arith.constant 0 : i32
      %scan3A_67 = arith.constant 0 : i32
      %scan3A_68 = arith.constant 8 : i32
      %scan3A_69 = arith.addi %scan3A_67, %scan3A_68 : i32
      %scan3A_70 = arith.constant 1 : i32
      %scan3A_71 = scf.for %scan3A_74 = %scan3A_67 to %scan3A_69 step %scan3A_70 iter_args(%scan3A_75 = %scan3A_66) -> (i32)  : i32 {
        %mul3A_76 = arith.constant 16 : i32
        %mul3A_77 = arith.muli %scan3A_74, %mul3A_76 : i32
        %swap3A = arith.index_cast %scan3A_64 : i32 to index
        %swap3A_78 = arith.index_cast %mul3A_77 : i32 to index
        %swap3A_79 = tpu.vector_load %arg8[%swap3A, %swap3A_78] {strides = array<i32>} : memref<128x128xf32, #tpu.memory_space<vmem>>, vector<1x16xf32>,
        %swap3A_80 = vector.shape_cast %swap3A_79 : vector<1x16xf32> to vector<16xf32>
        %swap3A_81 = vector.shape_cast %broadcast_in_dim3A_5 : vector<16xf32> to vector<1x16xf32>
        tpu.vector_store %arg8[%swap3A, %swap3A_78], %swap3A_81 {strides = array<i32>} : memref<128x128xf32, #tpu.memory_space<vmem>>, vector<1x16xf32>,
        %scan3A_82 = arith.constant 0 : i32
        scf.yield %scan3A_82 : i32
      }
      %scan3A_72 = arith.constant 8 : i32
      %scan3A_73 = arith.constant 0 : i32
      scf.yield %scan3A_73 : i32
    }
    %scan3A_11 = arith.constant 128 : i32
    %mul3A_12 = arith.constant 640 : i32
    %mul3A_13 = arith.muli %arg1, %mul3A_12 : i32
    %add3A_14 = arith.constant 0 : i32
    %add3A_15 = arith.addi %mul3A_13, %add3A_14 : i32
    "tpu.region"() ({
      %run_scoped3A = tpu.sem_alloc : memref<!tpu.dma_semaphore, #tpu.memory_space<semaphore_mem>>
      %dma_start3A = arith.constant 0 : i32
      %dma_start3A_64 = tpu.memref_slice %arg10[%add3A_15, %dma_start3A] : memref<10240x128xf32, #tpu.memory_space<vmem_shared>> -> memref<128x128xf32, #tpu.memory_space<vmem_shared>>
      %dma_start3A_65 = arith.constant 0 : i32
      %dma_start3A_66 = tpu.memref_slice %arg10[%add3A_15, %dma_start3A_65] : memref<10240x128xf32, #tpu.memory_space<vmem_shared>> -> memref<128x128xf32, #tpu.memory_space<vmem_shared>>
      tpu.enqueue_dma source(%arg8 : memref<128x128xf32, #tpu.memory_space<vmem>>) target(%dma_start3A_66 : memref<128x128xf32, #tpu.memory_space<vmem_shared>>) target_semaphore(%run_scoped3A : memref<!tpu.dma_semaphore, #tpu.memory_space<semaphore_mem>>)
      %dma_wait3A = arith.constant 0 : i32
      %dma_wait3A_67 = tpu.memref_slice %arg10[%add3A_15, %dma_wait3A] : memref<10240x128xf32, #tpu.memory_space<vmem_shared>> -> memref<128x128xf32, #tpu.memory_space<vmem_shared>>
      %dma_wait3A_68 = arith.constant 0 : i32
      %dma_wait3A_69 = tpu.memref_slice %arg10[%add3A_15, %dma_wait3A_68] : memref<10240x128xf32, #tpu.memory_space<vmem_shared>> -> memref<128x128xf32, #tpu.memory_space<vmem_shared>>
      tpu.wait_dma2 semaphore(%run_scoped3A : memref<!tpu.dma_semaphore, #tpu.memory_space<semaphore_mem>>) src(%arg8 : memref<128x128xf32, #tpu.memory_space<vmem>>) dst(%dma_wait3A_69 : memref<128x128xf32, #tpu.memory_space<vmem_shared>>)
      tpu.yield
    }) : () -> ()
    %mul3A_16 = arith.constant 640 : i32
    %mul3A_17 = arith.muli %arg1, %mul3A_16 : i32
    %add3A_18 = arith.constant 128 : i32
    %add3A_19 = arith.addi %mul3A_17, %add3A_18 : i32
    "tpu.region"() ({
      %run_scoped3A = tpu.sem_alloc : memref<!tpu.dma_semaphore, #tpu.memory_space<semaphore_mem>>
      %dma_start3A = arith.constant 0 : i32
      %dma_start3A_64 = tpu.memref_slice %arg10[%add3A_19, %dma_start3A] : memref<10240x128xf32, #tpu.memory_space<vmem_shared>> -> memref<128x128xf32, #tpu.memory_space<vmem_shared>>
      %dma_start3A_65 = arith.constant 0 : i32
      %dma_start3A_66 = tpu.memref_slice %arg10[%add3A_19, %dma_start3A_65] : memref<10240x128xf32, #tpu.memory_space<vmem_shared>> -> memref<128x128xf32, #tpu.memory_space<vmem_shared>>
      tpu.enqueue_dma source(%arg8 : memref<128x128xf32, #tpu.memory_space<vmem>>) target(%dma_start3A_66 : memref<128x128xf32, #tpu.memory_space<vmem_shared>>) target_semaphore(%run_scoped3A : memref<!tpu.dma_semaphore, #tpu.memory_space<semaphore_mem>>)
      %dma_wait3A = arith.constant 0 : i32
      %dma_wait3A_67 = tpu.memref_slice %arg10[%add3A_19, %dma_wait3A] : memref<10240x128xf32, #tpu.memory_space<vmem_shared>> -> memref<128x128xf32, #tpu.memory_space<vmem_shared>>
      %dma_wait3A_68 = arith.constant 0 : i32
      %dma_wait3A_69 = tpu.memref_slice %arg10[%add3A_19, %dma_wait3A_68] : memref<10240x128xf32, #tpu.memory_space<vmem_shared>> -> memref<128x128xf32, #tpu.memory_space<vmem_shared>>
      tpu.wait_dma2 semaphore(%run_scoped3A : memref<!tpu.dma_semaphore, #tpu.memory_space<semaphore_mem>>) src(%arg8 : memref<128x128xf32, #tpu.memory_space<vmem>>) dst(%dma_wait3A_69 : memref<128x128xf32, #tpu.memory_space<vmem_shared>>)
      tpu.yield
    }) : () -> ()
    %mul3A_20 = arith.constant 640 : i32
    %mul3A_21 = arith.muli %arg1, %mul3A_20 : i32
    %add3A_22 = arith.constant 256 : i32
    %add3A_23 = arith.addi %mul3A_21, %add3A_22 : i32
    "tpu.region"() ({
      %run_scoped3A = tpu.sem_alloc : memref<!tpu.dma_semaphore, #tpu.memory_space<semaphore_mem>>
      %dma_start3A = arith.constant 0 : i32
      %dma_start3A_64 = tpu.memref_slice %arg10[%add3A_23, %dma_start3A] : memref<10240x128xf32, #tpu.memory_space<vmem_shared>> -> memref<128x128xf32, #tpu.memory_space<vmem_shared>>
      %dma_start3A_65 = arith.constant 0 : i32
      %dma_start3A_66 = tpu.memref_slice %arg10[%add3A_23, %dma_start3A_65] : memref<10240x128xf32, #tpu.memory_space<vmem_shared>> -> memref<128x128xf32, #tpu.memory_space<vmem_shared>>
      tpu.enqueue_dma source(%arg8 : memref<128x128xf32, #tpu.memory_space<vmem>>) target(%dma_start3A_66 : memref<128x128xf32, #tpu.memory_space<vmem_shared>>) target_semaphore(%run_scoped3A : memref<!tpu.dma_semaphore, #tpu.memory_space<semaphore_mem>>)
      %dma_wait3A = arith.constant 0 : i32
      %dma_wait3A_67 = tpu.memref_slice %arg10[%add3A_23, %dma_wait3A] : memref<10240x128xf32, #tpu.memory_space<vmem_shared>> -> memref<128x128xf32, #tpu.memory_space<vmem_shared>>
      %dma_wait3A_68 = arith.constant 0 : i32
      %dma_wait3A_69 = tpu.memref_slice %arg10[%add3A_23, %dma_wait3A_68] : memref<10240x128xf32, #tpu.memory_space<vmem_shared>> -> memref<128x128xf32, #tpu.memory_space<vmem_shared>>
      tpu.wait_dma2 semaphore(%run_scoped3A : memref<!tpu.dma_semaphore, #tpu.memory_space<semaphore_mem>>) src(%arg8 : memref<128x128xf32, #tpu.memory_space<vmem>>) dst(%dma_wait3A_69 : memref<128x128xf32, #tpu.memory_space<vmem_shared>>)
      tpu.yield
    }) : () -> ()
    %mul3A_24 = arith.constant 640 : i32
    %mul3A_25 = arith.muli %arg1, %mul3A_24 : i32
    %add3A_26 = arith.constant 384 : i32
    %add3A_27 = arith.addi %mul3A_25, %add3A_26 : i32
    "tpu.region"() ({
      %run_scoped3A = tpu.sem_alloc : memref<!tpu.dma_semaphore, #tpu.memory_space<semaphore_mem>>
      %dma_start3A = arith.constant 0 : i32
      %dma_start3A_64 = tpu.memref_slice %arg10[%add3A_27, %dma_start3A] : memref<10240x128xf32, #tpu.memory_space<vmem_shared>> -> memref<128x128xf32, #tpu.memory_space<vmem_shared>>
      %dma_start3A_65 = arith.constant 0 : i32
      %dma_start3A_66 = tpu.memref_slice %arg10[%add3A_27, %dma_start3A_65] : memref<10240x128xf32, #tpu.memory_space<vmem_shared>> -> memref<128x128xf32, #tpu.memory_space<vmem_shared>>
      tpu.enqueue_dma source(%arg8 : memref<128x128xf32, #tpu.memory_space<vmem>>) target(%dma_start3A_66 : memref<128x128xf32, #tpu.memory_space<vmem_shared>>) target_semaphore(%run_scoped3A : memref<!tpu.dma_semaphore, #tpu.memory_space<semaphore_mem>>)
      %dma_wait3A = arith.constant 0 : i32
      %dma_wait3A_67 = tpu.memref_slice %arg10[%add3A_27, %dma_wait3A] : memref<10240x128xf32, #tpu.memory_space<vmem_shared>> -> memref<128x128xf32, #tpu.memory_space<vmem_shared>>
      %dma_wait3A_68 = arith.constant 0 : i32
      %dma_wait3A_69 = tpu.memref_slice %arg10[%add3A_27, %dma_wait3A_68] : memref<10240x128xf32, #tpu.memory_space<vmem_shared>> -> memref<128x128xf32, #tpu.memory_space<vmem_shared>>
      tpu.wait_dma2 semaphore(%run_scoped3A : memref<!tpu.dma_semaphore, #tpu.memory_space<semaphore_mem>>) src(%arg8 : memref<128x128xf32, #tpu.memory_space<vmem>>) dst(%dma_wait3A_69 : memref<128x128xf32, #tpu.memory_space<vmem_shared>>)
      tpu.yield
    }) : () -> ()
    %mul3A_28 = arith.constant 640 : i32
    %mul3A_29 = arith.muli %arg1, %mul3A_28 : i32
    %add3A_30 = arith.constant 512 : i32
    %add3A_31 = arith.addi %mul3A_29, %add3A_30 : i32
    "tpu.region"() ({
      %run_scoped3A = tpu.sem_alloc : memref<!tpu.dma_semaphore, #tpu.memory_space<semaphore_mem>>
      %dma_start3A = arith.constant 0 : i32
      %dma_start3A_64 = tpu.memref_slice %arg10[%add3A_31, %dma_start3A] : memref<10240x128xf32, #tpu.memory_space<vmem_shared>> -> memref<128x128xf32, #tpu.memory_space<vmem_shared>>
      %dma_start3A_65 = arith.constant 0 : i32
      %dma_start3A_66 = tpu.memref_slice %arg10[%add3A_31, %dma_start3A_65] : memref<10240x128xf32, #tpu.memory_space<vmem_shared>> -> memref<128x128xf32, #tpu.memory_space<vmem_shared>>
      tpu.enqueue_dma source(%arg8 : memref<128x128xf32, #tpu.memory_space<vmem>>) target(%dma_start3A_66 : memref<128x128xf32, #tpu.memory_space<vmem_shared>>) target_semaphore(%run_scoped3A : memref<!tpu.dma_semaphore, #tpu.memory_space<semaphore_mem>>)
      %dma_wait3A = arith.constant 0 : i32
      %dma_wait3A_67 = tpu.memref_slice %arg10[%add3A_31, %dma_wait3A] : memref<10240x128xf32, #tpu.memory_space<vmem_shared>> -> memref<128x128xf32, #tpu.memory_space<vmem_shared>>
      %dma_wait3A_68 = arith.constant 0 : i32
      %dma_wait3A_69 = tpu.memref_slice %arg10[%add3A_31, %dma_wait3A_68] : memref<10240x128xf32, #tpu.memory_space<vmem_shared>> -> memref<128x128xf32, #tpu.memory_space<vmem_shared>>
      tpu.wait_dma2 semaphore(%run_scoped3A : memref<!tpu.dma_semaphore, #tpu.memory_space<semaphore_mem>>) src(%arg8 : memref<128x128xf32, #tpu.memory_space<vmem>>) dst(%dma_wait3A_69 : memref<128x128xf32, #tpu.memory_space<vmem_shared>>)
      tpu.yield
    }) : () -> ()
    %barrier3A = arith.constant 0 : index
    tpu.barrier barrier_id(%barrier3A)
    %while3A = arith.constant 0 : i32
    %while3A_32 = arith.constant 0 : i32
    %while3A_33 = arith.subi %select_n3A, %while3A : i32
    %while3A_34 = arith.addi %while3A, %while3A_33 : i32
    %while3A_35 = arith.constant 1 : i32
    %while3A_36 = arith.divsi %while3A_33, %while3A_35 : i32
    %while3A_37 = arith.muli %while3A_36, %while3A_35 : i32
    %while3A_38 = arith.addi %while3A, %while3A_37 : i32
    %while3A_39 = arith.constant 1 : i32
    %while3A_40 = scf.for %while3A_64 = %while3A to %while3A_38 step %while3A_39 iter_args(%while3A_65 = %while3A_32) -> (i32)  : i32 {
      %mul3A_66 = arith.constant 16 : i32
      %mul3A_67 = arith.muli %while3A_64, %mul3A_66 : i32
      %add3A_68 = arith.addi %add3A, %mul3A_67 : i32
      "tpu.region"() ({
        %run_scoped3A = tpu.sem_alloc : memref<!tpu.dma_semaphore, #tpu.memory_space<semaphore_mem>>
        %dma_start3A_516 = arith.constant 0 : i32
        %dma_start3A_517 = tpu.memref_slice %arg3[%add3A_68, %dma_start3A_516] : memref<2560x128xi32, #tpu.memory_space<hbm>> -> memref<16x128xi32, #tpu.memory_space<hbm>>
        %dma_start3A_518 = arith.constant 0 : i32
        %dma_start3A_519 = tpu.memref_slice %arg3[%add3A_68, %dma_start3A_518] : memref<2560x128xi32, #tpu.memory_space<hbm>> -> memref<16x128xi32, #tpu.memory_space<hbm>>
        tpu.enqueue_dma source(%dma_start3A_519 : memref<16x128xi32, #tpu.memory_space<hbm>>) target(%arg6 : memref<16x128xi32, #tpu.memory_space<vmem>>) target_semaphore(%run_scoped3A : memref<!tpu.dma_semaphore, #tpu.memory_space<semaphore_mem>>)
        %dma_wait3A_520 = arith.constant 0 : i32
        %dma_wait3A_521 = tpu.memref_slice %arg3[%add3A_68, %dma_wait3A_520] : memref<2560x128xi32, #tpu.memory_space<hbm>> -> memref<16x128xi32, #tpu.memory_space<hbm>>
        %dma_wait3A_522 = arith.constant 0 : i32
        %dma_wait3A_523 = tpu.memref_slice %arg3[%add3A_68, %dma_wait3A_522] : memref<2560x128xi32, #tpu.memory_space<hbm>> -> memref<16x128xi32, #tpu.memory_space<hbm>>
        tpu.wait_dma2 semaphore(%run_scoped3A : memref<!tpu.dma_semaphore, #tpu.memory_space<semaphore_mem>>) src(%dma_wait3A_523 : memref<16x128xi32, #tpu.memory_space<hbm>>) dst(%arg6 : memref<16x128xi32, #tpu.memory_space<vmem>>)
        tpu.yield
      }) : () -> ()
      "tpu.region"() ({
        %run_scoped3A = tpu.sem_alloc : memref<!tpu.dma_semaphore, #tpu.memory_space<semaphore_mem>>
        %dma_start3A_516 = arith.constant 0 : i32
        %dma_start3A_517 = tpu.memref_slice %arg4[%add3A_68, %dma_start3A_516] : memref<2560x128xi32, #tpu.memory_space<hbm>> -> memref<16x128xi32, #tpu.memory_space<hbm>>
        %dma_start3A_518 = arith.constant 0 : i32
        %dma_start3A_519 = tpu.memref_slice %arg4[%add3A_68, %dma_start3A_518] : memref<2560x128xi32, #tpu.memory_space<hbm>> -> memref<16x128xi32, #tpu.memory_space<hbm>>
        tpu.enqueue_dma source(%dma_start3A_519 : memref<16x128xi32, #tpu.memory_space<hbm>>) target(%arg7 : memref<16x128xi32, #tpu.memory_space<vmem>>) target_semaphore(%run_scoped3A : memref<!tpu.dma_semaphore, #tpu.memory_space<semaphore_mem>>)
        %dma_wait3A_520 = arith.constant 0 : i32
        %dma_wait3A_521 = tpu.memref_slice %arg4[%add3A_68, %dma_wait3A_520] : memref<2560x128xi32, #tpu.memory_space<hbm>> -> memref<16x128xi32, #tpu.memory_space<hbm>>
        %dma_wait3A_522 = arith.constant 0 : i32
        %dma_wait3A_523 = tpu.memref_slice %arg4[%add3A_68, %dma_wait3A_522] : memref<2560x128xi32, #tpu.memory_space<hbm>> -> memref<16x128xi32, #tpu.memory_space<hbm>>
        tpu.wait_dma2 semaphore(%run_scoped3A : memref<!tpu.dma_semaphore, #tpu.memory_space<semaphore_mem>>) src(%dma_wait3A_523 : memref<16x128xi32, #tpu.memory_space<hbm>>) dst(%arg7 : memref<16x128xi32, #tpu.memory_space<vmem>>)
        tpu.yield
      }) : () -> ()
      %dma_start3A = arith.constant 0 : i32
      %dma_start3A_69 = arith.constant 0 : i32
      %dma_start3A_70 = tpu.memref_slice %arg6[%dma_start3A, %dma_start3A_69] : memref<16x128xi32, #tpu.memory_space<vmem>> -> memref<1x128xi32, #tpu.memory_space<vmem>>
      %dma_start3A_71 = tpu.memref_squeeze %dma_start3A_70 : memref<1x128xi32, #tpu.memory_space<vmem>> -> memref<128xi32, #tpu.memory_space<vmem>>
      %dma_start3A_72 = arith.constant 0 : i32
      %dma_start3A_73 = arith.constant 0 : i32
      %dma_start3A_74 = tpu.memref_slice %arg2[%dma_start3A_72, %dma_start3A_73] : memref<10000x128xf32, #tpu.memory_space<hbm>> -> memref<10000x128xf32, #tpu.memory_space<hbm>>
      tpu.enqueue_indirect_dma source(%dma_start3A_74 : memref<10000x128xf32, #tpu.memory_space<hbm>>) target(%arg8 : memref<128x128xf32, #tpu.memory_space<vmem>>) offsets(%dma_start3A_71 : memref<128xi32, #tpu.memory_space<vmem>>) semaphore(%arg11 : memref<!tpu.dma_semaphore, #tpu.memory_space<semaphore_mem>>)
      %dma_wait3A = arith.constant 0 : i32
      %dma_wait3A_75 = arith.constant 0 : i32
      %dma_wait3A_76 = tpu.memref_slice %arg6[%dma_wait3A, %dma_wait3A_75] : memref<16x128xi32, #tpu.memory_space<vmem>> -> memref<1x128xi32, #tpu.memory_space<vmem>>
      %dma_wait3A_77 = tpu.memref_squeeze %dma_wait3A_76 : memref<1x128xi32, #tpu.memory_space<vmem>> -> memref<128xi32, #tpu.memory_space<vmem>>
      %dma_wait3A_78 = arith.constant 0 : i32
      %dma_wait3A_79 = arith.constant 0 : i32
      %dma_wait3A_80 = tpu.memref_slice %arg2[%dma_wait3A_78, %dma_wait3A_79] : memref<10000x128xf32, #tpu.memory_space<hbm>> -> memref<10000x128xf32, #tpu.memory_space<hbm>>
      tpu.wait_indirect_dma semaphore(%arg11 : memref<!tpu.dma_semaphore, #tpu.memory_space<semaphore_mem>>) src(%dma_wait3A_80 : memref<10000x128xf32, #tpu.memory_space<hbm>>) dst(%arg8 : memref<128x128xf32, #tpu.memory_space<vmem>>)
      %dma_start3A_81 = arith.constant 0 : i32
      %dma_start3A_82 = arith.constant 0 : i32
      %dma_start3A_83 = tpu.memref_slice %arg7[%dma_start3A_81, %dma_start3A_82] : memref<16x128xi32, #tpu.memory_space<vmem>> -> memref<1x128xi32, #tpu.memory_space<vmem>>
      %dma_start3A_84 = tpu.memref_squeeze %dma_start3A_83 : memref<1x128xi32, #tpu.memory_space<vmem>> -> memref<128xi32, #tpu.memory_space<vmem>>
      %dma_start3A_85 = arith.constant 0 : i32
      %dma_start3A_86 = arith.constant 0 : i32
      %dma_start3A_87 = tpu.memref_slice %arg10[%dma_start3A_85, %dma_start3A_86] : memref<10240x128xf32, #tpu.memory_space<vmem_shared>> -> memref<10240x128xf32, #tpu.memory_space<vmem_shared>>
      tpu.enqueue_indirect_dma source(%arg8 : memref<128x128xf32, #tpu.memory_space<vmem>>) target(%dma_start3A_87 : memref<10240x128xf32, #tpu.memory_space<vmem_shared>>) offsets(%dma_start3A_84 : memref<128xi32, #tpu.memory_space<vmem>>) semaphore(%arg13 : memref<!tpu.dma_semaphore, #tpu.memory_space<semaphore_mem>>) {add = true}
      %dma_start3A_88 = arith.constant 1 : i32
      %dma_start3A_89 = arith.constant 0 : i32
      %dma_start3A_90 = tpu.memref_slice %arg6[%dma_start3A_88, %dma_start3A_89] : memref<16x128xi32, #tpu.memory_space<vmem>> -> memref<1x128xi32, #tpu.memory_space<vmem>>
      %dma_start3A_91 = tpu.memref_squeeze %dma_start3A_90 : memref<1x128xi32, #tpu.memory_space<vmem>> -> memref<128xi32, #tpu.memory_space<vmem>>
      %dma_start3A_92 = arith.constant 0 : i32
      %dma_start3A_93 = arith.constant 0 : i32
      %dma_start3A_94 = tpu.memref_slice %arg2[%dma_start3A_92, %dma_start3A_93] : memref<10000x128xf32, #tpu.memory_space<hbm>> -> memref<10000x128xf32, #tpu.memory_space<hbm>>
      tpu.enqueue_indirect_dma source(%dma_start3A_94 : memref<10000x128xf32, #tpu.memory_space<hbm>>) target(%arg9 : memref<128x128xf32, #tpu.memory_space<vmem>>) offsets(%dma_start3A_91 : memref<128xi32, #tpu.memory_space<vmem>>) semaphore(%arg12 : memref<!tpu.dma_semaphore, #tpu.memory_space<semaphore_mem>>)
      %dma_wait3A_95 = arith.constant 1 : i32
      %dma_wait3A_96 = arith.constant 0 : i32
      %dma_wait3A_97 = tpu.memref_slice %arg6[%dma_wait3A_95, %dma_wait3A_96] : memref<16x128xi32, #tpu.memory_space<vmem>> -> memref<1x128xi32, #tpu.memory_space<vmem>>
      %dma_wait3A_98 = tpu.memref_squeeze %dma_wait3A_97 : memref<1x128xi32, #tpu.memory_space<vmem>> -> memref<128xi32, #tpu.memory_space<vmem>>
      %dma_wait3A_99 = arith.constant 0 : i32
      %dma_wait3A_100 = arith.constant 0 : i32
      %dma_wait3A_101 = tpu.memref_slice %arg2[%dma_wait3A_99, %dma_wait3A_100] : memref<10000x128xf32, #tpu.memory_space<hbm>> -> memref<10000x128xf32, #tpu.memory_space<hbm>>
      tpu.wait_indirect_dma semaphore(%arg12 : memref<!tpu.dma_semaphore, #tpu.memory_space<semaphore_mem>>) src(%dma_wait3A_101 : memref<10000x128xf32, #tpu.memory_space<hbm>>) dst(%arg9 : memref<128x128xf32, #tpu.memory_space<vmem>>)
      %dma_wait3A_102 = arith.constant 0 : i32
      %dma_wait3A_103 = arith.constant 0 : i32
      %dma_wait3A_104 = tpu.memref_slice %arg7[%dma_wait3A_102, %dma_wait3A_103] : memref<16x128xi32, #tpu.memory_space<vmem>> -> memref<1x128xi32, #tpu.memory_space<vmem>>
      %dma_wait3A_105 = tpu.memref_squeeze %dma_wait3A_104 : memref<1x128xi32, #tpu.memory_space<vmem>> -> memref<128xi32, #tpu.memory_space<vmem>>
      %dma_wait3A_106 = arith.constant 0 : i32
      %dma_wait3A_107 = arith.constant 0 : i32
      %dma_wait3A_108 = tpu.memref_slice %arg10[%dma_wait3A_106, %dma_wait3A_107] : memref<10240x128xf32, #tpu.memory_space<vmem_shared>> -> memref<10240x128xf32, #tpu.memory_space<vmem_shared>>
      tpu.wait_indirect_dma semaphore(%arg13 : memref<!tpu.dma_semaphore, #tpu.memory_space<semaphore_mem>>) src(%arg8 : memref<128x128xf32, #tpu.memory_space<vmem>>) dst(%dma_wait3A_108 : memref<10240x128xf32, #tpu.memory_space<vmem_shared>>)
      %dma_start3A_109 = arith.constant 1 : i32
      %dma_start3A_110 = arith.constant 0 : i32
      %dma_start3A_111 = tpu.memref_slice %arg7[%dma_start3A_109, %dma_start3A_110] : memref<16x128xi32, #tpu.memory_space<vmem>> -> memref<1x128xi32, #tpu.memory_space<vmem>>
      %dma_start3A_112 = tpu.memref_squeeze %dma_start3A_111 : memref<1x128xi32, #tpu.memory_space<vmem>> -> memref<128xi32, #tpu.memory_space<vmem>>
      %dma_start3A_113 = arith.constant 0 : i32
      %dma_start3A_114 = arith.constant 0 : i32
      %dma_start3A_115 = tpu.memref_slice %arg10[%dma_start3A_113, %dma_start3A_114] : memref<10240x128xf32, #tpu.memory_space<vmem_shared>> -> memref<10240x128xf32, #tpu.memory_space<vmem_shared>>
      tpu.enqueue_indirect_dma source(%arg9 : memref<128x128xf32, #tpu.memory_space<vmem>>) target(%dma_start3A_115 : memref<10240x128xf32, #tpu.memory_space<vmem_shared>>) offsets(%dma_start3A_112 : memref<128xi32, #tpu.memory_space<vmem>>) semaphore(%arg14 : memref<!tpu.dma_semaphore, #tpu.memory_space<semaphore_mem>>) {add = true}
      %dma_start3A_116 = arith.constant 2 : i32
      %dma_start3A_117 = arith.constant 0 : i32
      %dma_start3A_118 = tpu.memref_slice %arg6[%dma_start3A_116, %dma_start3A_117] : memref<16x128xi32, #tpu.memory_space<vmem>> -> memref<1x128xi32, #tpu.memory_space<vmem>>
      %dma_start3A_119 = tpu.memref_squeeze %dma_start3A_118 : memref<1x128xi32, #tpu.memory_space<vmem>> -> memref<128xi32, #tpu.memory_space<vmem>>
      %dma_start3A_120 = arith.constant 0 : i32
      %dma_start3A_121 = arith.constant 0 : i32
      %dma_start3A_122 = tpu.memref_slice %arg2[%dma_start3A_120, %dma_start3A_121] : memref<10000x128xf32, #tpu.memory_space<hbm>> -> memref<10000x128xf32, #tpu.memory_space<hbm>>
      tpu.enqueue_indirect_dma source(%dma_start3A_122 : memref<10000x128xf32, #tpu.memory_space<hbm>>) target(%arg8 : memref<128x128xf32, #tpu.memory_space<vmem>>) offsets(%dma_start3A_119 : memref<128xi32, #tpu.memory_space<vmem>>) semaphore(%arg11 : memref<!tpu.dma_semaphore, #tpu.memory_space<semaphore_mem>>)
      %dma_wait3A_123 = arith.constant 2 : i32
      %dma_wait3A_124 = arith.constant 0 : i32
      %dma_wait3A_125 = tpu.memref_slice %arg6[%dma_wait3A_123, %dma_wait3A_124] : memref<16x128xi32, #tpu.memory_space<vmem>> -> memref<1x128xi32, #tpu.memory_space<vmem>>
      %dma_wait3A_126 = tpu.memref_squeeze %dma_wait3A_125 : memref<1x128xi32, #tpu.memory_space<vmem>> -> memref<128xi32, #tpu.memory_space<vmem>>
      %dma_wait3A_127 = arith.constant 0 : i32
      %dma_wait3A_128 = arith.constant 0 : i32
      %dma_wait3A_129 = tpu.memref_slice %arg2[%dma_wait3A_127, %dma_wait3A_128] : memref<10000x128xf32, #tpu.memory_space<hbm>> -> memref<10000x128xf32, #tpu.memory_space<hbm>>
      tpu.wait_indirect_dma semaphore(%arg11 : memref<!tpu.dma_semaphore, #tpu.memory_space<semaphore_mem>>) src(%dma_wait3A_129 : memref<10000x128xf32, #tpu.memory_space<hbm>>) dst(%arg8 : memref<128x128xf32, #tpu.memory_space<vmem>>)
      %dma_wait3A_130 = arith.constant 1 : i32
      %dma_wait3A_131 = arith.constant 0 : i32
      %dma_wait3A_132 = tpu.memref_slice %arg7[%dma_wait3A_130, %dma_wait3A_131] : memref<16x128xi32, #tpu.memory_space<vmem>> -> memref<1x128xi32, #tpu.memory_space<vmem>>
      %dma_wait3A_133 = tpu.memref_squeeze %dma_wait3A_132 : memref<1x128xi32, #tpu.memory_space<vmem>> -> memref<128xi32, #tpu.memory_space<vmem>>
      %dma_wait3A_134 = arith.constant 0 : i32
      %dma_wait3A_135 = arith.constant 0 : i32
      %dma_wait3A_136 = tpu.memref_slice %arg10[%dma_wait3A_134, %dma_wait3A_135] : memref<10240x128xf32, #tpu.memory_space<vmem_shared>> -> memref<10240x128xf32, #tpu.memory_space<vmem_shared>>
      tpu.wait_indirect_dma semaphore(%arg14 : memref<!tpu.dma_semaphore, #tpu.memory_space<semaphore_mem>>) src(%arg9 : memref<128x128xf32, #tpu.memory_space<vmem>>) dst(%dma_wait3A_136 : memref<10240x128xf32, #tpu.memory_space<vmem_shared>>)
      %dma_start3A_137 = arith.constant 2 : i32
      %dma_start3A_138 = arith.constant 0 : i32
      %dma_start3A_139 = tpu.memref_slice %arg7[%dma_start3A_137, %dma_start3A_138] : memref<16x128xi32, #tpu.memory_space<vmem>> -> memref<1x128xi32, #tpu.memory_space<vmem>>
      %dma_start3A_140 = tpu.memref_squeeze %dma_start3A_139 : memref<1x128xi32, #tpu.memory_space<vmem>> -> memref<128xi32, #tpu.memory_space<vmem>>
      %dma_start3A_141 = arith.constant 0 : i32
      %dma_start3A_142 = arith.constant 0 : i32
      %dma_start3A_143 = tpu.memref_slice %arg10[%dma_start3A_141, %dma_start3A_142] : memref<10240x128xf32, #tpu.memory_space<vmem_shared>> -> memref<10240x128xf32, #tpu.memory_space<vmem_shared>>
      tpu.enqueue_indirect_dma source(%arg8 : memref<128x128xf32, #tpu.memory_space<vmem>>) target(%dma_start3A_143 : memref<10240x128xf32, #tpu.memory_space<vmem_shared>>) offsets(%dma_start3A_140 : memref<128xi32, #tpu.memory_space<vmem>>) semaphore(%arg13 : memref<!tpu.dma_semaphore, #tpu.memory_space<semaphore_mem>>) {add = true}
      %dma_start3A_144 = arith.constant 3 : i32
      %dma_start3A_145 = arith.constant 0 : i32
      %dma_start3A_146 = tpu.memref_slice %arg6[%dma_start3A_144, %dma_start3A_145] : memref<16x128xi32, #tpu.memory_space<vmem>> -> memref<1x128xi32, #tpu.memory_space<vmem>>
      %dma_start3A_147 = tpu.memref_squeeze %dma_start3A_146 : memref<1x128xi32, #tpu.memory_space<vmem>> -> memref<128xi32, #tpu.memory_space<vmem>>
      %dma_start3A_148 = arith.constant 0 : i32
      %dma_start3A_149 = arith.constant 0 : i32
      %dma_start3A_150 = tpu.memref_slice %arg2[%dma_start3A_148, %dma_start3A_149] : memref<10000x128xf32, #tpu.memory_space<hbm>> -> memref<10000x128xf32, #tpu.memory_space<hbm>>
      tpu.enqueue_indirect_dma source(%dma_start3A_150 : memref<10000x128xf32, #tpu.memory_space<hbm>>) target(%arg9 : memref<128x128xf32, #tpu.memory_space<vmem>>) offsets(%dma_start3A_147 : memref<128xi32, #tpu.memory_space<vmem>>) semaphore(%arg12 : memref<!tpu.dma_semaphore, #tpu.memory_space<semaphore_mem>>)
      %dma_wait3A_151 = arith.constant 3 : i32
      %dma_wait3A_152 = arith.constant 0 : i32
      %dma_wait3A_153 = tpu.memref_slice %arg6[%dma_wait3A_151, %dma_wait3A_152] : memref<16x128xi32, #tpu.memory_space<vmem>> -> memref<1x128xi32, #tpu.memory_space<vmem>>
      %dma_wait3A_154 = tpu.memref_squeeze %dma_wait3A_153 : memref<1x128xi32, #tpu.memory_space<vmem>> -> memref<128xi32, #tpu.memory_space<vmem>>
      %dma_wait3A_155 = arith.constant 0 : i32
      %dma_wait3A_156 = arith.constant 0 : i32
      %dma_wait3A_157 = tpu.memref_slice %arg2[%dma_wait3A_155, %dma_wait3A_156] : memref<10000x128xf32, #tpu.memory_space<hbm>> -> memref<10000x128xf32, #tpu.memory_space<hbm>>
      tpu.wait_indirect_dma semaphore(%arg12 : memref<!tpu.dma_semaphore, #tpu.memory_space<semaphore_mem>>) src(%dma_wait3A_157 : memref<10000x128xf32, #tpu.memory_space<hbm>>) dst(%arg9 : memref<128x128xf32, #tpu.memory_space<vmem>>)
      %dma_wait3A_158 = arith.constant 2 : i32
      %dma_wait3A_159 = arith.constant 0 : i32
      %dma_wait3A_160 = tpu.memref_slice %arg7[%dma_wait3A_158, %dma_wait3A_159] : memref<16x128xi32, #tpu.memory_space<vmem>> -> memref<1x128xi32, #tpu.memory_space<vmem>>
      %dma_wait3A_161 = tpu.memref_squeeze %dma_wait3A_160 : memref<1x128xi32, #tpu.memory_space<vmem>> -> memref<128xi32, #tpu.memory_space<vmem>>
      %dma_wait3A_162 = arith.constant 0 : i32
      %dma_wait3A_163 = arith.constant 0 : i32
      %dma_wait3A_164 = tpu.memref_slice %arg10[%dma_wait3A_162, %dma_wait3A_163] : memref<10240x128xf32, #tpu.memory_space<vmem_shared>> -> memref<10240x128xf32, #tpu.memory_space<vmem_shared>>
      tpu.wait_indirect_dma semaphore(%arg13 : memref<!tpu.dma_semaphore, #tpu.memory_space<semaphore_mem>>) src(%arg8 : memref<128x128xf32, #tpu.memory_space<vmem>>) dst(%dma_wait3A_164 : memref<10240x128xf32, #tpu.memory_space<vmem_shared>>)
      %dma_start3A_165 = arith.constant 3 : i32
      %dma_start3A_166 = arith.constant 0 : i32
      %dma_start3A_167 = tpu.memref_slice %arg7[%dma_start3A_165, %dma_start3A_166] : memref<16x128xi32, #tpu.memory_space<vmem>> -> memref<1x128xi32, #tpu.memory_space<vmem>>
      %dma_start3A_168 = tpu.memref_squeeze %dma_start3A_167 : memref<1x128xi32, #tpu.memory_space<vmem>> -> memref<128xi32, #tpu.memory_space<vmem>>
      %dma_start3A_169 = arith.constant 0 : i32
      %dma_start3A_170 = arith.constant 0 : i32
      %dma_start3A_171 = tpu.memref_slice %arg10[%dma_start3A_169, %dma_start3A_170] : memref<10240x128xf32, #tpu.memory_space<vmem_shared>> -> memref<10240x128xf32, #tpu.memory_space<vmem_shared>>
      tpu.enqueue_indirect_dma source(%arg9 : memref<128x128xf32, #tpu.memory_space<vmem>>) target(%dma_start3A_171 : memref<10240x128xf32, #tpu.memory_space<vmem_shared>>) offsets(%dma_start3A_168 : memref<128xi32, #tpu.memory_space<vmem>>) semaphore(%arg14 : memref<!tpu.dma_semaphore, #tpu.memory_space<semaphore_mem>>) {add = true}
      %dma_start3A_172 = arith.constant 4 : i32
      %dma_start3A_173 = arith.constant 0 : i32
      %dma_start3A_174 = tpu.memref_slice %arg6[%dma_start3A_172, %dma_start3A_173] : memref<16x128xi32, #tpu.memory_space<vmem>> -> memref<1x128xi32, #tpu.memory_space<vmem>>
      %dma_start3A_175 = tpu.memref_squeeze %dma_start3A_174 : memref<1x128xi32, #tpu.memory_space<vmem>> -> memref<128xi32, #tpu.memory_space<vmem>>
      %dma_start3A_176 = arith.constant 0 : i32
      %dma_start3A_177 = arith.constant 0 : i32
      %dma_start3A_178 = tpu.memref_slice %arg2[%dma_start3A_176, %dma_start3A_177] : memref<10000x128xf32, #tpu.memory_space<hbm>> -> memref<10000x128xf32, #tpu.memory_space<hbm>>
      tpu.enqueue_indirect_dma source(%dma_start3A_178 : memref<10000x128xf32, #tpu.memory_space<hbm>>) target(%arg8 : memref<128x128xf32, #tpu.memory_space<vmem>>) offsets(%dma_start3A_175 : memref<128xi32, #tpu.memory_space<vmem>>) semaphore(%arg11 : memref<!tpu.dma_semaphore, #tpu.memory_space<semaphore_mem>>)
      %dma_wait3A_179 = arith.constant 4 : i32
      %dma_wait3A_180 = arith.constant 0 : i32
      %dma_wait3A_181 = tpu.memref_slice %arg6[%dma_wait3A_179, %dma_wait3A_180] : memref<16x128xi32, #tpu.memory_space<vmem>> -> memref<1x128xi32, #tpu.memory_space<vmem>>
      %dma_wait3A_182 = tpu.memref_squeeze %dma_wait3A_181 : memref<1x128xi32, #tpu.memory_space<vmem>> -> memref<128xi32, #tpu.memory_space<vmem>>
      %dma_wait3A_183 = arith.constant 0 : i32
      %dma_wait3A_184 = arith.constant 0 : i32
      %dma_wait3A_185 = tpu.memref_slice %arg2[%dma_wait3A_183, %dma_wait3A_184] : memref<10000x128xf32, #tpu.memory_space<hbm>> -> memref<10000x128xf32, #tpu.memory_space<hbm>>
      tpu.wait_indirect_dma semaphore(%arg11 : memref<!tpu.dma_semaphore, #tpu.memory_space<semaphore_mem>>) src(%dma_wait3A_185 : memref<10000x128xf32, #tpu.memory_space<hbm>>) dst(%arg8 : memref<128x128xf32, #tpu.memory_space<vmem>>)
      %dma_wait3A_186 = arith.constant 3 : i32
      %dma_wait3A_187 = arith.constant 0 : i32
      %dma_wait3A_188 = tpu.memref_slice %arg7[%dma_wait3A_186, %dma_wait3A_187] : memref<16x128xi32, #tpu.memory_space<vmem>> -> memref<1x128xi32, #tpu.memory_space<vmem>>
      %dma_wait3A_189 = tpu.memref_squeeze %dma_wait3A_188 : memref<1x128xi32, #tpu.memory_space<vmem>> -> memref<128xi32, #tpu.memory_space<vmem>>
      %dma_wait3A_190 = arith.constant 0 : i32
      %dma_wait3A_191 = arith.constant 0 : i32
      %dma_wait3A_192 = tpu.memref_slice %arg10[%dma_wait3A_190, %dma_wait3A_191] : memref<10240x128xf32, #tpu.memory_space<vmem_shared>> -> memref<10240x128xf32, #tpu.memory_space<vmem_shared>>
      tpu.wait_indirect_dma semaphore(%arg14 : memref<!tpu.dma_semaphore, #tpu.memory_space<semaphore_mem>>) src(%arg9 : memref<128x128xf32, #tpu.memory_space<vmem>>) dst(%dma_wait3A_192 : memref<10240x128xf32, #tpu.memory_space<vmem_shared>>)
      %dma_start3A_193 = arith.constant 4 : i32
      %dma_start3A_194 = arith.constant 0 : i32
      %dma_start3A_195 = tpu.memref_slice %arg7[%dma_start3A_193, %dma_start3A_194] : memref<16x128xi32, #tpu.memory_space<vmem>> -> memref<1x128xi32, #tpu.memory_space<vmem>>
      %dma_start3A_196 = tpu.memref_squeeze %dma_start3A_195 : memref<1x128xi32, #tpu.memory_space<vmem>> -> memref<128xi32, #tpu.memory_space<vmem>>
      %dma_start3A_197 = arith.constant 0 : i32
      %dma_start3A_198 = arith.constant 0 : i32
      %dma_start3A_199 = tpu.memref_slice %arg10[%dma_start3A_197, %dma_start3A_198] : memref<10240x128xf32, #tpu.memory_space<vmem_shared>> -> memref<10240x128xf32, #tpu.memory_space<vmem_shared>>
      tpu.enqueue_indirect_dma source(%arg8 : memref<128x128xf32, #tpu.memory_space<vmem>>) target(%dma_start3A_199 : memref<10240x128xf32, #tpu.memory_space<vmem_shared>>) offsets(%dma_start3A_196 : memref<128xi32, #tpu.memory_space<vmem>>) semaphore(%arg13 : memref<!tpu.dma_semaphore, #tpu.memory_space<semaphore_mem>>) {add = true}
      %dma_start3A_200 = arith.constant 5 : i32
      %dma_start3A_201 = arith.constant 0 : i32
      %dma_start3A_202 = tpu.memref_slice %arg6[%dma_start3A_200, %dma_start3A_201] : memref<16x128xi32, #tpu.memory_space<vmem>> -> memref<1x128xi32, #tpu.memory_space<vmem>>
      %dma_start3A_203 = tpu.memref_squeeze %dma_start3A_202 : memref<1x128xi32, #tpu.memory_space<vmem>> -> memref<128xi32, #tpu.memory_space<vmem>>
      %dma_start3A_204 = arith.constant 0 : i32
      %dma_start3A_205 = arith.constant 0 : i32
      %dma_start3A_206 = tpu.memref_slice %arg2[%dma_start3A_204, %dma_start3A_205] : memref<10000x128xf32, #tpu.memory_space<hbm>> -> memref<10000x128xf32, #tpu.memory_space<hbm>>
      tpu.enqueue_indirect_dma source(%dma_start3A_206 : memref<10000x128xf32, #tpu.memory_space<hbm>>) target(%arg9 : memref<128x128xf32, #tpu.memory_space<vmem>>) offsets(%dma_start3A_203 : memref<128xi32, #tpu.memory_space<vmem>>) semaphore(%arg12 : memref<!tpu.dma_semaphore, #tpu.memory_space<semaphore_mem>>)
      %dma_wait3A_207 = arith.constant 5 : i32
      %dma_wait3A_208 = arith.constant 0 : i32
      %dma_wait3A_209 = tpu.memref_slice %arg6[%dma_wait3A_207, %dma_wait3A_208] : memref<16x128xi32, #tpu.memory_space<vmem>> -> memref<1x128xi32, #tpu.memory_space<vmem>>
      %dma_wait3A_210 = tpu.memref_squeeze %dma_wait3A_209 : memref<1x128xi32, #tpu.memory_space<vmem>> -> memref<128xi32, #tpu.memory_space<vmem>>
      %dma_wait3A_211 = arith.constant 0 : i32
      %dma_wait3A_212 = arith.constant 0 : i32
      %dma_wait3A_213 = tpu.memref_slice %arg2[%dma_wait3A_211, %dma_wait3A_212] : memref<10000x128xf32, #tpu.memory_space<hbm>> -> memref<10000x128xf32, #tpu.memory_space<hbm>>
      tpu.wait_indirect_dma semaphore(%arg12 : memref<!tpu.dma_semaphore, #tpu.memory_space<semaphore_mem>>) src(%dma_wait3A_213 : memref<10000x128xf32, #tpu.memory_space<hbm>>) dst(%arg9 : memref<128x128xf32, #tpu.memory_space<vmem>>)
      %dma_wait3A_214 = arith.constant 4 : i32
      %dma_wait3A_215 = arith.constant 0 : i32
      %dma_wait3A_216 = tpu.memref_slice %arg7[%dma_wait3A_214, %dma_wait3A_215] : memref<16x128xi32, #tpu.memory_space<vmem>> -> memref<1x128xi32, #tpu.memory_space<vmem>>
      %dma_wait3A_217 = tpu.memref_squeeze %dma_wait3A_216 : memref<1x128xi32, #tpu.memory_space<vmem>> -> memref<128xi32, #tpu.memory_space<vmem>>
      %dma_wait3A_218 = arith.constant 0 : i32
      %dma_wait3A_219 = arith.constant 0 : i32
      %dma_wait3A_220 = tpu.memref_slice %arg10[%dma_wait3A_218, %dma_wait3A_219] : memref<10240x128xf32, #tpu.memory_space<vmem_shared>> -> memref<10240x128xf32, #tpu.memory_space<vmem_shared>>
      tpu.wait_indirect_dma semaphore(%arg13 : memref<!tpu.dma_semaphore, #tpu.memory_space<semaphore_mem>>) src(%arg8 : memref<128x128xf32, #tpu.memory_space<vmem>>) dst(%dma_wait3A_220 : memref<10240x128xf32, #tpu.memory_space<vmem_shared>>)
      %dma_start3A_221 = arith.constant 5 : i32
      %dma_start3A_222 = arith.constant 0 : i32
      %dma_start3A_223 = tpu.memref_slice %arg7[%dma_start3A_221, %dma_start3A_222] : memref<16x128xi32, #tpu.memory_space<vmem>> -> memref<1x128xi32, #tpu.memory_space<vmem>>
      %dma_start3A_224 = tpu.memref_squeeze %dma_start3A_223 : memref<1x128xi32, #tpu.memory_space<vmem>> -> memref<128xi32, #tpu.memory_space<vmem>>
      %dma_start3A_225 = arith.constant 0 : i32
      %dma_start3A_226 = arith.constant 0 : i32
      %dma_start3A_227 = tpu.memref_slice %arg10[%dma_start3A_225, %dma_start3A_226] : memref<10240x128xf32, #tpu.memory_space<vmem_shared>> -> memref<10240x128xf32, #tpu.memory_space<vmem_shared>>
      tpu.enqueue_indirect_dma source(%arg9 : memref<128x128xf32, #tpu.memory_space<vmem>>) target(%dma_start3A_227 : memref<10240x128xf32, #tpu.memory_space<vmem_shared>>) offsets(%dma_start3A_224 : memref<128xi32, #tpu.memory_space<vmem>>) semaphore(%arg14 : memref<!tpu.dma_semaphore, #tpu.memory_space<semaphore_mem>>) {add = true}
      %dma_start3A_228 = arith.constant 6 : i32
      %dma_start3A_229 = arith.constant 0 : i32
      %dma_start3A_230 = tpu.memref_slice %arg6[%dma_start3A_228, %dma_start3A_229] : memref<16x128xi32, #tpu.memory_space<vmem>> -> memref<1x128xi32, #tpu.memory_space<vmem>>
      %dma_start3A_231 = tpu.memref_squeeze %dma_start3A_230 : memref<1x128xi32, #tpu.memory_space<vmem>> -> memref<128xi32, #tpu.memory_space<vmem>>
      %dma_start3A_232 = arith.constant 0 : i32
      %dma_start3A_233 = arith.constant 0 : i32
      %dma_start3A_234 = tpu.memref_slice %arg2[%dma_start3A_232, %dma_start3A_233] : memref<10000x128xf32, #tpu.memory_space<hbm>> -> memref<10000x128xf32, #tpu.memory_space<hbm>>
      tpu.enqueue_indirect_dma source(%dma_start3A_234 : memref<10000x128xf32, #tpu.memory_space<hbm>>) target(%arg8 : memref<128x128xf32, #tpu.memory_space<vmem>>) offsets(%dma_start3A_231 : memref<128xi32, #tpu.memory_space<vmem>>) semaphore(%arg11 : memref<!tpu.dma_semaphore, #tpu.memory_space<semaphore_mem>>)
      %dma_wait3A_235 = arith.constant 6 : i32
      %dma_wait3A_236 = arith.constant 0 : i32
      %dma_wait3A_237 = tpu.memref_slice %arg6[%dma_wait3A_235, %dma_wait3A_236] : memref<16x128xi32, #tpu.memory_space<vmem>> -> memref<1x128xi32, #tpu.memory_space<vmem>>
      %dma_wait3A_238 = tpu.memref_squeeze %dma_wait3A_237 : memref<1x128xi32, #tpu.memory_space<vmem>> -> memref<128xi32, #tpu.memory_space<vmem>>
      %dma_wait3A_239 = arith.constant 0 : i32
      %dma_wait3A_240 = arith.constant 0 : i32
      %dma_wait3A_241 = tpu.memref_slice %arg2[%dma_wait3A_239, %dma_wait3A_240] : memref<10000x128xf32, #tpu.memory_space<hbm>> -> memref<10000x128xf32, #tpu.memory_space<hbm>>
      tpu.wait_indirect_dma semaphore(%arg11 : memref<!tpu.dma_semaphore, #tpu.memory_space<semaphore_mem>>) src(%dma_wait3A_241 : memref<10000x128xf32, #tpu.memory_space<hbm>>) dst(%arg8 : memref<128x128xf32, #tpu.memory_space<vmem>>)
      %dma_wait3A_242 = arith.constant 5 : i32
      %dma_wait3A_243 = arith.constant 0 : i32
      %dma_wait3A_244 = tpu.memref_slice %arg7[%dma_wait3A_242, %dma_wait3A_243] : memref<16x128xi32, #tpu.memory_space<vmem>> -> memref<1x128xi32, #tpu.memory_space<vmem>>
      %dma_wait3A_245 = tpu.memref_squeeze %dma_wait3A_244 : memref<1x128xi32, #tpu.memory_space<vmem>> -> memref<128xi32, #tpu.memory_space<vmem>>
      %dma_wait3A_246 = arith.constant 0 : i32
      %dma_wait3A_247 = arith.constant 0 : i32
      %dma_wait3A_248 = tpu.memref_slice %arg10[%dma_wait3A_246, %dma_wait3A_247] : memref<10240x128xf32, #tpu.memory_space<vmem_shared>> -> memref<10240x128xf32, #tpu.memory_space<vmem_shared>>
      tpu.wait_indirect_dma semaphore(%arg14 : memref<!tpu.dma_semaphore, #tpu.memory_space<semaphore_mem>>) src(%arg9 : memref<128x128xf32, #tpu.memory_space<vmem>>) dst(%dma_wait3A_248 : memref<10240x128xf32, #tpu.memory_space<vmem_shared>>)
      %dma_start3A_249 = arith.constant 6 : i32
      %dma_start3A_250 = arith.constant 0 : i32
      %dma_start3A_251 = tpu.memref_slice %arg7[%dma_start3A_249, %dma_start3A_250] : memref<16x128xi32, #tpu.memory_space<vmem>> -> memref<1x128xi32, #tpu.memory_space<vmem>>
      %dma_start3A_252 = tpu.memref_squeeze %dma_start3A_251 : memref<1x128xi32, #tpu.memory_space<vmem>> -> memref<128xi32, #tpu.memory_space<vmem>>
      %dma_start3A_253 = arith.constant 0 : i32
      %dma_start3A_254 = arith.constant 0 : i32
      %dma_start3A_255 = tpu.memref_slice %arg10[%dma_start3A_253, %dma_start3A_254] : memref<10240x128xf32, #tpu.memory_space<vmem_shared>> -> memref<10240x128xf32, #tpu.memory_space<vmem_shared>>
      tpu.enqueue_indirect_dma source(%arg8 : memref<128x128xf32, #tpu.memory_space<vmem>>) target(%dma_start3A_255 : memref<10240x128xf32, #tpu.memory_space<vmem_shared>>) offsets(%dma_start3A_252 : memref<128xi32, #tpu.memory_space<vmem>>) semaphore(%arg13 : memref<!tpu.dma_semaphore, #tpu.memory_space<semaphore_mem>>) {add = true}
      %dma_start3A_256 = arith.constant 7 : i32
      %dma_start3A_257 = arith.constant 0 : i32
      %dma_start3A_258 = tpu.memref_slice %arg6[%dma_start3A_256, %dma_start3A_257] : memref<16x128xi32, #tpu.memory_space<vmem>> -> memref<1x128xi32, #tpu.memory_space<vmem>>
      %dma_start3A_259 = tpu.memref_squeeze %dma_start3A_258 : memref<1x128xi32, #tpu.memory_space<vmem>> -> memref<128xi32, #tpu.memory_space<vmem>>
      %dma_start3A_260 = arith.constant 0 : i32
      %dma_start3A_261 = arith.constant 0 : i32
      %dma_start3A_262 = tpu.memref_slice %arg2[%dma_start3A_260, %dma_start3A_261] : memref<10000x128xf32, #tpu.memory_space<hbm>> -> memref<10000x128xf32, #tpu.memory_space<hbm>>
      tpu.enqueue_indirect_dma source(%dma_start3A_262 : memref<10000x128xf32, #tpu.memory_space<hbm>>) target(%arg9 : memref<128x128xf32, #tpu.memory_space<vmem>>) offsets(%dma_start3A_259 : memref<128xi32, #tpu.memory_space<vmem>>) semaphore(%arg12 : memref<!tpu.dma_semaphore, #tpu.memory_space<semaphore_mem>>)
      %dma_wait3A_263 = arith.constant 7 : i32
      %dma_wait3A_264 = arith.constant 0 : i32
      %dma_wait3A_265 = tpu.memref_slice %arg6[%dma_wait3A_263, %dma_wait3A_264] : memref<16x128xi32, #tpu.memory_space<vmem>> -> memref<1x128xi32, #tpu.memory_space<vmem>>
      %dma_wait3A_266 = tpu.memref_squeeze %dma_wait3A_265 : memref<1x128xi32, #tpu.memory_space<vmem>> -> memref<128xi32, #tpu.memory_space<vmem>>
      %dma_wait3A_267 = arith.constant 0 : i32
      %dma_wait3A_268 = arith.constant 0 : i32
      %dma_wait3A_269 = tpu.memref_slice %arg2[%dma_wait3A_267, %dma_wait3A_268] : memref<10000x128xf32, #tpu.memory_space<hbm>> -> memref<10000x128xf32, #tpu.memory_space<hbm>>
      tpu.wait_indirect_dma semaphore(%arg12 : memref<!tpu.dma_semaphore, #tpu.memory_space<semaphore_mem>>) src(%dma_wait3A_269 : memref<10000x128xf32, #tpu.memory_space<hbm>>) dst(%arg9 : memref<128x128xf32, #tpu.memory_space<vmem>>)
      %dma_wait3A_270 = arith.constant 6 : i32
      %dma_wait3A_271 = arith.constant 0 : i32
      %dma_wait3A_272 = tpu.memref_slice %arg7[%dma_wait3A_270, %dma_wait3A_271] : memref<16x128xi32, #tpu.memory_space<vmem>> -> memref<1x128xi32, #tpu.memory_space<vmem>>
      %dma_wait3A_273 = tpu.memref_squeeze %dma_wait3A_272 : memref<1x128xi32, #tpu.memory_space<vmem>> -> memref<128xi32, #tpu.memory_space<vmem>>
      %dma_wait3A_274 = arith.constant 0 : i32
      %dma_wait3A_275 = arith.constant 0 : i32
      %dma_wait3A_276 = tpu.memref_slice %arg10[%dma_wait3A_274, %dma_wait3A_275] : memref<10240x128xf32, #tpu.memory_space<vmem_shared>> -> memref<10240x128xf32, #tpu.memory_space<vmem_shared>>
      tpu.wait_indirect_dma semaphore(%arg13 : memref<!tpu.dma_semaphore, #tpu.memory_space<semaphore_mem>>) src(%arg8 : memref<128x128xf32, #tpu.memory_space<vmem>>) dst(%dma_wait3A_276 : memref<10240x128xf32, #tpu.memory_space<vmem_shared>>)
      %dma_start3A_277 = arith.constant 7 : i32
      %dma_start3A_278 = arith.constant 0 : i32
      %dma_start3A_279 = tpu.memref_slice %arg7[%dma_start3A_277, %dma_start3A_278] : memref<16x128xi32, #tpu.memory_space<vmem>> -> memref<1x128xi32, #tpu.memory_space<vmem>>
      %dma_start3A_280 = tpu.memref_squeeze %dma_start3A_279 : memref<1x128xi32, #tpu.memory_space<vmem>> -> memref<128xi32, #tpu.memory_space<vmem>>
      %dma_start3A_281 = arith.constant 0 : i32
      %dma_start3A_282 = arith.constant 0 : i32
      %dma_start3A_283 = tpu.memref_slice %arg10[%dma_start3A_281, %dma_start3A_282] : memref<10240x128xf32, #tpu.memory_space<vmem_shared>> -> memref<10240x128xf32, #tpu.memory_space<vmem_shared>>
      tpu.enqueue_indirect_dma source(%arg9 : memref<128x128xf32, #tpu.memory_space<vmem>>) target(%dma_start3A_283 : memref<10240x128xf32, #tpu.memory_space<vmem_shared>>) offsets(%dma_start3A_280 : memref<128xi32, #tpu.memory_space<vmem>>) semaphore(%arg14 : memref<!tpu.dma_semaphore, #tpu.memory_space<semaphore_mem>>) {add = true}
      %dma_start3A_284 = arith.constant 8 : i32
      %dma_start3A_285 = arith.constant 0 : i32
      %dma_start3A_286 = tpu.memref_slice %arg6[%dma_start3A_284, %dma_start3A_285] : memref<16x128xi32, #tpu.memory_space<vmem>> -> memref<1x128xi32, #tpu.memory_space<vmem>>
      %dma_start3A_287 = tpu.memref_squeeze %dma_start3A_286 : memref<1x128xi32, #tpu.memory_space<vmem>> -> memref<128xi32, #tpu.memory_space<vmem>>
      %dma_start3A_288 = arith.constant 0 : i32
      %dma_start3A_289 = arith.constant 0 : i32
      %dma_start3A_290 = tpu.memref_slice %arg2[%dma_start3A_288, %dma_start3A_289] : memref<10000x128xf32, #tpu.memory_space<hbm>> -> memref<10000x128xf32, #tpu.memory_space<hbm>>
      tpu.enqueue_indirect_dma source(%dma_start3A_290 : memref<10000x128xf32, #tpu.memory_space<hbm>>) target(%arg8 : memref<128x128xf32, #tpu.memory_space<vmem>>) offsets(%dma_start3A_287 : memref<128xi32, #tpu.memory_space<vmem>>) semaphore(%arg11 : memref<!tpu.dma_semaphore, #tpu.memory_space<semaphore_mem>>)
      %dma_wait3A_291 = arith.constant 8 : i32
      %dma_wait3A_292 = arith.constant 0 : i32
      %dma_wait3A_293 = tpu.memref_slice %arg6[%dma_wait3A_291, %dma_wait3A_292] : memref<16x128xi32, #tpu.memory_space<vmem>> -> memref<1x128xi32, #tpu.memory_space<vmem>>
      %dma_wait3A_294 = tpu.memref_squeeze %dma_wait3A_293 : memref<1x128xi32, #tpu.memory_space<vmem>> -> memref<128xi32, #tpu.memory_space<vmem>>
      %dma_wait3A_295 = arith.constant 0 : i32
      %dma_wait3A_296 = arith.constant 0 : i32
      %dma_wait3A_297 = tpu.memref_slice %arg2[%dma_wait3A_295, %dma_wait3A_296] : memref<10000x128xf32, #tpu.memory_space<hbm>> -> memref<10000x128xf32, #tpu.memory_space<hbm>>
      tpu.wait_indirect_dma semaphore(%arg11 : memref<!tpu.dma_semaphore, #tpu.memory_space<semaphore_mem>>) src(%dma_wait3A_297 : memref<10000x128xf32, #tpu.memory_space<hbm>>) dst(%arg8 : memref<128x128xf32, #tpu.memory_space<vmem>>)
      %dma_wait3A_298 = arith.constant 7 : i32
      %dma_wait3A_299 = arith.constant 0 : i32
      %dma_wait3A_300 = tpu.memref_slice %arg7[%dma_wait3A_298, %dma_wait3A_299] : memref<16x128xi32, #tpu.memory_space<vmem>> -> memref<1x128xi32, #tpu.memory_space<vmem>>
      %dma_wait3A_301 = tpu.memref_squeeze %dma_wait3A_300 : memref<1x128xi32, #tpu.memory_space<vmem>> -> memref<128xi32, #tpu.memory_space<vmem>>
      %dma_wait3A_302 = arith.constant 0 : i32
      %dma_wait3A_303 = arith.constant 0 : i32
      %dma_wait3A_304 = tpu.memref_slice %arg10[%dma_wait3A_302, %dma_wait3A_303] : memref<10240x128xf32, #tpu.memory_space<vmem_shared>> -> memref<10240x128xf32, #tpu.memory_space<vmem_shared>>
      tpu.wait_indirect_dma semaphore(%arg14 : memref<!tpu.dma_semaphore, #tpu.memory_space<semaphore_mem>>) src(%arg9 : memref<128x128xf32, #tpu.memory_space<vmem>>) dst(%dma_wait3A_304 : memref<10240x128xf32, #tpu.memory_space<vmem_shared>>)
      %dma_start3A_305 = arith.constant 8 : i32
      %dma_start3A_306 = arith.constant 0 : i32
      %dma_start3A_307 = tpu.memref_slice %arg7[%dma_start3A_305, %dma_start3A_306] : memref<16x128xi32, #tpu.memory_space<vmem>> -> memref<1x128xi32, #tpu.memory_space<vmem>>
      %dma_start3A_308 = tpu.memref_squeeze %dma_start3A_307 : memref<1x128xi32, #tpu.memory_space<vmem>> -> memref<128xi32, #tpu.memory_space<vmem>>
      %dma_start3A_309 = arith.constant 0 : i32
      %dma_start3A_310 = arith.constant 0 : i32
      %dma_start3A_311 = tpu.memref_slice %arg10[%dma_start3A_309, %dma_start3A_310] : memref<10240x128xf32, #tpu.memory_space<vmem_shared>> -> memref<10240x128xf32, #tpu.memory_space<vmem_shared>>
      tpu.enqueue_indirect_dma source(%arg8 : memref<128x128xf32, #tpu.memory_space<vmem>>) target(%dma_start3A_311 : memref<10240x128xf32, #tpu.memory_space<vmem_shared>>) offsets(%dma_start3A_308 : memref<128xi32, #tpu.memory_space<vmem>>) semaphore(%arg13 : memref<!tpu.dma_semaphore, #tpu.memory_space<semaphore_mem>>) {add = true}
      %dma_start3A_312 = arith.constant 9 : i32
      %dma_start3A_313 = arith.constant 0 : i32
      %dma_start3A_314 = tpu.memref_slice %arg6[%dma_start3A_312, %dma_start3A_313] : memref<16x128xi32, #tpu.memory_space<vmem>> -> memref<1x128xi32, #tpu.memory_space<vmem>>
      %dma_start3A_315 = tpu.memref_squeeze %dma_start3A_314 : memref<1x128xi32, #tpu.memory_space<vmem>> -> memref<128xi32, #tpu.memory_space<vmem>>
      %dma_start3A_316 = arith.constant 0 : i32
      %dma_start3A_317 = arith.constant 0 : i32
      %dma_start3A_318 = tpu.memref_slice %arg2[%dma_start3A_316, %dma_start3A_317] : memref<10000x128xf32, #tpu.memory_space<hbm>> -> memref<10000x128xf32, #tpu.memory_space<hbm>>
      tpu.enqueue_indirect_dma source(%dma_start3A_318 : memref<10000x128xf32, #tpu.memory_space<hbm>>) target(%arg9 : memref<128x128xf32, #tpu.memory_space<vmem>>) offsets(%dma_start3A_315 : memref<128xi32, #tpu.memory_space<vmem>>) semaphore(%arg12 : memref<!tpu.dma_semaphore, #tpu.memory_space<semaphore_mem>>)
      %dma_wait3A_319 = arith.constant 9 : i32
      %dma_wait3A_320 = arith.constant 0 : i32
      %dma_wait3A_321 = tpu.memref_slice %arg6[%dma_wait3A_319, %dma_wait3A_320] : memref<16x128xi32, #tpu.memory_space<vmem>> -> memref<1x128xi32, #tpu.memory_space<vmem>>
      %dma_wait3A_322 = tpu.memref_squeeze %dma_wait3A_321 : memref<1x128xi32, #tpu.memory_space<vmem>> -> memref<128xi32, #tpu.memory_space<vmem>>
      %dma_wait3A_323 = arith.constant 0 : i32
      %dma_wait3A_324 = arith.constant 0 : i32
      %dma_wait3A_325 = tpu.memref_slice %arg2[%dma_wait3A_323, %dma_wait3A_324] : memref<10000x128xf32, #tpu.memory_space<hbm>> -> memref<10000x128xf32, #tpu.memory_space<hbm>>
      tpu.wait_indirect_dma semaphore(%arg12 : memref<!tpu.dma_semaphore, #tpu.memory_space<semaphore_mem>>) src(%dma_wait3A_325 : memref<10000x128xf32, #tpu.memory_space<hbm>>) dst(%arg9 : memref<128x128xf32, #tpu.memory_space<vmem>>)
      %dma_wait3A_326 = arith.constant 8 : i32
      %dma_wait3A_327 = arith.constant 0 : i32
      %dma_wait3A_328 = tpu.memref_slice %arg7[%dma_wait3A_326, %dma_wait3A_327] : memref<16x128xi32, #tpu.memory_space<vmem>> -> memref<1x128xi32, #tpu.memory_space<vmem>>
      %dma_wait3A_329 = tpu.memref_squeeze %dma_wait3A_328 : memref<1x128xi32, #tpu.memory_space<vmem>> -> memref<128xi32, #tpu.memory_space<vmem>>
      %dma_wait3A_330 = arith.constant 0 : i32
      %dma_wait3A_331 = arith.constant 0 : i32
      %dma_wait3A_332 = tpu.memref_slice %arg10[%dma_wait3A_330, %dma_wait3A_331] : memref<10240x128xf32, #tpu.memory_space<vmem_shared>> -> memref<10240x128xf32, #tpu.memory_space<vmem_shared>>
      tpu.wait_indirect_dma semaphore(%arg13 : memref<!tpu.dma_semaphore, #tpu.memory_space<semaphore_mem>>) src(%arg8 : memref<128x128xf32, #tpu.memory_space<vmem>>) dst(%dma_wait3A_332 : memref<10240x128xf32, #tpu.memory_space<vmem_shared>>)
      %dma_start3A_333 = arith.constant 9 : i32
      %dma_start3A_334 = arith.constant 0 : i32
      %dma_start3A_335 = tpu.memref_slice %arg7[%dma_start3A_333, %dma_start3A_334] : memref<16x128xi32, #tpu.memory_space<vmem>> -> memref<1x128xi32, #tpu.memory_space<vmem>>
      %dma_start3A_336 = tpu.memref_squeeze %dma_start3A_335 : memref<1x128xi32, #tpu.memory_space<vmem>> -> memref<128xi32, #tpu.memory_space<vmem>>
      %dma_start3A_337 = arith.constant 0 : i32
      %dma_start3A_338 = arith.constant 0 : i32
      %dma_start3A_339 = tpu.memref_slice %arg10[%dma_start3A_337, %dma_start3A_338] : memref<10240x128xf32, #tpu.memory_space<vmem_shared>> -> memref<10240x128xf32, #tpu.memory_space<vmem_shared>>
      tpu.enqueue_indirect_dma source(%arg9 : memref<128x128xf32, #tpu.memory_space<vmem>>) target(%dma_start3A_339 : memref<10240x128xf32, #tpu.memory_space<vmem_shared>>) offsets(%dma_start3A_336 : memref<128xi32, #tpu.memory_space<vmem>>) semaphore(%arg14 : memref<!tpu.dma_semaphore, #tpu.memory_space<semaphore_mem>>) {add = true}
      %dma_start3A_340 = arith.constant 10 : i32
      %dma_start3A_341 = arith.constant 0 : i32
      %dma_start3A_342 = tpu.memref_slice %arg6[%dma_start3A_340, %dma_start3A_341] : memref<16x128xi32, #tpu.memory_space<vmem>> -> memref<1x128xi32, #tpu.memory_space<vmem>>
      %dma_start3A_343 = tpu.memref_squeeze %dma_start3A_342 : memref<1x128xi32, #tpu.memory_space<vmem>> -> memref<128xi32, #tpu.memory_space<vmem>>
      %dma_start3A_344 = arith.constant 0 : i32
      %dma_start3A_345 = arith.constant 0 : i32
      %dma_start3A_346 = tpu.memref_slice %arg2[%dma_start3A_344, %dma_start3A_345] : memref<10000x128xf32, #tpu.memory_space<hbm>> -> memref<10000x128xf32, #tpu.memory_space<hbm>>
      tpu.enqueue_indirect_dma source(%dma_start3A_346 : memref<10000x128xf32, #tpu.memory_space<hbm>>) target(%arg8 : memref<128x128xf32, #tpu.memory_space<vmem>>) offsets(%dma_start3A_343 : memref<128xi32, #tpu.memory_space<vmem>>) semaphore(%arg11 : memref<!tpu.dma_semaphore, #tpu.memory_space<semaphore_mem>>)
      %dma_wait3A_347 = arith.constant 10 : i32
      %dma_wait3A_348 = arith.constant 0 : i32
      %dma_wait3A_349 = tpu.memref_slice %arg6[%dma_wait3A_347, %dma_wait3A_348] : memref<16x128xi32, #tpu.memory_space<vmem>> -> memref<1x128xi32, #tpu.memory_space<vmem>>
      %dma_wait3A_350 = tpu.memref_squeeze %dma_wait3A_349 : memref<1x128xi32, #tpu.memory_space<vmem>> -> memref<128xi32, #tpu.memory_space<vmem>>
      %dma_wait3A_351 = arith.constant 0 : i32
      %dma_wait3A_352 = arith.constant 0 : i32
      %dma_wait3A_353 = tpu.memref_slice %arg2[%dma_wait3A_351, %dma_wait3A_352] : memref<10000x128xf32, #tpu.memory_space<hbm>> -> memref<10000x128xf32, #tpu.memory_space<hbm>>
      tpu.wait_indirect_dma semaphore(%arg11 : memref<!tpu.dma_semaphore, #tpu.memory_space<semaphore_mem>>) src(%dma_wait3A_353 : memref<10000x128xf32, #tpu.memory_space<hbm>>) dst(%arg8 : memref<128x128xf32, #tpu.memory_space<vmem>>)
      %dma_wait3A_354 = arith.constant 9 : i32
      %dma_wait3A_355 = arith.constant 0 : i32
      %dma_wait3A_356 = tpu.memref_slice %arg7[%dma_wait3A_354, %dma_wait3A_355] : memref<16x128xi32, #tpu.memory_space<vmem>> -> memref<1x128xi32, #tpu.memory_space<vmem>>
      %dma_wait3A_357 = tpu.memref_squeeze %dma_wait3A_356 : memref<1x128xi32, #tpu.memory_space<vmem>> -> memref<128xi32, #tpu.memory_space<vmem>>
      %dma_wait3A_358 = arith.constant 0 : i32
      %dma_wait3A_359 = arith.constant 0 : i32
      %dma_wait3A_360 = tpu.memref_slice %arg10[%dma_wait3A_358, %dma_wait3A_359] : memref<10240x128xf32, #tpu.memory_space<vmem_shared>> -> memref<10240x128xf32, #tpu.memory_space<vmem_shared>>
      tpu.wait_indirect_dma semaphore(%arg14 : memref<!tpu.dma_semaphore, #tpu.memory_space<semaphore_mem>>) src(%arg9 : memref<128x128xf32, #tpu.memory_space<vmem>>) dst(%dma_wait3A_360 : memref<10240x128xf32, #tpu.memory_space<vmem_shared>>)
      %dma_start3A_361 = arith.constant 10 : i32
      %dma_start3A_362 = arith.constant 0 : i32
      %dma_start3A_363 = tpu.memref_slice %arg7[%dma_start3A_361, %dma_start3A_362] : memref<16x128xi32, #tpu.memory_space<vmem>> -> memref<1x128xi32, #tpu.memory_space<vmem>>
      %dma_start3A_364 = tpu.memref_squeeze %dma_start3A_363 : memref<1x128xi32, #tpu.memory_space<vmem>> -> memref<128xi32, #tpu.memory_space<vmem>>
      %dma_start3A_365 = arith.constant 0 : i32
      %dma_start3A_366 = arith.constant 0 : i32
      %dma_start3A_367 = tpu.memref_slice %arg10[%dma_start3A_365, %dma_start3A_366] : memref<10240x128xf32, #tpu.memory_space<vmem_shared>> -> memref<10240x128xf32, #tpu.memory_space<vmem_shared>>
      tpu.enqueue_indirect_dma source(%arg8 : memref<128x128xf32, #tpu.memory_space<vmem>>) target(%dma_start3A_367 : memref<10240x128xf32, #tpu.memory_space<vmem_shared>>) offsets(%dma_start3A_364 : memref<128xi32, #tpu.memory_space<vmem>>) semaphore(%arg13 : memref<!tpu.dma_semaphore, #tpu.memory_space<semaphore_mem>>) {add = true}
      %dma_start3A_368 = arith.constant 11 : i32
      %dma_start3A_369 = arith.constant 0 : i32
      %dma_start3A_370 = tpu.memref_slice %arg6[%dma_start3A_368, %dma_start3A_369] : memref<16x128xi32, #tpu.memory_space<vmem>> -> memref<1x128xi32, #tpu.memory_space<vmem>>
      %dma_start3A_371 = tpu.memref_squeeze %dma_start3A_370 : memref<1x128xi32, #tpu.memory_space<vmem>> -> memref<128xi32, #tpu.memory_space<vmem>>
      %dma_start3A_372 = arith.constant 0 : i32
      %dma_start3A_373 = arith.constant 0 : i32
      %dma_start3A_374 = tpu.memref_slice %arg2[%dma_start3A_372, %dma_start3A_373] : memref<10000x128xf32, #tpu.memory_space<hbm>> -> memref<10000x128xf32, #tpu.memory_space<hbm>>
      tpu.enqueue_indirect_dma source(%dma_start3A_374 : memref<10000x128xf32, #tpu.memory_space<hbm>>) target(%arg9 : memref<128x128xf32, #tpu.memory_space<vmem>>) offsets(%dma_start3A_371 : memref<128xi32, #tpu.memory_space<vmem>>) semaphore(%arg12 : memref<!tpu.dma_semaphore, #tpu.memory_space<semaphore_mem>>)
      %dma_wait3A_375 = arith.constant 11 : i32
      %dma_wait3A_376 = arith.constant 0 : i32
      %dma_wait3A_377 = tpu.memref_slice %arg6[%dma_wait3A_375, %dma_wait3A_376] : memref<16x128xi32, #tpu.memory_space<vmem>> -> memref<1x128xi32, #tpu.memory_space<vmem>>
      %dma_wait3A_378 = tpu.memref_squeeze %dma_wait3A_377 : memref<1x128xi32, #tpu.memory_space<vmem>> -> memref<128xi32, #tpu.memory_space<vmem>>
      %dma_wait3A_379 = arith.constant 0 : i32
      %dma_wait3A_380 = arith.constant 0 : i32
      %dma_wait3A_381 = tpu.memref_slice %arg2[%dma_wait3A_379, %dma_wait3A_380] : memref<10000x128xf32, #tpu.memory_space<hbm>> -> memref<10000x128xf32, #tpu.memory_space<hbm>>
      tpu.wait_indirect_dma semaphore(%arg12 : memref<!tpu.dma_semaphore, #tpu.memory_space<semaphore_mem>>) src(%dma_wait3A_381 : memref<10000x128xf32, #tpu.memory_space<hbm>>) dst(%arg9 : memref<128x128xf32, #tpu.memory_space<vmem>>)
      %dma_wait3A_382 = arith.constant 10 : i32
      %dma_wait3A_383 = arith.constant 0 : i32
      %dma_wait3A_384 = tpu.memref_slice %arg7[%dma_wait3A_382, %dma_wait3A_383] : memref<16x128xi32, #tpu.memory_space<vmem>> -> memref<1x128xi32, #tpu.memory_space<vmem>>
      %dma_wait3A_385 = tpu.memref_squeeze %dma_wait3A_384 : memref<1x128xi32, #tpu.memory_space<vmem>> -> memref<128xi32, #tpu.memory_space<vmem>>
      %dma_wait3A_386 = arith.constant 0 : i32
      %dma_wait3A_387 = arith.constant 0 : i32
      %dma_wait3A_388 = tpu.memref_slice %arg10[%dma_wait3A_386, %dma_wait3A_387] : memref<10240x128xf32, #tpu.memory_space<vmem_shared>> -> memref<10240x128xf32, #tpu.memory_space<vmem_shared>>
      tpu.wait_indirect_dma semaphore(%arg13 : memref<!tpu.dma_semaphore, #tpu.memory_space<semaphore_mem>>) src(%arg8 : memref<128x128xf32, #tpu.memory_space<vmem>>) dst(%dma_wait3A_388 : memref<10240x128xf32, #tpu.memory_space<vmem_shared>>)
      %dma_start3A_389 = arith.constant 11 : i32
      %dma_start3A_390 = arith.constant 0 : i32
      %dma_start3A_391 = tpu.memref_slice %arg7[%dma_start3A_389, %dma_start3A_390] : memref<16x128xi32, #tpu.memory_space<vmem>> -> memref<1x128xi32, #tpu.memory_space<vmem>>
      %dma_start3A_392 = tpu.memref_squeeze %dma_start3A_391 : memref<1x128xi32, #tpu.memory_space<vmem>> -> memref<128xi32, #tpu.memory_space<vmem>>
      %dma_start3A_393 = arith.constant 0 : i32
      %dma_start3A_394 = arith.constant 0 : i32
      %dma_start3A_395 = tpu.memref_slice %arg10[%dma_start3A_393, %dma_start3A_394] : memref<10240x128xf32, #tpu.memory_space<vmem_shared>> -> memref<10240x128xf32, #tpu.memory_space<vmem_shared>>
      tpu.enqueue_indirect_dma source(%arg9 : memref<128x128xf32, #tpu.memory_space<vmem>>) target(%dma_start3A_395 : memref<10240x128xf32, #tpu.memory_space<vmem_shared>>) offsets(%dma_start3A_392 : memref<128xi32, #tpu.memory_space<vmem>>) semaphore(%arg14 : memref<!tpu.dma_semaphore, #tpu.memory_space<semaphore_mem>>) {add = true}
      %dma_start3A_396 = arith.constant 12 : i32
      %dma_start3A_397 = arith.constant 0 : i32
      %dma_start3A_398 = tpu.memref_slice %arg6[%dma_start3A_396, %dma_start3A_397] : memref<16x128xi32, #tpu.memory_space<vmem>> -> memref<1x128xi32, #tpu.memory_space<vmem>>
      %dma_start3A_399 = tpu.memref_squeeze %dma_start3A_398 : memref<1x128xi32, #tpu.memory_space<vmem>> -> memref<128xi32, #tpu.memory_space<vmem>>
      %dma_start3A_400 = arith.constant 0 : i32
      %dma_start3A_401 = arith.constant 0 : i32
      %dma_start3A_402 = tpu.memref_slice %arg2[%dma_start3A_400, %dma_start3A_401] : memref<10000x128xf32, #tpu.memory_space<hbm>> -> memref<10000x128xf32, #tpu.memory_space<hbm>>
      tpu.enqueue_indirect_dma source(%dma_start3A_402 : memref<10000x128xf32, #tpu.memory_space<hbm>>) target(%arg8 : memref<128x128xf32, #tpu.memory_space<vmem>>) offsets(%dma_start3A_399 : memref<128xi32, #tpu.memory_space<vmem>>) semaphore(%arg11 : memref<!tpu.dma_semaphore, #tpu.memory_space<semaphore_mem>>)
      %dma_wait3A_403 = arith.constant 12 : i32
      %dma_wait3A_404 = arith.constant 0 : i32
      %dma_wait3A_405 = tpu.memref_slice %arg6[%dma_wait3A_403, %dma_wait3A_404] : memref<16x128xi32, #tpu.memory_space<vmem>> -> memref<1x128xi32, #tpu.memory_space<vmem>>
      %dma_wait3A_406 = tpu.memref_squeeze %dma_wait3A_405 : memref<1x128xi32, #tpu.memory_space<vmem>> -> memref<128xi32, #tpu.memory_space<vmem>>
      %dma_wait3A_407 = arith.constant 0 : i32
      %dma_wait3A_408 = arith.constant 0 : i32
      %dma_wait3A_409 = tpu.memref_slice %arg2[%dma_wait3A_407, %dma_wait3A_408] : memref<10000x128xf32, #tpu.memory_space<hbm>> -> memref<10000x128xf32, #tpu.memory_space<hbm>>
      tpu.wait_indirect_dma semaphore(%arg11 : memref<!tpu.dma_semaphore, #tpu.memory_space<semaphore_mem>>) src(%dma_wait3A_409 : memref<10000x128xf32, #tpu.memory_space<hbm>>) dst(%arg8 : memref<128x128xf32, #tpu.memory_space<vmem>>)
      %dma_wait3A_410 = arith.constant 11 : i32
      %dma_wait3A_411 = arith.constant 0 : i32
      %dma_wait3A_412 = tpu.memref_slice %arg7[%dma_wait3A_410, %dma_wait3A_411] : memref<16x128xi32, #tpu.memory_space<vmem>> -> memref<1x128xi32, #tpu.memory_space<vmem>>
      %dma_wait3A_413 = tpu.memref_squeeze %dma_wait3A_412 : memref<1x128xi32, #tpu.memory_space<vmem>> -> memref<128xi32, #tpu.memory_space<vmem>>
      %dma_wait3A_414 = arith.constant 0 : i32
      %dma_wait3A_415 = arith.constant 0 : i32
      %dma_wait3A_416 = tpu.memref_slice %arg10[%dma_wait3A_414, %dma_wait3A_415] : memref<10240x128xf32, #tpu.memory_space<vmem_shared>> -> memref<10240x128xf32, #tpu.memory_space<vmem_shared>>
      tpu.wait_indirect_dma semaphore(%arg14 : memref<!tpu.dma_semaphore, #tpu.memory_space<semaphore_mem>>) src(%arg9 : memref<128x128xf32, #tpu.memory_space<vmem>>) dst(%dma_wait3A_416 : memref<10240x128xf32, #tpu.memory_space<vmem_shared>>)
      %dma_start3A_417 = arith.constant 12 : i32
      %dma_start3A_418 = arith.constant 0 : i32
      %dma_start3A_419 = tpu.memref_slice %arg7[%dma_start3A_417, %dma_start3A_418] : memref<16x128xi32, #tpu.memory_space<vmem>> -> memref<1x128xi32, #tpu.memory_space<vmem>>
      %dma_start3A_420 = tpu.memref_squeeze %dma_start3A_419 : memref<1x128xi32, #tpu.memory_space<vmem>> -> memref<128xi32, #tpu.memory_space<vmem>>
      %dma_start3A_421 = arith.constant 0 : i32
      %dma_start3A_422 = arith.constant 0 : i32
      %dma_start3A_423 = tpu.memref_slice %arg10[%dma_start3A_421, %dma_start3A_422] : memref<10240x128xf32, #tpu.memory_space<vmem_shared>> -> memref<10240x128xf32, #tpu.memory_space<vmem_shared>>
      tpu.enqueue_indirect_dma source(%arg8 : memref<128x128xf32, #tpu.memory_space<vmem>>) target(%dma_start3A_423 : memref<10240x128xf32, #tpu.memory_space<vmem_shared>>) offsets(%dma_start3A_420 : memref<128xi32, #tpu.memory_space<vmem>>) semaphore(%arg13 : memref<!tpu.dma_semaphore, #tpu.memory_space<semaphore_mem>>) {add = true}
      %dma_start3A_424 = arith.constant 13 : i32
      %dma_start3A_425 = arith.constant 0 : i32
      %dma_start3A_426 = tpu.memref_slice %arg6[%dma_start3A_424, %dma_start3A_425] : memref<16x128xi32, #tpu.memory_space<vmem>> -> memref<1x128xi32, #tpu.memory_space<vmem>>
      %dma_start3A_427 = tpu.memref_squeeze %dma_start3A_426 : memref<1x128xi32, #tpu.memory_space<vmem>> -> memref<128xi32, #tpu.memory_space<vmem>>
      %dma_start3A_428 = arith.constant 0 : i32
      %dma_start3A_429 = arith.constant 0 : i32
      %dma_start3A_430 = tpu.memref_slice %arg2[%dma_start3A_428, %dma_start3A_429] : memref<10000x128xf32, #tpu.memory_space<hbm>> -> memref<10000x128xf32, #tpu.memory_space<hbm>>
      tpu.enqueue_indirect_dma source(%dma_start3A_430 : memref<10000x128xf32, #tpu.memory_space<hbm>>) target(%arg9 : memref<128x128xf32, #tpu.memory_space<vmem>>) offsets(%dma_start3A_427 : memref<128xi32, #tpu.memory_space<vmem>>) semaphore(%arg12 : memref<!tpu.dma_semaphore, #tpu.memory_space<semaphore_mem>>)
      %dma_wait3A_431 = arith.constant 13 : i32
      %dma_wait3A_432 = arith.constant 0 : i32
      %dma_wait3A_433 = tpu.memref_slice %arg6[%dma_wait3A_431, %dma_wait3A_432] : memref<16x128xi32, #tpu.memory_space<vmem>> -> memref<1x128xi32, #tpu.memory_space<vmem>>
      %dma_wait3A_434 = tpu.memref_squeeze %dma_wait3A_433 : memref<1x128xi32, #tpu.memory_space<vmem>> -> memref<128xi32, #tpu.memory_space<vmem>>
      %dma_wait3A_435 = arith.constant 0 : i32
      %dma_wait3A_436 = arith.constant 0 : i32
      %dma_wait3A_437 = tpu.memref_slice %arg2[%dma_wait3A_435, %dma_wait3A_436] : memref<10000x128xf32, #tpu.memory_space<hbm>> -> memref<10000x128xf32, #tpu.memory_space<hbm>>
      tpu.wait_indirect_dma semaphore(%arg12 : memref<!tpu.dma_semaphore, #tpu.memory_space<semaphore_mem>>) src(%dma_wait3A_437 : memref<10000x128xf32, #tpu.memory_space<hbm>>) dst(%arg9 : memref<128x128xf32, #tpu.memory_space<vmem>>)
      %dma_wait3A_438 = arith.constant 12 : i32
      %dma_wait3A_439 = arith.constant 0 : i32
      %dma_wait3A_440 = tpu.memref_slice %arg7[%dma_wait3A_438, %dma_wait3A_439] : memref<16x128xi32, #tpu.memory_space<vmem>> -> memref<1x128xi32, #tpu.memory_space<vmem>>
      %dma_wait3A_441 = tpu.memref_squeeze %dma_wait3A_440 : memref<1x128xi32, #tpu.memory_space<vmem>> -> memref<128xi32, #tpu.memory_space<vmem>>
      %dma_wait3A_442 = arith.constant 0 : i32
      %dma_wait3A_443 = arith.constant 0 : i32
      %dma_wait3A_444 = tpu.memref_slice %arg10[%dma_wait3A_442, %dma_wait3A_443] : memref<10240x128xf32, #tpu.memory_space<vmem_shared>> -> memref<10240x128xf32, #tpu.memory_space<vmem_shared>>
      tpu.wait_indirect_dma semaphore(%arg13 : memref<!tpu.dma_semaphore, #tpu.memory_space<semaphore_mem>>) src(%arg8 : memref<128x128xf32, #tpu.memory_space<vmem>>) dst(%dma_wait3A_444 : memref<10240x128xf32, #tpu.memory_space<vmem_shared>>)
      %dma_start3A_445 = arith.constant 13 : i32
      %dma_start3A_446 = arith.constant 0 : i32
      %dma_start3A_447 = tpu.memref_slice %arg7[%dma_start3A_445, %dma_start3A_446] : memref<16x128xi32, #tpu.memory_space<vmem>> -> memref<1x128xi32, #tpu.memory_space<vmem>>
      %dma_start3A_448 = tpu.memref_squeeze %dma_start3A_447 : memref<1x128xi32, #tpu.memory_space<vmem>> -> memref<128xi32, #tpu.memory_space<vmem>>
      %dma_start3A_449 = arith.constant 0 : i32
      %dma_start3A_450 = arith.constant 0 : i32
      %dma_start3A_451 = tpu.memref_slice %arg10[%dma_start3A_449, %dma_start3A_450] : memref<10240x128xf32, #tpu.memory_space<vmem_shared>> -> memref<10240x128xf32, #tpu.memory_space<vmem_shared>>
      tpu.enqueue_indirect_dma source(%arg9 : memref<128x128xf32, #tpu.memory_space<vmem>>) target(%dma_start3A_451 : memref<10240x128xf32, #tpu.memory_space<vmem_shared>>) offsets(%dma_start3A_448 : memref<128xi32, #tpu.memory_space<vmem>>) semaphore(%arg14 : memref<!tpu.dma_semaphore, #tpu.memory_space<semaphore_mem>>) {add = true}
      %dma_start3A_452 = arith.constant 14 : i32
      %dma_start3A_453 = arith.constant 0 : i32
      %dma_start3A_454 = tpu.memref_slice %arg6[%dma_start3A_452, %dma_start3A_453] : memref<16x128xi32, #tpu.memory_space<vmem>> -> memref<1x128xi32, #tpu.memory_space<vmem>>
      %dma_start3A_455 = tpu.memref_squeeze %dma_start3A_454 : memref<1x128xi32, #tpu.memory_space<vmem>> -> memref<128xi32, #tpu.memory_space<vmem>>
      %dma_start3A_456 = arith.constant 0 : i32
      %dma_start3A_457 = arith.constant 0 : i32
      %dma_start3A_458 = tpu.memref_slice %arg2[%dma_start3A_456, %dma_start3A_457] : memref<10000x128xf32, #tpu.memory_space<hbm>> -> memref<10000x128xf32, #tpu.memory_space<hbm>>
      tpu.enqueue_indirect_dma source(%dma_start3A_458 : memref<10000x128xf32, #tpu.memory_space<hbm>>) target(%arg8 : memref<128x128xf32, #tpu.memory_space<vmem>>) offsets(%dma_start3A_455 : memref<128xi32, #tpu.memory_space<vmem>>) semaphore(%arg11 : memref<!tpu.dma_semaphore, #tpu.memory_space<semaphore_mem>>)
      %dma_wait3A_459 = arith.constant 14 : i32
      %dma_wait3A_460 = arith.constant 0 : i32
      %dma_wait3A_461 = tpu.memref_slice %arg6[%dma_wait3A_459, %dma_wait3A_460] : memref<16x128xi32, #tpu.memory_space<vmem>> -> memref<1x128xi32, #tpu.memory_space<vmem>>
      %dma_wait3A_462 = tpu.memref_squeeze %dma_wait3A_461 : memref<1x128xi32, #tpu.memory_space<vmem>> -> memref<128xi32, #tpu.memory_space<vmem>>
      %dma_wait3A_463 = arith.constant 0 : i32
      %dma_wait3A_464 = arith.constant 0 : i32
      %dma_wait3A_465 = tpu.memref_slice %arg2[%dma_wait3A_463, %dma_wait3A_464] : memref<10000x128xf32, #tpu.memory_space<hbm>> -> memref<10000x128xf32, #tpu.memory_space<hbm>>
      tpu.wait_indirect_dma semaphore(%arg11 : memref<!tpu.dma_semaphore, #tpu.memory_space<semaphore_mem>>) src(%dma_wait3A_465 : memref<10000x128xf32, #tpu.memory_space<hbm>>) dst(%arg8 : memref<128x128xf32, #tpu.memory_space<vmem>>)
      %dma_wait3A_466 = arith.constant 13 : i32
      %dma_wait3A_467 = arith.constant 0 : i32
      %dma_wait3A_468 = tpu.memref_slice %arg7[%dma_wait3A_466, %dma_wait3A_467] : memref<16x128xi32, #tpu.memory_space<vmem>> -> memref<1x128xi32, #tpu.memory_space<vmem>>
      %dma_wait3A_469 = tpu.memref_squeeze %dma_wait3A_468 : memref<1x128xi32, #tpu.memory_space<vmem>> -> memref<128xi32, #tpu.memory_space<vmem>>
      %dma_wait3A_470 = arith.constant 0 : i32
      %dma_wait3A_471 = arith.constant 0 : i32
      %dma_wait3A_472 = tpu.memref_slice %arg10[%dma_wait3A_470, %dma_wait3A_471] : memref<10240x128xf32, #tpu.memory_space<vmem_shared>> -> memref<10240x128xf32, #tpu.memory_space<vmem_shared>>
      tpu.wait_indirect_dma semaphore(%arg14 : memref<!tpu.dma_semaphore, #tpu.memory_space<semaphore_mem>>) src(%arg9 : memref<128x128xf32, #tpu.memory_space<vmem>>) dst(%dma_wait3A_472 : memref<10240x128xf32, #tpu.memory_space<vmem_shared>>)
      %dma_start3A_473 = arith.constant 14 : i32
      %dma_start3A_474 = arith.constant 0 : i32
      %dma_start3A_475 = tpu.memref_slice %arg7[%dma_start3A_473, %dma_start3A_474] : memref<16x128xi32, #tpu.memory_space<vmem>> -> memref<1x128xi32, #tpu.memory_space<vmem>>
      %dma_start3A_476 = tpu.memref_squeeze %dma_start3A_475 : memref<1x128xi32, #tpu.memory_space<vmem>> -> memref<128xi32, #tpu.memory_space<vmem>>
      %dma_start3A_477 = arith.constant 0 : i32
      %dma_start3A_478 = arith.constant 0 : i32
      %dma_start3A_479 = tpu.memref_slice %arg10[%dma_start3A_477, %dma_start3A_478] : memref<10240x128xf32, #tpu.memory_space<vmem_shared>> -> memref<10240x128xf32, #tpu.memory_space<vmem_shared>>
      tpu.enqueue_indirect_dma source(%arg8 : memref<128x128xf32, #tpu.memory_space<vmem>>) target(%dma_start3A_479 : memref<10240x128xf32, #tpu.memory_space<vmem_shared>>) offsets(%dma_start3A_476 : memref<128xi32, #tpu.memory_space<vmem>>) semaphore(%arg13 : memref<!tpu.dma_semaphore, #tpu.memory_space<semaphore_mem>>) {add = true}
      %dma_start3A_480 = arith.constant 15 : i32
      %dma_start3A_481 = arith.constant 0 : i32
      %dma_start3A_482 = tpu.memref_slice %arg6[%dma_start3A_480, %dma_start3A_481] : memref<16x128xi32, #tpu.memory_space<vmem>> -> memref<1x128xi32, #tpu.memory_space<vmem>>
      %dma_start3A_483 = tpu.memref_squeeze %dma_start3A_482 : memref<1x128xi32, #tpu.memory_space<vmem>> -> memref<128xi32, #tpu.memory_space<vmem>>
      %dma_start3A_484 = arith.constant 0 : i32
      %dma_start3A_485 = arith.constant 0 : i32
      %dma_start3A_486 = tpu.memref_slice %arg2[%dma_start3A_484, %dma_start3A_485] : memref<10000x128xf32, #tpu.memory_space<hbm>> -> memref<10000x128xf32, #tpu.memory_space<hbm>>
      tpu.enqueue_indirect_dma source(%dma_start3A_486 : memref<10000x128xf32, #tpu.memory_space<hbm>>) target(%arg9 : memref<128x128xf32, #tpu.memory_space<vmem>>) offsets(%dma_start3A_483 : memref<128xi32, #tpu.memory_space<vmem>>) semaphore(%arg12 : memref<!tpu.dma_semaphore, #tpu.memory_space<semaphore_mem>>)
      %dma_wait3A_487 = arith.constant 15 : i32
      %dma_wait3A_488 = arith.constant 0 : i32
      %dma_wait3A_489 = tpu.memref_slice %arg6[%dma_wait3A_487, %dma_wait3A_488] : memref<16x128xi32, #tpu.memory_space<vmem>> -> memref<1x128xi32, #tpu.memory_space<vmem>>
      %dma_wait3A_490 = tpu.memref_squeeze %dma_wait3A_489 : memref<1x128xi32, #tpu.memory_space<vmem>> -> memref<128xi32, #tpu.memory_space<vmem>>
      %dma_wait3A_491 = arith.constant 0 : i32
      %dma_wait3A_492 = arith.constant 0 : i32
      %dma_wait3A_493 = tpu.memref_slice %arg2[%dma_wait3A_491, %dma_wait3A_492] : memref<10000x128xf32, #tpu.memory_space<hbm>> -> memref<10000x128xf32, #tpu.memory_space<hbm>>
      tpu.wait_indirect_dma semaphore(%arg12 : memref<!tpu.dma_semaphore, #tpu.memory_space<semaphore_mem>>) src(%dma_wait3A_493 : memref<10000x128xf32, #tpu.memory_space<hbm>>) dst(%arg9 : memref<128x128xf32, #tpu.memory_space<vmem>>)
      %dma_wait3A_494 = arith.constant 14 : i32
      %dma_wait3A_495 = arith.constant 0 : i32
      %dma_wait3A_496 = tpu.memref_slice %arg7[%dma_wait3A_494, %dma_wait3A_495] : memref<16x128xi32, #tpu.memory_space<vmem>> -> memref<1x128xi32, #tpu.memory_space<vmem>>
      %dma_wait3A_497 = tpu.memref_squeeze %dma_wait3A_496 : memref<1x128xi32, #tpu.memory_space<vmem>> -> memref<128xi32, #tpu.memory_space<vmem>>
      %dma_wait3A_498 = arith.constant 0 : i32
      %dma_wait3A_499 = arith.constant 0 : i32
      %dma_wait3A_500 = tpu.memref_slice %arg10[%dma_wait3A_498, %dma_wait3A_499] : memref<10240x128xf32, #tpu.memory_space<vmem_shared>> -> memref<10240x128xf32, #tpu.memory_space<vmem_shared>>
      tpu.wait_indirect_dma semaphore(%arg13 : memref<!tpu.dma_semaphore, #tpu.memory_space<semaphore_mem>>) src(%arg8 : memref<128x128xf32, #tpu.memory_space<vmem>>) dst(%dma_wait3A_500 : memref<10240x128xf32, #tpu.memory_space<vmem_shared>>)
      %dma_start3A_501 = arith.constant 15 : i32
      %dma_start3A_502 = arith.constant 0 : i32
      %dma_start3A_503 = tpu.memref_slice %arg7[%dma_start3A_501, %dma_start3A_502] : memref<16x128xi32, #tpu.memory_space<vmem>> -> memref<1x128xi32, #tpu.memory_space<vmem>>
      %dma_start3A_504 = tpu.memref_squeeze %dma_start3A_503 : memref<1x128xi32, #tpu.memory_space<vmem>> -> memref<128xi32, #tpu.memory_space<vmem>>
      %dma_start3A_505 = arith.constant 0 : i32
      %dma_start3A_506 = arith.constant 0 : i32
      %dma_start3A_507 = tpu.memref_slice %arg10[%dma_start3A_505, %dma_start3A_506] : memref<10240x128xf32, #tpu.memory_space<vmem_shared>> -> memref<10240x128xf32, #tpu.memory_space<vmem_shared>>
      tpu.enqueue_indirect_dma source(%arg9 : memref<128x128xf32, #tpu.memory_space<vmem>>) target(%dma_start3A_507 : memref<10240x128xf32, #tpu.memory_space<vmem_shared>>) offsets(%dma_start3A_504 : memref<128xi32, #tpu.memory_space<vmem>>) semaphore(%arg14 : memref<!tpu.dma_semaphore, #tpu.memory_space<semaphore_mem>>) {add = true}
      %dma_wait3A_508 = arith.constant 15 : i32
      %dma_wait3A_509 = arith.constant 0 : i32
      %dma_wait3A_510 = tpu.memref_slice %arg7[%dma_wait3A_508, %dma_wait3A_509] : memref<16x128xi32, #tpu.memory_space<vmem>> -> memref<1x128xi32, #tpu.memory_space<vmem>>
      %dma_wait3A_511 = tpu.memref_squeeze %dma_wait3A_510 : memref<1x128xi32, #tpu.memory_space<vmem>> -> memref<128xi32, #tpu.memory_space<vmem>>
      %dma_wait3A_512 = arith.constant 0 : i32
      %dma_wait3A_513 = arith.constant 0 : i32
      %dma_wait3A_514 = tpu.memref_slice %arg10[%dma_wait3A_512, %dma_wait3A_513] : memref<10240x128xf32, #tpu.memory_space<vmem_shared>> -> memref<10240x128xf32, #tpu.memory_space<vmem_shared>>
      tpu.wait_indirect_dma semaphore(%arg14 : memref<!tpu.dma_semaphore, #tpu.memory_space<semaphore_mem>>) src(%arg9 : memref<128x128xf32, #tpu.memory_space<vmem>>) dst(%dma_wait3A_514 : memref<10240x128xf32, #tpu.memory_space<vmem_shared>>)
      %while3A_515 = arith.constant 0 : i32
      scf.yield %while3A_515 : i32
    }
    %while3A_41 = arith.constant 1 : i32
    %while3A_42 = scf.for %while3A_64 = %while3A_38 to %while3A_34 step %while3A_41 iter_args(%while3A_65 = %while3A_40) -> (i32)  : i32 {
      %mul3A_66 = arith.constant 16 : i32
      %mul3A_67 = arith.muli %while3A_64, %mul3A_66 : i32
      %add3A_68 = arith.addi %add3A, %mul3A_67 : i32
      "tpu.region"() ({
        %run_scoped3A = tpu.sem_alloc : memref<!tpu.dma_semaphore, #tpu.memory_space<semaphore_mem>>
        %dma_start3A_516 = arith.constant 0 : i32
        %dma_start3A_517 = tpu.memref_slice %arg3[%add3A_68, %dma_start3A_516] : memref<2560x128xi32, #tpu.memory_space<hbm>> -> memref<16x128xi32, #tpu.memory_space<hbm>>
        %dma_start3A_518 = arith.constant 0 : i32
        %dma_start3A_519 = tpu.memref_slice %arg3[%add3A_68, %dma_start3A_518] : memref<2560x128xi32, #tpu.memory_space<hbm>> -> memref<16x128xi32, #tpu.memory_space<hbm>>
        tpu.enqueue_dma source(%dma_start3A_519 : memref<16x128xi32, #tpu.memory_space<hbm>>) target(%arg6 : memref<16x128xi32, #tpu.memory_space<vmem>>) target_semaphore(%run_scoped3A : memref<!tpu.dma_semaphore, #tpu.memory_space<semaphore_mem>>)
        %dma_wait3A_520 = arith.constant 0 : i32
        %dma_wait3A_521 = tpu.memref_slice %arg3[%add3A_68, %dma_wait3A_520] : memref<2560x128xi32, #tpu.memory_space<hbm>> -> memref<16x128xi32, #tpu.memory_space<hbm>>
        %dma_wait3A_522 = arith.constant 0 : i32
        %dma_wait3A_523 = tpu.memref_slice %arg3[%add3A_68, %dma_wait3A_522] : memref<2560x128xi32, #tpu.memory_space<hbm>> -> memref<16x128xi32, #tpu.memory_space<hbm>>
        tpu.wait_dma2 semaphore(%run_scoped3A : memref<!tpu.dma_semaphore, #tpu.memory_space<semaphore_mem>>) src(%dma_wait3A_523 : memref<16x128xi32, #tpu.memory_space<hbm>>) dst(%arg6 : memref<16x128xi32, #tpu.memory_space<vmem>>)
        tpu.yield
      }) : () -> ()
      "tpu.region"() ({
        %run_scoped3A = tpu.sem_alloc : memref<!tpu.dma_semaphore, #tpu.memory_space<semaphore_mem>>
        %dma_start3A_516 = arith.constant 0 : i32
        %dma_start3A_517 = tpu.memref_slice %arg4[%add3A_68, %dma_start3A_516] : memref<2560x128xi32, #tpu.memory_space<hbm>> -> memref<16x128xi32, #tpu.memory_space<hbm>>
        %dma_start3A_518 = arith.constant 0 : i32
        %dma_start3A_519 = tpu.memref_slice %arg4[%add3A_68, %dma_start3A_518] : memref<2560x128xi32, #tpu.memory_space<hbm>> -> memref<16x128xi32, #tpu.memory_space<hbm>>
        tpu.enqueue_dma source(%dma_start3A_519 : memref<16x128xi32, #tpu.memory_space<hbm>>) target(%arg7 : memref<16x128xi32, #tpu.memory_space<vmem>>) target_semaphore(%run_scoped3A : memref<!tpu.dma_semaphore, #tpu.memory_space<semaphore_mem>>)
        %dma_wait3A_520 = arith.constant 0 : i32
        %dma_wait3A_521 = tpu.memref_slice %arg4[%add3A_68, %dma_wait3A_520] : memref<2560x128xi32, #tpu.memory_space<hbm>> -> memref<16x128xi32, #tpu.memory_space<hbm>>
        %dma_wait3A_522 = arith.constant 0 : i32
        %dma_wait3A_523 = tpu.memref_slice %arg4[%add3A_68, %dma_wait3A_522] : memref<2560x128xi32, #tpu.memory_space<hbm>> -> memref<16x128xi32, #tpu.memory_space<hbm>>
        tpu.wait_dma2 semaphore(%run_scoped3A : memref<!tpu.dma_semaphore, #tpu.memory_space<semaphore_mem>>) src(%dma_wait3A_523 : memref<16x128xi32, #tpu.memory_space<hbm>>) dst(%arg7 : memref<16x128xi32, #tpu.memory_space<vmem>>)
        tpu.yield
      }) : () -> ()
      %dma_start3A = arith.constant 0 : i32
      %dma_start3A_69 = arith.constant 0 : i32
      %dma_start3A_70 = tpu.memref_slice %arg6[%dma_start3A, %dma_start3A_69] : memref<16x128xi32, #tpu.memory_space<vmem>> -> memref<1x128xi32, #tpu.memory_space<vmem>>
      %dma_start3A_71 = tpu.memref_squeeze %dma_start3A_70 : memref<1x128xi32, #tpu.memory_space<vmem>> -> memref<128xi32, #tpu.memory_space<vmem>>
      %dma_start3A_72 = arith.constant 0 : i32
      %dma_start3A_73 = arith.constant 0 : i32
      %dma_start3A_74 = tpu.memref_slice %arg2[%dma_start3A_72, %dma_start3A_73] : memref<10000x128xf32, #tpu.memory_space<hbm>> -> memref<10000x128xf32, #tpu.memory_space<hbm>>
      tpu.enqueue_indirect_dma source(%dma_start3A_74 : memref<10000x128xf32, #tpu.memory_space<hbm>>) target(%arg8 : memref<128x128xf32, #tpu.memory_space<vmem>>) offsets(%dma_start3A_71 : memref<128xi32, #tpu.memory_space<vmem>>) semaphore(%arg11 : memref<!tpu.dma_semaphore, #tpu.memory_space<semaphore_mem>>)
      %dma_wait3A = arith.constant 0 : i32
      %dma_wait3A_75 = arith.constant 0 : i32
      %dma_wait3A_76 = tpu.memref_slice %arg6[%dma_wait3A, %dma_wait3A_75] : memref<16x128xi32, #tpu.memory_space<vmem>> -> memref<1x128xi32, #tpu.memory_space<vmem>>
      %dma_wait3A_77 = tpu.memref_squeeze %dma_wait3A_76 : memref<1x128xi32, #tpu.memory_space<vmem>> -> memref<128xi32, #tpu.memory_space<vmem>>
      %dma_wait3A_78 = arith.constant 0 : i32
      %dma_wait3A_79 = arith.constant 0 : i32
      %dma_wait3A_80 = tpu.memref_slice %arg2[%dma_wait3A_78, %dma_wait3A_79] : memref<10000x128xf32, #tpu.memory_space<hbm>> -> memref<10000x128xf32, #tpu.memory_space<hbm>>
      tpu.wait_indirect_dma semaphore(%arg11 : memref<!tpu.dma_semaphore, #tpu.memory_space<semaphore_mem>>) src(%dma_wait3A_80 : memref<10000x128xf32, #tpu.memory_space<hbm>>) dst(%arg8 : memref<128x128xf32, #tpu.memory_space<vmem>>)
      %dma_start3A_81 = arith.constant 0 : i32
      %dma_start3A_82 = arith.constant 0 : i32
      %dma_start3A_83 = tpu.memref_slice %arg7[%dma_start3A_81, %dma_start3A_82] : memref<16x128xi32, #tpu.memory_space<vmem>> -> memref<1x128xi32, #tpu.memory_space<vmem>>
      %dma_start3A_84 = tpu.memref_squeeze %dma_start3A_83 : memref<1x128xi32, #tpu.memory_space<vmem>> -> memref<128xi32, #tpu.memory_space<vmem>>
      %dma_start3A_85 = arith.constant 0 : i32
      %dma_start3A_86 = arith.constant 0 : i32
      %dma_start3A_87 = tpu.memref_slice %arg10[%dma_start3A_85, %dma_start3A_86] : memref<10240x128xf32, #tpu.memory_space<vmem_shared>> -> memref<10240x128xf32, #tpu.memory_space<vmem_shared>>
      tpu.enqueue_indirect_dma source(%arg8 : memref<128x128xf32, #tpu.memory_space<vmem>>) target(%dma_start3A_87 : memref<10240x128xf32, #tpu.memory_space<vmem_shared>>) offsets(%dma_start3A_84 : memref<128xi32, #tpu.memory_space<vmem>>) semaphore(%arg13 : memref<!tpu.dma_semaphore, #tpu.memory_space<semaphore_mem>>) {add = true}
      %dma_start3A_88 = arith.constant 1 : i32
      %dma_start3A_89 = arith.constant 0 : i32
      %dma_start3A_90 = tpu.memref_slice %arg6[%dma_start3A_88, %dma_start3A_89] : memref<16x128xi32, #tpu.memory_space<vmem>> -> memref<1x128xi32, #tpu.memory_space<vmem>>
      %dma_start3A_91 = tpu.memref_squeeze %dma_start3A_90 : memref<1x128xi32, #tpu.memory_space<vmem>> -> memref<128xi32, #tpu.memory_space<vmem>>
      %dma_start3A_92 = arith.constant 0 : i32
      %dma_start3A_93 = arith.constant 0 : i32
      %dma_start3A_94 = tpu.memref_slice %arg2[%dma_start3A_92, %dma_start3A_93] : memref<10000x128xf32, #tpu.memory_space<hbm>> -> memref<10000x128xf32, #tpu.memory_space<hbm>>
      tpu.enqueue_indirect_dma source(%dma_start3A_94 : memref<10000x128xf32, #tpu.memory_space<hbm>>) target(%arg9 : memref<128x128xf32, #tpu.memory_space<vmem>>) offsets(%dma_start3A_91 : memref<128xi32, #tpu.memory_space<vmem>>) semaphore(%arg12 : memref<!tpu.dma_semaphore, #tpu.memory_space<semaphore_mem>>)
      %dma_wait3A_95 = arith.constant 1 : i32
      %dma_wait3A_96 = arith.constant 0 : i32
      %dma_wait3A_97 = tpu.memref_slice %arg6[%dma_wait3A_95, %dma_wait3A_96] : memref<16x128xi32, #tpu.memory_space<vmem>> -> memref<1x128xi32, #tpu.memory_space<vmem>>
      %dma_wait3A_98 = tpu.memref_squeeze %dma_wait3A_97 : memref<1x128xi32, #tpu.memory_space<vmem>> -> memref<128xi32, #tpu.memory_space<vmem>>
      %dma_wait3A_99 = arith.constant 0 : i32
      %dma_wait3A_100 = arith.constant 0 : i32
      %dma_wait3A_101 = tpu.memref_slice %arg2[%dma_wait3A_99, %dma_wait3A_100] : memref<10000x128xf32, #tpu.memory_space<hbm>> -> memref<10000x128xf32, #tpu.memory_space<hbm>>
      tpu.wait_indirect_dma semaphore(%arg12 : memref<!tpu.dma_semaphore, #tpu.memory_space<semaphore_mem>>) src(%dma_wait3A_101 : memref<10000x128xf32, #tpu.memory_space<hbm>>) dst(%arg9 : memref<128x128xf32, #tpu.memory_space<vmem>>)
      %dma_wait3A_102 = arith.constant 0 : i32
      %dma_wait3A_103 = arith.constant 0 : i32
      %dma_wait3A_104 = tpu.memref_slice %arg7[%dma_wait3A_102, %dma_wait3A_103] : memref<16x128xi32, #tpu.memory_space<vmem>> -> memref<1x128xi32, #tpu.memory_space<vmem>>
      %dma_wait3A_105 = tpu.memref_squeeze %dma_wait3A_104 : memref<1x128xi32, #tpu.memory_space<vmem>> -> memref<128xi32, #tpu.memory_space<vmem>>
      %dma_wait3A_106 = arith.constant 0 : i32
      %dma_wait3A_107 = arith.constant 0 : i32
      %dma_wait3A_108 = tpu.memref_slice %arg10[%dma_wait3A_106, %dma_wait3A_107] : memref<10240x128xf32, #tpu.memory_space<vmem_shared>> -> memref<10240x128xf32, #tpu.memory_space<vmem_shared>>
      tpu.wait_indirect_dma semaphore(%arg13 : memref<!tpu.dma_semaphore, #tpu.memory_space<semaphore_mem>>) src(%arg8 : memref<128x128xf32, #tpu.memory_space<vmem>>) dst(%dma_wait3A_108 : memref<10240x128xf32, #tpu.memory_space<vmem_shared>>)
      %dma_start3A_109 = arith.constant 1 : i32
      %dma_start3A_110 = arith.constant 0 : i32
      %dma_start3A_111 = tpu.memref_slice %arg7[%dma_start3A_109, %dma_start3A_110] : memref<16x128xi32, #tpu.memory_space<vmem>> -> memref<1x128xi32, #tpu.memory_space<vmem>>
      %dma_start3A_112 = tpu.memref_squeeze %dma_start3A_111 : memref<1x128xi32, #tpu.memory_space<vmem>> -> memref<128xi32, #tpu.memory_space<vmem>>
      %dma_start3A_113 = arith.constant 0 : i32
      %dma_start3A_114 = arith.constant 0 : i32
      %dma_start3A_115 = tpu.memref_slice %arg10[%dma_start3A_113, %dma_start3A_114] : memref<10240x128xf32, #tpu.memory_space<vmem_shared>> -> memref<10240x128xf32, #tpu.memory_space<vmem_shared>>
      tpu.enqueue_indirect_dma source(%arg9 : memref<128x128xf32, #tpu.memory_space<vmem>>) target(%dma_start3A_115 : memref<10240x128xf32, #tpu.memory_space<vmem_shared>>) offsets(%dma_start3A_112 : memref<128xi32, #tpu.memory_space<vmem>>) semaphore(%arg14 : memref<!tpu.dma_semaphore, #tpu.memory_space<semaphore_mem>>) {add = true}
      %dma_start3A_116 = arith.constant 2 : i32
      %dma_start3A_117 = arith.constant 0 : i32
      %dma_start3A_118 = tpu.memref_slice %arg6[%dma_start3A_116, %dma_start3A_117] : memref<16x128xi32, #tpu.memory_space<vmem>> -> memref<1x128xi32, #tpu.memory_space<vmem>>
      %dma_start3A_119 = tpu.memref_squeeze %dma_start3A_118 : memref<1x128xi32, #tpu.memory_space<vmem>> -> memref<128xi32, #tpu.memory_space<vmem>>
      %dma_start3A_120 = arith.constant 0 : i32
      %dma_start3A_121 = arith.constant 0 : i32
      %dma_start3A_122 = tpu.memref_slice %arg2[%dma_start3A_120, %dma_start3A_121] : memref<10000x128xf32, #tpu.memory_space<hbm>> -> memref<10000x128xf32, #tpu.memory_space<hbm>>
      tpu.enqueue_indirect_dma source(%dma_start3A_122 : memref<10000x128xf32, #tpu.memory_space<hbm>>) target(%arg8 : memref<128x128xf32, #tpu.memory_space<vmem>>) offsets(%dma_start3A_119 : memref<128xi32, #tpu.memory_space<vmem>>) semaphore(%arg11 : memref<!tpu.dma_semaphore, #tpu.memory_space<semaphore_mem>>)
      %dma_wait3A_123 = arith.constant 2 : i32
      %dma_wait3A_124 = arith.constant 0 : i32
      %dma_wait3A_125 = tpu.memref_slice %arg6[%dma_wait3A_123, %dma_wait3A_124] : memref<16x128xi32, #tpu.memory_space<vmem>> -> memref<1x128xi32, #tpu.memory_space<vmem>>
      %dma_wait3A_126 = tpu.memref_squeeze %dma_wait3A_125 : memref<1x128xi32, #tpu.memory_space<vmem>> -> memref<128xi32, #tpu.memory_space<vmem>>
      %dma_wait3A_127 = arith.constant 0 : i32
      %dma_wait3A_128 = arith.constant 0 : i32
      %dma_wait3A_129 = tpu.memref_slice %arg2[%dma_wait3A_127, %dma_wait3A_128] : memref<10000x128xf32, #tpu.memory_space<hbm>> -> memref<10000x128xf32, #tpu.memory_space<hbm>>
      tpu.wait_indirect_dma semaphore(%arg11 : memref<!tpu.dma_semaphore, #tpu.memory_space<semaphore_mem>>) src(%dma_wait3A_129 : memref<10000x128xf32, #tpu.memory_space<hbm>>) dst(%arg8 : memref<128x128xf32, #tpu.memory_space<vmem>>)
      %dma_wait3A_130 = arith.constant 1 : i32
      %dma_wait3A_131 = arith.constant 0 : i32
      %dma_wait3A_132 = tpu.memref_slice %arg7[%dma_wait3A_130, %dma_wait3A_131] : memref<16x128xi32, #tpu.memory_space<vmem>> -> memref<1x128xi32, #tpu.memory_space<vmem>>
      %dma_wait3A_133 = tpu.memref_squeeze %dma_wait3A_132 : memref<1x128xi32, #tpu.memory_space<vmem>> -> memref<128xi32, #tpu.memory_space<vmem>>
      %dma_wait3A_134 = arith.constant 0 : i32
      %dma_wait3A_135 = arith.constant 0 : i32
      %dma_wait3A_136 = tpu.memref_slice %arg10[%dma_wait3A_134, %dma_wait3A_135] : memref<10240x128xf32, #tpu.memory_space<vmem_shared>> -> memref<10240x128xf32, #tpu.memory_space<vmem_shared>>
      tpu.wait_indirect_dma semaphore(%arg14 : memref<!tpu.dma_semaphore, #tpu.memory_space<semaphore_mem>>) src(%arg9 : memref<128x128xf32, #tpu.memory_space<vmem>>) dst(%dma_wait3A_136 : memref<10240x128xf32, #tpu.memory_space<vmem_shared>>)
      %dma_start3A_137 = arith.constant 2 : i32
      %dma_start3A_138 = arith.constant 0 : i32
      %dma_start3A_139 = tpu.memref_slice %arg7[%dma_start3A_137, %dma_start3A_138] : memref<16x128xi32, #tpu.memory_space<vmem>> -> memref<1x128xi32, #tpu.memory_space<vmem>>
      %dma_start3A_140 = tpu.memref_squeeze %dma_start3A_139 : memref<1x128xi32, #tpu.memory_space<vmem>> -> memref<128xi32, #tpu.memory_space<vmem>>
      %dma_start3A_141 = arith.constant 0 : i32
      %dma_start3A_142 = arith.constant 0 : i32
      %dma_start3A_143 = tpu.memref_slice %arg10[%dma_start3A_141, %dma_start3A_142] : memref<10240x128xf32, #tpu.memory_space<vmem_shared>> -> memref<10240x128xf32, #tpu.memory_space<vmem_shared>>
      tpu.enqueue_indirect_dma source(%arg8 : memref<128x128xf32, #tpu.memory_space<vmem>>) target(%dma_start3A_143 : memref<10240x128xf32, #tpu.memory_space<vmem_shared>>) offsets(%dma_start3A_140 : memref<128xi32, #tpu.memory_space<vmem>>) semaphore(%arg13 : memref<!tpu.dma_semaphore, #tpu.memory_space<semaphore_mem>>) {add = true}
      %dma_start3A_144 = arith.constant 3 : i32
      %dma_start3A_145 = arith.constant 0 : i32
      %dma_start3A_146 = tpu.memref_slice %arg6[%dma_start3A_144, %dma_start3A_145] : memref<16x128xi32, #tpu.memory_space<vmem>> -> memref<1x128xi32, #tpu.memory_space<vmem>>
      %dma_start3A_147 = tpu.memref_squeeze %dma_start3A_146 : memref<1x128xi32, #tpu.memory_space<vmem>> -> memref<128xi32, #tpu.memory_space<vmem>>
      %dma_start3A_148 = arith.constant 0 : i32
      %dma_start3A_149 = arith.constant 0 : i32
      %dma_start3A_150 = tpu.memref_slice %arg2[%dma_start3A_148, %dma_start3A_149] : memref<10000x128xf32, #tpu.memory_space<hbm>> -> memref<10000x128xf32, #tpu.memory_space<hbm>>
      tpu.enqueue_indirect_dma source(%dma_start3A_150 : memref<10000x128xf32, #tpu.memory_space<hbm>>) target(%arg9 : memref<128x128xf32, #tpu.memory_space<vmem>>) offsets(%dma_start3A_147 : memref<128xi32, #tpu.memory_space<vmem>>) semaphore(%arg12 : memref<!tpu.dma_semaphore, #tpu.memory_space<semaphore_mem>>)
      %dma_wait3A_151 = arith.constant 3 : i32
      %dma_wait3A_152 = arith.constant 0 : i32
      %dma_wait3A_153 = tpu.memref_slice %arg6[%dma_wait3A_151, %dma_wait3A_152] : memref<16x128xi32, #tpu.memory_space<vmem>> -> memref<1x128xi32, #tpu.memory_space<vmem>>
      %dma_wait3A_154 = tpu.memref_squeeze %dma_wait3A_153 : memref<1x128xi32, #tpu.memory_space<vmem>> -> memref<128xi32, #tpu.memory_space<vmem>>
      %dma_wait3A_155 = arith.constant 0 : i32
      %dma_wait3A_156 = arith.constant 0 : i32
      %dma_wait3A_157 = tpu.memref_slice %arg2[%dma_wait3A_155, %dma_wait3A_156] : memref<10000x128xf32, #tpu.memory_space<hbm>> -> memref<10000x128xf32, #tpu.memory_space<hbm>>
      tpu.wait_indirect_dma semaphore(%arg12 : memref<!tpu.dma_semaphore, #tpu.memory_space<semaphore_mem>>) src(%dma_wait3A_157 : memref<10000x128xf32, #tpu.memory_space<hbm>>) dst(%arg9 : memref<128x128xf32, #tpu.memory_space<vmem>>)
      %dma_wait3A_158 = arith.constant 2 : i32
      %dma_wait3A_159 = arith.constant 0 : i32
      %dma_wait3A_160 = tpu.memref_slice %arg7[%dma_wait3A_158, %dma_wait3A_159] : memref<16x128xi32, #tpu.memory_space<vmem>> -> memref<1x128xi32, #tpu.memory_space<vmem>>
      %dma_wait3A_161 = tpu.memref_squeeze %dma_wait3A_160 : memref<1x128xi32, #tpu.memory_space<vmem>> -> memref<128xi32, #tpu.memory_space<vmem>>
      %dma_wait3A_162 = arith.constant 0 : i32
      %dma_wait3A_163 = arith.constant 0 : i32
      %dma_wait3A_164 = tpu.memref_slice %arg10[%dma_wait3A_162, %dma_wait3A_163] : memref<10240x128xf32, #tpu.memory_space<vmem_shared>> -> memref<10240x128xf32, #tpu.memory_space<vmem_shared>>
      tpu.wait_indirect_dma semaphore(%arg13 : memref<!tpu.dma_semaphore, #tpu.memory_space<semaphore_mem>>) src(%arg8 : memref<128x128xf32, #tpu.memory_space<vmem>>) dst(%dma_wait3A_164 : memref<10240x128xf32, #tpu.memory_space<vmem_shared>>)
      %dma_start3A_165 = arith.constant 3 : i32
      %dma_start3A_166 = arith.constant 0 : i32
      %dma_start3A_167 = tpu.memref_slice %arg7[%dma_start3A_165, %dma_start3A_166] : memref<16x128xi32, #tpu.memory_space<vmem>> -> memref<1x128xi32, #tpu.memory_space<vmem>>
      %dma_start3A_168 = tpu.memref_squeeze %dma_start3A_167 : memref<1x128xi32, #tpu.memory_space<vmem>> -> memref<128xi32, #tpu.memory_space<vmem>>
      %dma_start3A_169 = arith.constant 0 : i32
      %dma_start3A_170 = arith.constant 0 : i32
      %dma_start3A_171 = tpu.memref_slice %arg10[%dma_start3A_169, %dma_start3A_170] : memref<10240x128xf32, #tpu.memory_space<vmem_shared>> -> memref<10240x128xf32, #tpu.memory_space<vmem_shared>>
      tpu.enqueue_indirect_dma source(%arg9 : memref<128x128xf32, #tpu.memory_space<vmem>>) target(%dma_start3A_171 : memref<10240x128xf32, #tpu.memory_space<vmem_shared>>) offsets(%dma_start3A_168 : memref<128xi32, #tpu.memory_space<vmem>>) semaphore(%arg14 : memref<!tpu.dma_semaphore, #tpu.memory_space<semaphore_mem>>) {add = true}
      %dma_start3A_172 = arith.constant 4 : i32
      %dma_start3A_173 = arith.constant 0 : i32
      %dma_start3A_174 = tpu.memref_slice %arg6[%dma_start3A_172, %dma_start3A_173] : memref<16x128xi32, #tpu.memory_space<vmem>> -> memref<1x128xi32, #tpu.memory_space<vmem>>
      %dma_start3A_175 = tpu.memref_squeeze %dma_start3A_174 : memref<1x128xi32, #tpu.memory_space<vmem>> -> memref<128xi32, #tpu.memory_space<vmem>>
      %dma_start3A_176 = arith.constant 0 : i32
      %dma_start3A_177 = arith.constant 0 : i32
      %dma_start3A_178 = tpu.memref_slice %arg2[%dma_start3A_176, %dma_start3A_177] : memref<10000x128xf32, #tpu.memory_space<hbm>> -> memref<10000x128xf32, #tpu.memory_space<hbm>>
      tpu.enqueue_indirect_dma source(%dma_start3A_178 : memref<10000x128xf32, #tpu.memory_space<hbm>>) target(%arg8 : memref<128x128xf32, #tpu.memory_space<vmem>>) offsets(%dma_start3A_175 : memref<128xi32, #tpu.memory_space<vmem>>) semaphore(%arg11 : memref<!tpu.dma_semaphore, #tpu.memory_space<semaphore_mem>>)
      %dma_wait3A_179 = arith.constant 4 : i32
      %dma_wait3A_180 = arith.constant 0 : i32
      %dma_wait3A_181 = tpu.memref_slice %arg6[%dma_wait3A_179, %dma_wait3A_180] : memref<16x128xi32, #tpu.memory_space<vmem>> -> memref<1x128xi32, #tpu.memory_space<vmem>>
      %dma_wait3A_182 = tpu.memref_squeeze %dma_wait3A_181 : memref<1x128xi32, #tpu.memory_space<vmem>> -> memref<128xi32, #tpu.memory_space<vmem>>
      %dma_wait3A_183 = arith.constant 0 : i32
      %dma_wait3A_184 = arith.constant 0 : i32
      %dma_wait3A_185 = tpu.memref_slice %arg2[%dma_wait3A_183, %dma_wait3A_184] : memref<10000x128xf32, #tpu.memory_space<hbm>> -> memref<10000x128xf32, #tpu.memory_space<hbm>>
      tpu.wait_indirect_dma semaphore(%arg11 : memref<!tpu.dma_semaphore, #tpu.memory_space<semaphore_mem>>) src(%dma_wait3A_185 : memref<10000x128xf32, #tpu.memory_space<hbm>>) dst(%arg8 : memref<128x128xf32, #tpu.memory_space<vmem>>)
      %dma_wait3A_186 = arith.constant 3 : i32
      %dma_wait3A_187 = arith.constant 0 : i32
      %dma_wait3A_188 = tpu.memref_slice %arg7[%dma_wait3A_186, %dma_wait3A_187] : memref<16x128xi32, #tpu.memory_space<vmem>> -> memref<1x128xi32, #tpu.memory_space<vmem>>
      %dma_wait3A_189 = tpu.memref_squeeze %dma_wait3A_188 : memref<1x128xi32, #tpu.memory_space<vmem>> -> memref<128xi32, #tpu.memory_space<vmem>>
      %dma_wait3A_190 = arith.constant 0 : i32
      %dma_wait3A_191 = arith.constant 0 : i32
      %dma_wait3A_192 = tpu.memref_slice %arg10[%dma_wait3A_190, %dma_wait3A_191] : memref<10240x128xf32, #tpu.memory_space<vmem_shared>> -> memref<10240x128xf32, #tpu.memory_space<vmem_shared>>
      tpu.wait_indirect_dma semaphore(%arg14 : memref<!tpu.dma_semaphore, #tpu.memory_space<semaphore_mem>>) src(%arg9 : memref<128x128xf32, #tpu.memory_space<vmem>>) dst(%dma_wait3A_192 : memref<10240x128xf32, #tpu.memory_space<vmem_shared>>)
      %dma_start3A_193 = arith.constant 4 : i32
      %dma_start3A_194 = arith.constant 0 : i32
      %dma_start3A_195 = tpu.memref_slice %arg7[%dma_start3A_193, %dma_start3A_194] : memref<16x128xi32, #tpu.memory_space<vmem>> -> memref<1x128xi32, #tpu.memory_space<vmem>>
      %dma_start3A_196 = tpu.memref_squeeze %dma_start3A_195 : memref<1x128xi32, #tpu.memory_space<vmem>> -> memref<128xi32, #tpu.memory_space<vmem>>
      %dma_start3A_197 = arith.constant 0 : i32
      %dma_start3A_198 = arith.constant 0 : i32
      %dma_start3A_199 = tpu.memref_slice %arg10[%dma_start3A_197, %dma_start3A_198] : memref<10240x128xf32, #tpu.memory_space<vmem_shared>> -> memref<10240x128xf32, #tpu.memory_space<vmem_shared>>
      tpu.enqueue_indirect_dma source(%arg8 : memref<128x128xf32, #tpu.memory_space<vmem>>) target(%dma_start3A_199 : memref<10240x128xf32, #tpu.memory_space<vmem_shared>>) offsets(%dma_start3A_196 : memref<128xi32, #tpu.memory_space<vmem>>) semaphore(%arg13 : memref<!tpu.dma_semaphore, #tpu.memory_space<semaphore_mem>>) {add = true}
      %dma_start3A_200 = arith.constant 5 : i32
      %dma_start3A_201 = arith.constant 0 : i32
      %dma_start3A_202 = tpu.memref_slice %arg6[%dma_start3A_200, %dma_start3A_201] : memref<16x128xi32, #tpu.memory_space<vmem>> -> memref<1x128xi32, #tpu.memory_space<vmem>>
      %dma_start3A_203 = tpu.memref_squeeze %dma_start3A_202 : memref<1x128xi32, #tpu.memory_space<vmem>> -> memref<128xi32, #tpu.memory_space<vmem>>
      %dma_start3A_204 = arith.constant 0 : i32
      %dma_start3A_205 = arith.constant 0 : i32
      %dma_start3A_206 = tpu.memref_slice %arg2[%dma_start3A_204, %dma_start3A_205] : memref<10000x128xf32, #tpu.memory_space<hbm>> -> memref<10000x128xf32, #tpu.memory_space<hbm>>
      tpu.enqueue_indirect_dma source(%dma_start3A_206 : memref<10000x128xf32, #tpu.memory_space<hbm>>) target(%arg9 : memref<128x128xf32, #tpu.memory_space<vmem>>) offsets(%dma_start3A_203 : memref<128xi32, #tpu.memory_space<vmem>>) semaphore(%arg12 : memref<!tpu.dma_semaphore, #tpu.memory_space<semaphore_mem>>)
      %dma_wait3A_207 = arith.constant 5 : i32
      %dma_wait3A_208 = arith.constant 0 : i32
      %dma_wait3A_209 = tpu.memref_slice %arg6[%dma_wait3A_207, %dma_wait3A_208] : memref<16x128xi32, #tpu.memory_space<vmem>> -> memref<1x128xi32, #tpu.memory_space<vmem>>
      %dma_wait3A_210 = tpu.memref_squeeze %dma_wait3A_209 : memref<1x128xi32, #tpu.memory_space<vmem>> -> memref<128xi32, #tpu.memory_space<vmem>>
      %dma_wait3A_211 = arith.constant 0 : i32
      %dma_wait3A_212 = arith.constant 0 : i32
      %dma_wait3A_213 = tpu.memref_slice %arg2[%dma_wait3A_211, %dma_wait3A_212] : memref<10000x128xf32, #tpu.memory_space<hbm>> -> memref<10000x128xf32, #tpu.memory_space<hbm>>
      tpu.wait_indirect_dma semaphore(%arg12 : memref<!tpu.dma_semaphore, #tpu.memory_space<semaphore_mem>>) src(%dma_wait3A_213 : memref<10000x128xf32, #tpu.memory_space<hbm>>) dst(%arg9 : memref<128x128xf32, #tpu.memory_space<vmem>>)
      %dma_wait3A_214 = arith.constant 4 : i32
      %dma_wait3A_215 = arith.constant 0 : i32
      %dma_wait3A_216 = tpu.memref_slice %arg7[%dma_wait3A_214, %dma_wait3A_215] : memref<16x128xi32, #tpu.memory_space<vmem>> -> memref<1x128xi32, #tpu.memory_space<vmem>>
      %dma_wait3A_217 = tpu.memref_squeeze %dma_wait3A_216 : memref<1x128xi32, #tpu.memory_space<vmem>> -> memref<128xi32, #tpu.memory_space<vmem>>
      %dma_wait3A_218 = arith.constant 0 : i32
      %dma_wait3A_219 = arith.constant 0 : i32
      %dma_wait3A_220 = tpu.memref_slice %arg10[%dma_wait3A_218, %dma_wait3A_219] : memref<10240x128xf32, #tpu.memory_space<vmem_shared>> -> memref<10240x128xf32, #tpu.memory_space<vmem_shared>>
      tpu.wait_indirect_dma semaphore(%arg13 : memref<!tpu.dma_semaphore, #tpu.memory_space<semaphore_mem>>) src(%arg8 : memref<128x128xf32, #tpu.memory_space<vmem>>) dst(%dma_wait3A_220 : memref<10240x128xf32, #tpu.memory_space<vmem_shared>>)
      %dma_start3A_221 = arith.constant 5 : i32
      %dma_start3A_222 = arith.constant 0 : i32
      %dma_start3A_223 = tpu.memref_slice %arg7[%dma_start3A_221, %dma_start3A_222] : memref<16x128xi32, #tpu.memory_space<vmem>> -> memref<1x128xi32, #tpu.memory_space<vmem>>
      %dma_start3A_224 = tpu.memref_squeeze %dma_start3A_223 : memref<1x128xi32, #tpu.memory_space<vmem>> -> memref<128xi32, #tpu.memory_space<vmem>>
      %dma_start3A_225 = arith.constant 0 : i32
      %dma_start3A_226 = arith.constant 0 : i32
      %dma_start3A_227 = tpu.memref_slice %arg10[%dma_start3A_225, %dma_start3A_226] : memref<10240x128xf32, #tpu.memory_space<vmem_shared>> -> memref<10240x128xf32, #tpu.memory_space<vmem_shared>>
      tpu.enqueue_indirect_dma source(%arg9 : memref<128x128xf32, #tpu.memory_space<vmem>>) target(%dma_start3A_227 : memref<10240x128xf32, #tpu.memory_space<vmem_shared>>) offsets(%dma_start3A_224 : memref<128xi32, #tpu.memory_space<vmem>>) semaphore(%arg14 : memref<!tpu.dma_semaphore, #tpu.memory_space<semaphore_mem>>) {add = true}
      %dma_start3A_228 = arith.constant 6 : i32
      %dma_start3A_229 = arith.constant 0 : i32
      %dma_start3A_230 = tpu.memref_slice %arg6[%dma_start3A_228, %dma_start3A_229] : memref<16x128xi32, #tpu.memory_space<vmem>> -> memref<1x128xi32, #tpu.memory_space<vmem>>
      %dma_start3A_231 = tpu.memref_squeeze %dma_start3A_230 : memref<1x128xi32, #tpu.memory_space<vmem>> -> memref<128xi32, #tpu.memory_space<vmem>>
      %dma_start3A_232 = arith.constant 0 : i32
      %dma_start3A_233 = arith.constant 0 : i32
      %dma_start3A_234 = tpu.memref_slice %arg2[%dma_start3A_232, %dma_start3A_233] : memref<10000x128xf32, #tpu.memory_space<hbm>> -> memref<10000x128xf32, #tpu.memory_space<hbm>>
      tpu.enqueue_indirect_dma source(%dma_start3A_234 : memref<10000x128xf32, #tpu.memory_space<hbm>>) target(%arg8 : memref<128x128xf32, #tpu.memory_space<vmem>>) offsets(%dma_start3A_231 : memref<128xi32, #tpu.memory_space<vmem>>) semaphore(%arg11 : memref<!tpu.dma_semaphore, #tpu.memory_space<semaphore_mem>>)
      %dma_wait3A_235 = arith.constant 6 : i32
      %dma_wait3A_236 = arith.constant 0 : i32
      %dma_wait3A_237 = tpu.memref_slice %arg6[%dma_wait3A_235, %dma_wait3A_236] : memref<16x128xi32, #tpu.memory_space<vmem>> -> memref<1x128xi32, #tpu.memory_space<vmem>>
      %dma_wait3A_238 = tpu.memref_squeeze %dma_wait3A_237 : memref<1x128xi32, #tpu.memory_space<vmem>> -> memref<128xi32, #tpu.memory_space<vmem>>
      %dma_wait3A_239 = arith.constant 0 : i32
      %dma_wait3A_240 = arith.constant 0 : i32
      %dma_wait3A_241 = tpu.memref_slice %arg2[%dma_wait3A_239, %dma_wait3A_240] : memref<10000x128xf32, #tpu.memory_space<hbm>> -> memref<10000x128xf32, #tpu.memory_space<hbm>>
      tpu.wait_indirect_dma semaphore(%arg11 : memref<!tpu.dma_semaphore, #tpu.memory_space<semaphore_mem>>) src(%dma_wait3A_241 : memref<10000x128xf32, #tpu.memory_space<hbm>>) dst(%arg8 : memref<128x128xf32, #tpu.memory_space<vmem>>)
      %dma_wait3A_242 = arith.constant 5 : i32
      %dma_wait3A_243 = arith.constant 0 : i32
      %dma_wait3A_244 = tpu.memref_slice %arg7[%dma_wait3A_242, %dma_wait3A_243] : memref<16x128xi32, #tpu.memory_space<vmem>> -> memref<1x128xi32, #tpu.memory_space<vmem>>
      %dma_wait3A_245 = tpu.memref_squeeze %dma_wait3A_244 : memref<1x128xi32, #tpu.memory_space<vmem>> -> memref<128xi32, #tpu.memory_space<vmem>>
      %dma_wait3A_246 = arith.constant 0 : i32
      %dma_wait3A_247 = arith.constant 0 : i32
      %dma_wait3A_248 = tpu.memref_slice %arg10[%dma_wait3A_246, %dma_wait3A_247] : memref<10240x128xf32, #tpu.memory_space<vmem_shared>> -> memref<10240x128xf32, #tpu.memory_space<vmem_shared>>
      tpu.wait_indirect_dma semaphore(%arg14 : memref<!tpu.dma_semaphore, #tpu.memory_space<semaphore_mem>>) src(%arg9 : memref<128x128xf32, #tpu.memory_space<vmem>>) dst(%dma_wait3A_248 : memref<10240x128xf32, #tpu.memory_space<vmem_shared>>)
      %dma_start3A_249 = arith.constant 6 : i32
      %dma_start3A_250 = arith.constant 0 : i32
      %dma_start3A_251 = tpu.memref_slice %arg7[%dma_start3A_249, %dma_start3A_250] : memref<16x128xi32, #tpu.memory_space<vmem>> -> memref<1x128xi32, #tpu.memory_space<vmem>>
      %dma_start3A_252 = tpu.memref_squeeze %dma_start3A_251 : memref<1x128xi32, #tpu.memory_space<vmem>> -> memref<128xi32, #tpu.memory_space<vmem>>
      %dma_start3A_253 = arith.constant 0 : i32
      %dma_start3A_254 = arith.constant 0 : i32
      %dma_start3A_255 = tpu.memref_slice %arg10[%dma_start3A_253, %dma_start3A_254] : memref<10240x128xf32, #tpu.memory_space<vmem_shared>> -> memref<10240x128xf32, #tpu.memory_space<vmem_shared>>
      tpu.enqueue_indirect_dma source(%arg8 : memref<128x128xf32, #tpu.memory_space<vmem>>) target(%dma_start3A_255 : memref<10240x128xf32, #tpu.memory_space<vmem_shared>>) offsets(%dma_start3A_252 : memref<128xi32, #tpu.memory_space<vmem>>) semaphore(%arg13 : memref<!tpu.dma_semaphore, #tpu.memory_space<semaphore_mem>>) {add = true}
      %dma_start3A_256 = arith.constant 7 : i32
      %dma_start3A_257 = arith.constant 0 : i32
      %dma_start3A_258 = tpu.memref_slice %arg6[%dma_start3A_256, %dma_start3A_257] : memref<16x128xi32, #tpu.memory_space<vmem>> -> memref<1x128xi32, #tpu.memory_space<vmem>>
      %dma_start3A_259 = tpu.memref_squeeze %dma_start3A_258 : memref<1x128xi32, #tpu.memory_space<vmem>> -> memref<128xi32, #tpu.memory_space<vmem>>
      %dma_start3A_260 = arith.constant 0 : i32
      %dma_start3A_261 = arith.constant 0 : i32
      %dma_start3A_262 = tpu.memref_slice %arg2[%dma_start3A_260, %dma_start3A_261] : memref<10000x128xf32, #tpu.memory_space<hbm>> -> memref<10000x128xf32, #tpu.memory_space<hbm>>
      tpu.enqueue_indirect_dma source(%dma_start3A_262 : memref<10000x128xf32, #tpu.memory_space<hbm>>) target(%arg9 : memref<128x128xf32, #tpu.memory_space<vmem>>) offsets(%dma_start3A_259 : memref<128xi32, #tpu.memory_space<vmem>>) semaphore(%arg12 : memref<!tpu.dma_semaphore, #tpu.memory_space<semaphore_mem>>)
      %dma_wait3A_263 = arith.constant 7 : i32
      %dma_wait3A_264 = arith.constant 0 : i32
      %dma_wait3A_265 = tpu.memref_slice %arg6[%dma_wait3A_263, %dma_wait3A_264] : memref<16x128xi32, #tpu.memory_space<vmem>> -> memref<1x128xi32, #tpu.memory_space<vmem>>
      %dma_wait3A_266 = tpu.memref_squeeze %dma_wait3A_265 : memref<1x128xi32, #tpu.memory_space<vmem>> -> memref<128xi32, #tpu.memory_space<vmem>>
      %dma_wait3A_267 = arith.constant 0 : i32
      %dma_wait3A_268 = arith.constant 0 : i32
      %dma_wait3A_269 = tpu.memref_slice %arg2[%dma_wait3A_267, %dma_wait3A_268] : memref<10000x128xf32, #tpu.memory_space<hbm>> -> memref<10000x128xf32, #tpu.memory_space<hbm>>
      tpu.wait_indirect_dma semaphore(%arg12 : memref<!tpu.dma_semaphore, #tpu.memory_space<semaphore_mem>>) src(%dma_wait3A_269 : memref<10000x128xf32, #tpu.memory_space<hbm>>) dst(%arg9 : memref<128x128xf32, #tpu.memory_space<vmem>>)
      %dma_wait3A_270 = arith.constant 6 : i32
      %dma_wait3A_271 = arith.constant 0 : i32
      %dma_wait3A_272 = tpu.memref_slice %arg7[%dma_wait3A_270, %dma_wait3A_271] : memref<16x128xi32, #tpu.memory_space<vmem>> -> memref<1x128xi32, #tpu.memory_space<vmem>>
      %dma_wait3A_273 = tpu.memref_squeeze %dma_wait3A_272 : memref<1x128xi32, #tpu.memory_space<vmem>> -> memref<128xi32, #tpu.memory_space<vmem>>
      %dma_wait3A_274 = arith.constant 0 : i32
      %dma_wait3A_275 = arith.constant 0 : i32
      %dma_wait3A_276 = tpu.memref_slice %arg10[%dma_wait3A_274, %dma_wait3A_275] : memref<10240x128xf32, #tpu.memory_space<vmem_shared>> -> memref<10240x128xf32, #tpu.memory_space<vmem_shared>>
      tpu.wait_indirect_dma semaphore(%arg13 : memref<!tpu.dma_semaphore, #tpu.memory_space<semaphore_mem>>) src(%arg8 : memref<128x128xf32, #tpu.memory_space<vmem>>) dst(%dma_wait3A_276 : memref<10240x128xf32, #tpu.memory_space<vmem_shared>>)
      %dma_start3A_277 = arith.constant 7 : i32
      %dma_start3A_278 = arith.constant 0 : i32
      %dma_start3A_279 = tpu.memref_slice %arg7[%dma_start3A_277, %dma_start3A_278] : memref<16x128xi32, #tpu.memory_space<vmem>> -> memref<1x128xi32, #tpu.memory_space<vmem>>
      %dma_start3A_280 = tpu.memref_squeeze %dma_start3A_279 : memref<1x128xi32, #tpu.memory_space<vmem>> -> memref<128xi32, #tpu.memory_space<vmem>>
      %dma_start3A_281 = arith.constant 0 : i32
      %dma_start3A_282 = arith.constant 0 : i32
      %dma_start3A_283 = tpu.memref_slice %arg10[%dma_start3A_281, %dma_start3A_282] : memref<10240x128xf32, #tpu.memory_space<vmem_shared>> -> memref<10240x128xf32, #tpu.memory_space<vmem_shared>>
      tpu.enqueue_indirect_dma source(%arg9 : memref<128x128xf32, #tpu.memory_space<vmem>>) target(%dma_start3A_283 : memref<10240x128xf32, #tpu.memory_space<vmem_shared>>) offsets(%dma_start3A_280 : memref<128xi32, #tpu.memory_space<vmem>>) semaphore(%arg14 : memref<!tpu.dma_semaphore, #tpu.memory_space<semaphore_mem>>) {add = true}
      %dma_start3A_284 = arith.constant 8 : i32
      %dma_start3A_285 = arith.constant 0 : i32
      %dma_start3A_286 = tpu.memref_slice %arg6[%dma_start3A_284, %dma_start3A_285] : memref<16x128xi32, #tpu.memory_space<vmem>> -> memref<1x128xi32, #tpu.memory_space<vmem>>
      %dma_start3A_287 = tpu.memref_squeeze %dma_start3A_286 : memref<1x128xi32, #tpu.memory_space<vmem>> -> memref<128xi32, #tpu.memory_space<vmem>>
      %dma_start3A_288 = arith.constant 0 : i32
      %dma_start3A_289 = arith.constant 0 : i32
      %dma_start3A_290 = tpu.memref_slice %arg2[%dma_start3A_288, %dma_start3A_289] : memref<10000x128xf32, #tpu.memory_space<hbm>> -> memref<10000x128xf32, #tpu.memory_space<hbm>>
      tpu.enqueue_indirect_dma source(%dma_start3A_290 : memref<10000x128xf32, #tpu.memory_space<hbm>>) target(%arg8 : memref<128x128xf32, #tpu.memory_space<vmem>>) offsets(%dma_start3A_287 : memref<128xi32, #tpu.memory_space<vmem>>) semaphore(%arg11 : memref<!tpu.dma_semaphore, #tpu.memory_space<semaphore_mem>>)
      %dma_wait3A_291 = arith.constant 8 : i32
      %dma_wait3A_292 = arith.constant 0 : i32
      %dma_wait3A_293 = tpu.memref_slice %arg6[%dma_wait3A_291, %dma_wait3A_292] : memref<16x128xi32, #tpu.memory_space<vmem>> -> memref<1x128xi32, #tpu.memory_space<vmem>>
      %dma_wait3A_294 = tpu.memref_squeeze %dma_wait3A_293 : memref<1x128xi32, #tpu.memory_space<vmem>> -> memref<128xi32, #tpu.memory_space<vmem>>
      %dma_wait3A_295 = arith.constant 0 : i32
      %dma_wait3A_296 = arith.constant 0 : i32
      %dma_wait3A_297 = tpu.memref_slice %arg2[%dma_wait3A_295, %dma_wait3A_296] : memref<10000x128xf32, #tpu.memory_space<hbm>> -> memref<10000x128xf32, #tpu.memory_space<hbm>>
      tpu.wait_indirect_dma semaphore(%arg11 : memref<!tpu.dma_semaphore, #tpu.memory_space<semaphore_mem>>) src(%dma_wait3A_297 : memref<10000x128xf32, #tpu.memory_space<hbm>>) dst(%arg8 : memref<128x128xf32, #tpu.memory_space<vmem>>)
      %dma_wait3A_298 = arith.constant 7 : i32
      %dma_wait3A_299 = arith.constant 0 : i32
      %dma_wait3A_300 = tpu.memref_slice %arg7[%dma_wait3A_298, %dma_wait3A_299] : memref<16x128xi32, #tpu.memory_space<vmem>> -> memref<1x128xi32, #tpu.memory_space<vmem>>
      %dma_wait3A_301 = tpu.memref_squeeze %dma_wait3A_300 : memref<1x128xi32, #tpu.memory_space<vmem>> -> memref<128xi32, #tpu.memory_space<vmem>>
      %dma_wait3A_302 = arith.constant 0 : i32
      %dma_wait3A_303 = arith.constant 0 : i32
      %dma_wait3A_304 = tpu.memref_slice %arg10[%dma_wait3A_302, %dma_wait3A_303] : memref<10240x128xf32, #tpu.memory_space<vmem_shared>> -> memref<10240x128xf32, #tpu.memory_space<vmem_shared>>
      tpu.wait_indirect_dma semaphore(%arg14 : memref<!tpu.dma_semaphore, #tpu.memory_space<semaphore_mem>>) src(%arg9 : memref<128x128xf32, #tpu.memory_space<vmem>>) dst(%dma_wait3A_304 : memref<10240x128xf32, #tpu.memory_space<vmem_shared>>)
      %dma_start3A_305 = arith.constant 8 : i32
      %dma_start3A_306 = arith.constant 0 : i32
      %dma_start3A_307 = tpu.memref_slice %arg7[%dma_start3A_305, %dma_start3A_306] : memref<16x128xi32, #tpu.memory_space<vmem>> -> memref<1x128xi32, #tpu.memory_space<vmem>>
      %dma_start3A_308 = tpu.memref_squeeze %dma_start3A_307 : memref<1x128xi32, #tpu.memory_space<vmem>> -> memref<128xi32, #tpu.memory_space<vmem>>
      %dma_start3A_309 = arith.constant 0 : i32
      %dma_start3A_310 = arith.constant 0 : i32
      %dma_start3A_311 = tpu.memref_slice %arg10[%dma_start3A_309, %dma_start3A_310] : memref<10240x128xf32, #tpu.memory_space<vmem_shared>> -> memref<10240x128xf32, #tpu.memory_space<vmem_shared>>
      tpu.enqueue_indirect_dma source(%arg8 : memref<128x128xf32, #tpu.memory_space<vmem>>) target(%dma_start3A_311 : memref<10240x128xf32, #tpu.memory_space<vmem_shared>>) offsets(%dma_start3A_308 : memref<128xi32, #tpu.memory_space<vmem>>) semaphore(%arg13 : memref<!tpu.dma_semaphore, #tpu.memory_space<semaphore_mem>>) {add = true}
      %dma_start3A_312 = arith.constant 9 : i32
      %dma_start3A_313 = arith.constant 0 : i32
      %dma_start3A_314 = tpu.memref_slice %arg6[%dma_start3A_312, %dma_start3A_313] : memref<16x128xi32, #tpu.memory_space<vmem>> -> memref<1x128xi32, #tpu.memory_space<vmem>>
      %dma_start3A_315 = tpu.memref_squeeze %dma_start3A_314 : memref<1x128xi32, #tpu.memory_space<vmem>> -> memref<128xi32, #tpu.memory_space<vmem>>
      %dma_start3A_316 = arith.constant 0 : i32
      %dma_start3A_317 = arith.constant 0 : i32
      %dma_start3A_318 = tpu.memref_slice %arg2[%dma_start3A_316, %dma_start3A_317] : memref<10000x128xf32, #tpu.memory_space<hbm>> -> memref<10000x128xf32, #tpu.memory_space<hbm>>
      tpu.enqueue_indirect_dma source(%dma_start3A_318 : memref<10000x128xf32, #tpu.memory_space<hbm>>) target(%arg9 : memref<128x128xf32, #tpu.memory_space<vmem>>) offsets(%dma_start3A_315 : memref<128xi32, #tpu.memory_space<vmem>>) semaphore(%arg12 : memref<!tpu.dma_semaphore, #tpu.memory_space<semaphore_mem>>)
      %dma_wait3A_319 = arith.constant 9 : i32
      %dma_wait3A_320 = arith.constant 0 : i32
      %dma_wait3A_321 = tpu.memref_slice %arg6[%dma_wait3A_319, %dma_wait3A_320] : memref<16x128xi32, #tpu.memory_space<vmem>> -> memref<1x128xi32, #tpu.memory_space<vmem>>
      %dma_wait3A_322 = tpu.memref_squeeze %dma_wait3A_321 : memref<1x128xi32, #tpu.memory_space<vmem>> -> memref<128xi32, #tpu.memory_space<vmem>>
      %dma_wait3A_323 = arith.constant 0 : i32
      %dma_wait3A_324 = arith.constant 0 : i32
      %dma_wait3A_325 = tpu.memref_slice %arg2[%dma_wait3A_323, %dma_wait3A_324] : memref<10000x128xf32, #tpu.memory_space<hbm>> -> memref<10000x128xf32, #tpu.memory_space<hbm>>
      tpu.wait_indirect_dma semaphore(%arg12 : memref<!tpu.dma_semaphore, #tpu.memory_space<semaphore_mem>>) src(%dma_wait3A_325 : memref<10000x128xf32, #tpu.memory_space<hbm>>) dst(%arg9 : memref<128x128xf32, #tpu.memory_space<vmem>>)
      %dma_wait3A_326 = arith.constant 8 : i32
      %dma_wait3A_327 = arith.constant 0 : i32
      %dma_wait3A_328 = tpu.memref_slice %arg7[%dma_wait3A_326, %dma_wait3A_327] : memref<16x128xi32, #tpu.memory_space<vmem>> -> memref<1x128xi32, #tpu.memory_space<vmem>>
      %dma_wait3A_329 = tpu.memref_squeeze %dma_wait3A_328 : memref<1x128xi32, #tpu.memory_space<vmem>> -> memref<128xi32, #tpu.memory_space<vmem>>
      %dma_wait3A_330 = arith.constant 0 : i32
      %dma_wait3A_331 = arith.constant 0 : i32
      %dma_wait3A_332 = tpu.memref_slice %arg10[%dma_wait3A_330, %dma_wait3A_331] : memref<10240x128xf32, #tpu.memory_space<vmem_shared>> -> memref<10240x128xf32, #tpu.memory_space<vmem_shared>>
      tpu.wait_indirect_dma semaphore(%arg13 : memref<!tpu.dma_semaphore, #tpu.memory_space<semaphore_mem>>) src(%arg8 : memref<128x128xf32, #tpu.memory_space<vmem>>) dst(%dma_wait3A_332 : memref<10240x128xf32, #tpu.memory_space<vmem_shared>>)
      %dma_start3A_333 = arith.constant 9 : i32
      %dma_start3A_334 = arith.constant 0 : i32
      %dma_start3A_335 = tpu.memref_slice %arg7[%dma_start3A_333, %dma_start3A_334] : memref<16x128xi32, #tpu.memory_space<vmem>> -> memref<1x128xi32, #tpu.memory_space<vmem>>
      %dma_start3A_336 = tpu.memref_squeeze %dma_start3A_335 : memref<1x128xi32, #tpu.memory_space<vmem>> -> memref<128xi32, #tpu.memory_space<vmem>>
      %dma_start3A_337 = arith.constant 0 : i32
      %dma_start3A_338 = arith.constant 0 : i32
      %dma_start3A_339 = tpu.memref_slice %arg10[%dma_start3A_337, %dma_start3A_338] : memref<10240x128xf32, #tpu.memory_space<vmem_shared>> -> memref<10240x128xf32, #tpu.memory_space<vmem_shared>>
      tpu.enqueue_indirect_dma source(%arg9 : memref<128x128xf32, #tpu.memory_space<vmem>>) target(%dma_start3A_339 : memref<10240x128xf32, #tpu.memory_space<vmem_shared>>) offsets(%dma_start3A_336 : memref<128xi32, #tpu.memory_space<vmem>>) semaphore(%arg14 : memref<!tpu.dma_semaphore, #tpu.memory_space<semaphore_mem>>) {add = true}
      %dma_start3A_340 = arith.constant 10 : i32
      %dma_start3A_341 = arith.constant 0 : i32
      %dma_start3A_342 = tpu.memref_slice %arg6[%dma_start3A_340, %dma_start3A_341] : memref<16x128xi32, #tpu.memory_space<vmem>> -> memref<1x128xi32, #tpu.memory_space<vmem>>
      %dma_start3A_343 = tpu.memref_squeeze %dma_start3A_342 : memref<1x128xi32, #tpu.memory_space<vmem>> -> memref<128xi32, #tpu.memory_space<vmem>>
      %dma_start3A_344 = arith.constant 0 : i32
      %dma_start3A_345 = arith.constant 0 : i32
      %dma_start3A_346 = tpu.memref_slice %arg2[%dma_start3A_344, %dma_start3A_345] : memref<10000x128xf32, #tpu.memory_space<hbm>> -> memref<10000x128xf32, #tpu.memory_space<hbm>>
      tpu.enqueue_indirect_dma source(%dma_start3A_346 : memref<10000x128xf32, #tpu.memory_space<hbm>>) target(%arg8 : memref<128x128xf32, #tpu.memory_space<vmem>>) offsets(%dma_start3A_343 : memref<128xi32, #tpu.memory_space<vmem>>) semaphore(%arg11 : memref<!tpu.dma_semaphore, #tpu.memory_space<semaphore_mem>>)
      %dma_wait3A_347 = arith.constant 10 : i32
      %dma_wait3A_348 = arith.constant 0 : i32
      %dma_wait3A_349 = tpu.memref_slice %arg6[%dma_wait3A_347, %dma_wait3A_348] : memref<16x128xi32, #tpu.memory_space<vmem>> -> memref<1x128xi32, #tpu.memory_space<vmem>>
      %dma_wait3A_350 = tpu.memref_squeeze %dma_wait3A_349 : memref<1x128xi32, #tpu.memory_space<vmem>> -> memref<128xi32, #tpu.memory_space<vmem>>
      %dma_wait3A_351 = arith.constant 0 : i32
      %dma_wait3A_352 = arith.constant 0 : i32
      %dma_wait3A_353 = tpu.memref_slice %arg2[%dma_wait3A_351, %dma_wait3A_352] : memref<10000x128xf32, #tpu.memory_space<hbm>> -> memref<10000x128xf32, #tpu.memory_space<hbm>>
      tpu.wait_indirect_dma semaphore(%arg11 : memref<!tpu.dma_semaphore, #tpu.memory_space<semaphore_mem>>) src(%dma_wait3A_353 : memref<10000x128xf32, #tpu.memory_space<hbm>>) dst(%arg8 : memref<128x128xf32, #tpu.memory_space<vmem>>)
      %dma_wait3A_354 = arith.constant 9 : i32
      %dma_wait3A_355 = arith.constant 0 : i32
      %dma_wait3A_356 = tpu.memref_slice %arg7[%dma_wait3A_354, %dma_wait3A_355] : memref<16x128xi32, #tpu.memory_space<vmem>> -> memref<1x128xi32, #tpu.memory_space<vmem>>
      %dma_wait3A_357 = tpu.memref_squeeze %dma_wait3A_356 : memref<1x128xi32, #tpu.memory_space<vmem>> -> memref<128xi32, #tpu.memory_space<vmem>>
      %dma_wait3A_358 = arith.constant 0 : i32
      %dma_wait3A_359 = arith.constant 0 : i32
      %dma_wait3A_360 = tpu.memref_slice %arg10[%dma_wait3A_358, %dma_wait3A_359] : memref<10240x128xf32, #tpu.memory_space<vmem_shared>> -> memref<10240x128xf32, #tpu.memory_space<vmem_shared>>
      tpu.wait_indirect_dma semaphore(%arg14 : memref<!tpu.dma_semaphore, #tpu.memory_space<semaphore_mem>>) src(%arg9 : memref<128x128xf32, #tpu.memory_space<vmem>>) dst(%dma_wait3A_360 : memref<10240x128xf32, #tpu.memory_space<vmem_shared>>)
      %dma_start3A_361 = arith.constant 10 : i32
      %dma_start3A_362 = arith.constant 0 : i32
      %dma_start3A_363 = tpu.memref_slice %arg7[%dma_start3A_361, %dma_start3A_362] : memref<16x128xi32, #tpu.memory_space<vmem>> -> memref<1x128xi32, #tpu.memory_space<vmem>>
      %dma_start3A_364 = tpu.memref_squeeze %dma_start3A_363 : memref<1x128xi32, #tpu.memory_space<vmem>> -> memref<128xi32, #tpu.memory_space<vmem>>
      %dma_start3A_365 = arith.constant 0 : i32
      %dma_start3A_366 = arith.constant 0 : i32
      %dma_start3A_367 = tpu.memref_slice %arg10[%dma_start3A_365, %dma_start3A_366] : memref<10240x128xf32, #tpu.memory_space<vmem_shared>> -> memref<10240x128xf32, #tpu.memory_space<vmem_shared>>
      tpu.enqueue_indirect_dma source(%arg8 : memref<128x128xf32, #tpu.memory_space<vmem>>) target(%dma_start3A_367 : memref<10240x128xf32, #tpu.memory_space<vmem_shared>>) offsets(%dma_start3A_364 : memref<128xi32, #tpu.memory_space<vmem>>) semaphore(%arg13 : memref<!tpu.dma_semaphore, #tpu.memory_space<semaphore_mem>>) {add = true}
      %dma_start3A_368 = arith.constant 11 : i32
      %dma_start3A_369 = arith.constant 0 : i32
      %dma_start3A_370 = tpu.memref_slice %arg6[%dma_start3A_368, %dma_start3A_369] : memref<16x128xi32, #tpu.memory_space<vmem>> -> memref<1x128xi32, #tpu.memory_space<vmem>>
      %dma_start3A_371 = tpu.memref_squeeze %dma_start3A_370 : memref<1x128xi32, #tpu.memory_space<vmem>> -> memref<128xi32, #tpu.memory_space<vmem>>
      %dma_start3A_372 = arith.constant 0 : i32
      %dma_start3A_373 = arith.constant 0 : i32
      %dma_start3A_374 = tpu.memref_slice %arg2[%dma_start3A_372, %dma_start3A_373] : memref<10000x128xf32, #tpu.memory_space<hbm>> -> memref<10000x128xf32, #tpu.memory_space<hbm>>
      tpu.enqueue_indirect_dma source(%dma_start3A_374 : memref<10000x128xf32, #tpu.memory_space<hbm>>) target(%arg9 : memref<128x128xf32, #tpu.memory_space<vmem>>) offsets(%dma_start3A_371 : memref<128xi32, #tpu.memory_space<vmem>>) semaphore(%arg12 : memref<!tpu.dma_semaphore, #tpu.memory_space<semaphore_mem>>)
      %dma_wait3A_375 = arith.constant 11 : i32
      %dma_wait3A_376 = arith.constant 0 : i32
      %dma_wait3A_377 = tpu.memref_slice %arg6[%dma_wait3A_375, %dma_wait3A_376] : memref<16x128xi32, #tpu.memory_space<vmem>> -> memref<1x128xi32, #tpu.memory_space<vmem>>
      %dma_wait3A_378 = tpu.memref_squeeze %dma_wait3A_377 : memref<1x128xi32, #tpu.memory_space<vmem>> -> memref<128xi32, #tpu.memory_space<vmem>>
      %dma_wait3A_379 = arith.constant 0 : i32
      %dma_wait3A_380 = arith.constant 0 : i32
      %dma_wait3A_381 = tpu.memref_slice %arg2[%dma_wait3A_379, %dma_wait3A_380] : memref<10000x128xf32, #tpu.memory_space<hbm>> -> memref<10000x128xf32, #tpu.memory_space<hbm>>
      tpu.wait_indirect_dma semaphore(%arg12 : memref<!tpu.dma_semaphore, #tpu.memory_space<semaphore_mem>>) src(%dma_wait3A_381 : memref<10000x128xf32, #tpu.memory_space<hbm>>) dst(%arg9 : memref<128x128xf32, #tpu.memory_space<vmem>>)
      %dma_wait3A_382 = arith.constant 10 : i32
      %dma_wait3A_383 = arith.constant 0 : i32
      %dma_wait3A_384 = tpu.memref_slice %arg7[%dma_wait3A_382, %dma_wait3A_383] : memref<16x128xi32, #tpu.memory_space<vmem>> -> memref<1x128xi32, #tpu.memory_space<vmem>>
      %dma_wait3A_385 = tpu.memref_squeeze %dma_wait3A_384 : memref<1x128xi32, #tpu.memory_space<vmem>> -> memref<128xi32, #tpu.memory_space<vmem>>
      %dma_wait3A_386 = arith.constant 0 : i32
      %dma_wait3A_387 = arith.constant 0 : i32
      %dma_wait3A_388 = tpu.memref_slice %arg10[%dma_wait3A_386, %dma_wait3A_387] : memref<10240x128xf32, #tpu.memory_space<vmem_shared>> -> memref<10240x128xf32, #tpu.memory_space<vmem_shared>>
      tpu.wait_indirect_dma semaphore(%arg13 : memref<!tpu.dma_semaphore, #tpu.memory_space<semaphore_mem>>) src(%arg8 : memref<128x128xf32, #tpu.memory_space<vmem>>) dst(%dma_wait3A_388 : memref<10240x128xf32, #tpu.memory_space<vmem_shared>>)
      %dma_start3A_389 = arith.constant 11 : i32
      %dma_start3A_390 = arith.constant 0 : i32
      %dma_start3A_391 = tpu.memref_slice %arg7[%dma_start3A_389, %dma_start3A_390] : memref<16x128xi32, #tpu.memory_space<vmem>> -> memref<1x128xi32, #tpu.memory_space<vmem>>
      %dma_start3A_392 = tpu.memref_squeeze %dma_start3A_391 : memref<1x128xi32, #tpu.memory_space<vmem>> -> memref<128xi32, #tpu.memory_space<vmem>>
      %dma_start3A_393 = arith.constant 0 : i32
      %dma_start3A_394 = arith.constant 0 : i32
      %dma_start3A_395 = tpu.memref_slice %arg10[%dma_start3A_393, %dma_start3A_394] : memref<10240x128xf32, #tpu.memory_space<vmem_shared>> -> memref<10240x128xf32, #tpu.memory_space<vmem_shared>>
      tpu.enqueue_indirect_dma source(%arg9 : memref<128x128xf32, #tpu.memory_space<vmem>>) target(%dma_start3A_395 : memref<10240x128xf32, #tpu.memory_space<vmem_shared>>) offsets(%dma_start3A_392 : memref<128xi32, #tpu.memory_space<vmem>>) semaphore(%arg14 : memref<!tpu.dma_semaphore, #tpu.memory_space<semaphore_mem>>) {add = true}
      %dma_start3A_396 = arith.constant 12 : i32
      %dma_start3A_397 = arith.constant 0 : i32
      %dma_start3A_398 = tpu.memref_slice %arg6[%dma_start3A_396, %dma_start3A_397] : memref<16x128xi32, #tpu.memory_space<vmem>> -> memref<1x128xi32, #tpu.memory_space<vmem>>
      %dma_start3A_399 = tpu.memref_squeeze %dma_start3A_398 : memref<1x128xi32, #tpu.memory_space<vmem>> -> memref<128xi32, #tpu.memory_space<vmem>>
      %dma_start3A_400 = arith.constant 0 : i32
      %dma_start3A_401 = arith.constant 0 : i32
      %dma_start3A_402 = tpu.memref_slice %arg2[%dma_start3A_400, %dma_start3A_401] : memref<10000x128xf32, #tpu.memory_space<hbm>> -> memref<10000x128xf32, #tpu.memory_space<hbm>>
      tpu.enqueue_indirect_dma source(%dma_start3A_402 : memref<10000x128xf32, #tpu.memory_space<hbm>>) target(%arg8 : memref<128x128xf32, #tpu.memory_space<vmem>>) offsets(%dma_start3A_399 : memref<128xi32, #tpu.memory_space<vmem>>) semaphore(%arg11 : memref<!tpu.dma_semaphore, #tpu.memory_space<semaphore_mem>>)
      %dma_wait3A_403 = arith.constant 12 : i32
      %dma_wait3A_404 = arith.constant 0 : i32
      %dma_wait3A_405 = tpu.memref_slice %arg6[%dma_wait3A_403, %dma_wait3A_404] : memref<16x128xi32, #tpu.memory_space<vmem>> -> memref<1x128xi32, #tpu.memory_space<vmem>>
      %dma_wait3A_406 = tpu.memref_squeeze %dma_wait3A_405 : memref<1x128xi32, #tpu.memory_space<vmem>> -> memref<128xi32, #tpu.memory_space<vmem>>
      %dma_wait3A_407 = arith.constant 0 : i32
      %dma_wait3A_408 = arith.constant 0 : i32
      %dma_wait3A_409 = tpu.memref_slice %arg2[%dma_wait3A_407, %dma_wait3A_408] : memref<10000x128xf32, #tpu.memory_space<hbm>> -> memref<10000x128xf32, #tpu.memory_space<hbm>>
      tpu.wait_indirect_dma semaphore(%arg11 : memref<!tpu.dma_semaphore, #tpu.memory_space<semaphore_mem>>) src(%dma_wait3A_409 : memref<10000x128xf32, #tpu.memory_space<hbm>>) dst(%arg8 : memref<128x128xf32, #tpu.memory_space<vmem>>)
      %dma_wait3A_410 = arith.constant 11 : i32
      %dma_wait3A_411 = arith.constant 0 : i32
      %dma_wait3A_412 = tpu.memref_slice %arg7[%dma_wait3A_410, %dma_wait3A_411] : memref<16x128xi32, #tpu.memory_space<vmem>> -> memref<1x128xi32, #tpu.memory_space<vmem>>
      %dma_wait3A_413 = tpu.memref_squeeze %dma_wait3A_412 : memref<1x128xi32, #tpu.memory_space<vmem>> -> memref<128xi32, #tpu.memory_space<vmem>>
      %dma_wait3A_414 = arith.constant 0 : i32
      %dma_wait3A_415 = arith.constant 0 : i32
      %dma_wait3A_416 = tpu.memref_slice %arg10[%dma_wait3A_414, %dma_wait3A_415] : memref<10240x128xf32, #tpu.memory_space<vmem_shared>> -> memref<10240x128xf32, #tpu.memory_space<vmem_shared>>
      tpu.wait_indirect_dma semaphore(%arg14 : memref<!tpu.dma_semaphore, #tpu.memory_space<semaphore_mem>>) src(%arg9 : memref<128x128xf32, #tpu.memory_space<vmem>>) dst(%dma_wait3A_416 : memref<10240x128xf32, #tpu.memory_space<vmem_shared>>)
      %dma_start3A_417 = arith.constant 12 : i32
      %dma_start3A_418 = arith.constant 0 : i32
      %dma_start3A_419 = tpu.memref_slice %arg7[%dma_start3A_417, %dma_start3A_418] : memref<16x128xi32, #tpu.memory_space<vmem>> -> memref<1x128xi32, #tpu.memory_space<vmem>>
      %dma_start3A_420 = tpu.memref_squeeze %dma_start3A_419 : memref<1x128xi32, #tpu.memory_space<vmem>> -> memref<128xi32, #tpu.memory_space<vmem>>
      %dma_start3A_421 = arith.constant 0 : i32
      %dma_start3A_422 = arith.constant 0 : i32
      %dma_start3A_423 = tpu.memref_slice %arg10[%dma_start3A_421, %dma_start3A_422] : memref<10240x128xf32, #tpu.memory_space<vmem_shared>> -> memref<10240x128xf32, #tpu.memory_space<vmem_shared>>
      tpu.enqueue_indirect_dma source(%arg8 : memref<128x128xf32, #tpu.memory_space<vmem>>) target(%dma_start3A_423 : memref<10240x128xf32, #tpu.memory_space<vmem_shared>>) offsets(%dma_start3A_420 : memref<128xi32, #tpu.memory_space<vmem>>) semaphore(%arg13 : memref<!tpu.dma_semaphore, #tpu.memory_space<semaphore_mem>>) {add = true}
      %dma_start3A_424 = arith.constant 13 : i32
      %dma_start3A_425 = arith.constant 0 : i32
      %dma_start3A_426 = tpu.memref_slice %arg6[%dma_start3A_424, %dma_start3A_425] : memref<16x128xi32, #tpu.memory_space<vmem>> -> memref<1x128xi32, #tpu.memory_space<vmem>>
      %dma_start3A_427 = tpu.memref_squeeze %dma_start3A_426 : memref<1x128xi32, #tpu.memory_space<vmem>> -> memref<128xi32, #tpu.memory_space<vmem>>
      %dma_start3A_428 = arith.constant 0 : i32
      %dma_start3A_429 = arith.constant 0 : i32
      %dma_start3A_430 = tpu.memref_slice %arg2[%dma_start3A_428, %dma_start3A_429] : memref<10000x128xf32, #tpu.memory_space<hbm>> -> memref<10000x128xf32, #tpu.memory_space<hbm>>
      tpu.enqueue_indirect_dma source(%dma_start3A_430 : memref<10000x128xf32, #tpu.memory_space<hbm>>) target(%arg9 : memref<128x128xf32, #tpu.memory_space<vmem>>) offsets(%dma_start3A_427 : memref<128xi32, #tpu.memory_space<vmem>>) semaphore(%arg12 : memref<!tpu.dma_semaphore, #tpu.memory_space<semaphore_mem>>)
      %dma_wait3A_431 = arith.constant 13 : i32
      %dma_wait3A_432 = arith.constant 0 : i32
      %dma_wait3A_433 = tpu.memref_slice %arg6[%dma_wait3A_431, %dma_wait3A_432] : memref<16x128xi32, #tpu.memory_space<vmem>> -> memref<1x128xi32, #tpu.memory_space<vmem>>
      %dma_wait3A_434 = tpu.memref_squeeze %dma_wait3A_433 : memref<1x128xi32, #tpu.memory_space<vmem>> -> memref<128xi32, #tpu.memory_space<vmem>>
      %dma_wait3A_435 = arith.constant 0 : i32
      %dma_wait3A_436 = arith.constant 0 : i32
      %dma_wait3A_437 = tpu.memref_slice %arg2[%dma_wait3A_435, %dma_wait3A_436] : memref<10000x128xf32, #tpu.memory_space<hbm>> -> memref<10000x128xf32, #tpu.memory_space<hbm>>
      tpu.wait_indirect_dma semaphore(%arg12 : memref<!tpu.dma_semaphore, #tpu.memory_space<semaphore_mem>>) src(%dma_wait3A_437 : memref<10000x128xf32, #tpu.memory_space<hbm>>) dst(%arg9 : memref<128x128xf32, #tpu.memory_space<vmem>>)
      %dma_wait3A_438 = arith.constant 12 : i32
      %dma_wait3A_439 = arith.constant 0 : i32
      %dma_wait3A_440 = tpu.memref_slice %arg7[%dma_wait3A_438, %dma_wait3A_439] : memref<16x128xi32, #tpu.memory_space<vmem>> -> memref<1x128xi32, #tpu.memory_space<vmem>>
      %dma_wait3A_441 = tpu.memref_squeeze %dma_wait3A_440 : memref<1x128xi32, #tpu.memory_space<vmem>> -> memref<128xi32, #tpu.memory_space<vmem>>
      %dma_wait3A_442 = arith.constant 0 : i32
      %dma_wait3A_443 = arith.constant 0 : i32
      %dma_wait3A_444 = tpu.memref_slice %arg10[%dma_wait3A_442, %dma_wait3A_443] : memref<10240x128xf32, #tpu.memory_space<vmem_shared>> -> memref<10240x128xf32, #tpu.memory_space<vmem_shared>>
      tpu.wait_indirect_dma semaphore(%arg13 : memref<!tpu.dma_semaphore, #tpu.memory_space<semaphore_mem>>) src(%arg8 : memref<128x128xf32, #tpu.memory_space<vmem>>) dst(%dma_wait3A_444 : memref<10240x128xf32, #tpu.memory_space<vmem_shared>>)
      %dma_start3A_445 = arith.constant 13 : i32
      %dma_start3A_446 = arith.constant 0 : i32
      %dma_start3A_447 = tpu.memref_slice %arg7[%dma_start3A_445, %dma_start3A_446] : memref<16x128xi32, #tpu.memory_space<vmem>> -> memref<1x128xi32, #tpu.memory_space<vmem>>
      %dma_start3A_448 = tpu.memref_squeeze %dma_start3A_447 : memref<1x128xi32, #tpu.memory_space<vmem>> -> memref<128xi32, #tpu.memory_space<vmem>>
      %dma_start3A_449 = arith.constant 0 : i32
      %dma_start3A_450 = arith.constant 0 : i32
      %dma_start3A_451 = tpu.memref_slice %arg10[%dma_start3A_449, %dma_start3A_450] : memref<10240x128xf32, #tpu.memory_space<vmem_shared>> -> memref<10240x128xf32, #tpu.memory_space<vmem_shared>>
      tpu.enqueue_indirect_dma source(%arg9 : memref<128x128xf32, #tpu.memory_space<vmem>>) target(%dma_start3A_451 : memref<10240x128xf32, #tpu.memory_space<vmem_shared>>) offsets(%dma_start3A_448 : memref<128xi32, #tpu.memory_space<vmem>>) semaphore(%arg14 : memref<!tpu.dma_semaphore, #tpu.memory_space<semaphore_mem>>) {add = true}
      %dma_start3A_452 = arith.constant 14 : i32
      %dma_start3A_453 = arith.constant 0 : i32
      %dma_start3A_454 = tpu.memref_slice %arg6[%dma_start3A_452, %dma_start3A_453] : memref<16x128xi32, #tpu.memory_space<vmem>> -> memref<1x128xi32, #tpu.memory_space<vmem>>
      %dma_start3A_455 = tpu.memref_squeeze %dma_start3A_454 : memref<1x128xi32, #tpu.memory_space<vmem>> -> memref<128xi32, #tpu.memory_space<vmem>>
      %dma_start3A_456 = arith.constant 0 : i32
      %dma_start3A_457 = arith.constant 0 : i32
      %dma_start3A_458 = tpu.memref_slice %arg2[%dma_start3A_456, %dma_start3A_457] : memref<10000x128xf32, #tpu.memory_space<hbm>> -> memref<10000x128xf32, #tpu.memory_space<hbm>>
      tpu.enqueue_indirect_dma source(%dma_start3A_458 : memref<10000x128xf32, #tpu.memory_space<hbm>>) target(%arg8 : memref<128x128xf32, #tpu.memory_space<vmem>>) offsets(%dma_start3A_455 : memref<128xi32, #tpu.memory_space<vmem>>) semaphore(%arg11 : memref<!tpu.dma_semaphore, #tpu.memory_space<semaphore_mem>>)
      %dma_wait3A_459 = arith.constant 14 : i32
      %dma_wait3A_460 = arith.constant 0 : i32
      %dma_wait3A_461 = tpu.memref_slice %arg6[%dma_wait3A_459, %dma_wait3A_460] : memref<16x128xi32, #tpu.memory_space<vmem>> -> memref<1x128xi32, #tpu.memory_space<vmem>>
      %dma_wait3A_462 = tpu.memref_squeeze %dma_wait3A_461 : memref<1x128xi32, #tpu.memory_space<vmem>> -> memref<128xi32, #tpu.memory_space<vmem>>
      %dma_wait3A_463 = arith.constant 0 : i32
      %dma_wait3A_464 = arith.constant 0 : i32
      %dma_wait3A_465 = tpu.memref_slice %arg2[%dma_wait3A_463, %dma_wait3A_464] : memref<10000x128xf32, #tpu.memory_space<hbm>> -> memref<10000x128xf32, #tpu.memory_space<hbm>>
      tpu.wait_indirect_dma semaphore(%arg11 : memref<!tpu.dma_semaphore, #tpu.memory_space<semaphore_mem>>) src(%dma_wait3A_465 : memref<10000x128xf32, #tpu.memory_space<hbm>>) dst(%arg8 : memref<128x128xf32, #tpu.memory_space<vmem>>)
      %dma_wait3A_466 = arith.constant 13 : i32
      %dma_wait3A_467 = arith.constant 0 : i32
      %dma_wait3A_468 = tpu.memref_slice %arg7[%dma_wait3A_466, %dma_wait3A_467] : memref<16x128xi32, #tpu.memory_space<vmem>> -> memref<1x128xi32, #tpu.memory_space<vmem>>
      %dma_wait3A_469 = tpu.memref_squeeze %dma_wait3A_468 : memref<1x128xi32, #tpu.memory_space<vmem>> -> memref<128xi32, #tpu.memory_space<vmem>>
      %dma_wait3A_470 = arith.constant 0 : i32
      %dma_wait3A_471 = arith.constant 0 : i32
      %dma_wait3A_472 = tpu.memref_slice %arg10[%dma_wait3A_470, %dma_wait3A_471] : memref<10240x128xf32, #tpu.memory_space<vmem_shared>> -> memref<10240x128xf32, #tpu.memory_space<vmem_shared>>
      tpu.wait_indirect_dma semaphore(%arg14 : memref<!tpu.dma_semaphore, #tpu.memory_space<semaphore_mem>>) src(%arg9 : memref<128x128xf32, #tpu.memory_space<vmem>>) dst(%dma_wait3A_472 : memref<10240x128xf32, #tpu.memory_space<vmem_shared>>)
      %dma_start3A_473 = arith.constant 14 : i32
      %dma_start3A_474 = arith.constant 0 : i32
      %dma_start3A_475 = tpu.memref_slice %arg7[%dma_start3A_473, %dma_start3A_474] : memref<16x128xi32, #tpu.memory_space<vmem>> -> memref<1x128xi32, #tpu.memory_space<vmem>>
      %dma_start3A_476 = tpu.memref_squeeze %dma_start3A_475 : memref<1x128xi32, #tpu.memory_space<vmem>> -> memref<128xi32, #tpu.memory_space<vmem>>
      %dma_start3A_477 = arith.constant 0 : i32
      %dma_start3A_478 = arith.constant 0 : i32
      %dma_start3A_479 = tpu.memref_slice %arg10[%dma_start3A_477, %dma_start3A_478] : memref<10240x128xf32, #tpu.memory_space<vmem_shared>> -> memref<10240x128xf32, #tpu.memory_space<vmem_shared>>
      tpu.enqueue_indirect_dma source(%arg8 : memref<128x128xf32, #tpu.memory_space<vmem>>) target(%dma_start3A_479 : memref<10240x128xf32, #tpu.memory_space<vmem_shared>>) offsets(%dma_start3A_476 : memref<128xi32, #tpu.memory_space<vmem>>) semaphore(%arg13 : memref<!tpu.dma_semaphore, #tpu.memory_space<semaphore_mem>>) {add = true}
      %dma_start3A_480 = arith.constant 15 : i32
      %dma_start3A_481 = arith.constant 0 : i32
      %dma_start3A_482 = tpu.memref_slice %arg6[%dma_start3A_480, %dma_start3A_481] : memref<16x128xi32, #tpu.memory_space<vmem>> -> memref<1x128xi32, #tpu.memory_space<vmem>>
      %dma_start3A_483 = tpu.memref_squeeze %dma_start3A_482 : memref<1x128xi32, #tpu.memory_space<vmem>> -> memref<128xi32, #tpu.memory_space<vmem>>
      %dma_start3A_484 = arith.constant 0 : i32
      %dma_start3A_485 = arith.constant 0 : i32
      %dma_start3A_486 = tpu.memref_slice %arg2[%dma_start3A_484, %dma_start3A_485] : memref<10000x128xf32, #tpu.memory_space<hbm>> -> memref<10000x128xf32, #tpu.memory_space<hbm>>
      tpu.enqueue_indirect_dma source(%dma_start3A_486 : memref<10000x128xf32, #tpu.memory_space<hbm>>) target(%arg9 : memref<128x128xf32, #tpu.memory_space<vmem>>) offsets(%dma_start3A_483 : memref<128xi32, #tpu.memory_space<vmem>>) semaphore(%arg12 : memref<!tpu.dma_semaphore, #tpu.memory_space<semaphore_mem>>)
      %dma_wait3A_487 = arith.constant 15 : i32
      %dma_wait3A_488 = arith.constant 0 : i32
      %dma_wait3A_489 = tpu.memref_slice %arg6[%dma_wait3A_487, %dma_wait3A_488] : memref<16x128xi32, #tpu.memory_space<vmem>> -> memref<1x128xi32, #tpu.memory_space<vmem>>
      %dma_wait3A_490 = tpu.memref_squeeze %dma_wait3A_489 : memref<1x128xi32, #tpu.memory_space<vmem>> -> memref<128xi32, #tpu.memory_space<vmem>>
      %dma_wait3A_491 = arith.constant 0 : i32
      %dma_wait3A_492 = arith.constant 0 : i32
      %dma_wait3A_493 = tpu.memref_slice %arg2[%dma_wait3A_491, %dma_wait3A_492] : memref<10000x128xf32, #tpu.memory_space<hbm>> -> memref<10000x128xf32, #tpu.memory_space<hbm>>
      tpu.wait_indirect_dma semaphore(%arg12 : memref<!tpu.dma_semaphore, #tpu.memory_space<semaphore_mem>>) src(%dma_wait3A_493 : memref<10000x128xf32, #tpu.memory_space<hbm>>) dst(%arg9 : memref<128x128xf32, #tpu.memory_space<vmem>>)
      %dma_wait3A_494 = arith.constant 14 : i32
      %dma_wait3A_495 = arith.constant 0 : i32
      %dma_wait3A_496 = tpu.memref_slice %arg7[%dma_wait3A_494, %dma_wait3A_495] : memref<16x128xi32, #tpu.memory_space<vmem>> -> memref<1x128xi32, #tpu.memory_space<vmem>>
      %dma_wait3A_497 = tpu.memref_squeeze %dma_wait3A_496 : memref<1x128xi32, #tpu.memory_space<vmem>> -> memref<128xi32, #tpu.memory_space<vmem>>
      %dma_wait3A_498 = arith.constant 0 : i32
      %dma_wait3A_499 = arith.constant 0 : i32
      %dma_wait3A_500 = tpu.memref_slice %arg10[%dma_wait3A_498, %dma_wait3A_499] : memref<10240x128xf32, #tpu.memory_space<vmem_shared>> -> memref<10240x128xf32, #tpu.memory_space<vmem_shared>>
      tpu.wait_indirect_dma semaphore(%arg13 : memref<!tpu.dma_semaphore, #tpu.memory_space<semaphore_mem>>) src(%arg8 : memref<128x128xf32, #tpu.memory_space<vmem>>) dst(%dma_wait3A_500 : memref<10240x128xf32, #tpu.memory_space<vmem_shared>>)
      %dma_start3A_501 = arith.constant 15 : i32
      %dma_start3A_502 = arith.constant 0 : i32
      %dma_start3A_503 = tpu.memref_slice %arg7[%dma_start3A_501, %dma_start3A_502] : memref<16x128xi32, #tpu.memory_space<vmem>> -> memref<1x128xi32, #tpu.memory_space<vmem>>
      %dma_start3A_504 = tpu.memref_squeeze %dma_start3A_503 : memref<1x128xi32, #tpu.memory_space<vmem>> -> memref<128xi32, #tpu.memory_space<vmem>>
      %dma_start3A_505 = arith.constant 0 : i32
      %dma_start3A_506 = arith.constant 0 : i32
      %dma_start3A_507 = tpu.memref_slice %arg10[%dma_start3A_505, %dma_start3A_506] : memref<10240x128xf32, #tpu.memory_space<vmem_shared>> -> memref<10240x128xf32, #tpu.memory_space<vmem_shared>>
      tpu.enqueue_indirect_dma source(%arg9 : memref<128x128xf32, #tpu.memory_space<vmem>>) target(%dma_start3A_507 : memref<10240x128xf32, #tpu.memory_space<vmem_shared>>) offsets(%dma_start3A_504 : memref<128xi32, #tpu.memory_space<vmem>>) semaphore(%arg14 : memref<!tpu.dma_semaphore, #tpu.memory_space<semaphore_mem>>) {add = true}
      %dma_wait3A_508 = arith.constant 15 : i32
      %dma_wait3A_509 = arith.constant 0 : i32
      %dma_wait3A_510 = tpu.memref_slice %arg7[%dma_wait3A_508, %dma_wait3A_509] : memref<16x128xi32, #tpu.memory_space<vmem>> -> memref<1x128xi32, #tpu.memory_space<vmem>>
      %dma_wait3A_511 = tpu.memref_squeeze %dma_wait3A_510 : memref<1x128xi32, #tpu.memory_space<vmem>> -> memref<128xi32, #tpu.memory_space<vmem>>
      %dma_wait3A_512 = arith.constant 0 : i32
      %dma_wait3A_513 = arith.constant 0 : i32
      %dma_wait3A_514 = tpu.memref_slice %arg10[%dma_wait3A_512, %dma_wait3A_513] : memref<10240x128xf32, #tpu.memory_space<vmem_shared>> -> memref<10240x128xf32, #tpu.memory_space<vmem_shared>>
      tpu.wait_indirect_dma semaphore(%arg14 : memref<!tpu.dma_semaphore, #tpu.memory_space<semaphore_mem>>) src(%arg9 : memref<128x128xf32, #tpu.memory_space<vmem>>) dst(%dma_wait3A_514 : memref<10240x128xf32, #tpu.memory_space<vmem_shared>>)
      %while3A_515 = arith.constant 0 : i32
      scf.yield %while3A_515 : i32
    }
    %barrier3A_43 = arith.constant 0 : index
    tpu.barrier barrier_id(%barrier3A_43)
    %mul3A_44 = arith.constant 640 : i32
    %mul3A_45 = arith.muli %arg1, %mul3A_44 : i32
    %add3A_46 = arith.constant 0 : i32
    %add3A_47 = arith.addi %mul3A_45, %add3A_46 : i32
    "tpu.region"() ({
      %run_scoped3A = tpu.sem_alloc : memref<!tpu.dma_semaphore, #tpu.memory_space<semaphore_mem>>
      %dma_start3A = arith.constant 0 : i32
      %dma_start3A_64 = tpu.memref_slice %arg10[%add3A_47, %dma_start3A] : memref<10240x128xf32, #tpu.memory_space<vmem_shared>> -> memref<128x128xf32, #tpu.memory_space<vmem_shared>>
      %dma_start3A_65 = arith.constant 0 : i32
      %dma_start3A_66 = tpu.memref_slice %arg10[%add3A_47, %dma_start3A_65] : memref<10240x128xf32, #tpu.memory_space<vmem_shared>> -> memref<128x128xf32, #tpu.memory_space<vmem_shared>>
      tpu.enqueue_dma source(%dma_start3A_66 : memref<128x128xf32, #tpu.memory_space<vmem_shared>>) target(%arg8 : memref<128x128xf32, #tpu.memory_space<vmem>>) target_semaphore(%run_scoped3A : memref<!tpu.dma_semaphore, #tpu.memory_space<semaphore_mem>>)
      %dma_wait3A = arith.constant 0 : i32
      %dma_wait3A_67 = tpu.memref_slice %arg10[%add3A_47, %dma_wait3A] : memref<10240x128xf32, #tpu.memory_space<vmem_shared>> -> memref<128x128xf32, #tpu.memory_space<vmem_shared>>
      %dma_wait3A_68 = arith.constant 0 : i32
      %dma_wait3A_69 = tpu.memref_slice %arg10[%add3A_47, %dma_wait3A_68] : memref<10240x128xf32, #tpu.memory_space<vmem_shared>> -> memref<128x128xf32, #tpu.memory_space<vmem_shared>>
      tpu.wait_dma2 semaphore(%run_scoped3A : memref<!tpu.dma_semaphore, #tpu.memory_space<semaphore_mem>>) src(%dma_wait3A_69 : memref<128x128xf32, #tpu.memory_space<vmem_shared>>) dst(%arg8 : memref<128x128xf32, #tpu.memory_space<vmem>>)
      tpu.yield
    }) : () -> ()
    "tpu.region"() ({
      %run_scoped3A = tpu.sem_alloc : memref<!tpu.dma_semaphore, #tpu.memory_space<semaphore_mem>>
      %dma_start3A = arith.constant 0 : i32
      %dma_start3A_64 = tpu.memref_slice %arg5[%arg0, %add3A_47, %dma_start3A] : memref<2x10240x128xf32, #tpu.memory_space<hbm>> -> memref<1x128x128xf32, #tpu.memory_space<hbm>>
      %dma_start3A_65 = tpu.memref_squeeze %dma_start3A_64 : memref<1x128x128xf32, #tpu.memory_space<hbm>> -> memref<128x128xf32, #tpu.memory_space<hbm>>
      %dma_start3A_66 = arith.constant 0 : i32
      %dma_start3A_67 = tpu.memref_slice %arg5[%arg0, %add3A_47, %dma_start3A_66] : memref<2x10240x128xf32, #tpu.memory_space<hbm>> -> memref<1x128x128xf32, #tpu.memory_space<hbm>>
      %dma_start3A_68 = tpu.memref_squeeze %dma_start3A_67 : memref<1x128x128xf32, #tpu.memory_space<hbm>> -> memref<128x128xf32, #tpu.memory_space<hbm>>
      tpu.enqueue_dma source(%arg8 : memref<128x128xf32, #tpu.memory_space<vmem>>) target(%dma_start3A_68 : memref<128x128xf32, #tpu.memory_space<hbm>>) target_semaphore(%run_scoped3A : memref<!tpu.dma_semaphore, #tpu.memory_space<semaphore_mem>>)
      %dma_wait3A = arith.constant 0 : i32
      %dma_wait3A_69 = tpu.memref_slice %arg5[%arg0, %add3A_47, %dma_wait3A] : memref<2x10240x128xf32, #tpu.memory_space<hbm>> -> memref<1x128x128xf32, #tpu.memory_space<hbm>>
      %dma_wait3A_70 = tpu.memref_squeeze %dma_wait3A_69 : memref<1x128x128xf32, #tpu.memory_space<hbm>> -> memref<128x128xf32, #tpu.memory_space<hbm>>
      %dma_wait3A_71 = arith.constant 0 : i32
      %dma_wait3A_72 = tpu.memref_slice %arg5[%arg0, %add3A_47, %dma_wait3A_71] : memref<2x10240x128xf32, #tpu.memory_space<hbm>> -> memref<1x128x128xf32, #tpu.memory_space<hbm>>
      %dma_wait3A_73 = tpu.memref_squeeze %dma_wait3A_72 : memref<1x128x128xf32, #tpu.memory_space<hbm>> -> memref<128x128xf32, #tpu.memory_space<hbm>>
      tpu.wait_dma2 semaphore(%run_scoped3A : memref<!tpu.dma_semaphore, #tpu.memory_space<semaphore_mem>>) src(%arg8 : memref<128x128xf32, #tpu.memory_space<vmem>>) dst(%dma_wait3A_73 : memref<128x128xf32, #tpu.memory_space<hbm>>)
      tpu.yield
    }) : () -> ()
    %mul3A_48 = arith.constant 640 : i32
    %mul3A_49 = arith.muli %arg1, %mul3A_48 : i32
    %add3A_50 = arith.constant 128 : i32
    %add3A_51 = arith.addi %mul3A_49, %add3A_50 : i32
    "tpu.region"() ({
      %run_scoped3A = tpu.sem_alloc : memref<!tpu.dma_semaphore, #tpu.memory_space<semaphore_mem>>
      %dma_start3A = arith.constant 0 : i32
      %dma_start3A_64 = tpu.memref_slice %arg10[%add3A_51, %dma_start3A] : memref<10240x128xf32, #tpu.memory_space<vmem_shared>> -> memref<128x128xf32, #tpu.memory_space<vmem_shared>>
      %dma_start3A_65 = arith.constant 0 : i32
      %dma_start3A_66 = tpu.memref_slice %arg10[%add3A_51, %dma_start3A_65] : memref<10240x128xf32, #tpu.memory_space<vmem_shared>> -> memref<128x128xf32, #tpu.memory_space<vmem_shared>>
      tpu.enqueue_dma source(%dma_start3A_66 : memref<128x128xf32, #tpu.memory_space<vmem_shared>>) target(%arg8 : memref<128x128xf32, #tpu.memory_space<vmem>>) target_semaphore(%run_scoped3A : memref<!tpu.dma_semaphore, #tpu.memory_space<semaphore_mem>>)
      %dma_wait3A = arith.constant 0 : i32
      %dma_wait3A_67 = tpu.memref_slice %arg10[%add3A_51, %dma_wait3A] : memref<10240x128xf32, #tpu.memory_space<vmem_shared>> -> memref<128x128xf32, #tpu.memory_space<vmem_shared>>
      %dma_wait3A_68 = arith.constant 0 : i32
      %dma_wait3A_69 = tpu.memref_slice %arg10[%add3A_51, %dma_wait3A_68] : memref<10240x128xf32, #tpu.memory_space<vmem_shared>> -> memref<128x128xf32, #tpu.memory_space<vmem_shared>>
      tpu.wait_dma2 semaphore(%run_scoped3A : memref<!tpu.dma_semaphore, #tpu.memory_space<semaphore_mem>>) src(%dma_wait3A_69 : memref<128x128xf32, #tpu.memory_space<vmem_shared>>) dst(%arg8 : memref<128x128xf32, #tpu.memory_space<vmem>>)
      tpu.yield
    }) : () -> ()
    "tpu.region"() ({
      %run_scoped3A = tpu.sem_alloc : memref<!tpu.dma_semaphore, #tpu.memory_space<semaphore_mem>>
      %dma_start3A = arith.constant 0 : i32
      %dma_start3A_64 = tpu.memref_slice %arg5[%arg0, %add3A_51, %dma_start3A] : memref<2x10240x128xf32, #tpu.memory_space<hbm>> -> memref<1x128x128xf32, #tpu.memory_space<hbm>>
      %dma_start3A_65 = tpu.memref_squeeze %dma_start3A_64 : memref<1x128x128xf32, #tpu.memory_space<hbm>> -> memref<128x128xf32, #tpu.memory_space<hbm>>
      %dma_start3A_66 = arith.constant 0 : i32
      %dma_start3A_67 = tpu.memref_slice %arg5[%arg0, %add3A_51, %dma_start3A_66] : memref<2x10240x128xf32, #tpu.memory_space<hbm>> -> memref<1x128x128xf32, #tpu.memory_space<hbm>>
      %dma_start3A_68 = tpu.memref_squeeze %dma_start3A_67 : memref<1x128x128xf32, #tpu.memory_space<hbm>> -> memref<128x128xf32, #tpu.memory_space<hbm>>
      tpu.enqueue_dma source(%arg8 : memref<128x128xf32, #tpu.memory_space<vmem>>) target(%dma_start3A_68 : memref<128x128xf32, #tpu.memory_space<hbm>>) target_semaphore(%run_scoped3A : memref<!tpu.dma_semaphore, #tpu.memory_space<semaphore_mem>>)
      %dma_wait3A = arith.constant 0 : i32
      %dma_wait3A_69 = tpu.memref_slice %arg5[%arg0, %add3A_51, %dma_wait3A] : memref<2x10240x128xf32, #tpu.memory_space<hbm>> -> memref<1x128x128xf32, #tpu.memory_space<hbm>>
      %dma_wait3A_70 = tpu.memref_squeeze %dma_wait3A_69 : memref<1x128x128xf32, #tpu.memory_space<hbm>> -> memref<128x128xf32, #tpu.memory_space<hbm>>
      %dma_wait3A_71 = arith.constant 0 : i32
      %dma_wait3A_72 = tpu.memref_slice %arg5[%arg0, %add3A_51, %dma_wait3A_71] : memref<2x10240x128xf32, #tpu.memory_space<hbm>> -> memref<1x128x128xf32, #tpu.memory_space<hbm>>
      %dma_wait3A_73 = tpu.memref_squeeze %dma_wait3A_72 : memref<1x128x128xf32, #tpu.memory_space<hbm>> -> memref<128x128xf32, #tpu.memory_space<hbm>>
      tpu.wait_dma2 semaphore(%run_scoped3A : memref<!tpu.dma_semaphore, #tpu.memory_space<semaphore_mem>>) src(%arg8 : memref<128x128xf32, #tpu.memory_space<vmem>>) dst(%dma_wait3A_73 : memref<128x128xf32, #tpu.memory_space<hbm>>)
      tpu.yield
    }) : () -> ()
    %mul3A_52 = arith.constant 640 : i32
    %mul3A_53 = arith.muli %arg1, %mul3A_52 : i32
    %add3A_54 = arith.constant 256 : i32
    %add3A_55 = arith.addi %mul3A_53, %add3A_54 : i32
    "tpu.region"() ({
      %run_scoped3A = tpu.sem_alloc : memref<!tpu.dma_semaphore, #tpu.memory_space<semaphore_mem>>
      %dma_start3A = arith.constant 0 : i32
      %dma_start3A_64 = tpu.memref_slice %arg10[%add3A_55, %dma_start3A] : memref<10240x128xf32, #tpu.memory_space<vmem_shared>> -> memref<128x128xf32, #tpu.memory_space<vmem_shared>>
      %dma_start3A_65 = arith.constant 0 : i32
      %dma_start3A_66 = tpu.memref_slice %arg10[%add3A_55, %dma_start3A_65] : memref<10240x128xf32, #tpu.memory_space<vmem_shared>> -> memref<128x128xf32, #tpu.memory_space<vmem_shared>>
      tpu.enqueue_dma source(%dma_start3A_66 : memref<128x128xf32, #tpu.memory_space<vmem_shared>>) target(%arg8 : memref<128x128xf32, #tpu.memory_space<vmem>>) target_semaphore(%run_scoped3A : memref<!tpu.dma_semaphore, #tpu.memory_space<semaphore_mem>>)
      %dma_wait3A = arith.constant 0 : i32
      %dma_wait3A_67 = tpu.memref_slice %arg10[%add3A_55, %dma_wait3A] : memref<10240x128xf32, #tpu.memory_space<vmem_shared>> -> memref<128x128xf32, #tpu.memory_space<vmem_shared>>
      %dma_wait3A_68 = arith.constant 0 : i32
      %dma_wait3A_69 = tpu.memref_slice %arg10[%add3A_55, %dma_wait3A_68] : memref<10240x128xf32, #tpu.memory_space<vmem_shared>> -> memref<128x128xf32, #tpu.memory_space<vmem_shared>>
      tpu.wait_dma2 semaphore(%run_scoped3A : memref<!tpu.dma_semaphore, #tpu.memory_space<semaphore_mem>>) src(%dma_wait3A_69 : memref<128x128xf32, #tpu.memory_space<vmem_shared>>) dst(%arg8 : memref<128x128xf32, #tpu.memory_space<vmem>>)
      tpu.yield
    }) : () -> ()
    "tpu.region"() ({
      %run_scoped3A = tpu.sem_alloc : memref<!tpu.dma_semaphore, #tpu.memory_space<semaphore_mem>>
      %dma_start3A = arith.constant 0 : i32
      %dma_start3A_64 = tpu.memref_slice %arg5[%arg0, %add3A_55, %dma_start3A] : memref<2x10240x128xf32, #tpu.memory_space<hbm>> -> memref<1x128x128xf32, #tpu.memory_space<hbm>>
      %dma_start3A_65 = tpu.memref_squeeze %dma_start3A_64 : memref<1x128x128xf32, #tpu.memory_space<hbm>> -> memref<128x128xf32, #tpu.memory_space<hbm>>
      %dma_start3A_66 = arith.constant 0 : i32
      %dma_start3A_67 = tpu.memref_slice %arg5[%arg0, %add3A_55, %dma_start3A_66] : memref<2x10240x128xf32, #tpu.memory_space<hbm>> -> memref<1x128x128xf32, #tpu.memory_space<hbm>>
      %dma_start3A_68 = tpu.memref_squeeze %dma_start3A_67 : memref<1x128x128xf32, #tpu.memory_space<hbm>> -> memref<128x128xf32, #tpu.memory_space<hbm>>
      tpu.enqueue_dma source(%arg8 : memref<128x128xf32, #tpu.memory_space<vmem>>) target(%dma_start3A_68 : memref<128x128xf32, #tpu.memory_space<hbm>>) target_semaphore(%run_scoped3A : memref<!tpu.dma_semaphore, #tpu.memory_space<semaphore_mem>>)
      %dma_wait3A = arith.constant 0 : i32
      %dma_wait3A_69 = tpu.memref_slice %arg5[%arg0, %add3A_55, %dma_wait3A] : memref<2x10240x128xf32, #tpu.memory_space<hbm>> -> memref<1x128x128xf32, #tpu.memory_space<hbm>>
      %dma_wait3A_70 = tpu.memref_squeeze %dma_wait3A_69 : memref<1x128x128xf32, #tpu.memory_space<hbm>> -> memref<128x128xf32, #tpu.memory_space<hbm>>
      %dma_wait3A_71 = arith.constant 0 : i32
      %dma_wait3A_72 = tpu.memref_slice %arg5[%arg0, %add3A_55, %dma_wait3A_71] : memref<2x10240x128xf32, #tpu.memory_space<hbm>> -> memref<1x128x128xf32, #tpu.memory_space<hbm>>
      %dma_wait3A_73 = tpu.memref_squeeze %dma_wait3A_72 : memref<1x128x128xf32, #tpu.memory_space<hbm>> -> memref<128x128xf32, #tpu.memory_space<hbm>>
      tpu.wait_dma2 semaphore(%run_scoped3A : memref<!tpu.dma_semaphore, #tpu.memory_space<semaphore_mem>>) src(%arg8 : memref<128x128xf32, #tpu.memory_space<vmem>>) dst(%dma_wait3A_73 : memref<128x128xf32, #tpu.memory_space<hbm>>)
      tpu.yield
    }) : () -> ()
    %mul3A_56 = arith.constant 640 : i32
    %mul3A_57 = arith.muli %arg1, %mul3A_56 : i32
    %add3A_58 = arith.constant 384 : i32
    %add3A_59 = arith.addi %mul3A_57, %add3A_58 : i32
    "tpu.region"() ({
      %run_scoped3A = tpu.sem_alloc : memref<!tpu.dma_semaphore, #tpu.memory_space<semaphore_mem>>
      %dma_start3A = arith.constant 0 : i32
      %dma_start3A_64 = tpu.memref_slice %arg10[%add3A_59, %dma_start3A] : memref<10240x128xf32, #tpu.memory_space<vmem_shared>> -> memref<128x128xf32, #tpu.memory_space<vmem_shared>>
      %dma_start3A_65 = arith.constant 0 : i32
      %dma_start3A_66 = tpu.memref_slice %arg10[%add3A_59, %dma_start3A_65] : memref<10240x128xf32, #tpu.memory_space<vmem_shared>> -> memref<128x128xf32, #tpu.memory_space<vmem_shared>>
      tpu.enqueue_dma source(%dma_start3A_66 : memref<128x128xf32, #tpu.memory_space<vmem_shared>>) target(%arg8 : memref<128x128xf32, #tpu.memory_space<vmem>>) target_semaphore(%run_scoped3A : memref<!tpu.dma_semaphore, #tpu.memory_space<semaphore_mem>>)
      %dma_wait3A = arith.constant 0 : i32
      %dma_wait3A_67 = tpu.memref_slice %arg10[%add3A_59, %dma_wait3A] : memref<10240x128xf32, #tpu.memory_space<vmem_shared>> -> memref<128x128xf32, #tpu.memory_space<vmem_shared>>
      %dma_wait3A_68 = arith.constant 0 : i32
      %dma_wait3A_69 = tpu.memref_slice %arg10[%add3A_59, %dma_wait3A_68] : memref<10240x128xf32, #tpu.memory_space<vmem_shared>> -> memref<128x128xf32, #tpu.memory_space<vmem_shared>>
      tpu.wait_dma2 semaphore(%run_scoped3A : memref<!tpu.dma_semaphore, #tpu.memory_space<semaphore_mem>>) src(%dma_wait3A_69 : memref<128x128xf32, #tpu.memory_space<vmem_shared>>) dst(%arg8 : memref<128x128xf32, #tpu.memory_space<vmem>>)
      tpu.yield
    }) : () -> ()
    "tpu.region"() ({
      %run_scoped3A = tpu.sem_alloc : memref<!tpu.dma_semaphore, #tpu.memory_space<semaphore_mem>>
      %dma_start3A = arith.constant 0 : i32
      %dma_start3A_64 = tpu.memref_slice %arg5[%arg0, %add3A_59, %dma_start3A] : memref<2x10240x128xf32, #tpu.memory_space<hbm>> -> memref<1x128x128xf32, #tpu.memory_space<hbm>>
      %dma_start3A_65 = tpu.memref_squeeze %dma_start3A_64 : memref<1x128x128xf32, #tpu.memory_space<hbm>> -> memref<128x128xf32, #tpu.memory_space<hbm>>
      %dma_start3A_66 = arith.constant 0 : i32
      %dma_start3A_67 = tpu.memref_slice %arg5[%arg0, %add3A_59, %dma_start3A_66] : memref<2x10240x128xf32, #tpu.memory_space<hbm>> -> memref<1x128x128xf32, #tpu.memory_space<hbm>>
      %dma_start3A_68 = tpu.memref_squeeze %dma_start3A_67 : memref<1x128x128xf32, #tpu.memory_space<hbm>> -> memref<128x128xf32, #tpu.memory_space<hbm>>
      tpu.enqueue_dma source(%arg8 : memref<128x128xf32, #tpu.memory_space<vmem>>) target(%dma_start3A_68 : memref<128x128xf32, #tpu.memory_space<hbm>>) target_semaphore(%run_scoped3A : memref<!tpu.dma_semaphore, #tpu.memory_space<semaphore_mem>>)
      %dma_wait3A = arith.constant 0 : i32
      %dma_wait3A_69 = tpu.memref_slice %arg5[%arg0, %add3A_59, %dma_wait3A] : memref<2x10240x128xf32, #tpu.memory_space<hbm>> -> memref<1x128x128xf32, #tpu.memory_space<hbm>>
      %dma_wait3A_70 = tpu.memref_squeeze %dma_wait3A_69 : memref<1x128x128xf32, #tpu.memory_space<hbm>> -> memref<128x128xf32, #tpu.memory_space<hbm>>
      %dma_wait3A_71 = arith.constant 0 : i32
      %dma_wait3A_72 = tpu.memref_slice %arg5[%arg0, %add3A_59, %dma_wait3A_71] : memref<2x10240x128xf32, #tpu.memory_space<hbm>> -> memref<1x128x128xf32, #tpu.memory_space<hbm>>
      %dma_wait3A_73 = tpu.memref_squeeze %dma_wait3A_72 : memref<1x128x128xf32, #tpu.memory_space<hbm>> -> memref<128x128xf32, #tpu.memory_space<hbm>>
      tpu.wait_dma2 semaphore(%run_scoped3A : memref<!tpu.dma_semaphore, #tpu.memory_space<semaphore_mem>>) src(%arg8 : memref<128x128xf32, #tpu.memory_space<vmem>>) dst(%dma_wait3A_73 : memref<128x128xf32, #tpu.memory_space<hbm>>)
      tpu.yield
    }) : () -> ()
    %mul3A_60 = arith.constant 640 : i32
    %mul3A_61 = arith.muli %arg1, %mul3A_60 : i32
    %add3A_62 = arith.constant 512 : i32
    %add3A_63 = arith.addi %mul3A_61, %add3A_62 : i32
    "tpu.region"() ({
      %run_scoped3A = tpu.sem_alloc : memref<!tpu.dma_semaphore, #tpu.memory_space<semaphore_mem>>
      %dma_start3A = arith.constant 0 : i32
      %dma_start3A_64 = tpu.memref_slice %arg10[%add3A_63, %dma_start3A] : memref<10240x128xf32, #tpu.memory_space<vmem_shared>> -> memref<128x128xf32, #tpu.memory_space<vmem_shared>>
      %dma_start3A_65 = arith.constant 0 : i32
      %dma_start3A_66 = tpu.memref_slice %arg10[%add3A_63, %dma_start3A_65] : memref<10240x128xf32, #tpu.memory_space<vmem_shared>> -> memref<128x128xf32, #tpu.memory_space<vmem_shared>>
      tpu.enqueue_dma source(%dma_start3A_66 : memref<128x128xf32, #tpu.memory_space<vmem_shared>>) target(%arg8 : memref<128x128xf32, #tpu.memory_space<vmem>>) target_semaphore(%run_scoped3A : memref<!tpu.dma_semaphore, #tpu.memory_space<semaphore_mem>>)
      %dma_wait3A = arith.constant 0 : i32
      %dma_wait3A_67 = tpu.memref_slice %arg10[%add3A_63, %dma_wait3A] : memref<10240x128xf32, #tpu.memory_space<vmem_shared>> -> memref<128x128xf32, #tpu.memory_space<vmem_shared>>
      %dma_wait3A_68 = arith.constant 0 : i32
      %dma_wait3A_69 = tpu.memref_slice %arg10[%add3A_63, %dma_wait3A_68] : memref<10240x128xf32, #tpu.memory_space<vmem_shared>> -> memref<128x128xf32, #tpu.memory_space<vmem_shared>>
      tpu.wait_dma2 semaphore(%run_scoped3A : memref<!tpu.dma_semaphore, #tpu.memory_space<semaphore_mem>>) src(%dma_wait3A_69 : memref<128x128xf32, #tpu.memory_space<vmem_shared>>) dst(%arg8 : memref<128x128xf32, #tpu.memory_space<vmem>>)
      tpu.yield
    }) : () -> ()
    "tpu.region"() ({
      %run_scoped3A = tpu.sem_alloc : memref<!tpu.dma_semaphore, #tpu.memory_space<semaphore_mem>>
      %dma_start3A = arith.constant 0 : i32
      %dma_start3A_64 = tpu.memref_slice %arg5[%arg0, %add3A_63, %dma_start3A] : memref<2x10240x128xf32, #tpu.memory_space<hbm>> -> memref<1x128x128xf32, #tpu.memory_space<hbm>>
      %dma_start3A_65 = tpu.memref_squeeze %dma_start3A_64 : memref<1x128x128xf32, #tpu.memory_space<hbm>> -> memref<128x128xf32, #tpu.memory_space<hbm>>
      %dma_start3A_66 = arith.constant 0 : i32
      %dma_start3A_67 = tpu.memref_slice %arg5[%arg0, %add3A_63, %dma_start3A_66] : memref<2x10240x128xf32, #tpu.memory_space<hbm>> -> memref<1x128x128xf32, #tpu.memory_space<hbm>>
      %dma_start3A_68 = tpu.memref_squeeze %dma_start3A_67 : memref<1x128x128xf32, #tpu.memory_space<hbm>> -> memref<128x128xf32, #tpu.memory_space<hbm>>
      tpu.enqueue_dma source(%arg8 : memref<128x128xf32, #tpu.memory_space<vmem>>) target(%dma_start3A_68 : memref<128x128xf32, #tpu.memory_space<hbm>>) target_semaphore(%run_scoped3A : memref<!tpu.dma_semaphore, #tpu.memory_space<semaphore_mem>>)
      %dma_wait3A = arith.constant 0 : i32
      %dma_wait3A_69 = tpu.memref_slice %arg5[%arg0, %add3A_63, %dma_wait3A] : memref<2x10240x128xf32, #tpu.memory_space<hbm>> -> memref<1x128x128xf32, #tpu.memory_space<hbm>>
      %dma_wait3A_70 = tpu.memref_squeeze %dma_wait3A_69 : memref<1x128x128xf32, #tpu.memory_space<hbm>> -> memref<128x128xf32, #tpu.memory_space<hbm>>
      %dma_wait3A_71 = arith.constant 0 : i32
      %dma_wait3A_72 = tpu.memref_slice %arg5[%arg0, %add3A_63, %dma_wait3A_71] : memref<2x10240x128xf32, #tpu.memory_space<hbm>> -> memref<1x128x128xf32, #tpu.memory_space<hbm>>
      %dma_wait3A_73 = tpu.memref_squeeze %dma_wait3A_72 : memref<1x128x128xf32, #tpu.memory_space<hbm>> -> memref<128x128xf32, #tpu.memory_space<hbm>>
      tpu.wait_dma2 semaphore(%run_scoped3A : memref<!tpu.dma_semaphore, #tpu.memory_space<semaphore_mem>>) src(%arg8 : memref<128x128xf32, #tpu.memory_space<vmem>>) dst(%dma_wait3A_73 : memref<128x128xf32, #tpu.memory_space<hbm>>)
      tpu.yield
    }) : () -> ()
    return
  }
}

module attributes {stable_mosaic.version = 14 : i64} {
  func.func @_copy_body(%arg0: i32, %arg1: memref<1000x128xf32, #tpu.memory_space<vmem>>, %arg2: memref<1000x128xf32, #tpu.memory_space<vmem>>) attributes {dimension_semantics = [#tpu.dimension_semantics<arbitrary>], iteration_bounds = array<i64: 10>, scalar_prefetch = 0 : i64, scratch_operands = 0 : i64, tpu.core_type = #tpu.core_type<tc>, window_params = [{transform_indices = @transform_0, window_bounds = array<i64: 1000, 128>}, {transform_indices = @transform_1, window_bounds = array<i64: 1000, 128>}]} {
    %get3A = arith.constant 0 : index
    %get3A_0 = arith.constant 0 : index
    %get3A_1 = vector.load %arg1[%get3A, %get3A_0] : memref<1000x128xf32, #tpu.memory_space<vmem>>, vector<1000x128xf32>
    %swap3A = arith.constant 0 : index
    %swap3A_2 = arith.constant 0 : index
    %swap3A_3 = vector.load %arg2[%swap3A, %swap3A_2] : memref<1000x128xf32, #tpu.memory_space<vmem>>, vector<1000x128xf32>
    tpu.vector_store %arg2[%swap3A, %swap3A_2], %get3A_1 {strides = array<i32>} : memref<1000x128xf32, #tpu.memory_space<vmem>>, vector<1000x128xf32>,
    return
  }
  func.func @transform_0(%arg0: i32) -> (i32, i32) {
    %c0_i32 = arith.constant 0 : i32
    %c0_i32_0 = arith.constant 0 : i32
    return %arg0, %c0_i32 : i32, i32
  }
  func.func @transform_1(%arg0: i32) -> (i32, i32) {
    %c0_i32 = arith.constant 0 : i32
    %c0_i32_0 = arith.constant 0 : i32
    return %arg0, %c0_i32 : i32, i32
  }
}

module attributes {stable_mosaic.version = 14 : i64} {
  func.func @_gcn_body(%arg0: i32, %arg1: memref<2x1024x128xf32, #tpu.memory_space<vmem>>, %arg2: memref<32x1024xf32, #tpu.memory_space<vmem>>, %arg3: memref<1x128xf32, #tpu.memory_space<vmem>>, %arg4: memref<128x128xf32, #tpu.memory_space<vmem>>, %arg5: memref<1024x128xf32, #tpu.memory_space<vmem>>) attributes {dimension_semantics = [#tpu.dimension_semantics<arbitrary>], iteration_bounds = array<i64: 10>, scalar_prefetch = 0 : i64, scratch_operands = 0 : i64, tpu.core_type = #tpu.core_type<tc>, window_params = [{transform_indices = @transform_0, window_bounds = array<i64: 2, 1024, 128>}, {transform_indices = @transform_1, window_bounds = array<i64: 32, 1024>}, {pipeline_mode = #tpu.pipeline_mode<synchronous>, transform_indices = @transform_2, window_bounds = array<i64: 1, 128>}, {pipeline_mode = #tpu.pipeline_mode<synchronous>, transform_indices = @transform_3, window_bounds = array<i64: 128, 128>}, {transform_indices = @transform_4, window_bounds = array<i64: 1024, 128>}]} {
    %get3A = arith.constant 0 : index
    %get3A_0 = arith.constant 0 : index
    %get3A_1 = arith.constant 0 : index
    %get3A_2 = vector.load %arg1[%get3A, %get3A_0, %get3A_1] : memref<2x1024x128xf32, #tpu.memory_space<vmem>>, vector<1x1024x128xf32>
    %get3A_3 = vector.shape_cast %get3A_2 : vector<1x1024x128xf32> to vector<1024x128xf32>
    %get3A_4 = arith.constant 1 : index
    %get3A_5 = arith.constant 0 : index
    %get3A_6 = arith.constant 0 : index
    %get3A_7 = vector.load %arg1[%get3A_4, %get3A_5, %get3A_6] : memref<2x1024x128xf32, #tpu.memory_space<vmem>>, vector<1x1024x128xf32>
    %get3A_8 = vector.shape_cast %get3A_7 : vector<1x1024x128xf32> to vector<1024x128xf32>
    %add3A = arith.addf %get3A_3, %get3A_8 : vector<1024x128xf32>
    %get3A_9 = arith.constant 0 : index
    %get3A_10 = arith.constant 0 : index
    %get3A_11 = vector.load %arg2[%get3A_9, %get3A_10] : memref<32x1024xf32, #tpu.memory_space<vmem>>, vector<32x1024xf32>
    %reduce_sum3A = arith.constant dense<0.000000e+00> : vector<1024xf32>
    %reduce_sum3A_12 = vector.multi_reduction <add>, %get3A_11, %reduce_sum3A [0] : vector<32x1024xf32> to vector<1024xf32>
    %broadcast_in_dim3A = vector.shape_cast %reduce_sum3A_12 : vector<1024xf32> to vector<1024x1xf32>
    %max3A = arith.constant 1.000000e+00 : f32
    %max3A_13 = vector.broadcast %max3A : f32 to vector<1024x1xf32>
    %max3A_14 = arith.maximumf %broadcast_in_dim3A, %max3A_13 : vector<1024x1xf32>
    %div3A = vector.broadcast %max3A_14 : vector<1024x1xf32> to vector<1024x128xf32>
    %div3A_15 = arith.divf %add3A, %div3A : vector<1024x128xf32>
    %get3A_16 = arith.constant 0 : index
    %get3A_17 = arith.constant 0 : index
    %get3A_18 = vector.load %arg4[%get3A_16, %get3A_17] : memref<128x128xf32, #tpu.memory_space<vmem>>, vector<128x128xf32>
    %dot_general3A = arith.constant dense<0.000000e+00> : vector<1024x128xf32>
    %dot_general3A_19 = tpu.matmul %div3A_15, %get3A_18, %dot_general3A {dimension_numbers = #tpu.dot_dimension_numbers<[1], [0], [0], [1], [0, 0, 1, 1], [], []>, transpose_lhs_hint = false} : vector<1024x128xf32>, vector<128x128xf32>, vector<1024x128xf32> -> vector<1024x128xf32>
    %get3A_20 = arith.constant 0 : index
    %get3A_21 = arith.constant 0 : index
    %get3A_22 = vector.load %arg3[%get3A_20, %get3A_21] : memref<1x128xf32, #tpu.memory_space<vmem>>, vector<1x128xf32>
    %add3A_23 = vector.broadcast %get3A_22 : vector<1x128xf32> to vector<1024x128xf32>
    %add3A_24 = arith.addf %dot_general3A_19, %add3A_23 : vector<1024x128xf32>
    %max3A_25 = arith.constant 0.000000e+00 : f32
    %max3A_26 = vector.broadcast %max3A_25 : f32 to vector<1024x128xf32>
    %max3A_27 = arith.maximumf %add3A_24, %max3A_26 : vector<1024x128xf32>
    %swap3A = arith.constant 0 : index
    %swap3A_28 = arith.constant 0 : index
    %swap3A_29 = vector.load %arg5[%swap3A, %swap3A_28] : memref<1024x128xf32, #tpu.memory_space<vmem>>, vector<1024x128xf32>
    tpu.vector_store %arg5[%swap3A, %swap3A_28], %max3A_27 {strides = array<i32>} : memref<1024x128xf32, #tpu.memory_space<vmem>>, vector<1024x128xf32>,
    return
  }
  func.func @transform_0(%arg0: i32) -> (i32, i32, i32) {
    %c0_i32 = arith.constant 0 : i32
    %c0_i32_0 = arith.constant 0 : i32
    %c0_i32_1 = arith.constant 0 : i32
    return %c0_i32, %arg0, %c0_i32_0 : i32, i32, i32
  }
  func.func @transform_1(%arg0: i32) -> (i32, i32) {
    %c0_i32 = arith.constant 0 : i32
    %c0_i32_0 = arith.constant 0 : i32
    return %c0_i32, %arg0 : i32, i32
  }
  func.func @transform_2(%arg0: i32) -> (i32, i32) {
    %c0_i32 = arith.constant 0 : i32
    %c0_i32_0 = arith.constant 0 : i32
    %c0_i32_1 = arith.constant 0 : i32
    return %c0_i32, %c0_i32_0 : i32, i32
  }
  func.func @transform_3(%arg0: i32) -> (i32, i32) {
    %c0_i32 = arith.constant 0 : i32
    %c0_i32_0 = arith.constant 0 : i32
    %c0_i32_1 = arith.constant 0 : i32
    return %c0_i32, %c0_i32_0 : i32, i32
  }
  func.func @transform_4(%arg0: i32) -> (i32, i32) {
    %c0_i32 = arith.constant 0 : i32
    %c0_i32_0 = arith.constant 0 : i32
    return %arg0, %c0_i32 : i32, i32
  }
}

module attributes {stable_mosaic.version = 14 : i64} {
  func.func @_heads_body(%arg0: memref<2x10240x128xf32, #tpu.memory_space<vmem>>, %arg1: memref<32x10240xf32, #tpu.memory_space<vmem>>, %arg2: memref<1x128xf32, #tpu.memory_space<vmem>>, %arg3: memref<128x128xf32, #tpu.memory_space<vmem>>, %arg4: memref<128x1xf32, #tpu.memory_space<vmem>>, %arg5: memref<128x1xf32, #tpu.memory_space<vmem>>, %arg6: memref<128x1xf32, #tpu.memory_space<vmem>>, %arg7: memref<1x1xf32, #tpu.memory_space<vmem>>, %arg8: memref<1x1xf32, #tpu.memory_space<vmem>>, %arg9: memref<1x1xf32, #tpu.memory_space<vmem>>, %arg10: memref<10001x1xf32, #tpu.memory_space<vmem>>, %arg11: memref<1x1xf32, #tpu.memory_space<vmem>>) attributes {dimension_semantics = [], scalar_prefetch = 0 : i64, scratch_operands = 0 : i64, tpu.core_type = #tpu.core_type<tc>} {
    %get3A = arith.constant 0 : index
    %get3A_0 = arith.constant 0 : index
    %get3A_1 = arith.constant 0 : index
    %get3A_2 = vector.load %arg0[%get3A, %get3A_0, %get3A_1] : memref<2x10240x128xf32, #tpu.memory_space<vmem>>, vector<1x10000x128xf32>
    %get3A_3 = vector.shape_cast %get3A_2 : vector<1x10000x128xf32> to vector<10000x128xf32>
    %get3A_4 = arith.constant 1 : index
    %get3A_5 = arith.constant 0 : index
    %get3A_6 = arith.constant 0 : index
    %get3A_7 = vector.load %arg0[%get3A_4, %get3A_5, %get3A_6] : memref<2x10240x128xf32, #tpu.memory_space<vmem>>, vector<1x10000x128xf32>
    %get3A_8 = vector.shape_cast %get3A_7 : vector<1x10000x128xf32> to vector<10000x128xf32>
    %add3A = arith.addf %get3A_3, %get3A_8 : vector<10000x128xf32>
    %get3A_9 = arith.constant 0 : index
    %get3A_10 = arith.constant 0 : index
    %get3A_11 = vector.load %arg1[%get3A_9, %get3A_10] : memref<32x10240xf32, #tpu.memory_space<vmem>>, vector<32x10000xf32>
    %reduce_sum3A = arith.constant dense<0.000000e+00> : vector<10000xf32>
    %reduce_sum3A_12 = vector.multi_reduction <add>, %get3A_11, %reduce_sum3A [0] : vector<32x10000xf32> to vector<10000xf32>
    %broadcast_in_dim3A = vector.shape_cast %reduce_sum3A_12 : vector<10000xf32> to vector<10000x1xf32>
    %max3A = arith.constant 1.000000e+00 : f32
    %max3A_13 = vector.broadcast %max3A : f32 to vector<10000x1xf32>
    %max3A_14 = arith.maximumf %broadcast_in_dim3A, %max3A_13 : vector<10000x1xf32>
    %div3A = vector.broadcast %max3A_14 : vector<10000x1xf32> to vector<10000x128xf32>
    %div3A_15 = arith.divf %add3A, %div3A : vector<10000x128xf32>
    %get3A_16 = arith.constant 0 : index
    %get3A_17 = arith.constant 0 : index
    %get3A_18 = vector.load %arg3[%get3A_16, %get3A_17] : memref<128x128xf32, #tpu.memory_space<vmem>>, vector<128x128xf32>
    %dot_general3A = arith.constant dense<0.000000e+00> : vector<10000x128xf32>
    %dot_general3A_19 = tpu.matmul %div3A_15, %get3A_18, %dot_general3A {dimension_numbers = #tpu.dot_dimension_numbers<[1], [0], [0], [1], [0, 0, 1, 1], [], []>, transpose_lhs_hint = false} : vector<10000x128xf32>, vector<128x128xf32>, vector<10000x128xf32> -> vector<10000x128xf32>
    %get3A_20 = arith.constant 0 : index
    %get3A_21 = arith.constant 0 : index
    %get3A_22 = vector.load %arg2[%get3A_20, %get3A_21] : memref<1x128xf32, #tpu.memory_space<vmem>>, vector<1x128xf32>
    %add3A_23 = vector.broadcast %get3A_22 : vector<1x128xf32> to vector<10000x128xf32>
    %add3A_24 = arith.addf %dot_general3A_19, %add3A_23 : vector<10000x128xf32>
    %max3A_25 = arith.constant 0.000000e+00 : f32
    %max3A_26 = vector.broadcast %max3A_25 : f32 to vector<10000x128xf32>
    %max3A_27 = arith.maximumf %add3A_24, %max3A_26 : vector<10000x128xf32>
    %reduce_sum3A_28 = arith.constant dense<0.000000e+00> : vector<128xf32>
    %reduce_sum3A_29 = vector.multi_reduction <add>, %max3A_27, %reduce_sum3A_28 [0] : vector<10000x128xf32> to vector<128xf32>
    %broadcast_in_dim3A_30 = vector.shape_cast %reduce_sum3A_29 : vector<128xf32> to vector<1x128xf32>
    %div3A_31 = arith.constant 1.000000e+04 : f32
    %div3A_32 = vector.broadcast %div3A_31 : f32 to vector<1x128xf32>
    %div3A_33 = arith.divf %broadcast_in_dim3A_30, %div3A_32 : vector<1x128xf32>
    %get3A_34 = arith.constant 0 : index
    %get3A_35 = arith.constant 0 : index
    %get3A_36 = vector.load %arg4[%get3A_34, %get3A_35] : memref<128x1xf32, #tpu.memory_space<vmem>>, vector<128x1xf32>
    %dot_general3A_37 = arith.constant dense<0.000000e+00> : vector<10000x1xf32>
    %dot_general3A_38 = tpu.matmul %max3A_27, %get3A_36, %dot_general3A_37 {dimension_numbers = #tpu.dot_dimension_numbers<[1], [0], [0], [1], [0, 0, 1, 1], [], []>, transpose_lhs_hint = false} : vector<10000x128xf32>, vector<128x1xf32>, vector<10000x1xf32> -> vector<10000x1xf32>
    %get3A_39 = arith.constant 0 : index
    %get3A_40 = arith.constant 0 : index
    %get3A_41 = vector.load %arg7[%get3A_39, %get3A_40] : memref<1x1xf32, #tpu.memory_space<vmem>>, vector<1x1xf32>
    %add3A_42 = vector.broadcast %get3A_41 : vector<1x1xf32> to vector<10000x1xf32>
    %add3A_43 = arith.addf %dot_general3A_38, %add3A_42 : vector<10000x1xf32>
    %swap3A = arith.constant 0 : index
    %swap3A_44 = arith.constant 0 : index
    %swap3A_45 = vector.load %arg10[%swap3A, %swap3A_44] : memref<10001x1xf32, #tpu.memory_space<vmem>>, vector<10000x1xf32>
    tpu.vector_store %arg10[%swap3A, %swap3A_44], %add3A_43 {strides = array<i32>} : memref<10001x1xf32, #tpu.memory_space<vmem>>, vector<10000x1xf32>,
    %get3A_46 = arith.constant 0 : index
    %get3A_47 = arith.constant 0 : index
    %get3A_48 = vector.load %arg5[%get3A_46, %get3A_47] : memref<128x1xf32, #tpu.memory_space<vmem>>, vector<128x1xf32>
    %dot_general3A_49 = arith.constant dense<0.000000e+00> : vector<1x1xf32>
    %dot_general3A_50 = tpu.matmul %div3A_33, %get3A_48, %dot_general3A_49 {dimension_numbers = #tpu.dot_dimension_numbers<[1], [0], [0], [1], [0, 0, 1, 1], [], []>, transpose_lhs_hint = false} : vector<1x128xf32>, vector<128x1xf32>, vector<1x1xf32> -> vector<1x1xf32>
    %get3A_51 = arith.constant 0 : index
    %get3A_52 = arith.constant 0 : index
    %get3A_53 = vector.load %arg8[%get3A_51, %get3A_52] : memref<1x1xf32, #tpu.memory_space<vmem>>, vector<1x1xf32>
    %add3A_54 = arith.addf %dot_general3A_50, %get3A_53 : vector<1x1xf32>
    %swap3A_55 = arith.constant 10000 : index
    %swap3A_56 = arith.constant 0 : index
    %swap3A_57 = vector.load %arg10[%swap3A_55, %swap3A_56] : memref<10001x1xf32, #tpu.memory_space<vmem>>, vector<1x1xf32>
    tpu.vector_store %arg10[%swap3A_55, %swap3A_56], %add3A_54 {strides = array<i32>} : memref<10001x1xf32, #tpu.memory_space<vmem>>, vector<1x1xf32>,
    %get3A_58 = arith.constant 0 : index
    %get3A_59 = arith.constant 0 : index
    %get3A_60 = vector.load %arg6[%get3A_58, %get3A_59] : memref<128x1xf32, #tpu.memory_space<vmem>>, vector<128x1xf32>
    %dot_general3A_61 = arith.constant dense<0.000000e+00> : vector<1x1xf32>
    %dot_general3A_62 = tpu.matmul %div3A_33, %get3A_60, %dot_general3A_61 {dimension_numbers = #tpu.dot_dimension_numbers<[1], [0], [0], [1], [0, 0, 1, 1], [], []>, transpose_lhs_hint = false} : vector<1x128xf32>, vector<128x1xf32>, vector<1x1xf32> -> vector<1x1xf32>
    %get3A_63 = arith.constant 0 : index
    %get3A_64 = arith.constant 0 : index
    %get3A_65 = vector.load %arg9[%get3A_63, %get3A_64] : memref<1x1xf32, #tpu.memory_space<vmem>>, vector<1x1xf32>
    %add3A_66 = arith.addf %dot_general3A_62, %get3A_65 : vector<1x1xf32>
    %swap3A_67 = arith.constant 0 : index
    %swap3A_68 = arith.constant 0 : index
    %swap3A_69 = vector.load %arg11[%swap3A_67, %swap3A_68] : memref<1x1xf32, #tpu.memory_space<vmem>>, vector<1x1xf32>
    tpu.vector_store %arg11[%swap3A_67, %swap3A_68], %add3A_66 {strides = array<i32>} : memref<1x1xf32, #tpu.memory_space<vmem>>, vector<1x1xf32>,
    return
  }
}

</mosaic_0001>

<sc_bundles>
// kernel: kernel.11.cloned.1.call-start
scs
__scs_entry_jumppad:
0x0: {  	(pc) =	sbr.rel $0x88, $3  }
0x1: {  	(tag) =	ssettag $0x0;
	lr =	simm.s32 $0x1  }
0x2: {  	[smem:$0x3F95] =	sst lr;
	_ =	strace $0xD0000000  }
0x3: {  	_ = 	snop  }
0x4: {  	_ = 	snop  }
0x5: {  	_ = 	snop  }
0x6: {  	_ = 	snop  }
0x7: {  	_ = 	snop  }
__scs_overlays_trampoline_lowered:
0x8: {  	[smem:$0x3FA4] =	sst s0  }
0x9: {  	[smem:$0x3FA5] =	sst s1  }
0xa: {  	[smem:$0x3FA6] =	sst s2  }
0xb: {  	[smem:$0x3FA7] =	sst s3  }
0xc: {  	[smem:$0x3FA8] =	sst s4  }
0xd: {  	[smem:$0x3FA9] =	sst s5  }
0xe: {  	[smem:$0x3FAA] =	sst s6  }
0xf: {  	[smem:$0x3FAB] =	sst s7  }
0x10: {  	[smem:$0x3FAC] =	sst s8  }
0x11: {  	[smem:$0x3FAD] =	sst s9;
	s0 =	simm.s32 @!p0 $0x0  }
0x12: {  	s1 =	sld [smem:$0x3F93];
	s0 =	simm.s32 @p0 $0x1  }
0x13: {  	[smem:$0x3FAE] =	sst s0;
	s0 =	simm.s32 @!p1 $0x0  }
0x14: {  	s2 =	sld [smem:$0x3F92];
	s0 =	simm.s32 @p1 $0x1  }
0x15: {  	[smem:$0x3FAF] =	sst s0;
	s0 =	simm.s32 @!p2 $0x0  }
0x16: {  	s3 =	sld [smem:$0x3FDB];
	s0 =	simm.s32 @p2 $0x1  }
0x17: {  	s4 =	simm.s32 $0x1BF5;
	[smem:$0x3FB1] =	sst s0  }
0x18: {  	s0 =	sld [smem:$0x3F94];
	_ =	swait.ge [sflag:s4], $0x0  }
0x19: {  	s7 =	sld [smem:$0x3F95]  }
0x1a: {  	s8 =	sadd.s32 $0xFFFFE003, lr  }
0x1b: {  	s9 =	sadd.s32 $0xFFFFFEF7, lr;
	s5 =	simm.s32 $0xFFFFFFFF;
	p2 =	slt.u32 s8, $0xFFFFF086  }
0x1c: {  	p1 =	slt.u32 s9, $0xF7A;
	s5 =	simm.s32 @!p2 $0x0  }
0x1d: {  	s5 =	simm.s32 @p1 $0x1;
	p0 =	seq.s32 s7, s2  }
0x1e: {  	s7 =	smul.u32 @!p0 $0xF7A, s2;
	p2 =	seq.s32 @!p0 s5, $0x0  }
0x1f: {  	s9 =	smul.u32 $0xF7A, s1;
	s8 =	simm.s32 @!p0 $0x1BF5;
	p2 =	por !p2, p0  }
0x20: {  	[sflag:s8] =	ssyncset.s32 @!p0 $0xFFFFF086;
	s6 =	sadd.s32 @!p0 s3, s7;
	s7 =	simm.s32 @!p0 $0x108  }
0x21: {  	s3 =	sadd.s32 s3, s9;
	s6 =	sadd.s32 @!p0 $0x88, s6;
	s7 =	simm.s32 @p2 $0x1082  }
0x22: {  	[simem:s7], [sflag:s8] =	dma.local @!p0 [hbm:s6], $0xF7A  }
0x23: {  	s9 =	sor.u32 $0xD0000000, s2;
	s6 =	simm.s32 $0x108;
	_ =	swait.ge @!p0 [sflag:s8], $0x0  }
0x24: {  	s3 =	sadd.s32 $0x88, s3;
	s6 =	simm.s32 @!p1 $0x1082;
	[sflag:s4] =	ssyncset.s32 $0xFFFFF086  }
0x25: {  	[simem:s6], [sflag:s4] =	dma.local [hbm:s3], $0xF7A  }
0x26: {  	[smem:$0x3F95] =	sst s1;
	(tag) =	ssettag s2;
	_ =	strace s9  }
0x27: {  	s1 =	sld [smem:$0x3FA5]  }
0x28: {  	s2 =	sld [smem:$0x3FA6]  }
0x29: {  	s4 =	sld [smem:$0x3FA8]  }
0x2a: {  	p0 =	seq.s32 s5, $0x0;
	s5 =	sld [smem:$0x3FA9]  }
0x2b: {  	s6 =	sld [smem:$0x3FAA]  }
0x2c: {  	s7 =	sld [smem:$0x3FAB]  }
0x2d: {  	s3 =	simm.s32 $0x108;
	s8 =	sld [smem:$0x3FAC]  }
0x2e: {  	s3 =	simm.s32 @!p0 $0x1082;
	s9 =	sld [smem:$0x3FAD]  }
0x2f: {  	lr =	sadd.s32 s0, s3;
	s0 =	sld [smem:$0x3FA4]  }
0x30: {  	s3 =	sld [smem:$0x3FA7]  }
0x31: {  	[smem:$0x3FB0] =	sst s10  }
0x32: {  	s10 =	sld [smem:$0x3FAE];
	_ =	sdelay $0x3  }
0x33: {  	p0 =	seq.s32 s10, $0x1;
	s10 =	sld [smem:$0x3FB0];
	_ =	sdelay $0x3  }
0x34: {  	[smem:$0x3FB0] =	sst s10  }
0x35: {  	s10 =	sld [smem:$0x3FAF];
	_ =	sdelay $0x3  }
0x36: {  	p1 =	seq.s32 s10, $0x1;
	s10 =	sld [smem:$0x3FB0];
	_ =	sdelay $0x3  }
0x37: {  	[smem:$0x3FB0] =	sst s10  }
0x38: {  	s10 =	sld [smem:$0x3FB1]  }
0x39: {  	_ = 	snop;
	(pc) =	sbr.ind lr, $3  }
0x3a: {  	_ = 	snop  }
0x3b: {  	_ = 	snop  }
0x3c: {  	p2 =	seq.s32 s10, $0x1;
	s10 =	sld [smem:$0x3FB0]  }
0x3d: {  	_ =	shalt  }
0x3e: {  	_ =	shalt  }
0x3f: {  	_ =	shalt  }
0x40: {  	_ =	shalt  }
0x41: {  	_ =	shalt  }
0x42: {  	_ =	shalt  }
0x43: {  	_ =	shalt  }
0x44: {  	_ =	shalt  }
0x45: {  	_ =	shalt  }
0x46: {  	_ =	shalt  }
0x47: {  	_ =	shalt  }
0x48: {  	_ =	shalt  }
0x49: {  	_ =	shalt  }
0x4a: {  	_ =	shalt  }
0x4b: {  	_ =	shalt  }
0x4c: {  	_ =	shalt  }
0x4d: {  	_ =	shalt  }
0x4e: {  	_ =	shalt  }
0x4f: {  	_ =	shalt  }
0x50: {  	_ =	shalt  }
0x51: {  	_ =	shalt  }
0x52: {  	_ =	shalt  }
0x53: {  	_ =	shalt  }
0x54: {  	_ =	shalt  }
0x55: {  	_ =	shalt  }
0x56: {  	_ =	shalt  }
0x57: {  	_ =	shalt  }
0x58: {  	_ =	shalt  }
0x59: {  	_ =	shalt  }
0x5a: {  	_ =	shalt  }
0x5b: {  	_ =	shalt  }
0x5c: {  	_ =	shalt  }
0x5d: {  	_ =	shalt  }
0x5e: {  	_ =	shalt  }
0x5f: {  	_ =	shalt  }
0x60: {  	_ =	shalt  }
0x61: {  	_ =	shalt  }
0x62: {  	_ =	shalt  }
0x63: {  	_ =	shalt  }
0x64: {  	_ =	shalt  }
0x65: {  	_ =	shalt  }
0x66: {  	_ =	shalt  }
0x67: {  	_ =	shalt  }
0x68: {  	_ =	shalt  }
0x69: {  	_ =	shalt  }
0x6a: {  	_ =	shalt  }
0x6b: {  	_ =	shalt  }
0x6c: {  	_ =	shalt  }
0x6d: {  	_ =	shalt  }
0x6e: {  	_ =	shalt  }
0x6f: {  	_ =	shalt  }
0x70: {  	_ =	shalt  }
0x71: {  	_ =	shalt  }
0x72: {  	_ =	shalt  }
0x73: {  	_ =	shalt  }
0x74: {  	_ =	shalt  }
0x75: {  	_ =	shalt  }
0x76: {  	_ =	shalt  }
0x77: {  	_ =	shalt  }
0x78: {  	_ =	shalt  }
0x79: {  	_ =	shalt  }
0x7a: {  	_ =	shalt  }
0x7b: {  	_ =	shalt  }
0x7c: {  	_ =	shalt  }
0x7d: {  	_ =	shalt  }
0x7e: {  	_ =	shalt  }
0x7f: {  	_ =	shalt  }
0x80: {  	_ =	shalt  }
0x81: {  	_ =	shalt  }
0x82: {  	_ =	shalt  }
0x83: {  	_ =	shalt  }
0x84: {  	_ =	shalt  }
0x85: {  	_ =	shalt  }
0x86: {  	_ =	shalt  }
0x87: {  	_ =	shalt  }
.Lfunc_end0:
.L_simem_size_0:
called_computation.1_lowered:
.L_overlay_start_0:
0x88: {  	s2 =	sld [smem:$0x3FD9]  }
0x89: {  	s3 =	sld [smem:$0x3FFE];
	_ =	sdelay $0x1  }
0x8a: {  	s1 =	srdreg.scid  }
0x8b: {  	s0 =	sand.u32 $0x1, s1  }
0x8c: {  	s17 =	sshll.u32 s0, $0xA;
	s2 =	sadd.s32 s3, s2  }
0x8d: {  	s2 =	sadd.s32 s2, s17  }
0x8e: {  	[smem:$0x3FBC] =	sst s2  }
0x8f: {  	_ = 	snop  }
0x90: {  	(tm) =	ssettm $0x1  }
0x91: {  	s18 =	sld [smem:$0x3FFB];
	_ =	sdelay $0x3  }
0x92: {  	_ =	strace s18  }
0x93: {  	s2 =	sld [smem:$0x3FFC];
	_ =	sdelay $0x3  }
0x94: {  	_ =	strace s2  }
0x95: {  	s2 =	sld [smem:$0x3FFD];
	_ =	sdelay $0x3  }
0x96: {  	_ =	strace s2  }
0x97: {  	_ =	strace $0x8FFFFFFF  }
0x98: {  	s19 =	sld [smem:$0x3FDB];
	_ =	sdelay $0x1  }
0x99: {  	s20 =	simm.s32 $_scs_section_size  }
0x9a: {  	s4 =	simm.s32 $_size__tile_overlayer_lowered;
	s5 =	simm.s32 $_tile_overlayer_lowered  }
0x9b: {  	s6 =	simm.s32 $0x1BFF;
	s21 =	sshll.u32 s5, $0x1;
	s3 =	sadd.s32 s20, s19  }
0x9c: {  	s22 =	simm.s32 $0x0;
	s4 =	sshll.u32 s4, $0x1;
	s5 =	sadd.s32 s21, s3  }
0x9d: {  	[timem:s22], [sflag:s6] =	dma.local [hbm:s5], s4  }
0x9e: {  	_ =	swait.ge [sflag:s6], s4  }
0x9f: {  	s4 =	ssub.s32 $0x0, s4;
	[sflag:s6] =	ssyncset.done $0x0  }
0xa0: {  	[sflag:s6] =	ssyncadd.s32 s4;
	_ =	sdelay $0x1  }
0xa1: {  	s23 =	simm.s32 $0x1B8B  }
0xa2: {  	_ =	swait.ge [sflag:s23], $0x1  }
0xa3: {  	[sflag:s23] =	ssyncset.done $0x0  }
0xa4: {  	[sflag:s23] =	ssyncadd.s32 $0xFFFFFFFF  }
0xa5: {  	s4 =	sld [smem:$0x0]  }
0xa6: {  	s5 =	sand.u32 $0xFFFFFFFE, s1  }
0xa7: {  	p0 =	sne.s32 s1, s5  }
0xa8: {  	s5 =	sshll.u32 @p0 s5, $0xE  }
0xa9: {  	s5 =	sadd.s32 @p0 $0x11B8D, s5;
	s6 =	sshll.u32 @p0 s4, $0x11  }
0xaa: {  	s5 =	sor.u32 @p0 s6, s5  }
0xab: {  	[sflag:s5] =	ssyncadd.remote.s32 @p0 $0x1;
	_ =	sdelay $0x1  }
0xac: {  	s5 =	simm.s32 @p0 $0x1B8D  }
0xad: {  	_ =	swait.eq @p0 [sflag:s5], $0x1  }
0xae: {  	[sflag:s5] =	ssyncadd.s32 @p0 $0xFFFFFFFF  }
0xaf: {  	s6 =	sshll.u32 @!p0 s1, $0xE  }
0xb0: {  	s6 =	sor.u32 @!p0 $0x4000, s6;
	s5 =	simm.s32 @!p0 $0x1B8D  }
0xb1: {  	s4 =	sshll.u32 @!p0 s4, $0x11;
	s6 =	sadd.s32 @!p0 $0x11B8D, s6;
	_ =	swait.eq @!p0 [sflag:s5], $0x1  }
0xb2: {  	s4 =	sor.u32 @!p0 s4, s6;
	[sflag:s5] =	ssyncadd.s32 @!p0 $0xFFFFFFFF  }
0xb3: {  	s25 =	simm.s32 $0x1B8E;
	s24 =	sld [smem:$0x3FFE];
	[sflag:s4] =	ssyncadd.remote.s32 @!p0 $0x1  }
0xb4: {  	s26 =	simm.s32 $execute0_lowered;
	[smem:$0x3FD2] =	sst s25  }
0xb5: {  	s5 =	sshll.u32 s26, $0x1;
	_ =	strace $0x80000049;
	[dreg:$0x1] =	wrdreg $0xFFFFFFFF  }
0xb6: {  	s28 =	simm.s32 $_size_execute0_lowered;
	s3 =	sadd.s32 s3, s5;
	[dreg:$0x0] =	wrdreg $0x0  }
0xb7: {  	s5 =	sshll.u32 s28, $0x1;
	[dreg:$0x2] =	wrdreg s3  }
0xb8: {  	[dreg:$0x3] =	wrdreg s5  }
0xb9: {  	[dreg:$0x4] =	wrdreg $0xC0  }
0xba: {  	_ =	task [dreg:s22], $0x5FFFF  }
0xbb: {  	[dreg:$0x1] =	wrdreg $0xFFFFFFFF  }
0xbc: {  	[dreg:$0x0] =	wrdreg $0x60  }
0xbd: {  	[dreg:$0x2] =	wrdreg s24  }
0xbe: {  	[dreg:$0x3] =	wrdreg $0x90000  }
0xbf: {  	[dreg:$0x4] =	wrdreg $0xA  }
0xc0: {  	_ =	task.clear_ibuf [dreg:s22], $0x5FFFF;
	_ =	strace $0x90000049  }
0xc1: {  	s29 =	simm.s32 $0xA;
	_ =	strace $0x8000004B  }
0xc2: {  	_ =	swait.ge [sflag:s29], $0x1  }
0xc3: {  	[sflag:s29] =	ssyncadd.s32 $0xFFFFFFFF  }
0xc4: {  	_ =	strace $0x9000004B  }
0xc5: {  	_ =	sfence  }
0xc6: {  	s30 =	sld [smem:$0x0];
	_ =	sdelay $0x2  }
0xc7: {  	s31 =	sshll.u32 s1, $0xD;
	s1 =	sshrl.u32 s1, $0x2  }
0xc8: {  	s4 =	sand.u32 $0x4000, s31;
	s1 =	sadd.s32 s1, s30  }
0xc9: {  	s0 =	sor.u32 s4, s0;
	s1 =	sshll.u32 s1, $0x11  }
0xca: {  	s0 =	sor.u32 s1, s0  }
0xcb: {  	s0 =	sadd.s32 $0x8F2B, s0  }
0xcc: {  	[sflag:s0] =	ssyncadd.remote.s32 $0x1  }
0xcd: {  	_ =	sfence.sel $0xFFFF  }
0xce: {  	[dreg:$0x0] =	wrdreg $0xFFFFFFFF;
	(pc) =	sbr.abs _section_cstart, $3  }
0xcf: {  	[dreg:$0x1] =	wrdreg $0xFFFFFFFF  }
0xd0: {  	_ =	task.clear_ibuf [dreg:s22], $0x2FFFF;
	_ =	strace $0x9FFFFFFF  }
0xd1: {  	(tm) =	ssettm $0x7FFFFFFF  }
tec
execute0_lowered:
.L_overlay_start_1:
0x0: {  	(tag) =	ssettag $0x1  }
0x1: {  	s0 =	srdreg.scid;
	s1 =	rddreg [dreg:$0x0]  }
0x2: {  	s8 =	stileid.u32;
	s2 =	rddreg [dreg:$0x1];
	s3 =	simm.s32 $0x0  }
0x3: {  	s24 =	simm.s32 $0x880;
	s26 =	simm.s32 $0x100;
	s13 =	simm.s32 $0xA00  }
0x4: {  	s15 =	simm.s32 $0x280;
	s28 =	simm.s32 $0x4;
	s29 =	simm.s32 $0xC80  }
0x5: {  	s30 =	simm.s32 $0x500;
	s31 =	simm.s32 $0xD00;
	[smem:$0x7FF] =	sst s3  }
0x6: {  	s4 =	smul.u32 $0x5000, s8;
	_ =	strace $0x8000004A;
	[dreg:$0x3] =	wrdreg s24  }
0x7: {  	s0 =	sand.u32 $0x1, s0;
	s8 =	smul.u32 $0x14000, s8;
	[dreg:$0x4] =	wrdreg s26  }
0x8: {  	s5 =	smul.u32 $0x3800, s0;
	s6 =	ssub.s32 $0x2, s0;
	[dreg:$0x9] =	wrdreg s13  }
0x9: {  	p0 =	seq.s32 s0, $0x0;
	s0 =	smul.u32 $0x140000, s0;
	[dreg:$0xa] =	wrdreg s15  }
0xa: {  	s24 =	simm.s32 $0x400;
	s26 =	simm.s32 $0x480;
	s13 =	simm.s32 $0x680  }
0xb: {  	s15 =	simm.s32 $0x700;
	s7 =	sshrl.u32 s6, $0x1;
	s18 =	sadd.s32 s8, s2  }
0xc: {  	s17 =	sadd.s32 $0x4000, s8;
	s19 =	sadd.s32 $0x8000, s8;
	s20 =	sadd.s32 $0xC000, s8  }
0xd: {  	s11 =	sadd.s32 $0x10000, s8;
	[dreg:$0x10] =	wrdreg s24;
	s24 =	simm.s32 $0x5000  }
0xe: {  	[dreg:$0x12] =	wrdreg s26;
	s26 =	simm.s32 $0x3;
	s4 =	sadd.s32 s5, s4  }
0xf: {  	s6 =	ssub.s32 s6, s7;
	s7 =	simm.s32 $0x7;
	s9 =	sadd.s32 s17, s2  }
0x10: {  	s10 =	sadd.s32 s19, s2;
	s12 =	sadd.s32 s20, s2;
	[dreg:$0x14] =	wrdreg s18  }
0x11: {  	s21 =	sadd.s32 s11, s2;
	s8 =	sadd.s32 s8, s0;
	[dreg:$0x15] =	wrdreg s9  }
0x12: {  	s25 =	sadd.s32 s0, s20;
	s20 =	simm.s32 $0x300;
	[dreg:$0x16] =	wrdreg s10  }
0x13: {  	s5 =	sshrl.u32 s4, $0x3;
	s4 =	sadd.s32 $0x16400, s1;
	[dreg:$0x17] =	wrdreg s12  }
0x14: {  	s7 =	simm.s32 @!p0 $0x3;
	[dreg:$0x18] =	wrdreg s21;
	s8 =	sshrl.u32 s8, $0x3  }
0x15: {  	s9 =	sadd.s32 s0, s19;
	s10 =	simm.s32 $0x180;
	[dreg:$0xc] =	wrdreg s20  }
0x16: {  	s12 =	simm.s32 $0x200;
	s14 =	smax.u32 s6, $0x1;
	[dreg:$0x13] =	wrdreg s7  }
0x17: {  	s21 =	simm.s32 $0xB00;
	s20 =	simm.s32 $0x5;
	[dreg:$0x6] =	wrdreg s10  }
0x18: {  	s6 =	simm.s32 $0x780;
	s5 =	sadd.s32 s5, s1;
	[dreg:$0x8] =	wrdreg s12  }
0x19: {  	s1 =	sadd.s32 $0x47600, s1;
	s7 =	sadd.s32 s0, s17;
	[dreg:$0x1e] =	wrdreg s14  }
0x1a: {  	s22 =	sshrl.u32 s9, $0x3;
	s9 =	simm.s32 $0x900;
	[dreg:$0xd] =	wrdreg s21  }
0x1b: {  	s0 =	sadd.s32 s0, s11;
	s11 =	simm.s32 $0x980;
	[dreg:$0x5] =	wrdreg s9  }
0x1c: {  	s17 =	simm.s32 $0xA80;
	s21 =	simm.s32 $0x800;
	[dreg:$0x7] =	wrdreg s11  }
0x1d: {  	s12 =	simm.s32 $0xE00;
	s8 =	sadd.s32 s1, s8;
	[dreg:$0xb] =	wrdreg s17  }
0x1e: {  	s14 =	simm.s32 $0xE80;
	s23 =	sadd.s32 s1, s22;
	[dreg:$0x19] =	wrdreg s8  }
0x1f: {  	s7 =	sshrl.u32 s7, $0x3;
	s16 =	sadd.s32 $0x2400, s5;
	[dreg:$0x1b] =	wrdreg s23  }
0x20: {  	s0 =	sshrl.u32 s0, $0x3;
	s19 =	sadd.s32 $0x3D600, s5;
	[dreg:$0x1f] =	wrdreg s16  }
0x21: {  	s22 =	simm.s32 $0x380;
	s11 =	simm.s32 $0x600;
	[smem:$0x7FD] =	sst s19  }
0x22: {  	s7 =	sadd.s32 s1, s7;
	s8 =	sshrl.u32 s25, $0x3;
	[dreg:$0xe] =	wrdreg s22  }
0x23: {  	s0 =	sadd.s32 s1, s0;
	s19 =	simm.s32 $0x1000;
	[dreg:$0x1a] =	wrdreg s7  }
0x24: {  	s23 =	simm.s32 $0xB80;
	s22 =	simm.s32 $0x80;
	[dreg:$0x1d] =	wrdreg s0  }
0x25: {  	s25 =	simm.s32 $0xC00;
	s16 =	simm.s32 $0xF00;
	[dreg:$0xf] =	wrdreg s23  }
0x26: {  	s8 =	sadd.s32 s1, s8;
	s23 =	simm.s32 $0x1;
	[dreg:$0x11] =	wrdreg s25  }
0x27: {  	s25 =	simm.s32 $0x2;
	s1 =	simm.s32 $0x580;
	s0 =	simm.s32 $0xD80  }
0x28: {  	v0 =	vimm.f32 $0.0e+00;
	s7 =	simm.s32 $0xF80;
	[dreg:$0x1c] =	wrdreg s8;
	s8 =	simm.s32 $0x0  }
.LBB2_1:
0x29: {  	s9 =	simm.s32 $0x0;
	s17 =	simm.s32 $0x200  }
.LBB2_2:
0x2a: {  	p0 =	sne.s32 s17, $0xFE00;
	[tilespmem:s9+$0x1070] =	vst v0  }
0x2b: {  	[tilespmem:s9+$0x1000] =	vst v0  }
0x2c: {  	[tilespmem:s9+$0x1010] =	vst v0  }
.Ltmp0:
0x2d: {  	[tilespmem:s9+$0x1020] =	vst v0;
	(pc) =	sbr.rel @p0 .LBB2_2-.Ltmp0, $4  }
0x2e: {  	[tilespmem:s9+$0x1030] =	vst v0  }
0x2f: {  	[tilespmem:s9+$0x1040] =	vst v0  }
0x30: {  	[tilespmem:s9+$0x1050] =	vst v0  }
0x31: {  	[tilespmem:s9+$0x1060] =	vst v0;
	s9 =	sshra.s32 s17, $0x2;
	s17 =	sadd.s32 $0x200, s17  }
0x32: {  	[tilespmem:s9+$0x1070] =	vst v0  }
0x33: {  	[tilespmem:s9+$0x1000] =	vst v0  }
0x34: {  	[tilespmem:s9+$0x1010] =	vst v0  }
0x35: {  	[tilespmem:s9+$0x1020] =	vst v0  }
0x36: {  	[tilespmem:s9+$0x1030] =	vst v0  }
0x37: {  	[tilespmem:s9+$0x1040] =	vst v0  }
0x38: {  	[tilespmem:s9+$0x1050] =	vst v0  }
0x39: {  	[tilespmem:s9+$0x1060] =	vst v0  }
0x3a: {  	[spmem:s18] =	stream.linear.scatter [tilespmem:s19], [sflag:$0x5], $0x4000, $0x38;
	[tilespmem:$0x1D000] =	vst v63  }
0x3b: {  	_ =	swait.ge [sflag:s20], $0x4000  }
0x3c: {  	[sflag:s20] =	ssyncset.done $0x0  }
0x3d: {  	s5 =	rddreg [dreg:$0x15];
	[sflag:s20] =	ssyncadd.s32 $0xFFFFC000  }
0x3e: {  	[spmem:s5] =	stream.linear.scatter [tilespmem:s19], [sflag:$0x5], $0x4000, $0x38;
	[tilespmem:$0x1D000] =	vst v63  }
0x3f: {  	_ =	swait.ge [sflag:s20], $0x4000  }
0x40: {  	[sflag:s20] =	ssyncset.done $0x0  }
0x41: {  	s10 =	rddreg [dreg:$0x16];
	[sflag:s20] =	ssyncadd.s32 $0xFFFFC000  }
0x42: {  	[spmem:s10] =	stream.linear.scatter [tilespmem:s19], [sflag:$0x5], $0x4000, $0x38;
	[tilespmem:$0x1D000] =	vst v63  }
0x43: {  	_ =	swait.ge [sflag:s20], $0x4000  }
0x44: {  	[sflag:s20] =	ssyncset.done $0x0  }
0x45: {  	s17 =	rddreg [dreg:$0x17];
	[sflag:s20] =	ssyncadd.s32 $0xFFFFC000  }
0x46: {  	[spmem:s17] =	stream.linear.scatter [tilespmem:s19], [sflag:$0x5], $0x4000, $0x38;
	[tilespmem:$0x1D000] =	vst v63  }
0x47: {  	_ =	swait.ge [sflag:s20], $0x4000  }
0x48: {  	[sflag:s20] =	ssyncset.done $0x0  }
0x49: {  	s18 =	rddreg [dreg:$0x18];
	[sflag:s20] =	ssyncadd.s32 $0xFFFFC000  }
0x4a: {  	[spmem:s18] =	stream.linear.scatter [tilespmem:s19], [sflag:$0x5], $0x4000, $0x38;
	[tilespmem:$0x1D000] =	vst v63  }
0x4b: {  	_ =	swait.ge [sflag:s20], $0x4000  }
0x4c: {  	[sflag:s20] =	ssyncset.done $0x0  }
0x4d: {  	[sflag:s20] =	ssyncadd.s32 $0xFFFFC000  }
0x4e: {  	[bflag:$0x0] =	sbarrier.arrive $0xFFFF  }
0x4f: {  	s18 =	sld [smem:$0x7FD];
	_ =	sdelay $0x2  }
0x50: {  	[tilespmem:s3], [sflag:$0x5] =	stream.linear.gather [hbm4b:s18+s3], $0x800, $0x38;
	[tilespmem:$0x1D000] =	vst v63  }
0x51: {  	_ =	swait.ge [sflag:s20], $0x800  }
0x52: {  	[sflag:s20] =	ssyncset.done $0x0  }
0x53: {  	s10 =	rddreg [dreg:$0x1f];
	[sflag:s20] =	ssyncadd.s32 $0xFFFFF800  }
0x54: {  	[tilespmem:s21], [sflag:$0x5] =	stream.linear.gather [hbm4b:s10+s3], $0x800, $0x38;
	[tilespmem:$0x1D000] =	vst v63  }
0x55: {  	_ =	swait.ge [sflag:s20], $0x800  }
0x56: {  	[sflag:s20] =	ssyncset.done $0x0  }
0x57: {  	[sflag:s20] =	ssyncadd.s32 $0xFFFFF800  }
0x58: {  	[tilespmem:s19], [sflag:$0x1] =	stream.indirect.gather [hbm4b:s4+s22], $0x80, s3, s22, $0xb8;
	[tilespmem:$0x1D000] =	vst v63  }
0x59: {  	_ =	swait.ge [sflag:s23], $0x4000  }
0x5a: {  	[sflag:s23] =	ssyncset.done $0x0  }
0x5b: {  	[sflag:s23] =	ssyncadd.s32 $0xFFFFC000  }
0x5c: {  	[spmem:s2] =	stream.indirect.scatter.add.f32 [tilespmem:s19], [sflag:$0x3], $0x80, s21, s22, $0xb8;
	[tilespmem:$0x1D000] =	vst v63  }
0x5d: {  	_ = 	snop  }
0x5e: {  	[tilespmem:s24], [sflag:$0x2] =	stream.indirect.gather [hbm4b:s4+s22], $0x80, s22, s22, $0xb8;
	[tilespmem:$0x1D000] =	vst v63  }
0x5f: {  	_ =	swait.ge [sflag:s25], $0x4000  }
0x60: {  	[sflag:s25] =	ssyncset.done $0x0  }
0x61: {  	[sflag:s25] =	ssyncadd.s32 $0xFFFFC000  }
0x62: {  	_ =	swait.ge [sflag:s26], $0x4000  }
0x63: {  	[sflag:s26] =	ssyncset.done $0x0  }
0x64: {  	s5 =	rddreg [dreg:$0x3];
	[sflag:s26] =	ssyncadd.s32 $0xFFFFC000  }
0x65: {  	[spmem:s2] =	stream.indirect.scatter.add.f32 [tilespmem:s24], [sflag:$0x4], $0x80, s5, s22, $0xb8;
	[tilespmem:$0x1D000] =	vst v63  }
0x66: {  	s17 =	rddreg [dreg:$0x4]  }
0x67: {  	[tilespmem:s19], [sflag:$0x1] =	stream.indirect.gather [hbm4b:s4+s22], $0x80, s17, s22, $0xb8;
	[tilespmem:$0x1D000] =	vst v63  }
0x68: {  	_ =	swait.ge [sflag:s23], $0x4000  }
0x69: {  	[sflag:s23] =	ssyncset.done $0x0  }
0x6a: {  	[sflag:s23] =	ssyncadd.s32 $0xFFFFC000  }
0x6b: {  	_ =	swait.ge [sflag:s28], $0x4000  }
0x6c: {  	[sflag:s28] =	ssyncset.done $0x0  }
0x6d: {  	s17 =	rddreg [dreg:$0x5];
	[sflag:s28] =	ssyncadd.s32 $0xFFFFC000  }
0x6e: {  	[spmem:s2] =	stream.indirect.scatter.add.f32 [tilespmem:s19], [sflag:$0x3], $0x80, s17, s22, $0xb8;
	[tilespmem:$0x1D000] =	vst v63  }
0x6f: {  	s5 =	rddreg [dreg:$0x6]  }
0x70: {  	[tilespmem:s24], [sflag:$0x2] =	stream.indirect.gather [hbm4b:s4+s22], $0x80, s5, s22, $0xb8;
	[tilespmem:$0x1D000] =	vst v63  }
0x71: {  	_ =	swait.ge [sflag:s25], $0x4000  }
0x72: {  	[sflag:s25] =	ssyncset.done $0x0  }
0x73: {  	[sflag:s25] =	ssyncadd.s32 $0xFFFFC000  }
0x74: {  	_ =	swait.ge [sflag:s26], $0x4000  }
0x75: {  	[sflag:s26] =	ssyncset.done $0x0  }
0x76: {  	s17 =	rddreg [dreg:$0x7];
	[sflag:s26] =	ssyncadd.s32 $0xFFFFC000  }
0x77: {  	[spmem:s2] =	stream.indirect.scatter.add.f32 [tilespmem:s24], [sflag:$0x4], $0x80, s17, s22, $0xb8;
	[tilespmem:$0x1D000] =	vst v63  }
0x78: {  	s5 =	rddreg [dreg:$0x8]  }
0x79: {  	[tilespmem:s19], [sflag:$0x1] =	stream.indirect.gather [hbm4b:s4+s22], $0x80, s5, s22, $0xb8;
	[tilespmem:$0x1D000] =	vst v63  }
0x7a: {  	_ =	swait.ge [sflag:s23], $0x4000  }
0x7b: {  	[sflag:s23] =	ssyncset.done $0x0  }
0x7c: {  	[sflag:s23] =	ssyncadd.s32 $0xFFFFC000  }
0x7d: {  	_ =	swait.ge [sflag:s28], $0x4000  }
0x7e: {  	[sflag:s28] =	ssyncset.done $0x0  }
0x7f: {  	s17 =	rddreg [dreg:$0x9];
	[sflag:s28] =	ssyncadd.s32 $0xFFFFC000  }
0x80: {  	[spmem:s2] =	stream.indirect.scatter.add.f32 [tilespmem:s19], [sflag:$0x3], $0x80, s17, s22, $0xb8;
	[tilespmem:$0x1D000] =	vst v63  }
0x81: {  	s5 =	rddreg [dreg:$0xa]  }
0x82: {  	[tilespmem:s24], [sflag:$0x2] =	stream.indirect.gather [hbm4b:s4+s22], $0x80, s5, s22, $0xb8;
	[tilespmem:$0x1D000] =	vst v63  }
0x83: {  	_ =	swait.ge [sflag:s25], $0x4000  }
0x84: {  	[sflag:s25] =	ssyncset.done $0x0  }
0x85: {  	[sflag:s25] =	ssyncadd.s32 $0xFFFFC000  }
0x86: {  	_ =	swait.ge [sflag:s26], $0x4000  }
0x87: {  	[sflag:s26] =	ssyncset.done $0x0  }
0x88: {  	s17 =	rddreg [dreg:$0xb];
	[sflag:s26] =	ssyncadd.s32 $0xFFFFC000  }
0x89: {  	[spmem:s2] =	stream.indirect.scatter.add.f32 [tilespmem:s24], [sflag:$0x4], $0x80, s17, s22, $0xb8;
	[tilespmem:$0x1D000] =	vst v63  }
0x8a: {  	s5 =	rddreg [dreg:$0xc]  }
0x8b: {  	[tilespmem:s19], [sflag:$0x1] =	stream.indirect.gather [hbm4b:s4+s22], $0x80, s5, s22, $0xb8;
	[tilespmem:$0x1D000] =	vst v63  }
0x8c: {  	_ =	swait.ge [sflag:s23], $0x4000  }
0x8d: {  	[sflag:s23] =	ssyncset.done $0x0  }
0x8e: {  	[sflag:s23] =	ssyncadd.s32 $0xFFFFC000  }
0x8f: {  	_ =	swait.ge [sflag:s28], $0x4000  }
0x90: {  	[sflag:s28] =	ssyncset.done $0x0  }
0x91: {  	s17 =	rddreg [dreg:$0xd];
	[sflag:s28] =	ssyncadd.s32 $0xFFFFC000  }
0x92: {  	[spmem:s2] =	stream.indirect.scatter.add.f32 [tilespmem:s19], [sflag:$0x3], $0x80, s17, s22, $0xb8;
	[tilespmem:$0x1D000] =	vst v63  }
0x93: {  	s5 =	rddreg [dreg:$0xe]  }
0x94: {  	[tilespmem:s24], [sflag:$0x2] =	stream.indirect.gather [hbm4b:s4+s22], $0x80, s5, s22, $0xb8;
	[tilespmem:$0x1D000] =	vst v63  }
0x95: {  	_ =	swait.ge [sflag:s25], $0x4000  }
0x96: {  	[sflag:s25] =	ssyncset.done $0x0  }
0x97: {  	[sflag:s25] =	ssyncadd.s32 $0xFFFFC000  }
0x98: {  	_ =	swait.ge [sflag:s26], $0x4000  }
0x99: {  	[sflag:s26] =	ssyncset.done $0x0  }
0x9a: {  	s17 =	rddreg [dreg:$0xf];
	[sflag:s26] =	ssyncadd.s32 $0xFFFFC000  }
0x9b: {  	[spmem:s2] =	stream.indirect.scatter.add.f32 [tilespmem:s24], [sflag:$0x4], $0x80, s17, s22, $0xb8;
	[tilespmem:$0x1D000] =	vst v63  }
0x9c: {  	s5 =	rddreg [dreg:$0x10]  }
0x9d: {  	[tilespmem:s19], [sflag:$0x1] =	stream.indirect.gather [hbm4b:s4+s22], $0x80, s5, s22, $0xb8;
	[tilespmem:$0x1D000] =	vst v63  }
0x9e: {  	_ =	swait.ge [sflag:s23], $0x4000  }
0x9f: {  	[sflag:s23] =	ssyncset.done $0x0  }
0xa0: {  	[sflag:s23] =	ssyncadd.s32 $0xFFFFC000  }
0xa1: {  	_ =	swait.ge [sflag:s28], $0x4000  }
0xa2: {  	[sflag:s28] =	ssyncset.done $0x0  }
0xa3: {  	s17 =	rddreg [dreg:$0x11];
	[sflag:s28] =	ssyncadd.s32 $0xFFFFC000  }
0xa4: {  	[spmem:s2] =	stream.indirect.scatter.add.f32 [tilespmem:s19], [sflag:$0x3], $0x80, s17, s22, $0xb8;
	[tilespmem:$0x1D000] =	vst v63  }
0xa5: {  	s5 =	rddreg [dreg:$0x12]  }
0xa6: {  	[tilespmem:s24], [sflag:$0x2] =	stream.indirect.gather [hbm4b:s4+s22], $0x80, s5, s22, $0xb8;
	[tilespmem:$0x1D000] =	vst v63  }
0xa7: {  	_ =	swait.ge [sflag:s25], $0x4000  }
0xa8: {  	[sflag:s25] =	ssyncset.done $0x0  }
0xa9: {  	[sflag:s25] =	ssyncadd.s32 $0xFFFFC000  }
0xaa: {  	_ =	swait.ge [sflag:s26], $0x4000  }
0xab: {  	[sflag:s26] =	ssyncset.done $0x0  }
0xac: {  	[sflag:s26] =	ssyncadd.s32 $0xFFFFC000  }
0xad: {  	[spmem:s2] =	stream.indirect.scatter.add.f32 [tilespmem:s24], [sflag:$0x4], $0x80, s29, s22, $0xb8;
	[tilespmem:$0x1D000] =	vst v63  }
0xae: {  	_ = 	snop  }
0xaf: {  	[tilespmem:s19], [sflag:$0x1] =	stream.indirect.gather [hbm4b:s4+s22], $0x80, s30, s22, $0xb8;
	[tilespmem:$0x1D000] =	vst v63  }
0xb0: {  	_ =	swait.ge [sflag:s23], $0x4000  }
0xb1: {  	[sflag:s23] =	ssyncset.done $0x0  }
0xb2: {  	[sflag:s23] =	ssyncadd.s32 $0xFFFFC000  }
0xb3: {  	_ =	swait.ge [sflag:s28], $0x4000  }
0xb4: {  	[sflag:s28] =	ssyncset.done $0x0  }
0xb5: {  	[sflag:s28] =	ssyncadd.s32 $0xFFFFC000  }
0xb6: {  	[spmem:s2] =	stream.indirect.scatter.add.f32 [tilespmem:s19], [sflag:$0x3], $0x80, s31, s22, $0xb8;
	[tilespmem:$0x1D000] =	vst v63  }
0xb7: {  	_ = 	snop  }
0xb8: {  	[tilespmem:s24], [sflag:$0x2] =	stream.indirect.gather [hbm4b:s4+s22], $0x80, s1, s22, $0xb8;
	[tilespmem:$0x1D000] =	vst v63  }
0xb9: {  	_ =	swait.ge [sflag:s25], $0x4000  }
0xba: {  	[sflag:s25] =	ssyncset.done $0x0  }
0xbb: {  	[sflag:s25] =	ssyncadd.s32 $0xFFFFC000  }
0xbc: {  	_ =	swait.ge [sflag:s26], $0x4000  }
0xbd: {  	[sflag:s26] =	ssyncset.done $0x0  }
0xbe: {  	[sflag:s26] =	ssyncadd.s32 $0xFFFFC000  }
0xbf: {  	[spmem:s2] =	stream.indirect.scatter.add.f32 [tilespmem:s24], [sflag:$0x4], $0x80, s0, s22, $0xb8;
	[tilespmem:$0x1D000] =	vst v63  }
0xc0: {  	_ = 	snop  }
0xc1: {  	[tilespmem:s19], [sflag:$0x1] =	stream.indirect.gather [hbm4b:s4+s22], $0x80, s11, s22, $0xb8;
	[tilespmem:$0x1D000] =	vst v63  }
0xc2: {  	_ =	swait.ge [sflag:s23], $0x4000  }
0xc3: {  	[sflag:s23] =	ssyncset.done $0x0  }
0xc4: {  	[sflag:s23] =	ssyncadd.s32 $0xFFFFC000  }
0xc5: {  	_ =	swait.ge [sflag:s28], $0x4000  }
0xc6: {  	[sflag:s28] =	ssyncset.done $0x0  }
0xc7: {  	[sflag:s28] =	ssyncadd.s32 $0xFFFFC000  }
0xc8: {  	[spmem:s2] =	stream.indirect.scatter.add.f32 [tilespmem:s19], [sflag:$0x3], $0x80, s12, s22, $0xb8;
	[tilespmem:$0x1D000] =	vst v63  }
0xc9: {  	_ = 	snop  }
0xca: {  	[tilespmem:s24], [sflag:$0x2] =	stream.indirect.gather [hbm4b:s4+s22], $0x80, s13, s22, $0xb8;
	[tilespmem:$0x1D000] =	vst v63  }
0xcb: {  	_ =	swait.ge [sflag:s25], $0x4000  }
0xcc: {  	[sflag:s25] =	ssyncset.done $0x0  }
0xcd: {  	[sflag:s25] =	ssyncadd.s32 $0xFFFFC000  }
0xce: {  	_ =	swait.ge [sflag:s26], $0x4000  }
0xcf: {  	[sflag:s26] =	ssyncset.done $0x0  }
0xd0: {  	[sflag:s26] =	ssyncadd.s32 $0xFFFFC000  }
0xd1: {  	[spmem:s2] =	stream.indirect.scatter.add.f32 [tilespmem:s24], [sflag:$0x4], $0x80, s14, s22, $0xb8;
	[tilespmem:$0x1D000] =	vst v63  }
0xd2: {  	_ = 	snop  }
0xd3: {  	[tilespmem:s19], [sflag:$0x1] =	stream.indirect.gather [hbm4b:s4+s22], $0x80, s15, s22, $0xb8;
	[tilespmem:$0x1D000] =	vst v63  }
0xd4: {  	_ =	swait.ge [sflag:s23], $0x4000  }
0xd5: {  	[sflag:s23] =	ssyncset.done $0x0  }
0xd6: {  	[sflag:s23] =	ssyncadd.s32 $0xFFFFC000  }
0xd7: {  	_ =	swait.ge [sflag:s28], $0x4000  }
0xd8: {  	[sflag:s28] =	ssyncset.done $0x0  }
0xd9: {  	[sflag:s28] =	ssyncadd.s32 $0xFFFFC000  }
0xda: {  	[spmem:s2] =	stream.indirect.scatter.add.f32 [tilespmem:s19], [sflag:$0x3], $0x80, s16, s22, $0xb8;
	[tilespmem:$0x1D000] =	vst v63  }
0xdb: {  	_ = 	snop  }
0xdc: {  	[tilespmem:s24], [sflag:$0x2] =	stream.indirect.gather [hbm4b:s4+s22], $0x80, s6, s22, $0xb8;
	[tilespmem:$0x1D000] =	vst v63  }
0xdd: {  	_ =	swait.ge [sflag:s25], $0x4000  }
0xde: {  	[sflag:s25] =	ssyncset.done $0x0  }
0xdf: {  	[sflag:s25] =	ssyncadd.s32 $0xFFFFC000  }
0xe0: {  	_ =	swait.ge [sflag:s26], $0x4000  }
0xe1: {  	s17 =	rddreg [dreg:$0x13]  }
0xe2: {  	p0 =	sne.s32 s17, $0x1  }
.Ltmp1:
0xe3: {  	[sflag:s26] =	ssyncset.done $0x0;
	(pc) =	sbr.rel @!p0 .LBB2_5-.Ltmp1, $4  }
0xe4: {  	[sflag:s26] =	ssyncadd.s32 $0xFFFFC000  }
0xe5: {  	[spmem:s2] =	stream.indirect.scatter.add.f32 [tilespmem:s24], [sflag:$0x4], $0x80, s7, s22, $0xb8;
	[tilespmem:$0x1D000] =	vst v63  }
0xe6: {  	_ =	swait.ge [sflag:s28], $0x4000  }
0xe7: {  	s9 =	sadd.s32 $0xFFFFFFFF, s17;
	s17 =	smov.u32 s10;
	[sflag:s28] =	ssyncset.done $0x0  }
.LBB2_4:
0xe8: {  	[sflag:s28] =	ssyncadd.s32 $0xFFFFC000;
	s18 =	sadd.s32 $0x100, s18  }
0xe9: {  	[tilespmem:s3], [sflag:$0x5] =	stream.linear.gather [hbm4b:s18+s3], $0x800, $0x38;
	[tilespmem:$0x1D000] =	vst v63  }
0xea: {  	_ =	swait.ge [sflag:s20], $0x800  }
0xeb: {  	[sflag:s20] =	ssyncset.done $0x0  }
0xec: {  	s17 =	sadd.s32 $0x100, s17;
	[sflag:s20] =	ssyncadd.s32 $0xFFFFF800  }
0xed: {  	[tilespmem:s21], [sflag:$0x5] =	stream.linear.gather [hbm4b:s17+s3], $0x800, $0x38;
	[tilespmem:$0x1D000] =	vst v63  }
0xee: {  	_ =	swait.ge [sflag:s20], $0x800  }
0xef: {  	[sflag:s20] =	ssyncset.done $0x0  }
0xf0: {  	[sflag:s20] =	ssyncadd.s32 $0xFFFFF800  }
0xf1: {  	[tilespmem:s19], [sflag:$0x1] =	stream.indirect.gather [hbm4b:s4+s22], $0x80, s3, s22, $0xb8;
	[tilespmem:$0x1D000] =	vst v63  }
0xf2: {  	_ =	swait.ge [sflag:s23], $0x4000  }
0xf3: {  	[sflag:s23] =	ssyncset.done $0x0  }
0xf4: {  	[sflag:s23] =	ssyncadd.s32 $0xFFFFC000  }
0xf5: {  	[spmem:s2] =	stream.indirect.scatter.add.f32 [tilespmem:s19], [sflag:$0x3], $0x80, s21, s22, $0xb8;
	[tilespmem:$0x1D000] =	vst v63  }
0xf6: {  	_ = 	snop  }
0xf7: {  	[tilespmem:s24], [sflag:$0x2] =	stream.indirect.gather [hbm4b:s4+s22], $0x80, s22, s22, $0xb8;
	[tilespmem:$0x1D000] =	vst v63  }
0xf8: {  	_ =	swait.ge [sflag:s25], $0x4000  }
0xf9: {  	[sflag:s25] =	ssyncset.done $0x0  }
0xfa: {  	[sflag:s25] =	ssyncadd.s32 $0xFFFFC000  }
0xfb: {  	_ =	swait.ge [sflag:s26], $0x4000  }
0xfc: {  	[sflag:s26] =	ssyncset.done $0x0  }
0xfd: {  	s10 =	rddreg [dreg:$0x3];
	[sflag:s26] =	ssyncadd.s32 $0xFFFFC000  }
0xfe: {  	[spmem:s2] =	stream.indirect.scatter.add.f32 [tilespmem:s24], [sflag:$0x4], $0x80, s10, s22, $0xb8;
	[tilespmem:$0x1D000] =	vst v63  }
0xff: {  	s5 =	rddreg [dreg:$0x4]  }
0x100: {  	[tilespmem:s19], [sflag:$0x1] =	stream.indirect.gather [hbm4b:s4+s22], $0x80, s5, s22, $0xb8;
	[tilespmem:$0x1D000] =	vst v63  }
0x101: {  	_ =	swait.ge [sflag:s23], $0x4000  }
0x102: {  	[sflag:s23] =	ssyncset.done $0x0  }
0x103: {  	[sflag:s23] =	ssyncadd.s32 $0xFFFFC000  }
0x104: {  	_ =	swait.ge [sflag:s28], $0x4000  }
0x105: {  	[sflag:s28] =	ssyncset.done $0x0  }
0x106: {  	s5 =	rddreg [dreg:$0x5];
	[sflag:s28] =	ssyncadd.s32 $0xFFFFC000  }
0x107: {  	[spmem:s2] =	stream.indirect.scatter.add.f32 [tilespmem:s19], [sflag:$0x3], $0x80, s5, s22, $0xb8;
	[tilespmem:$0x1D000] =	vst v63  }
0x108: {  	s10 =	rddreg [dreg:$0x6]  }
0x109: {  	[tilespmem:s24], [sflag:$0x2] =	stream.indirect.gather [hbm4b:s4+s22], $0x80, s10, s22, $0xb8;
	[tilespmem:$0x1D000] =	vst v63  }
0x10a: {  	_ =	swait.ge [sflag:s25], $0x4000  }
0x10b: {  	[sflag:s25] =	ssyncset.done $0x0  }
0x10c: {  	[sflag:s25] =	ssyncadd.s32 $0xFFFFC000  }
0x10d: {  	_ =	swait.ge [sflag:s26], $0x4000  }
0x10e: {  	[sflag:s26] =	ssyncset.done $0x0  }
0x10f: {  	s5 =	rddreg [dreg:$0x7];
	[sflag:s26] =	ssyncadd.s32 $0xFFFFC000  }
0x110: {  	[spmem:s2] =	stream.indirect.scatter.add.f32 [tilespmem:s24], [sflag:$0x4], $0x80, s5, s22, $0xb8;
	[tilespmem:$0x1D000] =	vst v63  }
0x111: {  	s10 =	rddreg [dreg:$0x8]  }
0x112: {  	[tilespmem:s19], [sflag:$0x1] =	stream.indirect.gather [hbm4b:s4+s22], $0x80, s10, s22, $0xb8;
	[tilespmem:$0x1D000] =	vst v63  }
0x113: {  	_ =	swait.ge [sflag:s23], $0x4000  }
0x114: {  	[sflag:s23] =	ssyncset.done $0x0  }
0x115: {  	[sflag:s23] =	ssyncadd.s32 $0xFFFFC000  }
0x116: {  	_ =	swait.ge [sflag:s28], $0x4000  }
0x117: {  	[sflag:s28] =	ssyncset.done $0x0  }
0x118: {  	s5 =	rddreg [dreg:$0x9];
	[sflag:s28] =	ssyncadd.s32 $0xFFFFC000  }
0x119: {  	[spmem:s2] =	stream.indirect.scatter.add.f32 [tilespmem:s19], [sflag:$0x3], $0x80, s5, s22, $0xb8;
	[tilespmem:$0x1D000] =	vst v63  }
0x11a: {  	s10 =	rddreg [dreg:$0xa]  }
0x11b: {  	[tilespmem:s24], [sflag:$0x2] =	stream.indirect.gather [hbm4b:s4+s22], $0x80, s10, s22, $0xb8;
	[tilespmem:$0x1D000] =	vst v63  }
0x11c: {  	_ =	swait.ge [sflag:s25], $0x4000  }
0x11d: {  	[sflag:s25] =	ssyncset.done $0x0  }
0x11e: {  	[sflag:s25] =	ssyncadd.s32 $0xFFFFC000  }
0x11f: {  	_ =	swait.ge [sflag:s26], $0x4000  }
0x120: {  	[sflag:s26] =	ssyncset.done $0x0  }
0x121: {  	s5 =	rddreg [dreg:$0xb];
	[sflag:s26] =	ssyncadd.s32 $0xFFFFC000  }
0x122: {  	[spmem:s2] =	stream.indirect.scatter.add.f32 [tilespmem:s24], [sflag:$0x4], $0x80, s5, s22, $0xb8;
	[tilespmem:$0x1D000] =	vst v63  }
0x123: {  	s10 =	rddreg [dreg:$0xc]  }
0x124: {  	[tilespmem:s19], [sflag:$0x1] =	stream.indirect.gather [hbm4b:s4+s22], $0x80, s10, s22, $0xb8;
	[tilespmem:$0x1D000] =	vst v63  }
0x125: {  	_ =	swait.ge [sflag:s23], $0x4000  }
0x126: {  	[sflag:s23] =	ssyncset.done $0x0  }
0x127: {  	[sflag:s23] =	ssyncadd.s32 $0xFFFFC000  }
0x128: {  	_ =	swait.ge [sflag:s28], $0x4000  }
0x129: {  	[sflag:s28] =	ssyncset.done $0x0  }
0x12a: {  	s5 =	rddreg [dreg:$0xd];
	[sflag:s28] =	ssyncadd.s32 $0xFFFFC000  }
0x12b: {  	[spmem:s2] =	stream.indirect.scatter.add.f32 [tilespmem:s19], [sflag:$0x3], $0x80, s5, s22, $0xb8;
	[tilespmem:$0x1D000] =	vst v63  }
0x12c: {  	s10 =	rddreg [dreg:$0xe]  }
0x12d: {  	[tilespmem:s24], [sflag:$0x2] =	stream.indirect.gather [hbm4b:s4+s22], $0x80, s10, s22, $0xb8;
	[tilespmem:$0x1D000] =	vst v63  }
0x12e: {  	_ =	swait.ge [sflag:s25], $0x4000  }
0x12f: {  	[sflag:s25] =	ssyncset.done $0x0  }
0x130: {  	[sflag:s25] =	ssyncadd.s32 $0xFFFFC000  }
0x131: {  	_ =	swait.ge [sflag:s26], $0x4000  }
0x132: {  	[sflag:s26] =	ssyncset.done $0x0  }
0x133: {  	s5 =	rddreg [dreg:$0xf];
	[sflag:s26] =	ssyncadd.s32 $0xFFFFC000  }
0x134: {  	[spmem:s2] =	stream.indirect.scatter.add.f32 [tilespmem:s24], [sflag:$0x4], $0x80, s5, s22, $0xb8;
	[tilespmem:$0x1D000] =	vst v63  }
0x135: {  	s10 =	rddreg [dreg:$0x10]  }
0x136: {  	[tilespmem:s19], [sflag:$0x1] =	stream.indirect.gather [hbm4b:s4+s22], $0x80, s10, s22, $0xb8;
	[tilespmem:$0x1D000] =	vst v63  }
0x137: {  	_ =	swait.ge [sflag:s23], $0x4000  }
0x138: {  	[sflag:s23] =	ssyncset.done $0x0  }
0x139: {  	[sflag:s23] =	ssyncadd.s32 $0xFFFFC000  }
0x13a: {  	_ =	swait.ge [sflag:s28], $0x4000  }
0x13b: {  	[sflag:s28] =	ssyncset.done $0x0  }
0x13c: {  	s5 =	rddreg [dreg:$0x11];
	[sflag:s28] =	ssyncadd.s32 $0xFFFFC000  }
0x13d: {  	[spmem:s2] =	stream.indirect.scatter.add.f32 [tilespmem:s19], [sflag:$0x3], $0x80, s5, s22, $0xb8;
	[tilespmem:$0x1D000] =	vst v63  }
0x13e: {  	s10 =	rddreg [dreg:$0x12]  }
0x13f: {  	[tilespmem:s24], [sflag:$0x2] =	stream.indirect.gather [hbm4b:s4+s22], $0x80, s10, s22, $0xb8;
	[tilespmem:$0x1D000] =	vst v63  }
0x140: {  	_ =	swait.ge [sflag:s25], $0x4000  }
0x141: {  	[sflag:s25] =	ssyncset.done $0x0  }
0x142: {  	[sflag:s25] =	ssyncadd.s32 $0xFFFFC000  }
0x143: {  	_ =	swait.ge [sflag:s26], $0x4000  }
0x144: {  	[sflag:s26] =	ssyncset.done $0x0  }
0x145: {  	[sflag:s26] =	ssyncadd.s32 $0xFFFFC000  }
0x146: {  	[spmem:s2] =	stream.indirect.scatter.add.f32 [tilespmem:s24], [sflag:$0x4], $0x80, s29, s22, $0xb8;
	[tilespmem:$0x1D000] =	vst v63  }
0x147: {  	_ = 	snop  }
0x148: {  	[tilespmem:s19], [sflag:$0x1] =	stream.indirect.gather [hbm4b:s4+s22], $0x80, s30, s22, $0xb8;
	[tilespmem:$0x1D000] =	vst v63  }
0x149: {  	_ =	swait.ge [sflag:s23], $0x4000  }
0x14a: {  	[sflag:s23] =	ssyncset.done $0x0  }
0x14b: {  	[sflag:s23] =	ssyncadd.s32 $0xFFFFC000  }
0x14c: {  	_ =	swait.ge [sflag:s28], $0x4000  }
0x14d: {  	[sflag:s28] =	ssyncset.done $0x0  }
0x14e: {  	[sflag:s28] =	ssyncadd.s32 $0xFFFFC000  }
0x14f: {  	[spmem:s2] =	stream.indirect.scatter.add.f32 [tilespmem:s19], [sflag:$0x3], $0x80, s31, s22, $0xb8;
	[tilespmem:$0x1D000] =	vst v63  }
0x150: {  	_ = 	snop  }
0x151: {  	[tilespmem:s24], [sflag:$0x2] =	stream.indirect.gather [hbm4b:s4+s22], $0x80, s1, s22, $0xb8;
	[tilespmem:$0x1D000] =	vst v63  }
0x152: {  	_ =	swait.ge [sflag:s25], $0x4000  }
0x153: {  	[sflag:s25] =	ssyncset.done $0x0  }
0x154: {  	[sflag:s25] =	ssyncadd.s32 $0xFFFFC000  }
0x155: {  	_ =	swait.ge [sflag:s26], $0x4000  }
0x156: {  	[sflag:s26] =	ssyncset.done $0x0  }
0x157: {  	[sflag:s26] =	ssyncadd.s32 $0xFFFFC000  }
0x158: {  	[spmem:s2] =	stream.indirect.scatter.add.f32 [tilespmem:s24], [sflag:$0x4], $0x80, s0, s22, $0xb8;
	[tilespmem:$0x1D000] =	vst v63  }
0x159: {  	_ = 	snop  }
0x15a: {  	[tilespmem:s19], [sflag:$0x1] =	stream.indirect.gather [hbm4b:s4+s22], $0x80, s11, s22, $0xb8;
	[tilespmem:$0x1D000] =	vst v63  }
0x15b: {  	_ =	swait.ge [sflag:s23], $0x4000  }
0x15c: {  	[sflag:s23] =	ssyncset.done $0x0  }
0x15d: {  	[sflag:s23] =	ssyncadd.s32 $0xFFFFC000  }
0x15e: {  	_ =	swait.ge [sflag:s28], $0x4000  }
0x15f: {  	[sflag:s28] =	ssyncset.done $0x0  }
0x160: {  	[sflag:s28] =	ssyncadd.s32 $0xFFFFC000  }
0x161: {  	[spmem:s2] =	stream.indirect.scatter.add.f32 [tilespmem:s19], [sflag:$0x3], $0x80, s12, s22, $0xb8;
	[tilespmem:$0x1D000] =	vst v63  }
0x162: {  	_ = 	snop  }
0x163: {  	[tilespmem:s24], [sflag:$0x2] =	stream.indirect.gather [hbm4b:s4+s22], $0x80, s13, s22, $0xb8;
	[tilespmem:$0x1D000] =	vst v63  }
0x164: {  	_ =	swait.ge [sflag:s25], $0x4000  }
0x165: {  	[sflag:s25] =	ssyncset.done $0x0  }
0x166: {  	[sflag:s25] =	ssyncadd.s32 $0xFFFFC000  }
0x167: {  	_ =	swait.ge [sflag:s26], $0x4000  }
0x168: {  	[sflag:s26] =	ssyncset.done $0x0  }
0x169: {  	[sflag:s26] =	ssyncadd.s32 $0xFFFFC000  }
0x16a: {  	[spmem:s2] =	stream.indirect.scatter.add.f32 [tilespmem:s24], [sflag:$0x4], $0x80, s14, s22, $0xb8;
	[tilespmem:$0x1D000] =	vst v63  }
0x16b: {  	_ = 	snop  }
0x16c: {  	[tilespmem:s19], [sflag:$0x1] =	stream.indirect.gather [hbm4b:s4+s22], $0x80, s15, s22, $0xb8;
	[tilespmem:$0x1D000] =	vst v63  }
0x16d: {  	_ =	swait.ge [sflag:s23], $0x4000  }
0x16e: {  	[sflag:s23] =	ssyncset.done $0x0  }
0x16f: {  	[sflag:s23] =	ssyncadd.s32 $0xFFFFC000  }
0x170: {  	_ =	swait.ge [sflag:s28], $0x4000  }
0x171: {  	[sflag:s28] =	ssyncset.done $0x0  }
0x172: {  	[sflag:s28] =	ssyncadd.s32 $0xFFFFC000  }
0x173: {  	[spmem:s2] =	stream.indirect.scatter.add.f32 [tilespmem:s19], [sflag:$0x3], $0x80, s16, s22, $0xb8;
	[tilespmem:$0x1D000] =	vst v63  }
0x174: {  	_ = 	snop  }
0x175: {  	[tilespmem:s24], [sflag:$0x2] =	stream.indirect.gather [hbm4b:s4+s22], $0x80, s6, s22, $0xb8;
	[tilespmem:$0x1D000] =	vst v63  }
0x176: {  	_ =	swait.ge [sflag:s25], $0x4000  }
0x177: {  	[sflag:s25] =	ssyncset.done $0x0  }
0x178: {  	[sflag:s25] =	ssyncadd.s32 $0xFFFFC000  }
0x179: {  	p0 =	sne.s32 s9, $0x1;
	_ =	swait.ge [sflag:s26], $0x4000  }
.Ltmp2:
0x17a: {  	[sflag:s26] =	ssyncset.done $0x0;
	(pc) =	sbr.rel @p0 .LBB2_4-.Ltmp2, $4  }
0x17b: {  	[sflag:s26] =	ssyncadd.s32 $0xFFFFC000  }
0x17c: {  	[spmem:s2] =	stream.indirect.scatter.add.f32 [tilespmem:s24], [sflag:$0x4], $0x80, s7, s22, $0xb8;
	[tilespmem:$0x1D000] =	vst v63  }
0x17d: {  	_ =	swait.ge [sflag:s28], $0x4000  }
0x17e: {  	s9 =	sadd.s32 $0xFFFFFFFF, s9;
	[sflag:s28] =	ssyncset.done $0x0  }
.LBB2_5:
0x17f: {  	[sflag:s28] =	ssyncadd.s32 $0xFFFFC000  }
0x180: {  	[bflag:$0x0] =	sbarrier.arrive $0xFFFF  }
0x181: {  	s18 =	rddreg [dreg:$0x14]  }
0x182: {  	[tilespmem:s19], [sflag:$0x5] =	stream.linear.gather [spmem:s18], $0x4000, $0x38;
	[tilespmem:$0x1D000] =	vst v63  }
0x183: {  	_ =	swait.ge [sflag:s20], $0x4000  }
0x184: {  	[sflag:s20] =	ssyncset.done $0x0  }
0x185: {  	s5 =	rddreg [dreg:$0x19];
	[sflag:s20] =	ssyncadd.s32 $0xFFFFC000  }
0x186: {  	[hbm4b:s5+s3] =	stream.linear.scatter [tilespmem:s19], [sflag:$0x5], $0x4000, $0x38;
	[tilespmem:$0x1D000] =	vst v63  }
0x187: {  	_ =	swait.ge [sflag:s20], $0x4000  }
0x188: {  	[sflag:s20] =	ssyncset.done $0x0  }
0x189: {  	s9 =	rddreg [dreg:$0x15];
	[sflag:s20] =	ssyncadd.s32 $0xFFFFC000  }
0x18a: {  	[tilespmem:s19], [sflag:$0x5] =	stream.linear.gather [spmem:s9], $0x4000, $0x38;
	[tilespmem:$0x1D000] =	vst v63  }
0x18b: {  	_ =	swait.ge [sflag:s20], $0x4000  }
0x18c: {  	[sflag:s20] =	ssyncset.done $0x0  }
0x18d: {  	s10 =	rddreg [dreg:$0x1a];
	[sflag:s20] =	ssyncadd.s32 $0xFFFFC000  }
0x18e: {  	[hbm4b:s10+s3] =	stream.linear.scatter [tilespmem:s19], [sflag:$0x5], $0x4000, $0x38;
	[tilespmem:$0x1D000] =	vst v63  }
0x18f: {  	_ =	swait.ge [sflag:s20], $0x4000  }
0x190: {  	[sflag:s20] =	ssyncset.done $0x0  }
0x191: {  	s17 =	rddreg [dreg:$0x16];
	[sflag:s20] =	ssyncadd.s32 $0xFFFFC000  }
0x192: {  	[tilespmem:s19], [sflag:$0x5] =	stream.linear.gather [spmem:s17], $0x4000, $0x38;
	[tilespmem:$0x1D000] =	vst v63  }
0x193: {  	_ =	swait.ge [sflag:s20], $0x4000  }
0x194: {  	[sflag:s20] =	ssyncset.done $0x0  }
0x195: {  	s9 =	rddreg [dreg:$0x1b];
	[sflag:s20] =	ssyncadd.s32 $0xFFFFC000  }
0x196: {  	[hbm4b:s9+s3] =	stream.linear.scatter [tilespmem:s19], [sflag:$0x5], $0x4000, $0x38;
	[tilespmem:$0x1D000] =	vst v63  }
0x197: {  	_ =	swait.ge [sflag:s20], $0x4000  }
0x198: {  	[sflag:s20] =	ssyncset.done $0x0  }
0x199: {  	s10 =	rddreg [dreg:$0x17];
	[sflag:s20] =	ssyncadd.s32 $0xFFFFC000  }
0x19a: {  	[tilespmem:s19], [sflag:$0x5] =	stream.linear.gather [spmem:s10], $0x4000, $0x38;
	[tilespmem:$0x1D000] =	vst v63  }
0x19b: {  	_ =	swait.ge [sflag:s20], $0x4000  }
0x19c: {  	[sflag:s20] =	ssyncset.done $0x0  }
0x19d: {  	s17 =	rddreg [dreg:$0x1c];
	[sflag:s20] =	ssyncadd.s32 $0xFFFFC000  }
0x19e: {  	[hbm4b:s17+s3] =	stream.linear.scatter [tilespmem:s19], [sflag:$0x5], $0x4000, $0x38;
	[tilespmem:$0x1D000] =	vst v63  }
0x19f: {  	_ =	swait.ge [sflag:s20], $0x4000  }
0x1a0: {  	[sflag:s20] =	ssyncset.done $0x0  }
0x1a1: {  	s9 =	rddreg [dreg:$0x18];
	[sflag:s20] =	ssyncadd.s32 $0xFFFFC000  }
0x1a2: {  	[tilespmem:s19], [sflag:$0x5] =	stream.linear.gather [spmem:s9], $0x4000, $0x38;
	[tilespmem:$0x1D000] =	vst v63  }
0x1a3: {  	_ =	swait.ge [sflag:s20], $0x4000  }
0x1a4: {  	[sflag:s20] =	ssyncset.done $0x0  }
0x1a5: {  	s10 =	rddreg [dreg:$0x1d];
	[sflag:s20] =	ssyncadd.s32 $0xFFFFC000  }
0x1a6: {  	[hbm4b:s10+s3] =	stream.linear.scatter [tilespmem:s19], [sflag:$0x5], $0x4000, $0x38;
	[tilespmem:$0x1D000] =	vst v63  }
0x1a7: {  	_ =	swait.ge [sflag:s20], $0x4000  }
0x1a8: {  	s8 =	sadd.s32 $0x1, s8;
	s17 =	rddreg [dreg:$0x1e]  }
0x1a9: {  	p0 =	sne.s32 s8, s17  }
.Ltmp3:
0x1aa: {  	_ = 	snop;
	(pc) =	sbr.rel @p0 .LBB2_1-.Ltmp3, $3  }
0x1ab: {  	_ =	sdelay $0x1  }
0x1ac: {  	[sflag:s20] =	ssyncset.done $0x0  }
0x1ad: {  	[sflag:s20] =	ssyncadd.s32 $0xFFFFC000  }
0x1ae: {  	_ =	sfence.sel $0x180000  }
0x1af: {  	[bflag:$0x0] =	sbarrier.arrive $0xFFFF  }
0x1b0: {  	_ =	strace $0x9000004A  }
0x1b1: {  	s0 =	stileid.u32;
	[bflag:$0x2] =	sbarrier.arrive $0xFFFF  }
0x1b2: {  	p0 =	sne.s32 s0, $0x0;
	s0 =	rddreg [dreg:$0x2]  }
0x1b3: {  	s0 =	sadd.s32 @!p0 $0x100000, s0  }
0x1b4: {  	[sflag:s0] =	ssyncadd.tile.s32 @!p0 $0x1;
	_ =	shalt  }
.Lfunc_end2:
_tile_overlayer_lowered:
.L_overlay_start_2:
0x1b5: {  	(tag) =	ssettag $0x2  }
0x1b6: {  	s0 =	rddreg [dreg:$0x0];
	s2 =	stileid.u32  }
0x1b7: {  	s1 =	rddreg [dreg:$0x1];
	p0 =	sne.s32 s2, $0x0  }
0x1b8: {  	s3 =	rddreg [dreg:$0x2];
	[bflag:$0x3] =	sbarrier.arrive $0xFFFF;
	s2 =	simm.s32 @!p0 $0x1C05  }
0x1b9: {  	[timem:s3], [sflag:s2] =	dma.local @!p0 [hbm:s0], s1  }
0x1ba: {  	s0 =	simm.s32 @!p0 $0x5  }
0x1bb: {  	_ =	swait.ge @!p0 [sflag:s0], s1  }
0x1bc: {  	s1 =	ssub.s32 @!p0 $0x0, s1;
	[sflag:s0] =	ssyncset.done @!p0 $0x0  }
0x1bd: {  	[sflag:s0] =	ssyncadd.s32 @!p0 s1  }
0x1be: {  	[bflag:$0x3] =	sbarrier.arrive $0xFFFF  }
0x1bf: {  	_ =	shalt  }

// kernel: kernel.14.cloned.1.call-start
scs
__scs_entry_jumppad:
0x0: {  	(pc) =	sbr.rel $0x88, $3  }
0x1: {  	(tag) =	ssettag $0x0;
	lr =	simm.s32 $0x1  }
0x2: {  	[smem:$0x3F95] =	sst lr;
	_ =	strace $0xD0000000  }
0x3: {  	_ = 	snop  }
0x4: {  	_ = 	snop  }
0x5: {  	_ = 	snop  }
0x6: {  	_ = 	snop  }
0x7: {  	_ = 	snop  }
__scs_overlays_trampoline_lowered:
0x8: {  	[smem:$0x3FA4] =	sst s0  }
0x9: {  	[smem:$0x3FA5] =	sst s1  }
0xa: {  	[smem:$0x3FA6] =	sst s2  }
0xb: {  	[smem:$0x3FA7] =	sst s3  }
0xc: {  	[smem:$0x3FA8] =	sst s4  }
0xd: {  	[smem:$0x3FA9] =	sst s5  }
0xe: {  	[smem:$0x3FAA] =	sst s6  }
0xf: {  	[smem:$0x3FAB] =	sst s7  }
0x10: {  	[smem:$0x3FAC] =	sst s8  }
0x11: {  	[smem:$0x3FAD] =	sst s9;
	s0 =	simm.s32 @!p0 $0x0  }
0x12: {  	s1 =	sld [smem:$0x3F93];
	s0 =	simm.s32 @p0 $0x1  }
0x13: {  	[smem:$0x3FAE] =	sst s0;
	s0 =	simm.s32 @!p1 $0x0  }
0x14: {  	s2 =	sld [smem:$0x3F92];
	s0 =	simm.s32 @p1 $0x1  }
0x15: {  	[smem:$0x3FAF] =	sst s0;
	s0 =	simm.s32 @!p2 $0x0  }
0x16: {  	s3 =	sld [smem:$0x3FDB];
	s0 =	simm.s32 @p2 $0x1  }
0x17: {  	s4 =	simm.s32 $0x1BF5;
	[smem:$0x3FB1] =	sst s0  }
0x18: {  	s0 =	sld [smem:$0x3F94];
	_ =	swait.ge [sflag:s4], $0x0  }
0x19: {  	s7 =	sld [smem:$0x3F95]  }
0x1a: {  	s8 =	sadd.s32 $0xFFFFE003, lr  }
0x1b: {  	s9 =	sadd.s32 $0xFFFFFEF7, lr;
	s5 =	simm.s32 $0xFFFFFFFF;
	p2 =	slt.u32 s8, $0xFFFFF086  }
0x1c: {  	p1 =	slt.u32 s9, $0xF7A;
	s5 =	simm.s32 @!p2 $0x0  }
0x1d: {  	s5 =	simm.s32 @p1 $0x1;
	p0 =	seq.s32 s7, s2  }
0x1e: {  	s7 =	smul.u32 @!p0 $0xF7A, s2;
	p2 =	seq.s32 @!p0 s5, $0x0  }
0x1f: {  	s9 =	smul.u32 $0xF7A, s1;
	s8 =	simm.s32 @!p0 $0x1BF5;
	p2 =	por !p2, p0  }
0x20: {  	[sflag:s8] =	ssyncset.s32 @!p0 $0xFFFFF086;
	s6 =	sadd.s32 @!p0 s3, s7;
	s7 =	simm.s32 @!p0 $0x108  }
0x21: {  	s3 =	sadd.s32 s3, s9;
	s6 =	sadd.s32 @!p0 $0x88, s6;
	s7 =	simm.s32 @p2 $0x1082  }
0x22: {  	[simem:s7], [sflag:s8] =	dma.local @!p0 [hbm:s6], $0xF7A  }
0x23: {  	s9 =	sor.u32 $0xD0000000, s2;
	s6 =	simm.s32 $0x108;
	_ =	swait.ge @!p0 [sflag:s8], $0x0  }
0x24: {  	s3 =	sadd.s32 $0x88, s3;
	s6 =	simm.s32 @!p1 $0x1082;
	[sflag:s4] =	ssyncset.s32 $0xFFFFF086  }
0x25: {  	[simem:s6], [sflag:s4] =	dma.local [hbm:s3], $0xF7A  }
0x26: {  	[smem:$0x3F95] =	sst s1;
	(tag) =	ssettag s2;
	_ =	strace s9  }
0x27: {  	s1 =	sld [smem:$0x3FA5]  }
0x28: {  	s2 =	sld [smem:$0x3FA6]  }
0x29: {  	s4 =	sld [smem:$0x3FA8]  }
0x2a: {  	p0 =	seq.s32 s5, $0x0;
	s5 =	sld [smem:$0x3FA9]  }
0x2b: {  	s6 =	sld [smem:$0x3FAA]  }
0x2c: {  	s7 =	sld [smem:$0x3FAB]  }
0x2d: {  	s3 =	simm.s32 $0x108;
	s8 =	sld [smem:$0x3FAC]  }
0x2e: {  	s3 =	simm.s32 @!p0 $0x1082;
	s9 =	sld [smem:$0x3FAD]  }
0x2f: {  	lr =	sadd.s32 s0, s3;
	s0 =	sld [smem:$0x3FA4]  }
0x30: {  	s3 =	sld [smem:$0x3FA7]  }
0x31: {  	[smem:$0x3FB0] =	sst s10  }
0x32: {  	s10 =	sld [smem:$0x3FAE];
	_ =	sdelay $0x3  }
0x33: {  	p0 =	seq.s32 s10, $0x1;
	s10 =	sld [smem:$0x3FB0];
	_ =	sdelay $0x3  }
0x34: {  	[smem:$0x3FB0] =	sst s10  }
0x35: {  	s10 =	sld [smem:$0x3FAF];
	_ =	sdelay $0x3  }
0x36: {  	p1 =	seq.s32 s10, $0x1;
	s10 =	sld [smem:$0x3FB0];
	_ =	sdelay $0x3  }
0x37: {  	[smem:$0x3FB0] =	sst s10  }
0x38: {  	s10 =	sld [smem:$0x3FB1]  }
0x39: {  	_ = 	snop;
	(pc) =	sbr.ind lr, $3  }
0x3a: {  	_ = 	snop  }
0x3b: {  	_ = 	snop  }
0x3c: {  	p2 =	seq.s32 s10, $0x1;
	s10 =	sld [smem:$0x3FB0]  }
0x3d: {  	_ =	shalt  }
0x3e: {  	_ =	shalt  }
0x3f: {  	_ =	shalt  }
0x40: {  	_ =	shalt  }
0x41: {  	_ =	shalt  }
0x42: {  	_ =	shalt  }
0x43: {  	_ =	shalt  }
0x44: {  	_ =	shalt  }
0x45: {  	_ =	shalt  }
0x46: {  	_ =	shalt  }
0x47: {  	_ =	shalt  }
0x48: {  	_ =	shalt  }
0x49: {  	_ =	shalt  }
0x4a: {  	_ =	shalt  }
0x4b: {  	_ =	shalt  }
0x4c: {  	_ =	shalt  }
0x4d: {  	_ =	shalt  }
0x4e: {  	_ =	shalt  }
0x4f: {  	_ =	shalt  }
0x50: {  	_ =	shalt  }
0x51: {  	_ =	shalt  }
0x52: {  	_ =	shalt  }
0x53: {  	_ =	shalt  }
0x54: {  	_ =	shalt  }
0x55: {  	_ =	shalt  }
0x56: {  	_ =	shalt  }
0x57: {  	_ =	shalt  }
0x58: {  	_ =	shalt  }
0x59: {  	_ =	shalt  }
0x5a: {  	_ =	shalt  }
0x5b: {  	_ =	shalt  }
0x5c: {  	_ =	shalt  }
0x5d: {  	_ =	shalt  }
0x5e: {  	_ =	shalt  }
0x5f: {  	_ =	shalt  }
0x60: {  	_ =	shalt  }
0x61: {  	_ =	shalt  }
0x62: {  	_ =	shalt  }
0x63: {  	_ =	shalt  }
0x64: {  	_ =	shalt  }
0x65: {  	_ =	shalt  }
0x66: {  	_ =	shalt  }
0x67: {  	_ =	shalt  }
0x68: {  	_ =	shalt  }
0x69: {  	_ =	shalt  }
0x6a: {  	_ =	shalt  }
0x6b: {  	_ =	shalt  }
0x6c: {  	_ =	shalt  }
0x6d: {  	_ =	shalt  }
0x6e: {  	_ =	shalt  }
0x6f: {  	_ =	shalt  }
0x70: {  	_ =	shalt  }
0x71: {  	_ =	shalt  }
0x72: {  	_ =	shalt  }
0x73: {  	_ =	shalt  }
0x74: {  	_ =	shalt  }
0x75: {  	_ =	shalt  }
0x76: {  	_ =	shalt  }
0x77: {  	_ =	shalt  }
0x78: {  	_ =	shalt  }
0x79: {  	_ =	shalt  }
0x7a: {  	_ =	shalt  }
0x7b: {  	_ =	shalt  }
0x7c: {  	_ =	shalt  }
0x7d: {  	_ =	shalt  }
0x7e: {  	_ =	shalt  }
0x7f: {  	_ =	shalt  }
0x80: {  	_ =	shalt  }
0x81: {  	_ =	shalt  }
0x82: {  	_ =	shalt  }
0x83: {  	_ =	shalt  }
0x84: {  	_ =	shalt  }
0x85: {  	_ =	shalt  }
0x86: {  	_ =	shalt  }
0x87: {  	_ =	shalt  }
.Lfunc_end0:
.L_simem_size_0:
called_computation.2_lowered:
.L_overlay_start_0:
0x88: {  	s2 =	sld [smem:$0x3FD9]  }
0x89: {  	s3 =	sld [smem:$0x3FFE];
	_ =	sdelay $0x1  }
0x8a: {  	s1 =	srdreg.scid  }
0x8b: {  	s0 =	sand.u32 $0x1, s1  }
0x8c: {  	s16 =	sshll.u32 s0, $0xA;
	s2 =	sadd.s32 s3, s2  }
0x8d: {  	s2 =	sadd.s32 s2, s16  }
0x8e: {  	[smem:$0x3FBC] =	sst s2  }
0x8f: {  	_ = 	snop  }
0x90: {  	(tm) =	ssettm $0x1  }
0x91: {  	s17 =	sld [smem:$0x3FFB];
	_ =	sdelay $0x3  }
0x92: {  	_ =	strace s17  }
0x93: {  	s2 =	sld [smem:$0x3FFC];
	_ =	sdelay $0x3  }
0x94: {  	_ =	strace s2  }
0x95: {  	s2 =	sld [smem:$0x3FFD];
	_ =	sdelay $0x3  }
0x96: {  	_ =	strace s2  }
0x97: {  	_ =	strace $0x8FFFFFFF  }
0x98: {  	s18 =	sld [smem:$0x3FDB];
	_ =	sdelay $0x1  }
0x99: {  	s19 =	simm.s32 $_scs_section_size  }
0x9a: {  	s4 =	simm.s32 $_size__tile_overlayer_lowered;
	s5 =	simm.s32 $_tile_overlayer_lowered  }
0x9b: {  	s22 =	simm.s32 $0x1BFF;
	s21 =	sshll.u32 s5, $0x1;
	s2 =	sadd.s32 s19, s18  }
0x9c: {  	s6 =	simm.s32 $0x0;
	s20 =	sshll.u32 s4, $0x1;
	s4 =	sadd.s32 s21, s2  }
0x9d: {  	[timem:s6], [sflag:s22] =	dma.local [hbm:s4], s20  }
0x9e: {  	_ =	swait.ge [sflag:s22], s20  }
0x9f: {  	s3 =	ssub.s32 $0x0, s20;
	[sflag:s22] =	ssyncset.done $0x0  }
0xa0: {  	[sflag:s22] =	ssyncadd.s32 s3;
	_ =	sdelay $0x1  }
0xa1: {  	s23 =	simm.s32 $0x1B8B  }
0xa2: {  	_ =	swait.ge [sflag:s23], $0x1  }
0xa3: {  	[sflag:s23] =	ssyncset.done $0x0  }
0xa4: {  	s25 =	simm.s32 $0x1B8E;
	s24 =	sld [smem:$0x3FFE];
	[sflag:s23] =	ssyncadd.s32 $0xFFFFFFFF  }
0xa5: {  	s26 =	simm.s32 $execute0_lowered;
	[smem:$0x3FD2] =	sst s25  }
0xa6: {  	s4 =	sshll.u32 s26, $0x1;
	_ =	strace $0x8000004C;
	[dreg:$0x1] =	wrdreg $0xFFFFFFFF  }
0xa7: {  	s28 =	simm.s32 $_size_execute0_lowered;
	s2 =	sadd.s32 s2, s4;
	[dreg:$0x0] =	wrdreg $0x0  }
0xa8: {  	s4 =	sshll.u32 s28, $0x1;
	[dreg:$0x2] =	wrdreg s2  }
0xa9: {  	[dreg:$0x3] =	wrdreg s4  }
0xaa: {  	[dreg:$0x4] =	wrdreg $0xC0  }
0xab: {  	_ =	task [dreg:s6], $0x5FFFF  }
0xac: {  	[dreg:$0x1] =	wrdreg $0xFFFFFFFF  }
0xad: {  	[dreg:$0x0] =	wrdreg $0x60  }
0xae: {  	[dreg:$0x2] =	wrdreg s24  }
0xaf: {  	[dreg:$0x3] =	wrdreg $0x90000  }
0xb0: {  	[dreg:$0x4] =	wrdreg $0x9  }
0xb1: {  	_ =	task.clear_ibuf [dreg:s6], $0x5FFFF;
	_ =	strace $0x9000004C  }
0xb2: {  	s29 =	simm.s32 $0x9;
	_ =	strace $0x8000004E  }
0xb3: {  	_ =	swait.ge [sflag:s29], $0x1  }
0xb4: {  	[sflag:s29] =	ssyncadd.s32 $0xFFFFFFFF  }
0xb5: {  	_ =	strace $0x9000004E  }
0xb6: {  	_ =	sfence  }
0xb7: {  	s30 =	sld [smem:$0x0];
	_ =	sdelay $0x2  }
0xb8: {  	s31 =	sshll.u32 s1, $0xD;
	s1 =	sshrl.u32 s1, $0x2  }
0xb9: {  	s3 =	sand.u32 $0x4000, s31;
	s1 =	sadd.s32 s1, s30  }
0xba: {  	s0 =	sor.u32 s3, s0;
	s1 =	sshll.u32 s1, $0x11  }
0xbb: {  	s0 =	sor.u32 s1, s0  }
0xbc: {  	s0 =	sadd.s32 $0x8F2B, s0  }
0xbd: {  	[sflag:s0] =	ssyncadd.remote.s32 $0x1  }
0xbe: {  	_ =	sfence.sel $0xFFFF  }
0xbf: {  	[dreg:$0x0] =	wrdreg $0xFFFFFFFF;
	(pc) =	sbr.abs _section_cstart, $3  }
0xc0: {  	[dreg:$0x1] =	wrdreg $0xFFFFFFFF  }
0xc1: {  	_ =	task.clear_ibuf [dreg:s6], $0x2FFFF;
	_ =	strace $0x9FFFFFFF  }
0xc2: {  	(tm) =	ssettm $0x7FFFFFFF  }
0xc3: {  	_ =	shalt  }
tec
execute0_lowered:
.L_overlay_start_1:
0x0: {  	(tag) =	ssettag $0x1  }
0x1: {  	s0 =	srdreg.scid;
	s1 =	rddreg [dreg:$0x0]  }
0x2: {  	s8 =	stileid.u32;
	s2 =	rddreg [dreg:$0x1];
	s3 =	simm.s32 $0x0  }
0x3: {  	s24 =	simm.s32 $0x880;
	s26 =	simm.s32 $0x100;
	s13 =	simm.s32 $0xA00  }
0x4: {  	s15 =	simm.s32 $0x280;
	s28 =	simm.s32 $0x4;
	s29 =	simm.s32 $0xC80  }
0x5: {  	s30 =	simm.s32 $0x500;
	s31 =	simm.s32 $0xD00;
	[smem:$0x7FF] =	sst s3  }
0x6: {  	s4 =	smul.u32 $0x5000, s8;
	_ =	strace $0x8000004D;
	[dreg:$0x3] =	wrdreg s24  }
0x7: {  	s0 =	sand.u32 $0x1, s0;
	s8 =	smul.u32 $0x14000, s8;
	[dreg:$0x4] =	wrdreg s26  }
0x8: {  	s5 =	smul.u32 $0x3800, s0;
	s6 =	ssub.s32 $0x2, s0;
	[dreg:$0x9] =	wrdreg s13  }
0x9: {  	p0 =	seq.s32 s0, $0x0;
	s0 =	smul.u32 $0x140000, s0;
	[dreg:$0xa] =	wrdreg s15  }
0xa: {  	s24 =	simm.s32 $0x400;
	s26 =	simm.s32 $0x480;
	s13 =	simm.s32 $0x680  }
0xb: {  	s15 =	simm.s32 $0x700;
	s7 =	sshrl.u32 s6, $0x1;
	s18 =	sadd.s32 s8, s2  }
0xc: {  	s17 =	sadd.s32 $0x4000, s8;
	s19 =	sadd.s32 $0x8000, s8;
	s20 =	sadd.s32 $0xC000, s8  }
0xd: {  	s11 =	sadd.s32 $0x10000, s8;
	[dreg:$0x10] =	wrdreg s24;
	s24 =	simm.s32 $0x5000  }
0xe: {  	[dreg:$0x12] =	wrdreg s26;
	s26 =	simm.s32 $0x3;
	s4 =	sadd.s32 s5, s4  }
0xf: {  	s6 =	ssub.s32 s6, s7;
	s7 =	simm.s32 $0x7;
	s9 =	sadd.s32 s17, s2  }
0x10: {  	s10 =	sadd.s32 s19, s2;
	s12 =	sadd.s32 s20, s2;
	[dreg:$0x14] =	wrdreg s18  }
0x11: {  	s21 =	sadd.s32 s11, s2;
	s8 =	sadd.s32 s8, s0;
	[dreg:$0x15] =	wrdreg s9  }
0x12: {  	s25 =	sadd.s32 s0, s20;
	s20 =	simm.s32 $0x300;
	[dreg:$0x16] =	wrdreg s10  }
0x13: {  	s5 =	sshrl.u32 s4, $0x3;
	s4 =	sadd.s32 $0xC400, s1;
	[dreg:$0x17] =	wrdreg s12  }
0x14: {  	s7 =	simm.s32 @!p0 $0x3;
	[dreg:$0x18] =	wrdreg s21;
	s8 =	sshrl.u32 s8, $0x3  }
0x15: {  	s9 =	sadd.s32 s0, s19;
	s10 =	simm.s32 $0x180;
	[dreg:$0xc] =	wrdreg s20  }
0x16: {  	s12 =	simm.s32 $0x200;
	s14 =	smax.u32 s6, $0x1;
	[dreg:$0x13] =	wrdreg s7  }
0x17: {  	s21 =	simm.s32 $0xB00;
	s20 =	simm.s32 $0x5;
	[dreg:$0x6] =	wrdreg s10  }
0x18: {  	s6 =	simm.s32 $0x780;
	s5 =	sadd.s32 s5, s1;
	[dreg:$0x8] =	wrdreg s12  }
0x19: {  	s1 =	sadd.s32 $0x47600, s1;
	s7 =	sadd.s32 s0, s17;
	[dreg:$0x1e] =	wrdreg s14  }
0x1a: {  	s22 =	sshrl.u32 s9, $0x3;
	s9 =	simm.s32 $0x900;
	[dreg:$0xd] =	wrdreg s21  }
0x1b: {  	s0 =	sadd.s32 s0, s11;
	s11 =	simm.s32 $0x980;
	[dreg:$0x5] =	wrdreg s9  }
0x1c: {  	s17 =	simm.s32 $0xA80;
	s21 =	simm.s32 $0x800;
	[dreg:$0x7] =	wrdreg s11  }
0x1d: {  	s12 =	simm.s32 $0xE00;
	s8 =	sadd.s32 s1, s8;
	[dreg:$0xb] =	wrdreg s17  }
0x1e: {  	s14 =	simm.s32 $0xE80;
	s23 =	sadd.s32 s1, s22;
	[dreg:$0x19] =	wrdreg s8  }
0x1f: {  	s7 =	sshrl.u32 s7, $0x3;
	s16 =	sadd.s32 $0x2400, s5;
	[dreg:$0x1b] =	wrdreg s23  }
0x20: {  	s0 =	sshrl.u32 s0, $0x3;
	s19 =	sadd.s32 $0x3D600, s5;
	[dreg:$0x1f] =	wrdreg s16  }
0x21: {  	s22 =	simm.s32 $0x380;
	s11 =	simm.s32 $0x600;
	[smem:$0x7FD] =	sst s19  }
0x22: {  	s7 =	sadd.s32 s1, s7;
	s8 =	sshrl.u32 s25, $0x3;
	[dreg:$0xe] =	wrdreg s22  }
0x23: {  	s0 =	sadd.s32 s1, s0;
	s19 =	simm.s32 $0x1000;
	[dreg:$0x1a] =	wrdreg s7  }
0x24: {  	s23 =	simm.s32 $0xB80;
	s22 =	simm.s32 $0x80;
	[dreg:$0x1d] =	wrdreg s0  }
0x25: {  	s25 =	simm.s32 $0xC00;
	s16 =	simm.s32 $0xF00;
	[dreg:$0xf] =	wrdreg s23  }
0x26: {  	s8 =	sadd.s32 s1, s8;
	s23 =	simm.s32 $0x1;
	[dreg:$0x11] =	wrdreg s25  }
0x27: {  	s25 =	simm.s32 $0x2;
	s1 =	simm.s32 $0x580;
	s0 =	simm.s32 $0xD80  }
0x28: {  	v0 =	vimm.f32 $0.0e+00;
	s7 =	simm.s32 $0xF80;
	[dreg:$0x1c] =	wrdreg s8;
	s8 =	simm.s32 $0x0  }
.LBB2_1:
0x29: {  	s9 =	simm.s32 $0x0;
	s17 =	simm.s32 $0x200  }
.LBB2_2:
0x2a: {  	p0 =	sne.s32 s17, $0xFE00;
	[tilespmem:s9+$0x1070] =	vst v0  }
0x2b: {  	[tilespmem:s9+$0x1000] =	vst v0  }
0x2c: {  	[tilespmem:s9+$0x1010] =	vst v0  }
.Ltmp0:
0x2d: {  	[tilespmem:s9+$0x1020] =	vst v0;
	(pc) =	sbr.rel @p0 .LBB2_2-.Ltmp0, $4  }
0x2e: {  	[tilespmem:s9+$0x1030] =	vst v0  }
0x2f: {  	[tilespmem:s9+$0x1040] =	vst v0  }
0x30: {  	[tilespmem:s9+$0x1050] =	vst v0  }
0x31: {  	[tilespmem:s9+$0x1060] =	vst v0;
	s9 =	sshra.s32 s17, $0x2;
	s17 =	sadd.s32 $0x200, s17  }
0x32: {  	[tilespmem:s9+$0x1070] =	vst v0  }
0x33: {  	[tilespmem:s9+$0x1000] =	vst v0  }
0x34: {  	[tilespmem:s9+$0x1010] =	vst v0  }
0x35: {  	[tilespmem:s9+$0x1020] =	vst v0  }
0x36: {  	[tilespmem:s9+$0x1030] =	vst v0  }
0x37: {  	[tilespmem:s9+$0x1040] =	vst v0  }
0x38: {  	[tilespmem:s9+$0x1050] =	vst v0  }
0x39: {  	[tilespmem:s9+$0x1060] =	vst v0  }
0x3a: {  	[spmem:s18] =	stream.linear.scatter [tilespmem:s19], [sflag:$0x5], $0x4000, $0x38;
	[tilespmem:$0x1D000] =	vst v63  }
0x3b: {  	_ =	swait.ge [sflag:s20], $0x4000  }
0x3c: {  	[sflag:s20] =	ssyncset.done $0x0  }
0x3d: {  	s5 =	rddreg [dreg:$0x15];
	[sflag:s20] =	ssyncadd.s32 $0xFFFFC000  }
0x3e: {  	[spmem:s5] =	stream.linear.scatter [tilespmem:s19], [sflag:$0x5], $0x4000, $0x38;
	[tilespmem:$0x1D000] =	vst v63  }
0x3f: {  	_ =	swait.ge [sflag:s20], $0x4000  }
0x40: {  	[sflag:s20] =	ssyncset.done $0x0  }
0x41: {  	s10 =	rddreg [dreg:$0x16];
	[sflag:s20] =	ssyncadd.s32 $0xFFFFC000  }
0x42: {  	[spmem:s10] =	stream.linear.scatter [tilespmem:s19], [sflag:$0x5], $0x4000, $0x38;
	[tilespmem:$0x1D000] =	vst v63  }
0x43: {  	_ =	swait.ge [sflag:s20], $0x4000  }
0x44: {  	[sflag:s20] =	ssyncset.done $0x0  }
0x45: {  	s17 =	rddreg [dreg:$0x17];
	[sflag:s20] =	ssyncadd.s32 $0xFFFFC000  }
0x46: {  	[spmem:s17] =	stream.linear.scatter [tilespmem:s19], [sflag:$0x5], $0x4000, $0x38;
	[tilespmem:$0x1D000] =	vst v63  }
0x47: {  	_ =	swait.ge [sflag:s20], $0x4000  }
0x48: {  	[sflag:s20] =	ssyncset.done $0x0  }
0x49: {  	s18 =	rddreg [dreg:$0x18];
	[sflag:s20] =	ssyncadd.s32 $0xFFFFC000  }
0x4a: {  	[spmem:s18] =	stream.linear.scatter [tilespmem:s19], [sflag:$0x5], $0x4000, $0x38;
	[tilespmem:$0x1D000] =	vst v63  }
0x4b: {  	_ =	swait.ge [sflag:s20], $0x4000  }
0x4c: {  	[sflag:s20] =	ssyncset.done $0x0  }
0x4d: {  	[sflag:s20] =	ssyncadd.s32 $0xFFFFC000  }
0x4e: {  	[bflag:$0x0] =	sbarrier.arrive $0xFFFF  }
0x4f: {  	s18 =	sld [smem:$0x7FD];
	_ =	sdelay $0x2  }
0x50: {  	[tilespmem:s3], [sflag:$0x5] =	stream.linear.gather [hbm4b:s18+s3], $0x800, $0x38;
	[tilespmem:$0x1D000] =	vst v63  }
0x51: {  	_ =	swait.ge [sflag:s20], $0x800  }
0x52: {  	[sflag:s20] =	ssyncset.done $0x0  }
0x53: {  	s10 =	rddreg [dreg:$0x1f];
	[sflag:s20] =	ssyncadd.s32 $0xFFFFF800  }
0x54: {  	[tilespmem:s21], [sflag:$0x5] =	stream.linear.gather [hbm4b:s10+s3], $0x800, $0x38;
	[tilespmem:$0x1D000] =	vst v63  }
0x55: {  	_ =	swait.ge [sflag:s20], $0x800  }
0x56: {  	[sflag:s20] =	ssyncset.done $0x0  }
0x57: {  	[sflag:s20] =	ssyncadd.s32 $0xFFFFF800  }
0x58: {  	[tilespmem:s19], [sflag:$0x1] =	stream.indirect.gather [hbm4b:s4+s22], $0x80, s3, s22, $0xb8;
	[tilespmem:$0x1D000] =	vst v63  }
0x59: {  	_ =	swait.ge [sflag:s23], $0x4000  }
0x5a: {  	[sflag:s23] =	ssyncset.done $0x0  }
0x5b: {  	[sflag:s23] =	ssyncadd.s32 $0xFFFFC000  }
0x5c: {  	[spmem:s2] =	stream.indirect.scatter.add.f32 [tilespmem:s19], [sflag:$0x3], $0x80, s21, s22, $0xb8;
	[tilespmem:$0x1D000] =	vst v63  }
0x5d: {  	_ = 	snop  }
0x5e: {  	[tilespmem:s24], [sflag:$0x2] =	stream.indirect.gather [hbm4b:s4+s22], $0x80, s22, s22, $0xb8;
	[tilespmem:$0x1D000] =	vst v63  }
0x5f: {  	_ =	swait.ge [sflag:s25], $0x4000  }
0x60: {  	[sflag:s25] =	ssyncset.done $0x0  }
0x61: {  	[sflag:s25] =	ssyncadd.s32 $0xFFFFC000  }
0x62: {  	_ =	swait.ge [sflag:s26], $0x4000  }
0x63: {  	[sflag:s26] =	ssyncset.done $0x0  }
0x64: {  	s5 =	rddreg [dreg:$0x3];
	[sflag:s26] =	ssyncadd.s32 $0xFFFFC000  }
0x65: {  	[spmem:s2] =	stream.indirect.scatter.add.f32 [tilespmem:s24], [sflag:$0x4], $0x80, s5, s22, $0xb8;
	[tilespmem:$0x1D000] =	vst v63  }
0x66: {  	s17 =	rddreg [dreg:$0x4]  }
0x67: {  	[tilespmem:s19], [sflag:$0x1] =	stream.indirect.gather [hbm4b:s4+s22], $0x80, s17, s22, $0xb8;
	[tilespmem:$0x1D000] =	vst v63  }
0x68: {  	_ =	swait.ge [sflag:s23], $0x4000  }
0x69: {  	[sflag:s23] =	ssyncset.done $0x0  }
0x6a: {  	[sflag:s23] =	ssyncadd.s32 $0xFFFFC000  }
0x6b: {  	_ =	swait.ge [sflag:s28], $0x4000  }
0x6c: {  	[sflag:s28] =	ssyncset.done $0x0  }
0x6d: {  	s17 =	rddreg [dreg:$0x5];
	[sflag:s28] =	ssyncadd.s32 $0xFFFFC000  }
0x6e: {  	[spmem:s2] =	stream.indirect.scatter.add.f32 [tilespmem:s19], [sflag:$0x3], $0x80, s17, s22, $0xb8;
	[tilespmem:$0x1D000] =	vst v63  }
0x6f: {  	s5 =	rddreg [dreg:$0x6]  }
0x70: {  	[tilespmem:s24], [sflag:$0x2] =	stream.indirect.gather [hbm4b:s4+s22], $0x80, s5, s22, $0xb8;
	[tilespmem:$0x1D000] =	vst v63  }
0x71: {  	_ =	swait.ge [sflag:s25], $0x4000  }
0x72: {  	[sflag:s25] =	ssyncset.done $0x0  }
0x73: {  	[sflag:s25] =	ssyncadd.s32 $0xFFFFC000  }
0x74: {  	_ =	swait.ge [sflag:s26], $0x4000  }
0x75: {  	[sflag:s26] =	ssyncset.done $0x0  }
0x76: {  	s17 =	rddreg [dreg:$0x7];
	[sflag:s26] =	ssyncadd.s32 $0xFFFFC000  }
0x77: {  	[spmem:s2] =	stream.indirect.scatter.add.f32 [tilespmem:s24], [sflag:$0x4], $0x80, s17, s22, $0xb8;
	[tilespmem:$0x1D000] =	vst v63  }
0x78: {  	s5 =	rddreg [dreg:$0x8]  }
0x79: {  	[tilespmem:s19], [sflag:$0x1] =	stream.indirect.gather [hbm4b:s4+s22], $0x80, s5, s22, $0xb8;
	[tilespmem:$0x1D000] =	vst v63  }
0x7a: {  	_ =	swait.ge [sflag:s23], $0x4000  }
0x7b: {  	[sflag:s23] =	ssyncset.done $0x0  }
0x7c: {  	[sflag:s23] =	ssyncadd.s32 $0xFFFFC000  }
0x7d: {  	_ =	swait.ge [sflag:s28], $0x4000  }
0x7e: {  	[sflag:s28] =	ssyncset.done $0x0  }
0x7f: {  	s17 =	rddreg [dreg:$0x9];
	[sflag:s28] =	ssyncadd.s32 $0xFFFFC000  }
0x80: {  	[spmem:s2] =	stream.indirect.scatter.add.f32 [tilespmem:s19], [sflag:$0x3], $0x80, s17, s22, $0xb8;
	[tilespmem:$0x1D000] =	vst v63  }
0x81: {  	s5 =	rddreg [dreg:$0xa]  }
0x82: {  	[tilespmem:s24], [sflag:$0x2] =	stream.indirect.gather [hbm4b:s4+s22], $0x80, s5, s22, $0xb8;
	[tilespmem:$0x1D000] =	vst v63  }
0x83: {  	_ =	swait.ge [sflag:s25], $0x4000  }
0x84: {  	[sflag:s25] =	ssyncset.done $0x0  }
0x85: {  	[sflag:s25] =	ssyncadd.s32 $0xFFFFC000  }
0x86: {  	_ =	swait.ge [sflag:s26], $0x4000  }
0x87: {  	[sflag:s26] =	ssyncset.done $0x0  }
0x88: {  	s17 =	rddreg [dreg:$0xb];
	[sflag:s26] =	ssyncadd.s32 $0xFFFFC000  }
0x89: {  	[spmem:s2] =	stream.indirect.scatter.add.f32 [tilespmem:s24], [sflag:$0x4], $0x80, s17, s22, $0xb8;
	[tilespmem:$0x1D000] =	vst v63  }
0x8a: {  	s5 =	rddreg [dreg:$0xc]  }
0x8b: {  	[tilespmem:s19], [sflag:$0x1] =	stream.indirect.gather [hbm4b:s4+s22], $0x80, s5, s22, $0xb8;
	[tilespmem:$0x1D000] =	vst v63  }
0x8c: {  	_ =	swait.ge [sflag:s23], $0x4000  }
0x8d: {  	[sflag:s23] =	ssyncset.done $0x0  }
0x8e: {  	[sflag:s23] =	ssyncadd.s32 $0xFFFFC000  }
0x8f: {  	_ =	swait.ge [sflag:s28], $0x4000  }
0x90: {  	[sflag:s28] =	ssyncset.done $0x0  }
0x91: {  	s17 =	rddreg [dreg:$0xd];
	[sflag:s28] =	ssyncadd.s32 $0xFFFFC000  }
0x92: {  	[spmem:s2] =	stream.indirect.scatter.add.f32 [tilespmem:s19], [sflag:$0x3], $0x80, s17, s22, $0xb8;
	[tilespmem:$0x1D000] =	vst v63  }
0x93: {  	s5 =	rddreg [dreg:$0xe]  }
0x94: {  	[tilespmem:s24], [sflag:$0x2] =	stream.indirect.gather [hbm4b:s4+s22], $0x80, s5, s22, $0xb8;
	[tilespmem:$0x1D000] =	vst v63  }
0x95: {  	_ =	swait.ge [sflag:s25], $0x4000  }
0x96: {  	[sflag:s25] =	ssyncset.done $0x0  }
0x97: {  	[sflag:s25] =	ssyncadd.s32 $0xFFFFC000  }
0x98: {  	_ =	swait.ge [sflag:s26], $0x4000  }
0x99: {  	[sflag:s26] =	ssyncset.done $0x0  }
0x9a: {  	s17 =	rddreg [dreg:$0xf];
	[sflag:s26] =	ssyncadd.s32 $0xFFFFC000  }
0x9b: {  	[spmem:s2] =	stream.indirect.scatter.add.f32 [tilespmem:s24], [sflag:$0x4], $0x80, s17, s22, $0xb8;
	[tilespmem:$0x1D000] =	vst v63  }
0x9c: {  	s5 =	rddreg [dreg:$0x10]  }
0x9d: {  	[tilespmem:s19], [sflag:$0x1] =	stream.indirect.gather [hbm4b:s4+s22], $0x80, s5, s22, $0xb8;
	[tilespmem:$0x1D000] =	vst v63  }
0x9e: {  	_ =	swait.ge [sflag:s23], $0x4000  }
0x9f: {  	[sflag:s23] =	ssyncset.done $0x0  }
0xa0: {  	[sflag:s23] =	ssyncadd.s32 $0xFFFFC000  }
0xa1: {  	_ =	swait.ge [sflag:s28], $0x4000  }
0xa2: {  	[sflag:s28] =	ssyncset.done $0x0  }
0xa3: {  	s17 =	rddreg [dreg:$0x11];
	[sflag:s28] =	ssyncadd.s32 $0xFFFFC000  }
0xa4: {  	[spmem:s2] =	stream.indirect.scatter.add.f32 [tilespmem:s19], [sflag:$0x3], $0x80, s17, s22, $0xb8;
	[tilespmem:$0x1D000] =	vst v63  }
0xa5: {  	s5 =	rddreg [dreg:$0x12]  }
0xa6: {  	[tilespmem:s24], [sflag:$0x2] =	stream.indirect.gather [hbm4b:s4+s22], $0x80, s5, s22, $0xb8;
	[tilespmem:$0x1D000] =	vst v63  }
0xa7: {  	_ =	swait.ge [sflag:s25], $0x4000  }
0xa8: {  	[sflag:s25] =	ssyncset.done $0x0  }
0xa9: {  	[sflag:s25] =	ssyncadd.s32 $0xFFFFC000  }
0xaa: {  	_ =	swait.ge [sflag:s26], $0x4000  }
0xab: {  	[sflag:s26] =	ssyncset.done $0x0  }
0xac: {  	[sflag:s26] =	ssyncadd.s32 $0xFFFFC000  }
0xad: {  	[spmem:s2] =	stream.indirect.scatter.add.f32 [tilespmem:s24], [sflag:$0x4], $0x80, s29, s22, $0xb8;
	[tilespmem:$0x1D000] =	vst v63  }
0xae: {  	_ = 	snop  }
0xaf: {  	[tilespmem:s19], [sflag:$0x1] =	stream.indirect.gather [hbm4b:s4+s22], $0x80, s30, s22, $0xb8;
	[tilespmem:$0x1D000] =	vst v63  }
0xb0: {  	_ =	swait.ge [sflag:s23], $0x4000  }
0xb1: {  	[sflag:s23] =	ssyncset.done $0x0  }
0xb2: {  	[sflag:s23] =	ssyncadd.s32 $0xFFFFC000  }
0xb3: {  	_ =	swait.ge [sflag:s28], $0x4000  }
0xb4: {  	[sflag:s28] =	ssyncset.done $0x0  }
0xb5: {  	[sflag:s28] =	ssyncadd.s32 $0xFFFFC000  }
0xb6: {  	[spmem:s2] =	stream.indirect.scatter.add.f32 [tilespmem:s19], [sflag:$0x3], $0x80, s31, s22, $0xb8;
	[tilespmem:$0x1D000] =	vst v63  }
0xb7: {  	_ = 	snop  }
0xb8: {  	[tilespmem:s24], [sflag:$0x2] =	stream.indirect.gather [hbm4b:s4+s22], $0x80, s1, s22, $0xb8;
	[tilespmem:$0x1D000] =	vst v63  }
0xb9: {  	_ =	swait.ge [sflag:s25], $0x4000  }
0xba: {  	[sflag:s25] =	ssyncset.done $0x0  }
0xbb: {  	[sflag:s25] =	ssyncadd.s32 $0xFFFFC000  }
0xbc: {  	_ =	swait.ge [sflag:s26], $0x4000  }
0xbd: {  	[sflag:s26] =	ssyncset.done $0x0  }
0xbe: {  	[sflag:s26] =	ssyncadd.s32 $0xFFFFC000  }
0xbf: {  	[spmem:s2] =	stream.indirect.scatter.add.f32 [tilespmem:s24], [sflag:$0x4], $0x80, s0, s22, $0xb8;
	[tilespmem:$0x1D000] =	vst v63  }
0xc0: {  	_ = 	snop  }
0xc1: {  	[tilespmem:s19], [sflag:$0x1] =	stream.indirect.gather [hbm4b:s4+s22], $0x80, s11, s22, $0xb8;
	[tilespmem:$0x1D000] =	vst v63  }
0xc2: {  	_ =	swait.ge [sflag:s23], $0x4000  }
0xc3: {  	[sflag:s23] =	ssyncset.done $0x0  }
0xc4: {  	[sflag:s23] =	ssyncadd.s32 $0xFFFFC000  }
0xc5: {  	_ =	swait.ge [sflag:s28], $0x4000  }
0xc6: {  	[sflag:s28] =	ssyncset.done $0x0  }
0xc7: {  	[sflag:s28] =	ssyncadd.s32 $0xFFFFC000  }
0xc8: {  	[spmem:s2] =	stream.indirect.scatter.add.f32 [tilespmem:s19], [sflag:$0x3], $0x80, s12, s22, $0xb8;
	[tilespmem:$0x1D000] =	vst v63  }
0xc9: {  	_ = 	snop  }
0xca: {  	[tilespmem:s24], [sflag:$0x2] =	stream.indirect.gather [hbm4b:s4+s22], $0x80, s13, s22, $0xb8;
	[tilespmem:$0x1D000] =	vst v63  }
0xcb: {  	_ =	swait.ge [sflag:s25], $0x4000  }
0xcc: {  	[sflag:s25] =	ssyncset.done $0x0  }
0xcd: {  	[sflag:s25] =	ssyncadd.s32 $0xFFFFC000  }
0xce: {  	_ =	swait.ge [sflag:s26], $0x4000  }
0xcf: {  	[sflag:s26] =	ssyncset.done $0x0  }
0xd0: {  	[sflag:s26] =	ssyncadd.s32 $0xFFFFC000  }
0xd1: {  	[spmem:s2] =	stream.indirect.scatter.add.f32 [tilespmem:s24], [sflag:$0x4], $0x80, s14, s22, $0xb8;
	[tilespmem:$0x1D000] =	vst v63  }
0xd2: {  	_ = 	snop  }
0xd3: {  	[tilespmem:s19], [sflag:$0x1] =	stream.indirect.gather [hbm4b:s4+s22], $0x80, s15, s22, $0xb8;
	[tilespmem:$0x1D000] =	vst v63  }
0xd4: {  	_ =	swait.ge [sflag:s23], $0x4000  }
0xd5: {  	[sflag:s23] =	ssyncset.done $0x0  }
0xd6: {  	[sflag:s23] =	ssyncadd.s32 $0xFFFFC000  }
0xd7: {  	_ =	swait.ge [sflag:s28], $0x4000  }
0xd8: {  	[sflag:s28] =	ssyncset.done $0x0  }
0xd9: {  	[sflag:s28] =	ssyncadd.s32 $0xFFFFC000  }
0xda: {  	[spmem:s2] =	stream.indirect.scatter.add.f32 [tilespmem:s19], [sflag:$0x3], $0x80, s16, s22, $0xb8;
	[tilespmem:$0x1D000] =	vst v63  }
0xdb: {  	_ = 	snop  }
0xdc: {  	[tilespmem:s24], [sflag:$0x2] =	stream.indirect.gather [hbm4b:s4+s22], $0x80, s6, s22, $0xb8;
	[tilespmem:$0x1D000] =	vst v63  }
0xdd: {  	_ =	swait.ge [sflag:s25], $0x4000  }
0xde: {  	[sflag:s25] =	ssyncset.done $0x0  }
0xdf: {  	[sflag:s25] =	ssyncadd.s32 $0xFFFFC000  }
0xe0: {  	_ =	swait.ge [sflag:s26], $0x4000  }
0xe1: {  	s17 =	rddreg [dreg:$0x13]  }
0xe2: {  	p0 =	sne.s32 s17, $0x1  }
.Ltmp1:
0xe3: {  	[sflag:s26] =	ssyncset.done $0x0;
	(pc) =	sbr.rel @!p0 .LBB2_5-.Ltmp1, $4  }
0xe4: {  	[sflag:s26] =	ssyncadd.s32 $0xFFFFC000  }
0xe5: {  	[spmem:s2] =	stream.indirect.scatter.add.f32 [tilespmem:s24], [sflag:$0x4], $0x80, s7, s22, $0xb8;
	[tilespmem:$0x1D000] =	vst v63  }
0xe6: {  	_ =	swait.ge [sflag:s28], $0x4000  }
0xe7: {  	s9 =	sadd.s32 $0xFFFFFFFF, s17;
	s17 =	smov.u32 s10;
	[sflag:s28] =	ssyncset.done $0x0  }
.LBB2_4:
0xe8: {  	[sflag:s28] =	ssyncadd.s32 $0xFFFFC000;
	s18 =	sadd.s32 $0x100, s18  }
0xe9: {  	[tilespmem:s3], [sflag:$0x5] =	stream.linear.gather [hbm4b:s18+s3], $0x800, $0x38;
	[tilespmem:$0x1D000] =	vst v63  }
0xea: {  	_ =	swait.ge [sflag:s20], $0x800  }
0xeb: {  	[sflag:s20] =	ssyncset.done $0x0  }
0xec: {  	s17 =	sadd.s32 $0x100, s17;
	[sflag:s20] =	ssyncadd.s32 $0xFFFFF800  }
0xed: {  	[tilespmem:s21], [sflag:$0x5] =	stream.linear.gather [hbm4b:s17+s3], $0x800, $0x38;
	[tilespmem:$0x1D000] =	vst v63  }
0xee: {  	_ =	swait.ge [sflag:s20], $0x800  }
0xef: {  	[sflag:s20] =	ssyncset.done $0x0  }
0xf0: {  	[sflag:s20] =	ssyncadd.s32 $0xFFFFF800  }
0xf1: {  	[tilespmem:s19], [sflag:$0x1] =	stream.indirect.gather [hbm4b:s4+s22], $0x80, s3, s22, $0xb8;
	[tilespmem:$0x1D000] =	vst v63  }
0xf2: {  	_ =	swait.ge [sflag:s23], $0x4000  }
0xf3: {  	[sflag:s23] =	ssyncset.done $0x0  }
0xf4: {  	[sflag:s23] =	ssyncadd.s32 $0xFFFFC000  }
0xf5: {  	[spmem:s2] =	stream.indirect.scatter.add.f32 [tilespmem:s19], [sflag:$0x3], $0x80, s21, s22, $0xb8;
	[tilespmem:$0x1D000] =	vst v63  }
0xf6: {  	_ = 	snop  }
0xf7: {  	[tilespmem:s24], [sflag:$0x2] =	stream.indirect.gather [hbm4b:s4+s22], $0x80, s22, s22, $0xb8;
	[tilespmem:$0x1D000] =	vst v63  }
0xf8: {  	_ =	swait.ge [sflag:s25], $0x4000  }
0xf9: {  	[sflag:s25] =	ssyncset.done $0x0  }
0xfa: {  	[sflag:s25] =	ssyncadd.s32 $0xFFFFC000  }
0xfb: {  	_ =	swait.ge [sflag:s26], $0x4000  }
0xfc: {  	[sflag:s26] =	ssyncset.done $0x0  }
0xfd: {  	s10 =	rddreg [dreg:$0x3];
	[sflag:s26] =	ssyncadd.s32 $0xFFFFC000  }
0xfe: {  	[spmem:s2] =	stream.indirect.scatter.add.f32 [tilespmem:s24], [sflag:$0x4], $0x80, s10, s22, $0xb8;
	[tilespmem:$0x1D000] =	vst v63  }
0xff: {  	s5 =	rddreg [dreg:$0x4]  }
0x100: {  	[tilespmem:s19], [sflag:$0x1] =	stream.indirect.gather [hbm4b:s4+s22], $0x80, s5, s22, $0xb8;
	[tilespmem:$0x1D000] =	vst v63  }
0x101: {  	_ =	swait.ge [sflag:s23], $0x4000  }
0x102: {  	[sflag:s23] =	ssyncset.done $0x0  }
0x103: {  	[sflag:s23] =	ssyncadd.s32 $0xFFFFC000  }
0x104: {  	_ =	swait.ge [sflag:s28], $0x4000  }
0x105: {  	[sflag:s28] =	ssyncset.done $0x0  }
0x106: {  	s5 =	rddreg [dreg:$0x5];
	[sflag:s28] =	ssyncadd.s32 $0xFFFFC000  }
0x107: {  	[spmem:s2] =	stream.indirect.scatter.add.f32 [tilespmem:s19], [sflag:$0x3], $0x80, s5, s22, $0xb8;
	[tilespmem:$0x1D000] =	vst v63  }
0x108: {  	s10 =	rddreg [dreg:$0x6]  }
0x109: {  	[tilespmem:s24], [sflag:$0x2] =	stream.indirect.gather [hbm4b:s4+s22], $0x80, s10, s22, $0xb8;
	[tilespmem:$0x1D000] =	vst v63  }
0x10a: {  	_ =	swait.ge [sflag:s25], $0x4000  }
0x10b: {  	[sflag:s25] =	ssyncset.done $0x0  }
0x10c: {  	[sflag:s25] =	ssyncadd.s32 $0xFFFFC000  }
0x10d: {  	_ =	swait.ge [sflag:s26], $0x4000  }
0x10e: {  	[sflag:s26] =	ssyncset.done $0x0  }
0x10f: {  	s5 =	rddreg [dreg:$0x7];
	[sflag:s26] =	ssyncadd.s32 $0xFFFFC000  }
0x110: {  	[spmem:s2] =	stream.indirect.scatter.add.f32 [tilespmem:s24], [sflag:$0x4], $0x80, s5, s22, $0xb8;
	[tilespmem:$0x1D000] =	vst v63  }
0x111: {  	s10 =	rddreg [dreg:$0x8]  }
0x112: {  	[tilespmem:s19], [sflag:$0x1] =	stream.indirect.gather [hbm4b:s4+s22], $0x80, s10, s22, $0xb8;
	[tilespmem:$0x1D000] =	vst v63  }
0x113: {  	_ =	swait.ge [sflag:s23], $0x4000  }
0x114: {  	[sflag:s23] =	ssyncset.done $0x0  }
0x115: {  	[sflag:s23] =	ssyncadd.s32 $0xFFFFC000  }
0x116: {  	_ =	swait.ge [sflag:s28], $0x4000  }
0x117: {  	[sflag:s28] =	ssyncset.done $0x0  }
0x118: {  	s5 =	rddreg [dreg:$0x9];
	[sflag:s28] =	ssyncadd.s32 $0xFFFFC000  }
0x119: {  	[spmem:s2] =	stream.indirect.scatter.add.f32 [tilespmem:s19], [sflag:$0x3], $0x80, s5, s22, $0xb8;
	[tilespmem:$0x1D000] =	vst v63  }
0x11a: {  	s10 =	rddreg [dreg:$0xa]  }
0x11b: {  	[tilespmem:s24], [sflag:$0x2] =	stream.indirect.gather [hbm4b:s4+s22], $0x80, s10, s22, $0xb8;
	[tilespmem:$0x1D000] =	vst v63  }
0x11c: {  	_ =	swait.ge [sflag:s25], $0x4000  }
0x11d: {  	[sflag:s25] =	ssyncset.done $0x0  }
0x11e: {  	[sflag:s25] =	ssyncadd.s32 $0xFFFFC000  }
0x11f: {  	_ =	swait.ge [sflag:s26], $0x4000  }
0x120: {  	[sflag:s26] =	ssyncset.done $0x0  }
0x121: {  	s5 =	rddreg [dreg:$0xb];
	[sflag:s26] =	ssyncadd.s32 $0xFFFFC000  }
0x122: {  	[spmem:s2] =	stream.indirect.scatter.add.f32 [tilespmem:s24], [sflag:$0x4], $0x80, s5, s22, $0xb8;
	[tilespmem:$0x1D000] =	vst v63  }
0x123: {  	s10 =	rddreg [dreg:$0xc]  }
0x124: {  	[tilespmem:s19], [sflag:$0x1] =	stream.indirect.gather [hbm4b:s4+s22], $0x80, s10, s22, $0xb8;
	[tilespmem:$0x1D000] =	vst v63  }
0x125: {  	_ =	swait.ge [sflag:s23], $0x4000  }
0x126: {  	[sflag:s23] =	ssyncset.done $0x0  }
0x127: {  	[sflag:s23] =	ssyncadd.s32 $0xFFFFC000  }
0x128: {  	_ =	swait.ge [sflag:s28], $0x4000  }
0x129: {  	[sflag:s28] =	ssyncset.done $0x0  }
0x12a: {  	s5 =	rddreg [dreg:$0xd];
	[sflag:s28] =	ssyncadd.s32 $0xFFFFC000  }
0x12b: {  	[spmem:s2] =	stream.indirect.scatter.add.f32 [tilespmem:s19], [sflag:$0x3], $0x80, s5, s22, $0xb8;
	[tilespmem:$0x1D000] =	vst v63  }
0x12c: {  	s10 =	rddreg [dreg:$0xe]  }
0x12d: {  	[tilespmem:s24], [sflag:$0x2] =	stream.indirect.gather [hbm4b:s4+s22], $0x80, s10, s22, $0xb8;
	[tilespmem:$0x1D000] =	vst v63  }
0x12e: {  	_ =	swait.ge [sflag:s25], $0x4000  }
0x12f: {  	[sflag:s25] =	ssyncset.done $0x0  }
0x130: {  	[sflag:s25] =	ssyncadd.s32 $0xFFFFC000  }
0x131: {  	_ =	swait.ge [sflag:s26], $0x4000  }
0x132: {  	[sflag:s26] =	ssyncset.done $0x0  }
0x133: {  	s5 =	rddreg [dreg:$0xf];
	[sflag:s26] =	ssyncadd.s32 $0xFFFFC000  }
0x134: {  	[spmem:s2] =	stream.indirect.scatter.add.f32 [tilespmem:s24], [sflag:$0x4], $0x80, s5, s22, $0xb8;
	[tilespmem:$0x1D000] =	vst v63  }
0x135: {  	s10 =	rddreg [dreg:$0x10]  }
0x136: {  	[tilespmem:s19], [sflag:$0x1] =	stream.indirect.gather [hbm4b:s4+s22], $0x80, s10, s22, $0xb8;
	[tilespmem:$0x1D000] =	vst v63  }
0x137: {  	_ =	swait.ge [sflag:s23], $0x4000  }
0x138: {  	[sflag:s23] =	ssyncset.done $0x0  }
0x139: {  	[sflag:s23] =	ssyncadd.s32 $0xFFFFC000  }
0x13a: {  	_ =	swait.ge [sflag:s28], $0x4000  }
0x13b: {  	[sflag:s28] =	ssyncset.done $0x0  }
0x13c: {  	s5 =	rddreg [dreg:$0x11];
	[sflag:s28] =	ssyncadd.s32 $0xFFFFC000  }
0x13d: {  	[spmem:s2] =	stream.indirect.scatter.add.f32 [tilespmem:s19], [sflag:$0x3], $0x80, s5, s22, $0xb8;
	[tilespmem:$0x1D000] =	vst v63  }
0x13e: {  	s10 =	rddreg [dreg:$0x12]  }
0x13f: {  	[tilespmem:s24], [sflag:$0x2] =	stream.indirect.gather [hbm4b:s4+s22], $0x80, s10, s22, $0xb8;
	[tilespmem:$0x1D000] =	vst v63  }
0x140: {  	_ =	swait.ge [sflag:s25], $0x4000  }
0x141: {  	[sflag:s25] =	ssyncset.done $0x0  }
0x142: {  	[sflag:s25] =	ssyncadd.s32 $0xFFFFC000  }
0x143: {  	_ =	swait.ge [sflag:s26], $0x4000  }
0x144: {  	[sflag:s26] =	ssyncset.done $0x0  }
0x145: {  	[sflag:s26] =	ssyncadd.s32 $0xFFFFC000  }
0x146: {  	[spmem:s2] =	stream.indirect.scatter.add.f32 [tilespmem:s24], [sflag:$0x4], $0x80, s29, s22, $0xb8;
	[tilespmem:$0x1D000] =	vst v63  }
0x147: {  	_ = 	snop  }
0x148: {  	[tilespmem:s19], [sflag:$0x1] =	stream.indirect.gather [hbm4b:s4+s22], $0x80, s30, s22, $0xb8;
	[tilespmem:$0x1D000] =	vst v63  }
0x149: {  	_ =	swait.ge [sflag:s23], $0x4000  }
0x14a: {  	[sflag:s23] =	ssyncset.done $0x0  }
0x14b: {  	[sflag:s23] =	ssyncadd.s32 $0xFFFFC000  }
0x14c: {  	_ =	swait.ge [sflag:s28], $0x4000  }
0x14d: {  	[sflag:s28] =	ssyncset.done $0x0  }
0x14e: {  	[sflag:s28] =	ssyncadd.s32 $0xFFFFC000  }
0x14f: {  	[spmem:s2] =	stream.indirect.scatter.add.f32 [tilespmem:s19], [sflag:$0x3], $0x80, s31, s22, $0xb8;
	[tilespmem:$0x1D000] =	vst v63  }
0x150: {  	_ = 	snop  }
0x151: {  	[tilespmem:s24], [sflag:$0x2] =	stream.indirect.gather [hbm4b:s4+s22], $0x80, s1, s22, $0xb8;
	[tilespmem:$0x1D000] =	vst v63  }
0x152: {  	_ =	swait.ge [sflag:s25], $0x4000  }
0x153: {  	[sflag:s25] =	ssyncset.done $0x0  }
0x154: {  	[sflag:s25] =	ssyncadd.s32 $0xFFFFC000  }
0x155: {  	_ =	swait.ge [sflag:s26], $0x4000  }
0x156: {  	[sflag:s26] =	ssyncset.done $0x0  }
0x157: {  	[sflag:s26] =	ssyncadd.s32 $0xFFFFC000  }
0x158: {  	[spmem:s2] =	stream.indirect.scatter.add.f32 [tilespmem:s24], [sflag:$0x4], $0x80, s0, s22, $0xb8;
	[tilespmem:$0x1D000] =	vst v63  }
0x159: {  	_ = 	snop  }
0x15a: {  	[tilespmem:s19], [sflag:$0x1] =	stream.indirect.gather [hbm4b:s4+s22], $0x80, s11, s22, $0xb8;
	[tilespmem:$0x1D000] =	vst v63  }
0x15b: {  	_ =	swait.ge [sflag:s23], $0x4000  }
0x15c: {  	[sflag:s23] =	ssyncset.done $0x0  }
0x15d: {  	[sflag:s23] =	ssyncadd.s32 $0xFFFFC000  }
0x15e: {  	_ =	swait.ge [sflag:s28], $0x4000  }
0x15f: {  	[sflag:s28] =	ssyncset.done $0x0  }
0x160: {  	[sflag:s28] =	ssyncadd.s32 $0xFFFFC000  }
0x161: {  	[spmem:s2] =	stream.indirect.scatter.add.f32 [tilespmem:s19], [sflag:$0x3], $0x80, s12, s22, $0xb8;
	[tilespmem:$0x1D000] =	vst v63  }
0x162: {  	_ = 	snop  }
0x163: {  	[tilespmem:s24], [sflag:$0x2] =	stream.indirect.gather [hbm4b:s4+s22], $0x80, s13, s22, $0xb8;
	[tilespmem:$0x1D000] =	vst v63  }
0x164: {  	_ =	swait.ge [sflag:s25], $0x4000  }
0x165: {  	[sflag:s25] =	ssyncset.done $0x0  }
0x166: {  	[sflag:s25] =	ssyncadd.s32 $0xFFFFC000  }
0x167: {  	_ =	swait.ge [sflag:s26], $0x4000  }
0x168: {  	[sflag:s26] =	ssyncset.done $0x0  }
0x169: {  	[sflag:s26] =	ssyncadd.s32 $0xFFFFC000  }
0x16a: {  	[spmem:s2] =	stream.indirect.scatter.add.f32 [tilespmem:s24], [sflag:$0x4], $0x80, s14, s22, $0xb8;
	[tilespmem:$0x1D000] =	vst v63  }
0x16b: {  	_ = 	snop  }
0x16c: {  	[tilespmem:s19], [sflag:$0x1] =	stream.indirect.gather [hbm4b:s4+s22], $0x80, s15, s22, $0xb8;
	[tilespmem:$0x1D000] =	vst v63  }
0x16d: {  	_ =	swait.ge [sflag:s23], $0x4000  }
0x16e: {  	[sflag:s23] =	ssyncset.done $0x0  }
0x16f: {  	[sflag:s23] =	ssyncadd.s32 $0xFFFFC000  }
0x170: {  	_ =	swait.ge [sflag:s28], $0x4000  }
0x171: {  	[sflag:s28] =	ssyncset.done $0x0  }
0x172: {  	[sflag:s28] =	ssyncadd.s32 $0xFFFFC000  }
0x173: {  	[spmem:s2] =	stream.indirect.scatter.add.f32 [tilespmem:s19], [sflag:$0x3], $0x80, s16, s22, $0xb8;
	[tilespmem:$0x1D000] =	vst v63  }
0x174: {  	_ = 	snop  }
0x175: {  	[tilespmem:s24], [sflag:$0x2] =	stream.indirect.gather [hbm4b:s4+s22], $0x80, s6, s22, $0xb8;
	[tilespmem:$0x1D000] =	vst v63  }
0x176: {  	_ =	swait.ge [sflag:s25], $0x4000  }
0x177: {  	[sflag:s25] =	ssyncset.done $0x0  }
0x178: {  	[sflag:s25] =	ssyncadd.s32 $0xFFFFC000  }
0x179: {  	p0 =	sne.s32 s9, $0x1;
	_ =	swait.ge [sflag:s26], $0x4000  }
.Ltmp2:
0x17a: {  	[sflag:s26] =	ssyncset.done $0x0;
	(pc) =	sbr.rel @p0 .LBB2_4-.Ltmp2, $4  }
0x17b: {  	[sflag:s26] =	ssyncadd.s32 $0xFFFFC000  }
0x17c: {  	[spmem:s2] =	stream.indirect.scatter.add.f32 [tilespmem:s24], [sflag:$0x4], $0x80, s7, s22, $0xb8;
	[tilespmem:$0x1D000] =	vst v63  }
0x17d: {  	_ =	swait.ge [sflag:s28], $0x4000  }
0x17e: {  	s9 =	sadd.s32 $0xFFFFFFFF, s9;
	[sflag:s28] =	ssyncset.done $0x0  }
.LBB2_5:
0x17f: {  	[sflag:s28] =	ssyncadd.s32 $0xFFFFC000  }
0x180: {  	[bflag:$0x0] =	sbarrier.arrive $0xFFFF  }
0x181: {  	s18 =	rddreg [dreg:$0x14]  }
0x182: {  	[tilespmem:s19], [sflag:$0x5] =	stream.linear.gather [spmem:s18], $0x4000, $0x38;
	[tilespmem:$0x1D000] =	vst v63  }
0x183: {  	_ =	swait.ge [sflag:s20], $0x4000  }
0x184: {  	[sflag:s20] =	ssyncset.done $0x0  }
0x185: {  	s5 =	rddreg [dreg:$0x19];
	[sflag:s20] =	ssyncadd.s32 $0xFFFFC000  }
0x186: {  	[hbm4b:s5+s3] =	stream.linear.scatter [tilespmem:s19], [sflag:$0x5], $0x4000, $0x38;
	[tilespmem:$0x1D000] =	vst v63  }
0x187: {  	_ =	swait.ge [sflag:s20], $0x4000  }
0x188: {  	[sflag:s20] =	ssyncset.done $0x0  }
0x189: {  	s9 =	rddreg [dreg:$0x15];
	[sflag:s20] =	ssyncadd.s32 $0xFFFFC000  }
0x18a: {  	[tilespmem:s19], [sflag:$0x5] =	stream.linear.gather [spmem:s9], $0x4000, $0x38;
	[tilespmem:$0x1D000] =	vst v63  }
0x18b: {  	_ =	swait.ge [sflag:s20], $0x4000  }
0x18c: {  	[sflag:s20] =	ssyncset.done $0x0  }
0x18d: {  	s10 =	rddreg [dreg:$0x1a];
	[sflag:s20] =	ssyncadd.s32 $0xFFFFC000  }
0x18e: {  	[hbm4b:s10+s3] =	stream.linear.scatter [tilespmem:s19], [sflag:$0x5], $0x4000, $0x38;
	[tilespmem:$0x1D000] =	vst v63  }
0x18f: {  	_ =	swait.ge [sflag:s20], $0x4000  }
0x190: {  	[sflag:s20] =	ssyncset.done $0x0  }
0x191: {  	s17 =	rddreg [dreg:$0x16];
	[sflag:s20] =	ssyncadd.s32 $0xFFFFC000  }
0x192: {  	[tilespmem:s19], [sflag:$0x5] =	stream.linear.gather [spmem:s17], $0x4000, $0x38;
	[tilespmem:$0x1D000] =	vst v63  }
0x193: {  	_ =	swait.ge [sflag:s20], $0x4000  }
0x194: {  	[sflag:s20] =	ssyncset.done $0x0  }
0x195: {  	s9 =	rddreg [dreg:$0x1b];
	[sflag:s20] =	ssyncadd.s32 $0xFFFFC000  }
0x196: {  	[hbm4b:s9+s3] =	stream.linear.scatter [tilespmem:s19], [sflag:$0x5], $0x4000, $0x38;
	[tilespmem:$0x1D000] =	vst v63  }
0x197: {  	_ =	swait.ge [sflag:s20], $0x4000  }
0x198: {  	[sflag:s20] =	ssyncset.done $0x0  }
0x199: {  	s10 =	rddreg [dreg:$0x17];
	[sflag:s20] =	ssyncadd.s32 $0xFFFFC000  }
0x19a: {  	[tilespmem:s19], [sflag:$0x5] =	stream.linear.gather [spmem:s10], $0x4000, $0x38;
	[tilespmem:$0x1D000] =	vst v63  }
0x19b: {  	_ =	swait.ge [sflag:s20], $0x4000  }
0x19c: {  	[sflag:s20] =	ssyncset.done $0x0  }
0x19d: {  	s17 =	rddreg [dreg:$0x1c];
	[sflag:s20] =	ssyncadd.s32 $0xFFFFC000  }
0x19e: {  	[hbm4b:s17+s3] =	stream.linear.scatter [tilespmem:s19], [sflag:$0x5], $0x4000, $0x38;
	[tilespmem:$0x1D000] =	vst v63  }
0x19f: {  	_ =	swait.ge [sflag:s20], $0x4000  }
0x1a0: {  	[sflag:s20] =	ssyncset.done $0x0  }
0x1a1: {  	s9 =	rddreg [dreg:$0x18];
	[sflag:s20] =	ssyncadd.s32 $0xFFFFC000  }
0x1a2: {  	[tilespmem:s19], [sflag:$0x5] =	stream.linear.gather [spmem:s9], $0x4000, $0x38;
	[tilespmem:$0x1D000] =	vst v63  }
0x1a3: {  	_ =	swait.ge [sflag:s20], $0x4000  }
0x1a4: {  	[sflag:s20] =	ssyncset.done $0x0  }
0x1a5: {  	s10 =	rddreg [dreg:$0x1d];
	[sflag:s20] =	ssyncadd.s32 $0xFFFFC000  }
0x1a6: {  	[hbm4b:s10+s3] =	stream.linear.scatter [tilespmem:s19], [sflag:$0x5], $0x4000, $0x38;
	[tilespmem:$0x1D000] =	vst v63  }
0x1a7: {  	_ =	swait.ge [sflag:s20], $0x4000  }
0x1a8: {  	s8 =	sadd.s32 $0x1, s8;
	s17 =	rddreg [dreg:$0x1e]  }
0x1a9: {  	p0 =	sne.s32 s8, s17  }
.Ltmp3:
0x1aa: {  	_ = 	snop;
	(pc) =	sbr.rel @p0 .LBB2_1-.Ltmp3, $3  }
0x1ab: {  	_ =	sdelay $0x1  }
0x1ac: {  	[sflag:s20] =	ssyncset.done $0x0  }
0x1ad: {  	[sflag:s20] =	ssyncadd.s32 $0xFFFFC000  }
0x1ae: {  	_ =	sfence.sel $0x180000  }
0x1af: {  	[bflag:$0x0] =	sbarrier.arrive $0xFFFF  }
0x1b0: {  	_ =	strace $0x9000004D  }
0x1b1: {  	s0 =	stileid.u32;
	[bflag:$0x2] =	sbarrier.arrive $0xFFFF  }
0x1b2: {  	p0 =	sne.s32 s0, $0x0;
	s0 =	rddreg [dreg:$0x2]  }
0x1b3: {  	s0 =	sadd.s32 @!p0 $0x100000, s0  }
0x1b4: {  	[sflag:s0] =	ssyncadd.tile.s32 @!p0 $0x1;
	_ =	shalt  }
.Lfunc_end2:
_tile_overlayer_lowered:
.L_overlay_start_2:
0x1b5: {  	(tag) =	ssettag $0x2  }
0x1b6: {  	s0 =	rddreg [dreg:$0x0];
	s2 =	stileid.u32  }
0x1b7: {  	s1 =	rddreg [dreg:$0x1];
	p0 =	sne.s32 s2, $0x0  }
0x1b8: {  	s3 =	rddreg [dreg:$0x2];
	[bflag:$0x3] =	sbarrier.arrive $0xFFFF;
	s2 =	simm.s32 @!p0 $0x1C05  }
0x1b9: {  	[timem:s3], [sflag:s2] =	dma.local @!p0 [hbm:s0], s1  }
0x1ba: {  	s0 =	simm.s32 @!p0 $0x5  }
0x1bb: {  	_ =	swait.ge @!p0 [sflag:s0], s1  }
0x1bc: {  	s1 =	ssub.s32 @!p0 $0x0, s1;
	[sflag:s0] =	ssyncset.done @!p0 $0x0  }
0x1bd: {  	[sflag:s0] =	ssyncadd.s32 @!p0 s1  }
0x1be: {  	[bflag:$0x3] =	sbarrier.arrive $0xFFFF  }
0x1bf: {  	_ =	shalt  }

// kernel: kernel.8.cloned.1.call-start
scs
__scs_entry_jumppad:
0x0: {  	(pc) =	sbr.rel $0x88, $3  }
0x1: {  	(tag) =	ssettag $0x0;
	lr =	simm.s32 $0x1  }
0x2: {  	[smem:$0x3F95] =	sst lr;
	_ =	strace $0xD0000000  }
0x3: {  	_ = 	snop  }
0x4: {  	_ = 	snop  }
0x5: {  	_ = 	snop  }
0x6: {  	_ = 	snop  }
0x7: {  	_ = 	snop  }
__scs_overlays_trampoline_lowered:
0x8: {  	[smem:$0x3FA4] =	sst s0  }
0x9: {  	[smem:$0x3FA5] =	sst s1  }
0xa: {  	[smem:$0x3FA6] =	sst s2  }
0xb: {  	[smem:$0x3FA7] =	sst s3  }
0xc: {  	[smem:$0x3FA8] =	sst s4  }
0xd: {  	[smem:$0x3FA9] =	sst s5  }
0xe: {  	[smem:$0x3FAA] =	sst s6  }
0xf: {  	[smem:$0x3FAB] =	sst s7  }
0x10: {  	[smem:$0x3FAC] =	sst s8  }
0x11: {  	[smem:$0x3FAD] =	sst s9;
	s0 =	simm.s32 @!p0 $0x0  }
0x12: {  	s1 =	sld [smem:$0x3F93];
	s0 =	simm.s32 @p0 $0x1  }
0x13: {  	[smem:$0x3FAE] =	sst s0;
	s0 =	simm.s32 @!p1 $0x0  }
0x14: {  	s2 =	sld [smem:$0x3F92];
	s0 =	simm.s32 @p1 $0x1  }
0x15: {  	[smem:$0x3FAF] =	sst s0;
	s0 =	simm.s32 @!p2 $0x0  }
0x16: {  	s3 =	sld [smem:$0x3FDB];
	s0 =	simm.s32 @p2 $0x1  }
0x17: {  	s4 =	simm.s32 $0x1BF5;
	[smem:$0x3FB1] =	sst s0  }
0x18: {  	s0 =	sld [smem:$0x3F94];
	_ =	swait.ge [sflag:s4], $0x0  }
0x19: {  	s7 =	sld [smem:$0x3F95]  }
0x1a: {  	s8 =	sadd.s32 $0xFFFFE003, lr  }
0x1b: {  	s9 =	sadd.s32 $0xFFFFFEF7, lr;
	s5 =	simm.s32 $0xFFFFFFFF;
	p2 =	slt.u32 s8, $0xFFFFF086  }
0x1c: {  	p1 =	slt.u32 s9, $0xF7A;
	s5 =	simm.s32 @!p2 $0x0  }
0x1d: {  	s5 =	simm.s32 @p1 $0x1;
	p0 =	seq.s32 s7, s2  }
0x1e: {  	s7 =	smul.u32 @!p0 $0xF7A, s2;
	p2 =	seq.s32 @!p0 s5, $0x0  }
0x1f: {  	s9 =	smul.u32 $0xF7A, s1;
	s8 =	simm.s32 @!p0 $0x1BF5;
	p2 =	por !p2, p0  }
0x20: {  	[sflag:s8] =	ssyncset.s32 @!p0 $0xFFFFF086;
	s6 =	sadd.s32 @!p0 s3, s7;
	s7 =	simm.s32 @!p0 $0x108  }
0x21: {  	s3 =	sadd.s32 s3, s9;
	s6 =	sadd.s32 @!p0 $0x88, s6;
	s7 =	simm.s32 @p2 $0x1082  }
0x22: {  	[simem:s7], [sflag:s8] =	dma.local @!p0 [hbm:s6], $0xF7A  }
0x23: {  	s9 =	sor.u32 $0xD0000000, s2;
	s6 =	simm.s32 $0x108;
	_ =	swait.ge @!p0 [sflag:s8], $0x0  }
0x24: {  	s3 =	sadd.s32 $0x88, s3;
	s6 =	simm.s32 @!p1 $0x1082;
	[sflag:s4] =	ssyncset.s32 $0xFFFFF086  }
0x25: {  	[simem:s6], [sflag:s4] =	dma.local [hbm:s3], $0xF7A  }
0x26: {  	[smem:$0x3F95] =	sst s1;
	(tag) =	ssettag s2;
	_ =	strace s9  }
0x27: {  	s1 =	sld [smem:$0x3FA5]  }
0x28: {  	s2 =	sld [smem:$0x3FA6]  }
0x29: {  	s4 =	sld [smem:$0x3FA8]  }
0x2a: {  	p0 =	seq.s32 s5, $0x0;
	s5 =	sld [smem:$0x3FA9]  }
0x2b: {  	s6 =	sld [smem:$0x3FAA]  }
0x2c: {  	s7 =	sld [smem:$0x3FAB]  }
0x2d: {  	s3 =	simm.s32 $0x108;
	s8 =	sld [smem:$0x3FAC]  }
0x2e: {  	s3 =	simm.s32 @!p0 $0x1082;
	s9 =	sld [smem:$0x3FAD]  }
0x2f: {  	lr =	sadd.s32 s0, s3;
	s0 =	sld [smem:$0x3FA4]  }
0x30: {  	s3 =	sld [smem:$0x3FA7]  }
0x31: {  	[smem:$0x3FB0] =	sst s10  }
0x32: {  	s10 =	sld [smem:$0x3FAE];
	_ =	sdelay $0x3  }
0x33: {  	p0 =	seq.s32 s10, $0x1;
	s10 =	sld [smem:$0x3FB0];
	_ =	sdelay $0x3  }
0x34: {  	[smem:$0x3FB0] =	sst s10  }
0x35: {  	s10 =	sld [smem:$0x3FAF];
	_ =	sdelay $0x3  }
0x36: {  	p1 =	seq.s32 s10, $0x1;
	s10 =	sld [smem:$0x3FB0];
	_ =	sdelay $0x3  }
0x37: {  	[smem:$0x3FB0] =	sst s10  }
0x38: {  	s10 =	sld [smem:$0x3FB1]  }
0x39: {  	_ = 	snop;
	(pc) =	sbr.ind lr, $3  }
0x3a: {  	_ = 	snop  }
0x3b: {  	_ = 	snop  }
0x3c: {  	p2 =	seq.s32 s10, $0x1;
	s10 =	sld [smem:$0x3FB0]  }
0x3d: {  	_ =	shalt  }
0x3e: {  	_ =	shalt  }
0x3f: {  	_ =	shalt  }
0x40: {  	_ =	shalt  }
0x41: {  	_ =	shalt  }
0x42: {  	_ =	shalt  }
0x43: {  	_ =	shalt  }
0x44: {  	_ =	shalt  }
0x45: {  	_ =	shalt  }
0x46: {  	_ =	shalt  }
0x47: {  	_ =	shalt  }
0x48: {  	_ =	shalt  }
0x49: {  	_ =	shalt  }
0x4a: {  	_ =	shalt  }
0x4b: {  	_ =	shalt  }
0x4c: {  	_ =	shalt  }
0x4d: {  	_ =	shalt  }
0x4e: {  	_ =	shalt  }
0x4f: {  	_ =	shalt  }
0x50: {  	_ =	shalt  }
0x51: {  	_ =	shalt  }
0x52: {  	_ =	shalt  }
0x53: {  	_ =	shalt  }
0x54: {  	_ =	shalt  }
0x55: {  	_ =	shalt  }
0x56: {  	_ =	shalt  }
0x57: {  	_ =	shalt  }
0x58: {  	_ =	shalt  }
0x59: {  	_ =	shalt  }
0x5a: {  	_ =	shalt  }
0x5b: {  	_ =	shalt  }
0x5c: {  	_ =	shalt  }
0x5d: {  	_ =	shalt  }
0x5e: {  	_ =	shalt  }
0x5f: {  	_ =	shalt  }
0x60: {  	_ =	shalt  }
0x61: {  	_ =	shalt  }
0x62: {  	_ =	shalt  }
0x63: {  	_ =	shalt  }
0x64: {  	_ =	shalt  }
0x65: {  	_ =	shalt  }
0x66: {  	_ =	shalt  }
0x67: {  	_ =	shalt  }
0x68: {  	_ =	shalt  }
0x69: {  	_ =	shalt  }
0x6a: {  	_ =	shalt  }
0x6b: {  	_ =	shalt  }
0x6c: {  	_ =	shalt  }
0x6d: {  	_ =	shalt  }
0x6e: {  	_ =	shalt  }
0x6f: {  	_ =	shalt  }
0x70: {  	_ =	shalt  }
0x71: {  	_ =	shalt  }
0x72: {  	_ =	shalt  }
0x73: {  	_ =	shalt  }
0x74: {  	_ =	shalt  }
0x75: {  	_ =	shalt  }
0x76: {  	_ =	shalt  }
0x77: {  	_ =	shalt  }
0x78: {  	_ =	shalt  }
0x79: {  	_ =	shalt  }
0x7a: {  	_ =	shalt  }
0x7b: {  	_ =	shalt  }
0x7c: {  	_ =	shalt  }
0x7d: {  	_ =	shalt  }
0x7e: {  	_ =	shalt  }
0x7f: {  	_ =	shalt  }
0x80: {  	_ =	shalt  }
0x81: {  	_ =	shalt  }
0x82: {  	_ =	shalt  }
0x83: {  	_ =	shalt  }
0x84: {  	_ =	shalt  }
0x85: {  	_ =	shalt  }
0x86: {  	_ =	shalt  }
0x87: {  	_ =	shalt  }
.Lfunc_end0:
.L_simem_size_0:
called_computation_lowered:
.L_overlay_start_0:
0x88: {  	s2 =	sld [smem:$0x3FD9]  }
0x89: {  	s3 =	sld [smem:$0x3FFE];
	_ =	sdelay $0x1  }
0x8a: {  	s1 =	srdreg.scid  }
0x8b: {  	s0 =	sand.u32 $0x1, s1  }
0x8c: {  	s16 =	sshll.u32 s0, $0xA;
	s2 =	sadd.s32 s3, s2  }
0x8d: {  	s2 =	sadd.s32 s2, s16  }
0x8e: {  	[smem:$0x3FBC] =	sst s2  }
0x8f: {  	_ = 	snop  }
0x90: {  	(tm) =	ssettm $0x1  }
0x91: {  	s17 =	sld [smem:$0x3FFB];
	_ =	sdelay $0x3  }
0x92: {  	_ =	strace s17  }
0x93: {  	s2 =	sld [smem:$0x3FFC];
	_ =	sdelay $0x3  }
0x94: {  	_ =	strace s2  }
0x95: {  	s2 =	sld [smem:$0x3FFD];
	_ =	sdelay $0x3  }
0x96: {  	_ =	strace s2  }
0x97: {  	_ =	strace $0x8FFFFFFF  }
0x98: {  	s18 =	sld [smem:$0x3FDB];
	_ =	sdelay $0x1  }
0x99: {  	s19 =	simm.s32 $_scs_section_size  }
0x9a: {  	s4 =	simm.s32 $_size__tile_overlayer_lowered;
	s5 =	simm.s32 $_tile_overlayer_lowered  }
0x9b: {  	s22 =	simm.s32 $0x1BFF;
	s21 =	sshll.u32 s5, $0x1;
	s2 =	sadd.s32 s19, s18  }
0x9c: {  	s6 =	simm.s32 $0x0;
	s20 =	sshll.u32 s4, $0x1;
	s4 =	sadd.s32 s21, s2  }
0x9d: {  	[timem:s6], [sflag:s22] =	dma.local [hbm:s4], s20  }
0x9e: {  	_ =	swait.ge [sflag:s22], s20  }
0x9f: {  	s3 =	ssub.s32 $0x0, s20;
	[sflag:s22] =	ssyncset.done $0x0  }
0xa0: {  	[sflag:s22] =	ssyncadd.s32 s3;
	_ =	sdelay $0x1  }
0xa1: {  	s23 =	simm.s32 $0x1B8B  }
0xa2: {  	_ =	swait.ge [sflag:s23], $0x1  }
0xa3: {  	[sflag:s23] =	ssyncset.done $0x0  }
0xa4: {  	s25 =	simm.s32 $0x1B8E;
	s24 =	sld [smem:$0x3FFE];
	[sflag:s23] =	ssyncadd.s32 $0xFFFFFFFF  }
0xa5: {  	s26 =	simm.s32 $execute0_lowered;
	[smem:$0x3FD2] =	sst s25  }
0xa6: {  	s4 =	sshll.u32 s26, $0x1;
	_ =	strace $0x80000046;
	[dreg:$0x1] =	wrdreg $0xFFFFFFFF  }
0xa7: {  	s28 =	simm.s32 $_size_execute0_lowered;
	s2 =	sadd.s32 s2, s4;
	[dreg:$0x0] =	wrdreg $0x0  }
0xa8: {  	s4 =	sshll.u32 s28, $0x1;
	[dreg:$0x2] =	wrdreg s2  }
0xa9: {  	[dreg:$0x3] =	wrdreg s4  }
0xaa: {  	[dreg:$0x4] =	wrdreg $0xC0  }
0xab: {  	_ =	task [dreg:s6], $0x5FFFF  }
0xac: {  	[dreg:$0x1] =	wrdreg $0xFFFFFFFF  }
0xad: {  	[dreg:$0x0] =	wrdreg $0x60  }
0xae: {  	[dreg:$0x2] =	wrdreg s24  }
0xaf: {  	[dreg:$0x3] =	wrdreg $0x9  }
0xb0: {  	_ =	task.clear_ibuf [dreg:s6], $0x4FFFF;
	_ =	strace $0x90000046  }
0xb1: {  	s29 =	simm.s32 $0x9;
	_ =	strace $0x80000048  }
0xb2: {  	_ =	swait.ge [sflag:s29], $0x1  }
0xb3: {  	[sflag:s29] =	ssyncadd.s32 $0xFFFFFFFF  }
0xb4: {  	_ =	strace $0x90000048  }
0xb5: {  	_ =	sfence  }
0xb6: {  	s30 =	sld [smem:$0x0];
	_ =	sdelay $0x2  }
0xb7: {  	s31 =	sshll.u32 s1, $0xD;
	s1 =	sshrl.u32 s1, $0x2  }
0xb8: {  	s3 =	sand.u32 $0x4000, s31;
	s1 =	sadd.s32 s1, s30  }
0xb9: {  	s0 =	sor.u32 s3, s0;
	s1 =	sshll.u32 s1, $0x11  }
0xba: {  	s0 =	sor.u32 s1, s0  }
0xbb: {  	s0 =	sadd.s32 $0x8F2B, s0  }
0xbc: {  	[sflag:s0] =	ssyncadd.remote.s32 $0x1  }
0xbd: {  	_ =	sfence.sel $0xFFFF  }
0xbe: {  	[dreg:$0x0] =	wrdreg $0xFFFFFFFF;
	(pc) =	sbr.abs _section_cstart, $3  }
0xbf: {  	[dreg:$0x1] =	wrdreg $0xFFFFFFFF  }
0xc0: {  	_ =	task.clear_ibuf [dreg:s6], $0x2FFFF;
	_ =	strace $0x9FFFFFFF  }
0xc1: {  	(tm) =	ssettm $0x7FFFFFFF  }
tec
execute0_lowered:
.L_overlay_start_1:
0x0: {  	(tag) =	ssettag $0x1  }
0x1: {  	s1 =	srdreg.scid  }
0x2: {  	s0 =	stileid.u32;
	s4 =	rddreg [dreg:$0x0];
	s2 =	simm.s32 $0x0  }
0x3: {  	s9 =	simm.s32 $0x0;
	s3 =	sand.u32 $0x1, s1;
	s5 =	sshll.u32 s0, $0x1  }
0x4: {  	s1 =	rddreg [dreg:$0x1];
	s5 =	sor.u32 s3, s5;
	s7 =	ssub.s32 $0x2, s3  }
0x5: {  	[smem:$0x7FF] =	sst s2;
	s6 =	smul.u32 $0x500, s5;
	s8 =	sshrl.u32 s7, $0x1  }
0x6: {  	_ =	strace $0x80000047;
	s3 =	sadd.s32 $0x2400, s4;
	s7 =	ssub.s32 s7, s8  }
0x7: {  	s8 =	simm.s32 $0x800;
	s6 =	sadd.s32 s6, s4;
	s4 =	smul.u32 $0x2800, s5  }
0x8: {  	v0 =	vimm.f32 $0.0e+00;
	v1 =	vimm.f32 $1.000000000e+00;
	s5 =	sadd.s32 $0xC400, s6;
	s6 =	smax.u32 s7, $0x1;
	s7 =	simm.s32 $0x1  }
.LBB2_1:
0x9: {  	s10 =	simm.s32 $0x40;
	s11 =	simm.s32 $0x0  }
.LBB2_2:
0xa: {  	p0 =	sne.s32 s10, $0x9FC0;
	[tilespmem:s11+$0x800] =	vst v0;
	s11 =	smov.u32 s10;
	s10 =	sadd.s32 $0x40, s10  }
.Ltmp0:
0xb: {  	(pc) =	sbr.rel @p0 .LBB2_2-.Ltmp0, $2  }
0xc: {  	_ =	sdelay $0x2  }
0xd: {  	s11 =	sshra.s32 s11, $0x2  }
0xe: {  	[tilespmem:s11+$0x800] =	vst v0;
	s10 =	simm.s32 $0x0;
	s11 =	simm.s32 $0x0  }
.LBB2_4:
0xf: {  	s12 =	sshll.u32 s11, $0xB  }
0x10: {  	s12 =	sadd.s32 s4, s12  }
0x11: {  	s12 =	sshrl.u32 s12, $0x3  }
0x12: {  	s12 =	sadd.s32 s3, s12  }
0x13: {  	[tilespmem:s10], [sflag:$0x1] =	stream.linear.gather [hbm4b:s12+s10], $0x800, $0x38;
	[tilespmem:$0x3000] =	vst v63  }
0x14: {  	_ =	swait.ge [sflag:s7], $0x800  }
0x15: {  	[sflag:s7] =	ssyncset.done $0x0  }
0x16: {  	s12 =	simm.s32 $0x0;
	[sflag:s7] =	ssyncadd.s32 $0xFFFFF800  }
.LBB2_5:
0x17: {  	s13 =	sshra.s32 s12, $0x2  }
0x18: {  	v2 =	vld [tilespmem:s13+$0x0];
	_ =	sdelay $0x7  }
0x19: {  	[tilespmem:v2+s8+$0x0] =	vst.idx.add.f32.msk $0xffff, v1  }
0x1a: {  	v2 =	vld [tilespmem:s13+$0x10];
	_ =	sdelay $0x7  }
0x1b: {  	[tilespmem:v2+s8+$0x0] =	vst.idx.add.f32.msk $0xffff, v1  }
0x1c: {  	v2 =	vld [tilespmem:s13+$0x20];
	_ =	sdelay $0x7  }
0x1d: {  	[tilespmem:v2+s8+$0x0] =	vst.idx.add.f32.msk $0xffff, v1  }
0x1e: {  	v2 =	vld [tilespmem:s13+$0x30];
	_ =	sdelay $0x7  }
0x1f: {  	[tilespmem:v2+s8+$0x0] =	vst.idx.add.f32.msk $0xffff, v1  }
0x20: {  	v2 =	vld [tilespmem:s13+$0x40];
	_ =	sdelay $0x7  }
0x21: {  	[tilespmem:v2+s8+$0x0] =	vst.idx.add.f32.msk $0xffff, v1  }
0x22: {  	v2 =	vld [tilespmem:s13+$0x50];
	_ =	sdelay $0x7  }
0x23: {  	[tilespmem:v2+s8+$0x0] =	vst.idx.add.f32.msk $0xffff, v1  }
0x24: {  	v2 =	vld [tilespmem:s13+$0x60];
	_ =	sdelay $0x7  }
0x25: {  	[tilespmem:v2+s8+$0x0] =	vst.idx.add.f32.msk $0xffff, v1  }
0x26: {  	v2 =	vld [tilespmem:s13+$0x70];
	_ =	sdelay $0x2  }
0x27: {  	p0 =	sne.s32 s12, $0x1E00  }
.Ltmp1:
0x28: {  	_ = 	snop;
	(pc) =	sbr.rel @p0 .LBB2_5-.Ltmp1, $2  }
0x29: {  	_ =	sdelay $0x2  }
0x2a: {  	s12 =	sadd.s32 $0x200, s12;
	[tilespmem:v2+s8+$0x0] =	vst.idx.add.f32.msk $0xffff, v1  }
0x2b: {  	s11 =	sadd.s32 $0x1, s11  }
0x2c: {  	p0 =	sne.s32 s11, $0x5  }
.Ltmp2:
0x2d: {  	_ = 	snop;
	(pc) =	sbr.rel @p0 .LBB2_4-.Ltmp2, $1  }
0x2e: {  	_ =	sdelay $0x3  }
0x2f: {  	s9 =	sadd.s32 $0x1, s9  }
0x30: {  	p0 =	sne.s32 s9, s6  }
.Ltmp3:
0x31: {  	_ = 	snop;
	(pc) =	sbr.rel @p0 .LBB2_1-.Ltmp3, $4  }
0x32: {  	[hbm4b:s5+s2] =	stream.linear.scatter [tilespmem:s8], [sflag:$0x1], $0x2800, $0x38;
	[tilespmem:$0x3000] =	vst v63  }
0x33: {  	_ =	swait.ge [sflag:s7], $0x2800  }
0x34: {  	[sflag:s7] =	ssyncset.done $0x0  }
0x35: {  	[sflag:s7] =	ssyncadd.s32 $0xFFFFD800  }
0x36: {  	_ =	sfence.sel $0x180000  }
0x37: {  	[bflag:$0x0] =	sbarrier.arrive $0xFFFF  }
0x38: {  	p0 =	sne.s32 s0, $0x0;
	_ =	strace $0x90000047  }
0x39: {  	s0 =	sadd.s32 @!p0 $0x100000, s1;
	[bflag:$0x2] =	sbarrier.arrive $0xFFFF  }
0x3a: {  	[sflag:s0] =	ssyncadd.tile.s32 @!p0 $0x1;
	_ =	shalt  }
.Lfunc_end2:
_tile_overlayer_lowered:
.L_overlay_start_2:
0x3b: {  	(tag) =	ssettag $0x2  }
0x3c: {  	s0 =	rddreg [dreg:$0x0];
	s2 =	stileid.u32  }
0x3d: {  	s1 =	rddreg [dreg:$0x1];
	p0 =	sne.s32 s2, $0x0  }
0x3e: {  	s3 =	rddreg [dreg:$0x2];
	[bflag:$0x3] =	sbarrier.arrive $0xFFFF;
	s2 =	simm.s32 @!p0 $0x1C01  }
0x3f: {  	[timem:s3], [sflag:s2] =	dma.local @!p0 [hbm:s0], s1  }
0x40: {  	s0 =	simm.s32 @!p0 $0x1  }
0x41: {  	_ =	swait.ge @!p0 [sflag:s0], s1  }
0x42: {  	s1 =	ssub.s32 @!p0 $0x0, s1;
	[sflag:s0] =	ssyncset.done @!p0 $0x0  }
0x43: {  	[sflag:s0] =	ssyncadd.s32 @!p0 s1  }
0x44: {  	[bflag:$0x3] =	sbarrier.arrive $0xFFFF  }
0x45: {  	_ =	shalt  }

</sc_bundles>
